<compile_context>
chip_gen: v7x
topology: tpu7x:2x2x1
jax: 0.10.2.dev20260603
libtpu: 0.0.44.dev20260713+nightly
codegen_flags: <defaults>
</compile_context>

<pallas_src>
import functools

import jax
import jax.numpy as jnp
from jax import lax
from jax.experimental import pallas as pl
from jax.experimental.pallas import tpu as pltpu
from jax.experimental.pallas import tpu_sc as plsc

_B = 16384
_D = 128
_S = 6144
_NC, _NS, _L = 2, 16, 16
_NW = _NC * _NS
_RPW = _S // _NW
_HALF = _RPW // 2
_GH = _HALF // _L

_TCB = 2048


def _half(z_ref, g_v, idx_v, out_v, rbase):
    lanes = lax.iota(jnp.int32, _L)

    def group(gi):
        lrow = gi * _L + lanes
        crow = rbase + lrow
        idxvec = idx_v[pl.ds(rbase + gi * _L, _L)]
        jv = crow & (_D - 1)
        acc = [jnp.zeros((_L,), jnp.float32) for _ in range(4)]
        for j in range(_D):
            zc = plsc.load_gather(z_ref, [lrow, jv])
            gc = plsc.load_gather(g_v, [idxvec, jv])
            acc[j % 4] = acc[j % 4] + zc * gc
            jv = (jv + 1) & (_D - 1)
        out_v[pl.ds(rbase + gi * _L, _L)] = (acc[0] + acc[1]) + (acc[2] + acc[3])

    plsc.parallel_loop(0, _GH, 1)(group)


def _sc_body(z_hbm, y0_hbm, g_hbm, out_hbm,
             z0_v, z1_v, g_v, idx_v, out_v, sem_g, sem_y, sem_z0, sem_z1):
    wid = lax.axis_index("s") * _NC + lax.axis_index("c")
    base = wid * _RPW
    cp_g = pltpu.async_copy(g_hbm, g_v, sem_g)
    cp_y = pltpu.async_copy(y0_hbm.at[pl.ds(base, _RPW)], idx_v, sem_y)
    cp_z0 = pltpu.async_copy(z_hbm.at[pl.ds(base, _HALF)], z0_v, sem_z0)
    cp_z1 = pltpu.async_copy(z_hbm.at[pl.ds(base + _HALF, _HALF)], z1_v, sem_z1)
    cp_g.wait()
    cp_y.wait()
    cp_z0.wait()
    _half(z0_v, g_v, idx_v, out_v, 0)
    cp_z1.wait()
    _half(z1_v, g_v, idx_v, out_v, _HALF)
    pltpu.sync_copy(out_v, out_hbm.at[pl.ds(base, _RPW)])


@functools.cache
def _sc_call():
    return functools.partial(
        pl.kernel,
        out_type=jax.ShapeDtypeStruct((_S,), jnp.float32),
        mesh=plsc.VectorSubcoreMesh(
            core_axis_name="c", subcore_axis_name="s",
            num_cores=_NC, num_subcores=_NS),
        compiler_params=pltpu.CompilerParams(needs_layout_passes=False),
        scratch_types=[
            pltpu.VMEM((_HALF, _D), jnp.float32),
            pltpu.VMEM((_HALF, _D), jnp.float32),
            pltpu.VMEM((4, _D), jnp.float32),
            pltpu.VMEM((_RPW,), jnp.int32),
            pltpu.VMEM((_RPW,), jnp.float32),
            pltpu.SemaphoreType.DMA,
            pltpu.SemaphoreType.DMA,
            pltpu.SemaphoreType.DMA,
            pltpu.SemaphoreType.DMA,
        ],
    )(_sc_body)


def _tc_body(z_ref, y0_ref, g_ref, out_ref):
    idxb = y0_ref[...][:, None]
    g = g_ref[...]
    grow = jnp.where(idxb == 0, g[0:1, :],
                     jnp.where(idxb == 1, g[1:2, :],
                               jnp.where(idxb == 2, g[2:3, :], g[3:4, :])))
    out_ref[...] = jnp.sum(z_ref[...] * grow, axis=1)


@functools.cache
def _tc_call():
    return pl.pallas_call(
        _tc_body,
        grid=((_B - _S) // _TCB,),
        in_specs=[
            pl.BlockSpec((_TCB, _D), lambda i: (_S // _TCB + i, 0)),
            pl.BlockSpec((_TCB,), lambda i: (_S // _TCB + i,)),
            pl.BlockSpec((4, _D), lambda i: (0, 0)),
        ],
        out_specs=pl.BlockSpec((_TCB,), lambda i: (i,)),
        out_shape=jax.ShapeDtypeStruct((_B - _S,), jnp.float32),
    )


def kernel(z, y, gamma):
    y0 = y[:, 0].astype(jnp.int32)
    out_sc = _sc_call()(z, y0, gamma)
    out_tc = _tc_call()(z, y0, gamma)
    return jnp.concatenate([out_sc, out_tc])

# --- scband reference (transcript-rebuilt; emitter-appended) ---
"""Pipeline reference for scband-gamma-map-26637387169859 (READ-ONLY COPY).

The authoritative reference and input builder live on the scoring server;
editing this copy changes nothing except your own understanding.
"""

import jax, jax.numpy as jnp
import numpy as np

B = 16384
LATENT_DIM = 128

def setup_inputs(seed: int = 0) -> dict:
    key = jax.random.key(seed)
    k1, k2, k3 = jax.random.split(key, 3)
    z = jax.random.normal(k1, (B, LATENT_DIM), dtype=jnp.float32)
    y = jax.random.randint(k2, (B, 2), 0, 4, dtype=jnp.int64) if jax.config.read('jax_enable_x64') else jax.random.randint(k2, (B, 2), 0, 4, dtype=jnp.int32)
    gamma = jax.random.normal(k3, (4, LATENT_DIM), dtype=jnp.float32) * 0.02
    return {"z": z, "y": y, "gamma": gamma}

def reference(z, y, gamma):
    # indexs = y[:, 0].long()
    indexs = y[:, 0].astype(jnp.int32)
    # gamma_rows = self.gamma[indexs]  -> gather [B, latent_dim]
    gamma_rows = jnp.take(gamma, indexs, axis=0)
    # torch.bmm(gamma.unsqueeze(1), z.unsqueeze(2)).squeeze() -> per-row dot product [B]
    out = jnp.einsum('bd,bd->b', gamma_rows, z)
    return out

if __name__ == "__main__":
    import jax
    _d = setup_inputs()
    print(jax.jit(kernel)(*tuple(_d.values())))

</pallas_src>

<mosaic_0001>
#map = affine_map<(d0, d1) -> (0, 0)>
#map1 = affine_map<(d0, d1) -> (0)>
module attributes {stable_mosaic.version = 14 : i64} {
  func.func @_sc_body(%arg0: i32, %arg1: i32, %arg2: memref<16384x128xf32, #tpu.memory_space<hbm>>, %arg3: memref<16384xi32, #tpu.memory_space<hbm>>, %arg4: memref<4x128xf32, #tpu.memory_space<hbm>>, %arg5: memref<6144xf32, #tpu.memory_space<hbm>>, %arg6: memref<96x128xf32, #tpu.memory_space<vmem>>, %arg7: memref<96x128xf32, #tpu.memory_space<vmem>>, %arg8: memref<4x128xf32, #tpu.memory_space<vmem>>, %arg9: memref<192xi32, #tpu.memory_space<vmem>>, %arg10: memref<192xf32, #tpu.memory_space<vmem>>, %arg11: memref<!tpu.dma_semaphore, #tpu.memory_space<semaphore_mem>>, %arg12: memref<!tpu.dma_semaphore, #tpu.memory_space<semaphore_mem>>, %arg13: memref<!tpu.dma_semaphore, #tpu.memory_space<semaphore_mem>>, %arg14: memref<!tpu.dma_semaphore, #tpu.memory_space<semaphore_mem>>) attributes {dimension_semantics = [#tpu.dimension_semantics<core_parallel>, #tpu.dimension_semantics<subcore_parallel>], iteration_bounds = array<i64: 2, 16>, scalar_prefetch = 0 : i64, scratch_operands = 9 : i64, tpu.core_type = #tpu.core_type<sc_vector_subcore>, window_params = [{transform_indices = #map}, {transform_indices = #map1}, {transform_indices = #map}, {transform_indices = #map1}]} {
    %mul3A = arith.constant 2 : i32
    %mul3A_0 = arith.muli %arg1, %mul3A : i32
    %add3A = arith.addi %mul3A_0, %arg0 : i32
    %mul3A_1 = arith.constant 192 : i32
    %mul3A_2 = arith.muli %add3A, %mul3A_1 : i32
    tpu.enqueue_dma source(%arg4 : memref<4x128xf32, #tpu.memory_space<hbm>>) target(%arg8 : memref<4x128xf32, #tpu.memory_space<vmem>>) target_semaphore(%arg11 : memref<!tpu.dma_semaphore, #tpu.memory_space<semaphore_mem>>)
    %dma_start3A = tpu.memref_slice %arg3[%mul3A_2] : memref<16384xi32, #tpu.memory_space<hbm>> -> memref<192xi32, #tpu.memory_space<hbm>>
    %dma_start3A_3 = tpu.memref_slice %arg3[%mul3A_2] : memref<16384xi32, #tpu.memory_space<hbm>> -> memref<192xi32, #tpu.memory_space<hbm>>
    tpu.enqueue_dma source(%dma_start3A_3 : memref<192xi32, #tpu.memory_space<hbm>>) target(%arg9 : memref<192xi32, #tpu.memory_space<vmem>>) target_semaphore(%arg12 : memref<!tpu.dma_semaphore, #tpu.memory_space<semaphore_mem>>)
    %dma_start3A_4 = arith.constant 0 : i32
    %dma_start3A_5 = tpu.memref_slice %arg2[%mul3A_2, %dma_start3A_4] : memref<16384x128xf32, #tpu.memory_space<hbm>> -> memref<96x128xf32, #tpu.memory_space<hbm>>
    %dma_start3A_6 = arith.constant 0 : i32
    %dma_start3A_7 = tpu.memref_slice %arg2[%mul3A_2, %dma_start3A_6] : memref<16384x128xf32, #tpu.memory_space<hbm>> -> memref<96x128xf32, #tpu.memory_space<hbm>>
    tpu.enqueue_dma source(%dma_start3A_7 : memref<96x128xf32, #tpu.memory_space<hbm>>) target(%arg6 : memref<96x128xf32, #tpu.memory_space<vmem>>) target_semaphore(%arg13 : memref<!tpu.dma_semaphore, #tpu.memory_space<semaphore_mem>>)
    %add3A_8 = arith.constant 96 : i32
    %add3A_9 = arith.addi %mul3A_2, %add3A_8 : i32
    %dma_start3A_10 = arith.constant 0 : i32
    %dma_start3A_11 = tpu.memref_slice %arg2[%add3A_9, %dma_start3A_10] : memref<16384x128xf32, #tpu.memory_space<hbm>> -> memref<96x128xf32, #tpu.memory_space<hbm>>
    %dma_start3A_12 = arith.constant 0 : i32
    %dma_start3A_13 = tpu.memref_slice %arg2[%add3A_9, %dma_start3A_12] : memref<16384x128xf32, #tpu.memory_space<hbm>> -> memref<96x128xf32, #tpu.memory_space<hbm>>
    tpu.enqueue_dma source(%dma_start3A_13 : memref<96x128xf32, #tpu.memory_space<hbm>>) target(%arg7 : memref<96x128xf32, #tpu.memory_space<vmem>>) target_semaphore(%arg14 : memref<!tpu.dma_semaphore, #tpu.memory_space<semaphore_mem>>)
    tpu.wait_dma2 semaphore(%arg11 : memref<!tpu.dma_semaphore, #tpu.memory_space<semaphore_mem>>) src(%arg4 : memref<4x128xf32, #tpu.memory_space<hbm>>) dst(%arg8 : memref<4x128xf32, #tpu.memory_space<vmem>>)
    %dma_wait3A = tpu.memref_slice %arg3[%mul3A_2] : memref<16384xi32, #tpu.memory_space<hbm>> -> memref<192xi32, #tpu.memory_space<hbm>>
    %dma_wait3A_14 = tpu.memref_slice %arg3[%mul3A_2] : memref<16384xi32, #tpu.memory_space<hbm>> -> memref<192xi32, #tpu.memory_space<hbm>>
    tpu.wait_dma2 semaphore(%arg12 : memref<!tpu.dma_semaphore, #tpu.memory_space<semaphore_mem>>) src(%dma_wait3A_14 : memref<192xi32, #tpu.memory_space<hbm>>) dst(%arg9 : memref<192xi32, #tpu.memory_space<vmem>>)
    %dma_wait3A_15 = arith.constant 0 : i32
    %dma_wait3A_16 = tpu.memref_slice %arg2[%mul3A_2, %dma_wait3A_15] : memref<16384x128xf32, #tpu.memory_space<hbm>> -> memref<96x128xf32, #tpu.memory_space<hbm>>
    %dma_wait3A_17 = arith.constant 0 : i32
    %dma_wait3A_18 = tpu.memref_slice %arg2[%mul3A_2, %dma_wait3A_17] : memref<16384x128xf32, #tpu.memory_space<hbm>> -> memref<96x128xf32, #tpu.memory_space<hbm>>
    tpu.wait_dma2 semaphore(%arg13 : memref<!tpu.dma_semaphore, #tpu.memory_space<semaphore_mem>>) src(%dma_wait3A_18 : memref<96x128xf32, #tpu.memory_space<hbm>>) dst(%arg6 : memref<96x128xf32, #tpu.memory_space<vmem>>)
    %iota3A = tpu.iota {dimensions = array<i32: 0>} : vector<16xi32>
    %parallel_loop3A = arith.constant 0 : i32
    %parallel_loop3A_19 = arith.constant 6 : i32
    %parallel_loop3A_20 = arith.constant 1 : i32
    scf.for %parallel_loop3A_29 = %parallel_loop3A to %parallel_loop3A_19 step %parallel_loop3A_20  : i32 {
      %parallel_loop3A_30 = arith.constant 16 : i32
      %parallel_loop3A_31 = arith.muli %parallel_loop3A_29, %parallel_loop3A_30 : i32
      %parallel_loop3A_32 = vector.broadcast %parallel_loop3A_31 : i32 to vector<16xi32>
      %parallel_loop3A_33 = arith.addi %parallel_loop3A_32, %iota3A : vector<16xi32>
      %parallel_loop3A_34 = arith.constant 0 : i32
      %parallel_loop3A_35 = vector.broadcast %parallel_loop3A_34 : i32 to vector<16xi32>
      %parallel_loop3A_36 = arith.addi %parallel_loop3A_35, %parallel_loop3A_33 : vector<16xi32>
      %parallel_loop3A_37 = arith.constant 16 : i32
      %parallel_loop3A_38 = arith.muli %parallel_loop3A_29, %parallel_loop3A_37 : i32
      %parallel_loop3A_39 = arith.constant 0 : i32
      %parallel_loop3A_40 = arith.addi %parallel_loop3A_39, %parallel_loop3A_38 : i32
      %parallel_loop3A_41 = arith.index_cast %parallel_loop3A_40 : i32 to index
      %parallel_loop3A_42 = tpu.vector_load %arg9[%parallel_loop3A_41] {strides = array<i32>} : memref<192xi32, #tpu.memory_space<vmem>>, vector<16xi32>,
      %parallel_loop3A_43 = arith.constant 127 : i32
      %parallel_loop3A_44 = vector.broadcast %parallel_loop3A_43 : i32 to vector<16xi32>
      %parallel_loop3A_45 = arith.andi %parallel_loop3A_36, %parallel_loop3A_44 : vector<16xi32>
      %parallel_loop3A_46 = arith.constant 0.000000e+00 : f32
      %parallel_loop3A_47 = vector.broadcast %parallel_loop3A_46 : f32 to vector<16xf32>
      %parallel_loop3A_48 = arith.constant 0.000000e+00 : f32
      %parallel_loop3A_49 = vector.broadcast %parallel_loop3A_48 : f32 to vector<16xf32>
      %parallel_loop3A_50 = arith.constant 0.000000e+00 : f32
      %parallel_loop3A_51 = vector.broadcast %parallel_loop3A_50 : f32 to vector<16xf32>
      %parallel_loop3A_52 = arith.constant 0.000000e+00 : f32
      %parallel_loop3A_53 = vector.broadcast %parallel_loop3A_52 : f32 to vector<16xf32>
      %parallel_loop3A_54 = tpu.vector_load_idx %arg6[%parallel_loop3A_33, %parallel_loop3A_45] : memref<96x128xf32, #tpu.memory_space<vmem>>[vector<16xi32>, vector<16xi32>], vector<16xf32>,
      %parallel_loop3A_55 = tpu.vector_load_idx %arg8[%parallel_loop3A_42, %parallel_loop3A_45] : memref<4x128xf32, #tpu.memory_space<vmem>>[vector<16xi32>, vector<16xi32>], vector<16xf32>,
      %parallel_loop3A_56 = arith.mulf %parallel_loop3A_54, %parallel_loop3A_55 : vector<16xf32>
      %parallel_loop3A_57 = arith.addf %parallel_loop3A_47, %parallel_loop3A_56 : vector<16xf32>
      %parallel_loop3A_58 = arith.constant 1 : i32
      %parallel_loop3A_59 = vector.broadcast %parallel_loop3A_58 : i32 to vector<16xi32>
      %parallel_loop3A_60 = arith.addi %parallel_loop3A_45, %parallel_loop3A_59 : vector<16xi32>
      %parallel_loop3A_61 = arith.constant 127 : i32
      %parallel_loop3A_62 = vector.broadcast %parallel_loop3A_61 : i32 to vector<16xi32>
      %parallel_loop3A_63 = arith.andi %parallel_loop3A_60, %parallel_loop3A_62 : vector<16xi32>
      %parallel_loop3A_64 = tpu.vector_load_idx %arg6[%parallel_loop3A_33, %parallel_loop3A_63] : memref<96x128xf32, #tpu.memory_space<vmem>>[vector<16xi32>, vector<16xi32>], vector<16xf32>,
      %parallel_loop3A_65 = tpu.vector_load_idx %arg8[%parallel_loop3A_42, %parallel_loop3A_63] : memref<4x128xf32, #tpu.memory_space<vmem>>[vector<16xi32>, vector<16xi32>], vector<16xf32>,
      %parallel_loop3A_66 = arith.mulf %parallel_loop3A_64, %parallel_loop3A_65 : vector<16xf32>
      %parallel_loop3A_67 = arith.addf %parallel_loop3A_49, %parallel_loop3A_66 : vector<16xf32>
      %parallel_loop3A_68 = arith.constant 1 : i32
      %parallel_loop3A_69 = vector.broadcast %parallel_loop3A_68 : i32 to vector<16xi32>
      %parallel_loop3A_70 = arith.addi %parallel_loop3A_63, %parallel_loop3A_69 : vector<16xi32>
      %parallel_loop3A_71 = arith.constant 127 : i32
      %parallel_loop3A_72 = vector.broadcast %parallel_loop3A_71 : i32 to vector<16xi32>
      %parallel_loop3A_73 = arith.andi %parallel_loop3A_70, %parallel_loop3A_72 : vector<16xi32>
      %parallel_loop3A_74 = tpu.vector_load_idx %arg6[%parallel_loop3A_33, %parallel_loop3A_73] : memref<96x128xf32, #tpu.memory_space<vmem>>[vector<16xi32>, vector<16xi32>], vector<16xf32>,
      %parallel_loop3A_75 = tpu.vector_load_idx %arg8[%parallel_loop3A_42, %parallel_loop3A_73] : memref<4x128xf32, #tpu.memory_space<vmem>>[vector<16xi32>, vector<16xi32>], vector<16xf32>,
      %parallel_loop3A_76 = arith.mulf %parallel_loop3A_74, %parallel_loop3A_75 : vector<16xf32>
      %parallel_loop3A_77 = arith.addf %parallel_loop3A_51, %parallel_loop3A_76 : vector<16xf32>
      %parallel_loop3A_78 = arith.constant 1 : i32
      %parallel_loop3A_79 = vector.broadcast %parallel_loop3A_78 : i32 to vector<16xi32>
      %parallel_loop3A_80 = arith.addi %parallel_loop3A_73, %parallel_loop3A_79 : vector<16xi32>
      %parallel_loop3A_81 = arith.constant 127 : i32
      %parallel_loop3A_82 = vector.broadcast %parallel_loop3A_81 : i32 to vector<16xi32>
      %parallel_loop3A_83 = arith.andi %parallel_loop3A_80, %parallel_loop3A_82 : vector<16xi32>
      %parallel_loop3A_84 = tpu.vector_load_idx %arg6[%parallel_loop3A_33, %parallel_loop3A_83] : memref<96x128xf32, #tpu.memory_space<vmem>>[vector<16xi32>, vector<16xi32>], vector<16xf32>,
      %parallel_loop3A_85 = tpu.vector_load_idx %arg8[%parallel_loop3A_42, %parallel_loop3A_83] : memref<4x128xf32, #tpu.memory_space<vmem>>[vector<16xi32>, vector<16xi32>], vector<16xf32>,
      %parallel_loop3A_86 = arith.mulf %parallel_loop3A_84, %parallel_loop3A_85 : vector<16xf32>
      %parallel_loop3A_87 = arith.addf %parallel_loop3A_53, %parallel_loop3A_86 : vector<16xf32>
      %parallel_loop3A_88 = arith.constant 1 : i32
      %parallel_loop3A_89 = vector.broadcast %parallel_loop3A_88 : i32 to vector<16xi32>
      %parallel_loop3A_90 = arith.addi %parallel_loop3A_83, %parallel_loop3A_89 : vector<16xi32>
      %parallel_loop3A_91 = arith.constant 127 : i32
      %parallel_loop3A_92 = vector.broadcast %parallel_loop3A_91 : i32 to vector<16xi32>
      %parallel_loop3A_93 = arith.andi %parallel_loop3A_90, %parallel_loop3A_92 : vector<16xi32>
      %parallel_loop3A_94 = tpu.vector_load_idx %arg6[%parallel_loop3A_33, %parallel_loop3A_93] : memref<96x128xf32, #tpu.memory_space<vmem>>[vector<16xi32>, vector<16xi32>], vector<16xf32>,
      %parallel_loop3A_95 = tpu.vector_load_idx %arg8[%parallel_loop3A_42, %parallel_loop3A_93] : memref<4x128xf32, #tpu.memory_space<vmem>>[vector<16xi32>, vector<16xi32>], vector<16xf32>,
      %parallel_loop3A_96 = arith.mulf %parallel_loop3A_94, %parallel_loop3A_95 : vector<16xf32>
      %parallel_loop3A_97 = arith.addf %parallel_loop3A_57, %parallel_loop3A_96 : vector<16xf32>
      %parallel_loop3A_98 = arith.constant 1 : i32
      %parallel_loop3A_99 = vector.broadcast %parallel_loop3A_98 : i32 to vector<16xi32>
      %parallel_loop3A_100 = arith.addi %parallel_loop3A_93, %parallel_loop3A_99 : vector<16xi32>
      %parallel_loop3A_101 = arith.constant 127 : i32
      %parallel_loop3A_102 = vector.broadcast %parallel_loop3A_101 : i32 to vector<16xi32>
      %parallel_loop3A_103 = arith.andi %parallel_loop3A_100, %parallel_loop3A_102 : vector<16xi32>
      %parallel_loop3A_104 = tpu.vector_load_idx %arg6[%parallel_loop3A_33, %parallel_loop3A_103] : memref<96x128xf32, #tpu.memory_space<vmem>>[vector<16xi32>, vector<16xi32>], vector<16xf32>,
      %parallel_loop3A_105 = tpu.vector_load_idx %arg8[%parallel_loop3A_42, %parallel_loop3A_103] : memref<4x128xf32, #tpu.memory_space<vmem>>[vector<16xi32>, vector<16xi32>], vector<16xf32>,
      %parallel_loop3A_106 = arith.mulf %parallel_loop3A_104, %parallel_loop3A_105 : vector<16xf32>
      %parallel_loop3A_107 = arith.addf %parallel_loop3A_67, %parallel_loop3A_106 : vector<16xf32>
      %parallel_loop3A_108 = arith.constant 1 : i32
      %parallel_loop3A_109 = vector.broadcast %parallel_loop3A_108 : i32 to vector<16xi32>
      %parallel_loop3A_110 = arith.addi %parallel_loop3A_103, %parallel_loop3A_109 : vector<16xi32>
      %parallel_loop3A_111 = arith.constant 127 : i32
      %parallel_loop3A_112 = vector.broadcast %parallel_loop3A_111 : i32 to vector<16xi32>
      %parallel_loop3A_113 = arith.andi %parallel_loop3A_110, %parallel_loop3A_112 : vector<16xi32>
      %parallel_loop3A_114 = tpu.vector_load_idx %arg6[%parallel_loop3A_33, %parallel_loop3A_113] : memref<96x128xf32, #tpu.memory_space<vmem>>[vector<16xi32>, vector<16xi32>], vector<16xf32>,
      %parallel_loop3A_115 = tpu.vector_load_idx %arg8[%parallel_loop3A_42, %parallel_loop3A_113] : memref<4x128xf32, #tpu.memory_space<vmem>>[vector<16xi32>, vector<16xi32>], vector<16xf32>,
      %parallel_loop3A_116 = arith.mulf %parallel_loop3A_114, %parallel_loop3A_115 : vector<16xf32>
      %parallel_loop3A_117 = arith.addf %parallel_loop3A_77, %parallel_loop3A_116 : vector<16xf32>
      %parallel_loop3A_118 = arith.constant 1 : i32
      %parallel_loop3A_119 = vector.broadcast %parallel_loop3A_118 : i32 to vector<16xi32>
      %parallel_loop3A_120 = arith.addi %parallel_loop3A_113, %parallel_loop3A_119 : vector<16xi32>
      %parallel_loop3A_121 = arith.constant 127 : i32
      %parallel_loop3A_122 = vector.broadcast %parallel_loop3A_121 : i32 to vector<16xi32>
      %parallel_loop3A_123 = arith.andi %parallel_loop3A_120, %parallel_loop3A_122 : vector<16xi32>
      %parallel_loop3A_124 = tpu.vector_load_idx %arg6[%parallel_loop3A_33, %parallel_loop3A_123] : memref<96x128xf32, #tpu.memory_space<vmem>>[vector<16xi32>, vector<16xi32>], vector<16xf32>,
      %parallel_loop3A_125 = tpu.vector_load_idx %arg8[%parallel_loop3A_42, %parallel_loop3A_123] : memref<4x128xf32, #tpu.memory_space<vmem>>[vector<16xi32>, vector<16xi32>], vector<16xf32>,
      %parallel_loop3A_126 = arith.mulf %parallel_loop3A_124, %parallel_loop3A_125 : vector<16xf32>
      %parallel_loop3A_127 = arith.addf %parallel_loop3A_87, %parallel_loop3A_126 : vector<16xf32>
      %parallel_loop3A_128 = arith.constant 1 : i32
      %parallel_loop3A_129 = vector.broadcast %parallel_loop3A_128 : i32 to vector<16xi32>
      %parallel_loop3A_130 = arith.addi %parallel_loop3A_123, %parallel_loop3A_129 : vector<16xi32>
      %parallel_loop3A_131 = arith.constant 127 : i32
      %parallel_loop3A_132 = vector.broadcast %parallel_loop3A_131 : i32 to vector<16xi32>
      %parallel_loop3A_133 = arith.andi %parallel_loop3A_130, %parallel_loop3A_132 : vector<16xi32>
      %parallel_loop3A_134 = tpu.vector_load_idx %arg6[%parallel_loop3A_33, %parallel_loop3A_133] : memref<96x128xf32, #tpu.memory_space<vmem>>[vector<16xi32>, vector<16xi32>], vector<16xf32>,
      %parallel_loop3A_135 = tpu.vector_load_idx %arg8[%parallel_loop3A_42, %parallel_loop3A_133] : memref<4x128xf32, #tpu.memory_space<vmem>>[vector<16xi32>, vector<16xi32>], vector<16xf32>,
      %parallel_loop3A_136 = arith.mulf %parallel_loop3A_134, %parallel_loop3A_135 : vector<16xf32>
      %parallel_loop3A_137 = arith.addf %parallel_loop3A_97, %parallel_loop3A_136 : vector<16xf32>
      %parallel_loop3A_138 = arith.constant 1 : i32
      %parallel_loop3A_139 = vector.broadcast %parallel_loop3A_138 : i32 to vector<16xi32>
      %parallel_loop3A_140 = arith.addi %parallel_loop3A_133, %parallel_loop3A_139 : vector<16xi32>
      %parallel_loop3A_141 = arith.constant 127 : i32
      %parallel_loop3A_142 = vector.broadcast %parallel_loop3A_141 : i32 to vector<16xi32>
      %parallel_loop3A_143 = arith.andi %parallel_loop3A_140, %parallel_loop3A_142 : vector<16xi32>
      %parallel_loop3A_144 = tpu.vector_load_idx %arg6[%parallel_loop3A_33, %parallel_loop3A_143] : memref<96x128xf32, #tpu.memory_space<vmem>>[vector<16xi32>, vector<16xi32>], vector<16xf32>,
      %parallel_loop3A_145 = tpu.vector_load_idx %arg8[%parallel_loop3A_42, %parallel_loop3A_143] : memref<4x128xf32, #tpu.memory_space<vmem>>[vector<16xi32>, vector<16xi32>], vector<16xf32>,
      %parallel_loop3A_146 = arith.mulf %parallel_loop3A_144, %parallel_loop3A_145 : vector<16xf32>
      %parallel_loop3A_147 = arith.addf %parallel_loop3A_107, %parallel_loop3A_146 : vector<16xf32>
      %parallel_loop3A_148 = arith.constant 1 : i32
      %parallel_loop3A_149 = vector.broadcast %parallel_loop3A_148 : i32 to vector<16xi32>
      %parallel_loop3A_150 = arith.addi %parallel_loop3A_143, %parallel_loop3A_149 : vector<16xi32>
      %parallel_loop3A_151 = arith.constant 127 : i32
      %parallel_loop3A_152 = vector.broadcast %parallel_loop3A_151 : i32 to vector<16xi32>
      %parallel_loop3A_153 = arith.andi %parallel_loop3A_150, %parallel_loop3A_152 : vector<16xi32>
      %parallel_loop3A_154 = tpu.vector_load_idx %arg6[%parallel_loop3A_33, %parallel_loop3A_153] : memref<96x128xf32, #tpu.memory_space<vmem>>[vector<16xi32>, vector<16xi32>], vector<16xf32>,
      %parallel_loop3A_155 = tpu.vector_load_idx %arg8[%parallel_loop3A_42, %parallel_loop3A_153] : memref<4x128xf32, #tpu.memory_space<vmem>>[vector<16xi32>, vector<16xi32>], vector<16xf32>,
      %parallel_loop3A_156 = arith.mulf %parallel_loop3A_154, %parallel_loop3A_155 : vector<16xf32>
      %parallel_loop3A_157 = arith.addf %parallel_loop3A_117, %parallel_loop3A_156 : vector<16xf32>
      %parallel_loop3A_158 = arith.constant 1 : i32
      %parallel_loop3A_159 = vector.broadcast %parallel_loop3A_158 : i32 to vector<16xi32>
      %parallel_loop3A_160 = arith.addi %parallel_loop3A_153, %parallel_loop3A_159 : vector<16xi32>
      %parallel_loop3A_161 = arith.constant 127 : i32
      %parallel_loop3A_162 = vector.broadcast %parallel_loop3A_161 : i32 to vector<16xi32>
      %parallel_loop3A_163 = arith.andi %parallel_loop3A_160, %parallel_loop3A_162 : vector<16xi32>
      %parallel_loop3A_164 = tpu.vector_load_idx %arg6[%parallel_loop3A_33, %parallel_loop3A_163] : memref<96x128xf32, #tpu.memory_space<vmem>>[vector<16xi32>, vector<16xi32>], vector<16xf32>,
      %parallel_loop3A_165 = tpu.vector_load_idx %arg8[%parallel_loop3A_42, %parallel_loop3A_163] : memref<4x128xf32, #tpu.memory_space<vmem>>[vector<16xi32>, vector<16xi32>], vector<16xf32>,
      %parallel_loop3A_166 = arith.mulf %parallel_loop3A_164, %parallel_loop3A_165 : vector<16xf32>
      %parallel_loop3A_167 = arith.addf %parallel_loop3A_127, %parallel_loop3A_166 : vector<16xf32>
      %parallel_loop3A_168 = arith.constant 1 : i32
      %parallel_loop3A_169 = vector.broadcast %parallel_loop3A_168 : i32 to vector<16xi32>
      %parallel_loop3A_170 = arith.addi %parallel_loop3A_163, %parallel_loop3A_169 : vector<16xi32>
      %parallel_loop3A_171 = arith.constant 127 : i32
      %parallel_loop3A_172 = vector.broadcast %parallel_loop3A_171 : i32 to vector<16xi32>
      %parallel_loop3A_173 = arith.andi %parallel_loop3A_170, %parallel_loop3A_172 : vector<16xi32>
      %parallel_loop3A_174 = tpu.vector_load_idx %arg6[%parallel_loop3A_33, %parallel_loop3A_173] : memref<96x128xf32, #tpu.memory_space<vmem>>[vector<16xi32>, vector<16xi32>], vector<16xf32>,
      %parallel_loop3A_175 = tpu.vector_load_idx %arg8[%parallel_loop3A_42, %parallel_loop3A_173] : memref<4x128xf32, #tpu.memory_space<vmem>>[vector<16xi32>, vector<16xi32>], vector<16xf32>,
      %parallel_loop3A_176 = arith.mulf %parallel_loop3A_174, %parallel_loop3A_175 : vector<16xf32>
      %parallel_loop3A_177 = arith.addf %parallel_loop3A_137, %parallel_loop3A_176 : vector<16xf32>
      %parallel_loop3A_178 = arith.constant 1 : i32
      %parallel_loop3A_179 = vector.broadcast %parallel_loop3A_178 : i32 to vector<16xi32>
      %parallel_loop3A_180 = arith.addi %parallel_loop3A_173, %parallel_loop3A_179 : vector<16xi32>
      %parallel_loop3A_181 = arith.constant 127 : i32
      %parallel_loop3A_182 = vector.broadcast %parallel_loop3A_181 : i32 to vector<16xi32>
      %parallel_loop3A_183 = arith.andi %parallel_loop3A_180, %parallel_loop3A_182 : vector<16xi32>
      %parallel_loop3A_184 = tpu.vector_load_idx %arg6[%parallel_loop3A_33, %parallel_loop3A_183] : memref<96x128xf32, #tpu.memory_space<vmem>>[vector<16xi32>, vector<16xi32>], vector<16xf32>,
      %parallel_loop3A_185 = tpu.vector_load_idx %arg8[%parallel_loop3A_42, %parallel_loop3A_183] : memref<4x128xf32, #tpu.memory_space<vmem>>[vector<16xi32>, vector<16xi32>], vector<16xf32>,
      %parallel_loop3A_186 = arith.mulf %parallel_loop3A_184, %parallel_loop3A_185 : vector<16xf32>
      %parallel_loop3A_187 = arith.addf %parallel_loop3A_147, %parallel_loop3A_186 : vector<16xf32>
      %parallel_loop3A_188 = arith.constant 1 : i32
      %parallel_loop3A_189 = vector.broadcast %parallel_loop3A_188 : i32 to vector<16xi32>
      %parallel_loop3A_190 = arith.addi %parallel_loop3A_183, %parallel_loop3A_189 : vector<16xi32>
      %parallel_loop3A_191 = arith.constant 127 : i32
      %parallel_loop3A_192 = vector.broadcast %parallel_loop3A_191 : i32 to vector<16xi32>
      %parallel_loop3A_193 = arith.andi %parallel_loop3A_190, %parallel_loop3A_192 : vector<16xi32>
      %parallel_loop3A_194 = tpu.vector_load_idx %arg6[%parallel_loop3A_33, %parallel_loop3A_193] : memref<96x128xf32, #tpu.memory_space<vmem>>[vector<16xi32>, vector<16xi32>], vector<16xf32>,
      %parallel_loop3A_195 = tpu.vector_load_idx %arg8[%parallel_loop3A_42, %parallel_loop3A_193] : memref<4x128xf32, #tpu.memory_space<vmem>>[vector<16xi32>, vector<16xi32>], vector<16xf32>,
      %parallel_loop3A_196 = arith.mulf %parallel_loop3A_194, %parallel_loop3A_195 : vector<16xf32>
      %parallel_loop3A_197 = arith.addf %parallel_loop3A_157, %parallel_loop3A_196 : vector<16xf32>
      %parallel_loop3A_198 = arith.constant 1 : i32
      %parallel_loop3A_199 = vector.broadcast %parallel_loop3A_198 : i32 to vector<16xi32>
      %parallel_loop3A_200 = arith.addi %parallel_loop3A_193, %parallel_loop3A_199 : vector<16xi32>
      %parallel_loop3A_201 = arith.constant 127 : i32
      %parallel_loop3A_202 = vector.broadcast %parallel_loop3A_201 : i32 to vector<16xi32>
      %parallel_loop3A_203 = arith.andi %parallel_loop3A_200, %parallel_loop3A_202 : vector<16xi32>
      %parallel_loop3A_204 = tpu.vector_load_idx %arg6[%parallel_loop3A_33, %parallel_loop3A_203] : memref<96x128xf32, #tpu.memory_space<vmem>>[vector<16xi32>, vector<16xi32>], vector<16xf32>,
      %parallel_loop3A_205 = tpu.vector_load_idx %arg8[%parallel_loop3A_42, %parallel_loop3A_203] : memref<4x128xf32, #tpu.memory_space<vmem>>[vector<16xi32>, vector<16xi32>], vector<16xf32>,
      %parallel_loop3A_206 = arith.mulf %parallel_loop3A_204, %parallel_loop3A_205 : vector<16xf32>
      %parallel_loop3A_207 = arith.addf %parallel_loop3A_167, %parallel_loop3A_206 : vector<16xf32>
      %parallel_loop3A_208 = arith.constant 1 : i32
      %parallel_loop3A_209 = vector.broadcast %parallel_loop3A_208 : i32 to vector<16xi32>
      %parallel_loop3A_210 = arith.addi %parallel_loop3A_203, %parallel_loop3A_209 : vector<16xi32>
      %parallel_loop3A_211 = arith.constant 127 : i32
      %parallel_loop3A_212 = vector.broadcast %parallel_loop3A_211 : i32 to vector<16xi32>
      %parallel_loop3A_213 = arith.andi %parallel_loop3A_210, %parallel_loop3A_212 : vector<16xi32>
      %parallel_loop3A_214 = tpu.vector_load_idx %arg6[%parallel_loop3A_33, %parallel_loop3A_213] : memref<96x128xf32, #tpu.memory_space<vmem>>[vector<16xi32>, vector<16xi32>], vector<16xf32>,
      %parallel_loop3A_215 = tpu.vector_load_idx %arg8[%parallel_loop3A_42, %parallel_loop3A_213] : memref<4x128xf32, #tpu.memory_space<vmem>>[vector<16xi32>, vector<16xi32>], vector<16xf32>,
      %parallel_loop3A_216 = arith.mulf %parallel_loop3A_214, %parallel_loop3A_215 : vector<16xf32>
      %parallel_loop3A_217 = arith.addf %parallel_loop3A_177, %parallel_loop3A_216 : vector<16xf32>
      %parallel_loop3A_218 = arith.constant 1 : i32
      %parallel_loop3A_219 = vector.broadcast %parallel_loop3A_218 : i32 to vector<16xi32>
      %parallel_loop3A_220 = arith.addi %parallel_loop3A_213, %parallel_loop3A_219 : vector<16xi32>
      %parallel_loop3A_221 = arith.constant 127 : i32
      %parallel_loop3A_222 = vector.broadcast %parallel_loop3A_221 : i32 to vector<16xi32>
      %parallel_loop3A_223 = arith.andi %parallel_loop3A_220, %parallel_loop3A_222 : vector<16xi32>
      %parallel_loop3A_224 = tpu.vector_load_idx %arg6[%parallel_loop3A_33, %parallel_loop3A_223] : memref<96x128xf32, #tpu.memory_space<vmem>>[vector<16xi32>, vector<16xi32>], vector<16xf32>,
      %parallel_loop3A_225 = tpu.vector_load_idx %arg8[%parallel_loop3A_42, %parallel_loop3A_223] : memref<4x128xf32, #tpu.memory_space<vmem>>[vector<16xi32>, vector<16xi32>], vector<16xf32>,
      %parallel_loop3A_226 = arith.mulf %parallel_loop3A_224, %parallel_loop3A_225 : vector<16xf32>
      %parallel_loop3A_227 = arith.addf %parallel_loop3A_187, %parallel_loop3A_226 : vector<16xf32>
      %parallel_loop3A_228 = arith.constant 1 : i32
      %parallel_loop3A_229 = vector.broadcast %parallel_loop3A_228 : i32 to vector<16xi32>
      %parallel_loop3A_230 = arith.addi %parallel_loop3A_223, %parallel_loop3A_229 : vector<16xi32>
      %parallel_loop3A_231 = arith.constant 127 : i32
      %parallel_loop3A_232 = vector.broadcast %parallel_loop3A_231 : i32 to vector<16xi32>
      %parallel_loop3A_233 = arith.andi %parallel_loop3A_230, %parallel_loop3A_232 : vector<16xi32>
      %parallel_loop3A_234 = tpu.vector_load_idx %arg6[%parallel_loop3A_33, %parallel_loop3A_233] : memref<96x128xf32, #tpu.memory_space<vmem>>[vector<16xi32>, vector<16xi32>], vector<16xf32>,
      %parallel_loop3A_235 = tpu.vector_load_idx %arg8[%parallel_loop3A_42, %parallel_loop3A_233] : memref<4x128xf32, #tpu.memory_space<vmem>>[vector<16xi32>, vector<16xi32>], vector<16xf32>,
      %parallel_loop3A_236 = arith.mulf %parallel_loop3A_234, %parallel_loop3A_235 : vector<16xf32>
      %parallel_loop3A_237 = arith.addf %parallel_loop3A_197, %parallel_loop3A_236 : vector<16xf32>
      %parallel_loop3A_238 = arith.constant 1 : i32
      %parallel_loop3A_239 = vector.broadcast %parallel_loop3A_238 : i32 to vector<16xi32>
      %parallel_loop3A_240 = arith.addi %parallel_loop3A_233, %parallel_loop3A_239 : vector<16xi32>
      %parallel_loop3A_241 = arith.constant 127 : i32
      %parallel_loop3A_242 = vector.broadcast %parallel_loop3A_241 : i32 to vector<16xi32>
      %parallel_loop3A_243 = arith.andi %parallel_loop3A_240, %parallel_loop3A_242 : vector<16xi32>
      %parallel_loop3A_244 = tpu.vector_load_idx %arg6[%parallel_loop3A_33, %parallel_loop3A_243] : memref<96x128xf32, #tpu.memory_space<vmem>>[vector<16xi32>, vector<16xi32>], vector<16xf32>,
      %parallel_loop3A_245 = tpu.vector_load_idx %arg8[%parallel_loop3A_42, %parallel_loop3A_243] : memref<4x128xf32, #tpu.memory_space<vmem>>[vector<16xi32>, vector<16xi32>], vector<16xf32>,
      %parallel_loop3A_246 = arith.mulf %parallel_loop3A_244, %parallel_loop3A_245 : vector<16xf32>
      %parallel_loop3A_247 = arith.addf %parallel_loop3A_207, %parallel_loop3A_246 : vector<16xf32>
      %parallel_loop3A_248 = arith.constant 1 : i32
      %parallel_loop3A_249 = vector.broadcast %parallel_loop3A_248 : i32 to vector<16xi32>
      %parallel_loop3A_250 = arith.addi %parallel_loop3A_243, %parallel_loop3A_249 : vector<16xi32>
      %parallel_loop3A_251 = arith.constant 127 : i32
      %parallel_loop3A_252 = vector.broadcast %parallel_loop3A_251 : i32 to vector<16xi32>
      %parallel_loop3A_253 = arith.andi %parallel_loop3A_250, %parallel_loop3A_252 : vector<16xi32>
      %parallel_loop3A_254 = tpu.vector_load_idx %arg6[%parallel_loop3A_33, %parallel_loop3A_253] : memref<96x128xf32, #tpu.memory_space<vmem>>[vector<16xi32>, vector<16xi32>], vector<16xf32>,
      %parallel_loop3A_255 = tpu.vector_load_idx %arg8[%parallel_loop3A_42, %parallel_loop3A_253] : memref<4x128xf32, #tpu.memory_space<vmem>>[vector<16xi32>, vector<16xi32>], vector<16xf32>,
      %parallel_loop3A_256 = arith.mulf %parallel_loop3A_254, %parallel_loop3A_255 : vector<16xf32>
      %parallel_loop3A_257 = arith.addf %parallel_loop3A_217, %parallel_loop3A_256 : vector<16xf32>
      %parallel_loop3A_258 = arith.constant 1 : i32
      %parallel_loop3A_259 = vector.broadcast %parallel_loop3A_258 : i32 to vector<16xi32>
      %parallel_loop3A_260 = arith.addi %parallel_loop3A_253, %parallel_loop3A_259 : vector<16xi32>
      %parallel_loop3A_261 = arith.constant 127 : i32
      %parallel_loop3A_262 = vector.broadcast %parallel_loop3A_261 : i32 to vector<16xi32>
      %parallel_loop3A_263 = arith.andi %parallel_loop3A_260, %parallel_loop3A_262 : vector<16xi32>
      %parallel_loop3A_264 = tpu.vector_load_idx %arg6[%parallel_loop3A_33, %parallel_loop3A_263] : memref<96x128xf32, #tpu.memory_space<vmem>>[vector<16xi32>, vector<16xi32>], vector<16xf32>,
      %parallel_loop3A_265 = tpu.vector_load_idx %arg8[%parallel_loop3A_42, %parallel_loop3A_263] : memref<4x128xf32, #tpu.memory_space<vmem>>[vector<16xi32>, vector<16xi32>], vector<16xf32>,
      %parallel_loop3A_266 = arith.mulf %parallel_loop3A_264, %parallel_loop3A_265 : vector<16xf32>
      %parallel_loop3A_267 = arith.addf %parallel_loop3A_227, %parallel_loop3A_266 : vector<16xf32>
      %parallel_loop3A_268 = arith.constant 1 : i32
      %parallel_loop3A_269 = vector.broadcast %parallel_loop3A_268 : i32 to vector<16xi32>
      %parallel_loop3A_270 = arith.addi %parallel_loop3A_263, %parallel_loop3A_269 : vector<16xi32>
      %parallel_loop3A_271 = arith.constant 127 : i32
      %parallel_loop3A_272 = vector.broadcast %parallel_loop3A_271 : i32 to vector<16xi32>
      %parallel_loop3A_273 = arith.andi %parallel_loop3A_270, %parallel_loop3A_272 : vector<16xi32>
      %parallel_loop3A_274 = tpu.vector_load_idx %arg6[%parallel_loop3A_33, %parallel_loop3A_273] : memref<96x128xf32, #tpu.memory_space<vmem>>[vector<16xi32>, vector<16xi32>], vector<16xf32>,
      %parallel_loop3A_275 = tpu.vector_load_idx %arg8[%parallel_loop3A_42, %parallel_loop3A_273] : memref<4x128xf32, #tpu.memory_space<vmem>>[vector<16xi32>, vector<16xi32>], vector<16xf32>,
      %parallel_loop3A_276 = arith.mulf %parallel_loop3A_274, %parallel_loop3A_275 : vector<16xf32>
      %parallel_loop3A_277 = arith.addf %parallel_loop3A_237, %parallel_loop3A_276 : vector<16xf32>
      %parallel_loop3A_278 = arith.constant 1 : i32
      %parallel_loop3A_279 = vector.broadcast %parallel_loop3A_278 : i32 to vector<16xi32>
      %parallel_loop3A_280 = arith.addi %parallel_loop3A_273, %parallel_loop3A_279 : vector<16xi32>
      %parallel_loop3A_281 = arith.constant 127 : i32
      %parallel_loop3A_282 = vector.broadcast %parallel_loop3A_281 : i32 to vector<16xi32>
      %parallel_loop3A_283 = arith.andi %parallel_loop3A_280, %parallel_loop3A_282 : vector<16xi32>
      %parallel_loop3A_284 = tpu.vector_load_idx %arg6[%parallel_loop3A_33, %parallel_loop3A_283] : memref<96x128xf32, #tpu.memory_space<vmem>>[vector<16xi32>, vector<16xi32>], vector<16xf32>,
      %parallel_loop3A_285 = tpu.vector_load_idx %arg8[%parallel_loop3A_42, %parallel_loop3A_283] : memref<4x128xf32, #tpu.memory_space<vmem>>[vector<16xi32>, vector<16xi32>], vector<16xf32>,
      %parallel_loop3A_286 = arith.mulf %parallel_loop3A_284, %parallel_loop3A_285 : vector<16xf32>
      %parallel_loop3A_287 = arith.addf %parallel_loop3A_247, %parallel_loop3A_286 : vector<16xf32>
      %parallel_loop3A_288 = arith.constant 1 : i32
      %parallel_loop3A_289 = vector.broadcast %parallel_loop3A_288 : i32 to vector<16xi32>
      %parallel_loop3A_290 = arith.addi %parallel_loop3A_283, %parallel_loop3A_289 : vector<16xi32>
      %parallel_loop3A_291 = arith.constant 127 : i32
      %parallel_loop3A_292 = vector.broadcast %parallel_loop3A_291 : i32 to vector<16xi32>
      %parallel_loop3A_293 = arith.andi %parallel_loop3A_290, %parallel_loop3A_292 : vector<16xi32>
      %parallel_loop3A_294 = tpu.vector_load_idx %arg6[%parallel_loop3A_33, %parallel_loop3A_293] : memref<96x128xf32, #tpu.memory_space<vmem>>[vector<16xi32>, vector<16xi32>], vector<16xf32>,
      %parallel_loop3A_295 = tpu.vector_load_idx %arg8[%parallel_loop3A_42, %parallel_loop3A_293] : memref<4x128xf32, #tpu.memory_space<vmem>>[vector<16xi32>, vector<16xi32>], vector<16xf32>,
      %parallel_loop3A_296 = arith.mulf %parallel_loop3A_294, %parallel_loop3A_295 : vector<16xf32>
      %parallel_loop3A_297 = arith.addf %parallel_loop3A_257, %parallel_loop3A_296 : vector<16xf32>
      %parallel_loop3A_298 = arith.constant 1 : i32
      %parallel_loop3A_299 = vector.broadcast %parallel_loop3A_298 : i32 to vector<16xi32>
      %parallel_loop3A_300 = arith.addi %parallel_loop3A_293, %parallel_loop3A_299 : vector<16xi32>
      %parallel_loop3A_301 = arith.constant 127 : i32
      %parallel_loop3A_302 = vector.broadcast %parallel_loop3A_301 : i32 to vector<16xi32>
      %parallel_loop3A_303 = arith.andi %parallel_loop3A_300, %parallel_loop3A_302 : vector<16xi32>
      %parallel_loop3A_304 = tpu.vector_load_idx %arg6[%parallel_loop3A_33, %parallel_loop3A_303] : memref<96x128xf32, #tpu.memory_space<vmem>>[vector<16xi32>, vector<16xi32>], vector<16xf32>,
      %parallel_loop3A_305 = tpu.vector_load_idx %arg8[%parallel_loop3A_42, %parallel_loop3A_303] : memref<4x128xf32, #tpu.memory_space<vmem>>[vector<16xi32>, vector<16xi32>], vector<16xf32>,
      %parallel_loop3A_306 = arith.mulf %parallel_loop3A_304, %parallel_loop3A_305 : vector<16xf32>
      %parallel_loop3A_307 = arith.addf %parallel_loop3A_267, %parallel_loop3A_306 : vector<16xf32>
      %parallel_loop3A_308 = arith.constant 1 : i32
      %parallel_loop3A_309 = vector.broadcast %parallel_loop3A_308 : i32 to vector<16xi32>
      %parallel_loop3A_310 = arith.addi %parallel_loop3A_303, %parallel_loop3A_309 : vector<16xi32>
      %parallel_loop3A_311 = arith.constant 127 : i32
      %parallel_loop3A_312 = vector.broadcast %parallel_loop3A_311 : i32 to vector<16xi32>
      %parallel_loop3A_313 = arith.andi %parallel_loop3A_310, %parallel_loop3A_312 : vector<16xi32>
      %parallel_loop3A_314 = tpu.vector_load_idx %arg6[%parallel_loop3A_33, %parallel_loop3A_313] : memref<96x128xf32, #tpu.memory_space<vmem>>[vector<16xi32>, vector<16xi32>], vector<16xf32>,
      %parallel_loop3A_315 = tpu.vector_load_idx %arg8[%parallel_loop3A_42, %parallel_loop3A_313] : memref<4x128xf32, #tpu.memory_space<vmem>>[vector<16xi32>, vector<16xi32>], vector<16xf32>,
      %parallel_loop3A_316 = arith.mulf %parallel_loop3A_314, %parallel_loop3A_315 : vector<16xf32>
      %parallel_loop3A_317 = arith.addf %parallel_loop3A_277, %parallel_loop3A_316 : vector<16xf32>
      %parallel_loop3A_318 = arith.constant 1 : i32
      %parallel_loop3A_319 = vector.broadcast %parallel_loop3A_318 : i32 to vector<16xi32>
      %parallel_loop3A_320 = arith.addi %parallel_loop3A_313, %parallel_loop3A_319 : vector<16xi32>
      %parallel_loop3A_321 = arith.constant 127 : i32
      %parallel_loop3A_322 = vector.broadcast %parallel_loop3A_321 : i32 to vector<16xi32>
      %parallel_loop3A_323 = arith.andi %parallel_loop3A_320, %parallel_loop3A_322 : vector<16xi32>
      %parallel_loop3A_324 = tpu.vector_load_idx %arg6[%parallel_loop3A_33, %parallel_loop3A_323] : memref<96x128xf32, #tpu.memory_space<vmem>>[vector<16xi32>, vector<16xi32>], vector<16xf32>,
      %parallel_loop3A_325 = tpu.vector_load_idx %arg8[%parallel_loop3A_42, %parallel_loop3A_323] : memref<4x128xf32, #tpu.memory_space<vmem>>[vector<16xi32>, vector<16xi32>], vector<16xf32>,
      %parallel_loop3A_326 = arith.mulf %parallel_loop3A_324, %parallel_loop3A_325 : vector<16xf32>
      %parallel_loop3A_327 = arith.addf %parallel_loop3A_287, %parallel_loop3A_326 : vector<16xf32>
      %parallel_loop3A_328 = arith.constant 1 : i32
      %parallel_loop3A_329 = vector.broadcast %parallel_loop3A_328 : i32 to vector<16xi32>
      %parallel_loop3A_330 = arith.addi %parallel_loop3A_323, %parallel_loop3A_329 : vector<16xi32>
      %parallel_loop3A_331 = arith.constant 127 : i32
      %parallel_loop3A_332 = vector.broadcast %parallel_loop3A_331 : i32 to vector<16xi32>
      %parallel_loop3A_333 = arith.andi %parallel_loop3A_330, %parallel_loop3A_332 : vector<16xi32>
      %parallel_loop3A_334 = tpu.vector_load_idx %arg6[%parallel_loop3A_33, %parallel_loop3A_333] : memref<96x128xf32, #tpu.memory_space<vmem>>[vector<16xi32>, vector<16xi32>], vector<16xf32>,
      %parallel_loop3A_335 = tpu.vector_load_idx %arg8[%parallel_loop3A_42, %parallel_loop3A_333] : memref<4x128xf32, #tpu.memory_space<vmem>>[vector<16xi32>, vector<16xi32>], vector<16xf32>,
      %parallel_loop3A_336 = arith.mulf %parallel_loop3A_334, %parallel_loop3A_335 : vector<16xf32>
      %parallel_loop3A_337 = arith.addf %parallel_loop3A_297, %parallel_loop3A_336 : vector<16xf32>
      %parallel_loop3A_338 = arith.constant 1 : i32
      %parallel_loop3A_339 = vector.broadcast %parallel_loop3A_338 : i32 to vector<16xi32>
      %parallel_loop3A_340 = arith.addi %parallel_loop3A_333, %parallel_loop3A_339 : vector<16xi32>
      %parallel_loop3A_341 = arith.constant 127 : i32
      %parallel_loop3A_342 = vector.broadcast %parallel_loop3A_341 : i32 to vector<16xi32>
      %parallel_loop3A_343 = arith.andi %parallel_loop3A_340, %parallel_loop3A_342 : vector<16xi32>
      %parallel_loop3A_344 = tpu.vector_load_idx %arg6[%parallel_loop3A_33, %parallel_loop3A_343] : memref<96x128xf32, #tpu.memory_space<vmem>>[vector<16xi32>, vector<16xi32>], vector<16xf32>,
      %parallel_loop3A_345 = tpu.vector_load_idx %arg8[%parallel_loop3A_42, %parallel_loop3A_343] : memref<4x128xf32, #tpu.memory_space<vmem>>[vector<16xi32>, vector<16xi32>], vector<16xf32>,
      %parallel_loop3A_346 = arith.mulf %parallel_loop3A_344, %parallel_loop3A_345 : vector<16xf32>
      %parallel_loop3A_347 = arith.addf %parallel_loop3A_307, %parallel_loop3A_346 : vector<16xf32>
      %parallel_loop3A_348 = arith.constant 1 : i32
      %parallel_loop3A_349 = vector.broadcast %parallel_loop3A_348 : i32 to vector<16xi32>
      %parallel_loop3A_350 = arith.addi %parallel_loop3A_343, %parallel_loop3A_349 : vector<16xi32>
      %parallel_loop3A_351 = arith.constant 127 : i32
      %parallel_loop3A_352 = vector.broadcast %parallel_loop3A_351 : i32 to vector<16xi32>
      %parallel_loop3A_353 = arith.andi %parallel_loop3A_350, %parallel_loop3A_352 : vector<16xi32>
      %parallel_loop3A_354 = tpu.vector_load_idx %arg6[%parallel_loop3A_33, %parallel_loop3A_353] : memref<96x128xf32, #tpu.memory_space<vmem>>[vector<16xi32>, vector<16xi32>], vector<16xf32>,
      %parallel_loop3A_355 = tpu.vector_load_idx %arg8[%parallel_loop3A_42, %parallel_loop3A_353] : memref<4x128xf32, #tpu.memory_space<vmem>>[vector<16xi32>, vector<16xi32>], vector<16xf32>,
      %parallel_loop3A_356 = arith.mulf %parallel_loop3A_354, %parallel_loop3A_355 : vector<16xf32>
      %parallel_loop3A_357 = arith.addf %parallel_loop3A_317, %parallel_loop3A_356 : vector<16xf32>
      %parallel_loop3A_358 = arith.constant 1 : i32
      %parallel_loop3A_359 = vector.broadcast %parallel_loop3A_358 : i32 to vector<16xi32>
      %parallel_loop3A_360 = arith.addi %parallel_loop3A_353, %parallel_loop3A_359 : vector<16xi32>
      %parallel_loop3A_361 = arith.constant 127 : i32
      %parallel_loop3A_362 = vector.broadcast %parallel_loop3A_361 : i32 to vector<16xi32>
      %parallel_loop3A_363 = arith.andi %parallel_loop3A_360, %parallel_loop3A_362 : vector<16xi32>
      %parallel_loop3A_364 = tpu.vector_load_idx %arg6[%parallel_loop3A_33, %parallel_loop3A_363] : memref<96x128xf32, #tpu.memory_space<vmem>>[vector<16xi32>, vector<16xi32>], vector<16xf32>,
      %parallel_loop3A_365 = tpu.vector_load_idx %arg8[%parallel_loop3A_42, %parallel_loop3A_363] : memref<4x128xf32, #tpu.memory_space<vmem>>[vector<16xi32>, vector<16xi32>], vector<16xf32>,
      %parallel_loop3A_366 = arith.mulf %parallel_loop3A_364, %parallel_loop3A_365 : vector<16xf32>
      %parallel_loop3A_367 = arith.addf %parallel_loop3A_327, %parallel_loop3A_366 : vector<16xf32>
      %parallel_loop3A_368 = arith.constant 1 : i32
      %parallel_loop3A_369 = vector.broadcast %parallel_loop3A_368 : i32 to vector<16xi32>
      %parallel_loop3A_370 = arith.addi %parallel_loop3A_363, %parallel_loop3A_369 : vector<16xi32>
      %parallel_loop3A_371 = arith.constant 127 : i32
      %parallel_loop3A_372 = vector.broadcast %parallel_loop3A_371 : i32 to vector<16xi32>
      %parallel_loop3A_373 = arith.andi %parallel_loop3A_370, %parallel_loop3A_372 : vector<16xi32>
      %parallel_loop3A_374 = tpu.vector_load_idx %arg6[%parallel_loop3A_33, %parallel_loop3A_373] : memref<96x128xf32, #tpu.memory_space<vmem>>[vector<16xi32>, vector<16xi32>], vector<16xf32>,
      %parallel_loop3A_375 = tpu.vector_load_idx %arg8[%parallel_loop3A_42, %parallel_loop3A_373] : memref<4x128xf32, #tpu.memory_space<vmem>>[vector<16xi32>, vector<16xi32>], vector<16xf32>,
      %parallel_loop3A_376 = arith.mulf %parallel_loop3A_374, %parallel_loop3A_375 : vector<16xf32>
      %parallel_loop3A_377 = arith.addf %parallel_loop3A_337, %parallel_loop3A_376 : vector<16xf32>
      %parallel_loop3A_378 = arith.constant 1 : i32
      %parallel_loop3A_379 = vector.broadcast %parallel_loop3A_378 : i32 to vector<16xi32>
      %parallel_loop3A_380 = arith.addi %parallel_loop3A_373, %parallel_loop3A_379 : vector<16xi32>
      %parallel_loop3A_381 = arith.constant 127 : i32
      %parallel_loop3A_382 = vector.broadcast %parallel_loop3A_381 : i32 to vector<16xi32>
      %parallel_loop3A_383 = arith.andi %parallel_loop3A_380, %parallel_loop3A_382 : vector<16xi32>
      %parallel_loop3A_384 = tpu.vector_load_idx %arg6[%parallel_loop3A_33, %parallel_loop3A_383] : memref<96x128xf32, #tpu.memory_space<vmem>>[vector<16xi32>, vector<16xi32>], vector<16xf32>,
      %parallel_loop3A_385 = tpu.vector_load_idx %arg8[%parallel_loop3A_42, %parallel_loop3A_383] : memref<4x128xf32, #tpu.memory_space<vmem>>[vector<16xi32>, vector<16xi32>], vector<16xf32>,
      %parallel_loop3A_386 = arith.mulf %parallel_loop3A_384, %parallel_loop3A_385 : vector<16xf32>
      %parallel_loop3A_387 = arith.addf %parallel_loop3A_347, %parallel_loop3A_386 : vector<16xf32>
      %parallel_loop3A_388 = arith.constant 1 : i32
      %parallel_loop3A_389 = vector.broadcast %parallel_loop3A_388 : i32 to vector<16xi32>
      %parallel_loop3A_390 = arith.addi %parallel_loop3A_383, %parallel_loop3A_389 : vector<16xi32>
      %parallel_loop3A_391 = arith.constant 127 : i32
      %parallel_loop3A_392 = vector.broadcast %parallel_loop3A_391 : i32 to vector<16xi32>
      %parallel_loop3A_393 = arith.andi %parallel_loop3A_390, %parallel_loop3A_392 : vector<16xi32>
      %parallel_loop3A_394 = tpu.vector_load_idx %arg6[%parallel_loop3A_33, %parallel_loop3A_393] : memref<96x128xf32, #tpu.memory_space<vmem>>[vector<16xi32>, vector<16xi32>], vector<16xf32>,
      %parallel_loop3A_395 = tpu.vector_load_idx %arg8[%parallel_loop3A_42, %parallel_loop3A_393] : memref<4x128xf32, #tpu.memory_space<vmem>>[vector<16xi32>, vector<16xi32>], vector<16xf32>,
      %parallel_loop3A_396 = arith.mulf %parallel_loop3A_394, %parallel_loop3A_395 : vector<16xf32>
      %parallel_loop3A_397 = arith.addf %parallel_loop3A_357, %parallel_loop3A_396 : vector<16xf32>
      %parallel_loop3A_398 = arith.constant 1 : i32
      %parallel_loop3A_399 = vector.broadcast %parallel_loop3A_398 : i32 to vector<16xi32>
      %parallel_loop3A_400 = arith.addi %parallel_loop3A_393, %parallel_loop3A_399 : vector<16xi32>
      %parallel_loop3A_401 = arith.constant 127 : i32
      %parallel_loop3A_402 = vector.broadcast %parallel_loop3A_401 : i32 to vector<16xi32>
      %parallel_loop3A_403 = arith.andi %parallel_loop3A_400, %parallel_loop3A_402 : vector<16xi32>
      %parallel_loop3A_404 = tpu.vector_load_idx %arg6[%parallel_loop3A_33, %parallel_loop3A_403] : memref<96x128xf32, #tpu.memory_space<vmem>>[vector<16xi32>, vector<16xi32>], vector<16xf32>,
      %parallel_loop3A_405 = tpu.vector_load_idx %arg8[%parallel_loop3A_42, %parallel_loop3A_403] : memref<4x128xf32, #tpu.memory_space<vmem>>[vector<16xi32>, vector<16xi32>], vector<16xf32>,
      %parallel_loop3A_406 = arith.mulf %parallel_loop3A_404, %parallel_loop3A_405 : vector<16xf32>
      %parallel_loop3A_407 = arith.addf %parallel_loop3A_367, %parallel_loop3A_406 : vector<16xf32>
      %parallel_loop3A_408 = arith.constant 1 : i32
      %parallel_loop3A_409 = vector.broadcast %parallel_loop3A_408 : i32 to vector<16xi32>
      %parallel_loop3A_410 = arith.addi %parallel_loop3A_403, %parallel_loop3A_409 : vector<16xi32>
      %parallel_loop3A_411 = arith.constant 127 : i32
      %parallel_loop3A_412 = vector.broadcast %parallel_loop3A_411 : i32 to vector<16xi32>
      %parallel_loop3A_413 = arith.andi %parallel_loop3A_410, %parallel_loop3A_412 : vector<16xi32>
      %parallel_loop3A_414 = tpu.vector_load_idx %arg6[%parallel_loop3A_33, %parallel_loop3A_413] : memref<96x128xf32, #tpu.memory_space<vmem>>[vector<16xi32>, vector<16xi32>], vector<16xf32>,
      %parallel_loop3A_415 = tpu.vector_load_idx %arg8[%parallel_loop3A_42, %parallel_loop3A_413] : memref<4x128xf32, #tpu.memory_space<vmem>>[vector<16xi32>, vector<16xi32>], vector<16xf32>,
      %parallel_loop3A_416 = arith.mulf %parallel_loop3A_414, %parallel_loop3A_415 : vector<16xf32>
      %parallel_loop3A_417 = arith.addf %parallel_loop3A_377, %parallel_loop3A_416 : vector<16xf32>
      %parallel_loop3A_418 = arith.constant 1 : i32
      %parallel_loop3A_419 = vector.broadcast %parallel_loop3A_418 : i32 to vector<16xi32>
      %parallel_loop3A_420 = arith.addi %parallel_loop3A_413, %parallel_loop3A_419 : vector<16xi32>
      %parallel_loop3A_421 = arith.constant 127 : i32
      %parallel_loop3A_422 = vector.broadcast %parallel_loop3A_421 : i32 to vector<16xi32>
      %parallel_loop3A_423 = arith.andi %parallel_loop3A_420, %parallel_loop3A_422 : vector<16xi32>
      %parallel_loop3A_424 = tpu.vector_load_idx %arg6[%parallel_loop3A_33, %parallel_loop3A_423] : memref<96x128xf32, #tpu.memory_space<vmem>>[vector<16xi32>, vector<16xi32>], vector<16xf32>,
      %parallel_loop3A_425 = tpu.vector_load_idx %arg8[%parallel_loop3A_42, %parallel_loop3A_423] : memref<4x128xf32, #tpu.memory_space<vmem>>[vector<16xi32>, vector<16xi32>], vector<16xf32>,
      %parallel_loop3A_426 = arith.mulf %parallel_loop3A_424, %parallel_loop3A_425 : vector<16xf32>
      %parallel_loop3A_427 = arith.addf %parallel_loop3A_387, %parallel_loop3A_426 : vector<16xf32>
      %parallel_loop3A_428 = arith.constant 1 : i32
      %parallel_loop3A_429 = vector.broadcast %parallel_loop3A_428 : i32 to vector<16xi32>
      %parallel_loop3A_430 = arith.addi %parallel_loop3A_423, %parallel_loop3A_429 : vector<16xi32>
      %parallel_loop3A_431 = arith.constant 127 : i32
      %parallel_loop3A_432 = vector.broadcast %parallel_loop3A_431 : i32 to vector<16xi32>
      %parallel_loop3A_433 = arith.andi %parallel_loop3A_430, %parallel_loop3A_432 : vector<16xi32>
      %parallel_loop3A_434 = tpu.vector_load_idx %arg6[%parallel_loop3A_33, %parallel_loop3A_433] : memref<96x128xf32, #tpu.memory_space<vmem>>[vector<16xi32>, vector<16xi32>], vector<16xf32>,
      %parallel_loop3A_435 = tpu.vector_load_idx %arg8[%parallel_loop3A_42, %parallel_loop3A_433] : memref<4x128xf32, #tpu.memory_space<vmem>>[vector<16xi32>, vector<16xi32>], vector<16xf32>,
      %parallel_loop3A_436 = arith.mulf %parallel_loop3A_434, %parallel_loop3A_435 : vector<16xf32>
      %parallel_loop3A_437 = arith.addf %parallel_loop3A_397, %parallel_loop3A_436 : vector<16xf32>
      %parallel_loop3A_438 = arith.constant 1 : i32
      %parallel_loop3A_439 = vector.broadcast %parallel_loop3A_438 : i32 to vector<16xi32>
      %parallel_loop3A_440 = arith.addi %parallel_loop3A_433, %parallel_loop3A_439 : vector<16xi32>
      %parallel_loop3A_441 = arith.constant 127 : i32
      %parallel_loop3A_442 = vector.broadcast %parallel_loop3A_441 : i32 to vector<16xi32>
      %parallel_loop3A_443 = arith.andi %parallel_loop3A_440, %parallel_loop3A_442 : vector<16xi32>
      %parallel_loop3A_444 = tpu.vector_load_idx %arg6[%parallel_loop3A_33, %parallel_loop3A_443] : memref<96x128xf32, #tpu.memory_space<vmem>>[vector<16xi32>, vector<16xi32>], vector<16xf32>,
      %parallel_loop3A_445 = tpu.vector_load_idx %arg8[%parallel_loop3A_42, %parallel_loop3A_443] : memref<4x128xf32, #tpu.memory_space<vmem>>[vector<16xi32>, vector<16xi32>], vector<16xf32>,
      %parallel_loop3A_446 = arith.mulf %parallel_loop3A_444, %parallel_loop3A_445 : vector<16xf32>
      %parallel_loop3A_447 = arith.addf %parallel_loop3A_407, %parallel_loop3A_446 : vector<16xf32>
      %parallel_loop3A_448 = arith.constant 1 : i32
      %parallel_loop3A_449 = vector.broadcast %parallel_loop3A_448 : i32 to vector<16xi32>
      %parallel_loop3A_450 = arith.addi %parallel_loop3A_443, %parallel_loop3A_449 : vector<16xi32>
      %parallel_loop3A_451 = arith.constant 127 : i32
      %parallel_loop3A_452 = vector.broadcast %parallel_loop3A_451 : i32 to vector<16xi32>
      %parallel_loop3A_453 = arith.andi %parallel_loop3A_450, %parallel_loop3A_452 : vector<16xi32>
      %parallel_loop3A_454 = tpu.vector_load_idx %arg6[%parallel_loop3A_33, %parallel_loop3A_453] : memref<96x128xf32, #tpu.memory_space<vmem>>[vector<16xi32>, vector<16xi32>], vector<16xf32>,
      %parallel_loop3A_455 = tpu.vector_load_idx %arg8[%parallel_loop3A_42, %parallel_loop3A_453] : memref<4x128xf32, #tpu.memory_space<vmem>>[vector<16xi32>, vector<16xi32>], vector<16xf32>,
      %parallel_loop3A_456 = arith.mulf %parallel_loop3A_454, %parallel_loop3A_455 : vector<16xf32>
      %parallel_loop3A_457 = arith.addf %parallel_loop3A_417, %parallel_loop3A_456 : vector<16xf32>
      %parallel_loop3A_458 = arith.constant 1 : i32
      %parallel_loop3A_459 = vector.broadcast %parallel_loop3A_458 : i32 to vector<16xi32>
      %parallel_loop3A_460 = arith.addi %parallel_loop3A_453, %parallel_loop3A_459 : vector<16xi32>
      %parallel_loop3A_461 = arith.constant 127 : i32
      %parallel_loop3A_462 = vector.broadcast %parallel_loop3A_461 : i32 to vector<16xi32>
      %parallel_loop3A_463 = arith.andi %parallel_loop3A_460, %parallel_loop3A_462 : vector<16xi32>
      %parallel_loop3A_464 = tpu.vector_load_idx %arg6[%parallel_loop3A_33, %parallel_loop3A_463] : memref<96x128xf32, #tpu.memory_space<vmem>>[vector<16xi32>, vector<16xi32>], vector<16xf32>,
      %parallel_loop3A_465 = tpu.vector_load_idx %arg8[%parallel_loop3A_42, %parallel_loop3A_463] : memref<4x128xf32, #tpu.memory_space<vmem>>[vector<16xi32>, vector<16xi32>], vector<16xf32>,
      %parallel_loop3A_466 = arith.mulf %parallel_loop3A_464, %parallel_loop3A_465 : vector<16xf32>
      %parallel_loop3A_467 = arith.addf %parallel_loop3A_427, %parallel_loop3A_466 : vector<16xf32>
      %parallel_loop3A_468 = arith.constant 1 : i32
      %parallel_loop3A_469 = vector.broadcast %parallel_loop3A_468 : i32 to vector<16xi32>
      %parallel_loop3A_470 = arith.addi %parallel_loop3A_463, %parallel_loop3A_469 : vector<16xi32>
      %parallel_loop3A_471 = arith.constant 127 : i32
      %parallel_loop3A_472 = vector.broadcast %parallel_loop3A_471 : i32 to vector<16xi32>
      %parallel_loop3A_473 = arith.andi %parallel_loop3A_470, %parallel_loop3A_472 : vector<16xi32>
      %parallel_loop3A_474 = tpu.vector_load_idx %arg6[%parallel_loop3A_33, %parallel_loop3A_473] : memref<96x128xf32, #tpu.memory_space<vmem>>[vector<16xi32>, vector<16xi32>], vector<16xf32>,
      %parallel_loop3A_475 = tpu.vector_load_idx %arg8[%parallel_loop3A_42, %parallel_loop3A_473] : memref<4x128xf32, #tpu.memory_space<vmem>>[vector<16xi32>, vector<16xi32>], vector<16xf32>,
      %parallel_loop3A_476 = arith.mulf %parallel_loop3A_474, %parallel_loop3A_475 : vector<16xf32>
      %parallel_loop3A_477 = arith.addf %parallel_loop3A_437, %parallel_loop3A_476 : vector<16xf32>
      %parallel_loop3A_478 = arith.constant 1 : i32
      %parallel_loop3A_479 = vector.broadcast %parallel_loop3A_478 : i32 to vector<16xi32>
      %parallel_loop3A_480 = arith.addi %parallel_loop3A_473, %parallel_loop3A_479 : vector<16xi32>
      %parallel_loop3A_481 = arith.constant 127 : i32
      %parallel_loop3A_482 = vector.broadcast %parallel_loop3A_481 : i32 to vector<16xi32>
      %parallel_loop3A_483 = arith.andi %parallel_loop3A_480, %parallel_loop3A_482 : vector<16xi32>
      %parallel_loop3A_484 = tpu.vector_load_idx %arg6[%parallel_loop3A_33, %parallel_loop3A_483] : memref<96x128xf32, #tpu.memory_space<vmem>>[vector<16xi32>, vector<16xi32>], vector<16xf32>,
      %parallel_loop3A_485 = tpu.vector_load_idx %arg8[%parallel_loop3A_42, %parallel_loop3A_483] : memref<4x128xf32, #tpu.memory_space<vmem>>[vector<16xi32>, vector<16xi32>], vector<16xf32>,
      %parallel_loop3A_486 = arith.mulf %parallel_loop3A_484, %parallel_loop3A_485 : vector<16xf32>
      %parallel_loop3A_487 = arith.addf %parallel_loop3A_447, %parallel_loop3A_486 : vector<16xf32>
      %parallel_loop3A_488 = arith.constant 1 : i32
      %parallel_loop3A_489 = vector.broadcast %parallel_loop3A_488 : i32 to vector<16xi32>
      %parallel_loop3A_490 = arith.addi %parallel_loop3A_483, %parallel_loop3A_489 : vector<16xi32>
      %parallel_loop3A_491 = arith.constant 127 : i32
      %parallel_loop3A_492 = vector.broadcast %parallel_loop3A_491 : i32 to vector<16xi32>
      %parallel_loop3A_493 = arith.andi %parallel_loop3A_490, %parallel_loop3A_492 : vector<16xi32>
      %parallel_loop3A_494 = tpu.vector_load_idx %arg6[%parallel_loop3A_33, %parallel_loop3A_493] : memref<96x128xf32, #tpu.memory_space<vmem>>[vector<16xi32>, vector<16xi32>], vector<16xf32>,
      %parallel_loop3A_495 = tpu.vector_load_idx %arg8[%parallel_loop3A_42, %parallel_loop3A_493] : memref<4x128xf32, #tpu.memory_space<vmem>>[vector<16xi32>, vector<16xi32>], vector<16xf32>,
      %parallel_loop3A_496 = arith.mulf %parallel_loop3A_494, %parallel_loop3A_495 : vector<16xf32>
      %parallel_loop3A_497 = arith.addf %parallel_loop3A_457, %parallel_loop3A_496 : vector<16xf32>
      %parallel_loop3A_498 = arith.constant 1 : i32
      %parallel_loop3A_499 = vector.broadcast %parallel_loop3A_498 : i32 to vector<16xi32>
      %parallel_loop3A_500 = arith.addi %parallel_loop3A_493, %parallel_loop3A_499 : vector<16xi32>
      %parallel_loop3A_501 = arith.constant 127 : i32
      %parallel_loop3A_502 = vector.broadcast %parallel_loop3A_501 : i32 to vector<16xi32>
      %parallel_loop3A_503 = arith.andi %parallel_loop3A_500, %parallel_loop3A_502 : vector<16xi32>
      %parallel_loop3A_504 = tpu.vector_load_idx %arg6[%parallel_loop3A_33, %parallel_loop3A_503] : memref<96x128xf32, #tpu.memory_space<vmem>>[vector<16xi32>, vector<16xi32>], vector<16xf32>,
      %parallel_loop3A_505 = tpu.vector_load_idx %arg8[%parallel_loop3A_42, %parallel_loop3A_503] : memref<4x128xf32, #tpu.memory_space<vmem>>[vector<16xi32>, vector<16xi32>], vector<16xf32>,
      %parallel_loop3A_506 = arith.mulf %parallel_loop3A_504, %parallel_loop3A_505 : vector<16xf32>
      %parallel_loop3A_507 = arith.addf %parallel_loop3A_467, %parallel_loop3A_506 : vector<16xf32>
      %parallel_loop3A_508 = arith.constant 1 : i32
      %parallel_loop3A_509 = vector.broadcast %parallel_loop3A_508 : i32 to vector<16xi32>
      %parallel_loop3A_510 = arith.addi %parallel_loop3A_503, %parallel_loop3A_509 : vector<16xi32>
      %parallel_loop3A_511 = arith.constant 127 : i32
      %parallel_loop3A_512 = vector.broadcast %parallel_loop3A_511 : i32 to vector<16xi32>
      %parallel_loop3A_513 = arith.andi %parallel_loop3A_510, %parallel_loop3A_512 : vector<16xi32>
      %parallel_loop3A_514 = tpu.vector_load_idx %arg6[%parallel_loop3A_33, %parallel_loop3A_513] : memref<96x128xf32, #tpu.memory_space<vmem>>[vector<16xi32>, vector<16xi32>], vector<16xf32>,
      %parallel_loop3A_515 = tpu.vector_load_idx %arg8[%parallel_loop3A_42, %parallel_loop3A_513] : memref<4x128xf32, #tpu.memory_space<vmem>>[vector<16xi32>, vector<16xi32>], vector<16xf32>,
      %parallel_loop3A_516 = arith.mulf %parallel_loop3A_514, %parallel_loop3A_515 : vector<16xf32>
      %parallel_loop3A_517 = arith.addf %parallel_loop3A_477, %parallel_loop3A_516 : vector<16xf32>
      %parallel_loop3A_518 = arith.constant 1 : i32
      %parallel_loop3A_519 = vector.broadcast %parallel_loop3A_518 : i32 to vector<16xi32>
      %parallel_loop3A_520 = arith.addi %parallel_loop3A_513, %parallel_loop3A_519 : vector<16xi32>
      %parallel_loop3A_521 = arith.constant 127 : i32
      %parallel_loop3A_522 = vector.broadcast %parallel_loop3A_521 : i32 to vector<16xi32>
      %parallel_loop3A_523 = arith.andi %parallel_loop3A_520, %parallel_loop3A_522 : vector<16xi32>
      %parallel_loop3A_524 = tpu.vector_load_idx %arg6[%parallel_loop3A_33, %parallel_loop3A_523] : memref<96x128xf32, #tpu.memory_space<vmem>>[vector<16xi32>, vector<16xi32>], vector<16xf32>,
      %parallel_loop3A_525 = tpu.vector_load_idx %arg8[%parallel_loop3A_42, %parallel_loop3A_523] : memref<4x128xf32, #tpu.memory_space<vmem>>[vector<16xi32>, vector<16xi32>], vector<16xf32>,
      %parallel_loop3A_526 = arith.mulf %parallel_loop3A_524, %parallel_loop3A_525 : vector<16xf32>
      %parallel_loop3A_527 = arith.addf %parallel_loop3A_487, %parallel_loop3A_526 : vector<16xf32>
      %parallel_loop3A_528 = arith.constant 1 : i32
      %parallel_loop3A_529 = vector.broadcast %parallel_loop3A_528 : i32 to vector<16xi32>
      %parallel_loop3A_530 = arith.addi %parallel_loop3A_523, %parallel_loop3A_529 : vector<16xi32>
      %parallel_loop3A_531 = arith.constant 127 : i32
      %parallel_loop3A_532 = vector.broadcast %parallel_loop3A_531 : i32 to vector<16xi32>
      %parallel_loop3A_533 = arith.andi %parallel_loop3A_530, %parallel_loop3A_532 : vector<16xi32>
      %parallel_loop3A_534 = tpu.vector_load_idx %arg6[%parallel_loop3A_33, %parallel_loop3A_533] : memref<96x128xf32, #tpu.memory_space<vmem>>[vector<16xi32>, vector<16xi32>], vector<16xf32>,
      %parallel_loop3A_535 = tpu.vector_load_idx %arg8[%parallel_loop3A_42, %parallel_loop3A_533] : memref<4x128xf32, #tpu.memory_space<vmem>>[vector<16xi32>, vector<16xi32>], vector<16xf32>,
      %parallel_loop3A_536 = arith.mulf %parallel_loop3A_534, %parallel_loop3A_535 : vector<16xf32>
      %parallel_loop3A_537 = arith.addf %parallel_loop3A_497, %parallel_loop3A_536 : vector<16xf32>
      %parallel_loop3A_538 = arith.constant 1 : i32
      %parallel_loop3A_539 = vector.broadcast %parallel_loop3A_538 : i32 to vector<16xi32>
      %parallel_loop3A_540 = arith.addi %parallel_loop3A_533, %parallel_loop3A_539 : vector<16xi32>
      %parallel_loop3A_541 = arith.constant 127 : i32
      %parallel_loop3A_542 = vector.broadcast %parallel_loop3A_541 : i32 to vector<16xi32>
      %parallel_loop3A_543 = arith.andi %parallel_loop3A_540, %parallel_loop3A_542 : vector<16xi32>
      %parallel_loop3A_544 = tpu.vector_load_idx %arg6[%parallel_loop3A_33, %parallel_loop3A_543] : memref<96x128xf32, #tpu.memory_space<vmem>>[vector<16xi32>, vector<16xi32>], vector<16xf32>,
      %parallel_loop3A_545 = tpu.vector_load_idx %arg8[%parallel_loop3A_42, %parallel_loop3A_543] : memref<4x128xf32, #tpu.memory_space<vmem>>[vector<16xi32>, vector<16xi32>], vector<16xf32>,
      %parallel_loop3A_546 = arith.mulf %parallel_loop3A_544, %parallel_loop3A_545 : vector<16xf32>
      %parallel_loop3A_547 = arith.addf %parallel_loop3A_507, %parallel_loop3A_546 : vector<16xf32>
      %parallel_loop3A_548 = arith.constant 1 : i32
      %parallel_loop3A_549 = vector.broadcast %parallel_loop3A_548 : i32 to vector<16xi32>
      %parallel_loop3A_550 = arith.addi %parallel_loop3A_543, %parallel_loop3A_549 : vector<16xi32>
      %parallel_loop3A_551 = arith.constant 127 : i32
      %parallel_loop3A_552 = vector.broadcast %parallel_loop3A_551 : i32 to vector<16xi32>
      %parallel_loop3A_553 = arith.andi %parallel_loop3A_550, %parallel_loop3A_552 : vector<16xi32>
      %parallel_loop3A_554 = tpu.vector_load_idx %arg6[%parallel_loop3A_33, %parallel_loop3A_553] : memref<96x128xf32, #tpu.memory_space<vmem>>[vector<16xi32>, vector<16xi32>], vector<16xf32>,
      %parallel_loop3A_555 = tpu.vector_load_idx %arg8[%parallel_loop3A_42, %parallel_loop3A_553] : memref<4x128xf32, #tpu.memory_space<vmem>>[vector<16xi32>, vector<16xi32>], vector<16xf32>,
      %parallel_loop3A_556 = arith.mulf %parallel_loop3A_554, %parallel_loop3A_555 : vector<16xf32>
      %parallel_loop3A_557 = arith.addf %parallel_loop3A_517, %parallel_loop3A_556 : vector<16xf32>
      %parallel_loop3A_558 = arith.constant 1 : i32
      %parallel_loop3A_559 = vector.broadcast %parallel_loop3A_558 : i32 to vector<16xi32>
      %parallel_loop3A_560 = arith.addi %parallel_loop3A_553, %parallel_loop3A_559 : vector<16xi32>
      %parallel_loop3A_561 = arith.constant 127 : i32
      %parallel_loop3A_562 = vector.broadcast %parallel_loop3A_561 : i32 to vector<16xi32>
      %parallel_loop3A_563 = arith.andi %parallel_loop3A_560, %parallel_loop3A_562 : vector<16xi32>
      %parallel_loop3A_564 = tpu.vector_load_idx %arg6[%parallel_loop3A_33, %parallel_loop3A_563] : memref<96x128xf32, #tpu.memory_space<vmem>>[vector<16xi32>, vector<16xi32>], vector<16xf32>,
      %parallel_loop3A_565 = tpu.vector_load_idx %arg8[%parallel_loop3A_42, %parallel_loop3A_563] : memref<4x128xf32, #tpu.memory_space<vmem>>[vector<16xi32>, vector<16xi32>], vector<16xf32>,
      %parallel_loop3A_566 = arith.mulf %parallel_loop3A_564, %parallel_loop3A_565 : vector<16xf32>
      %parallel_loop3A_567 = arith.addf %parallel_loop3A_527, %parallel_loop3A_566 : vector<16xf32>
      %parallel_loop3A_568 = arith.constant 1 : i32
      %parallel_loop3A_569 = vector.broadcast %parallel_loop3A_568 : i32 to vector<16xi32>
      %parallel_loop3A_570 = arith.addi %parallel_loop3A_563, %parallel_loop3A_569 : vector<16xi32>
      %parallel_loop3A_571 = arith.constant 127 : i32
      %parallel_loop3A_572 = vector.broadcast %parallel_loop3A_571 : i32 to vector<16xi32>
      %parallel_loop3A_573 = arith.andi %parallel_loop3A_570, %parallel_loop3A_572 : vector<16xi32>
      %parallel_loop3A_574 = tpu.vector_load_idx %arg6[%parallel_loop3A_33, %parallel_loop3A_573] : memref<96x128xf32, #tpu.memory_space<vmem>>[vector<16xi32>, vector<16xi32>], vector<16xf32>,
      %parallel_loop3A_575 = tpu.vector_load_idx %arg8[%parallel_loop3A_42, %parallel_loop3A_573] : memref<4x128xf32, #tpu.memory_space<vmem>>[vector<16xi32>, vector<16xi32>], vector<16xf32>,
      %parallel_loop3A_576 = arith.mulf %parallel_loop3A_574, %parallel_loop3A_575 : vector<16xf32>
      %parallel_loop3A_577 = arith.addf %parallel_loop3A_537, %parallel_loop3A_576 : vector<16xf32>
      %parallel_loop3A_578 = arith.constant 1 : i32
      %parallel_loop3A_579 = vector.broadcast %parallel_loop3A_578 : i32 to vector<16xi32>
      %parallel_loop3A_580 = arith.addi %parallel_loop3A_573, %parallel_loop3A_579 : vector<16xi32>
      %parallel_loop3A_581 = arith.constant 127 : i32
      %parallel_loop3A_582 = vector.broadcast %parallel_loop3A_581 : i32 to vector<16xi32>
      %parallel_loop3A_583 = arith.andi %parallel_loop3A_580, %parallel_loop3A_582 : vector<16xi32>
      %parallel_loop3A_584 = tpu.vector_load_idx %arg6[%parallel_loop3A_33, %parallel_loop3A_583] : memref<96x128xf32, #tpu.memory_space<vmem>>[vector<16xi32>, vector<16xi32>], vector<16xf32>,
      %parallel_loop3A_585 = tpu.vector_load_idx %arg8[%parallel_loop3A_42, %parallel_loop3A_583] : memref<4x128xf32, #tpu.memory_space<vmem>>[vector<16xi32>, vector<16xi32>], vector<16xf32>,
      %parallel_loop3A_586 = arith.mulf %parallel_loop3A_584, %parallel_loop3A_585 : vector<16xf32>
      %parallel_loop3A_587 = arith.addf %parallel_loop3A_547, %parallel_loop3A_586 : vector<16xf32>
      %parallel_loop3A_588 = arith.constant 1 : i32
      %parallel_loop3A_589 = vector.broadcast %parallel_loop3A_588 : i32 to vector<16xi32>
      %parallel_loop3A_590 = arith.addi %parallel_loop3A_583, %parallel_loop3A_589 : vector<16xi32>
      %parallel_loop3A_591 = arith.constant 127 : i32
      %parallel_loop3A_592 = vector.broadcast %parallel_loop3A_591 : i32 to vector<16xi32>
      %parallel_loop3A_593 = arith.andi %parallel_loop3A_590, %parallel_loop3A_592 : vector<16xi32>
      %parallel_loop3A_594 = tpu.vector_load_idx %arg6[%parallel_loop3A_33, %parallel_loop3A_593] : memref<96x128xf32, #tpu.memory_space<vmem>>[vector<16xi32>, vector<16xi32>], vector<16xf32>,
      %parallel_loop3A_595 = tpu.vector_load_idx %arg8[%parallel_loop3A_42, %parallel_loop3A_593] : memref<4x128xf32, #tpu.memory_space<vmem>>[vector<16xi32>, vector<16xi32>], vector<16xf32>,
      %parallel_loop3A_596 = arith.mulf %parallel_loop3A_594, %parallel_loop3A_595 : vector<16xf32>
      %parallel_loop3A_597 = arith.addf %parallel_loop3A_557, %parallel_loop3A_596 : vector<16xf32>
      %parallel_loop3A_598 = arith.constant 1 : i32
      %parallel_loop3A_599 = vector.broadcast %parallel_loop3A_598 : i32 to vector<16xi32>
      %parallel_loop3A_600 = arith.addi %parallel_loop3A_593, %parallel_loop3A_599 : vector<16xi32>
      %parallel_loop3A_601 = arith.constant 127 : i32
      %parallel_loop3A_602 = vector.broadcast %parallel_loop3A_601 : i32 to vector<16xi32>
      %parallel_loop3A_603 = arith.andi %parallel_loop3A_600, %parallel_loop3A_602 : vector<16xi32>
      %parallel_loop3A_604 = tpu.vector_load_idx %arg6[%parallel_loop3A_33, %parallel_loop3A_603] : memref<96x128xf32, #tpu.memory_space<vmem>>[vector<16xi32>, vector<16xi32>], vector<16xf32>,
      %parallel_loop3A_605 = tpu.vector_load_idx %arg8[%parallel_loop3A_42, %parallel_loop3A_603] : memref<4x128xf32, #tpu.memory_space<vmem>>[vector<16xi32>, vector<16xi32>], vector<16xf32>,
      %parallel_loop3A_606 = arith.mulf %parallel_loop3A_604, %parallel_loop3A_605 : vector<16xf32>
      %parallel_loop3A_607 = arith.addf %parallel_loop3A_567, %parallel_loop3A_606 : vector<16xf32>
      %parallel_loop3A_608 = arith.constant 1 : i32
      %parallel_loop3A_609 = vector.broadcast %parallel_loop3A_608 : i32 to vector<16xi32>
      %parallel_loop3A_610 = arith.addi %parallel_loop3A_603, %parallel_loop3A_609 : vector<16xi32>
      %parallel_loop3A_611 = arith.constant 127 : i32
      %parallel_loop3A_612 = vector.broadcast %parallel_loop3A_611 : i32 to vector<16xi32>
      %parallel_loop3A_613 = arith.andi %parallel_loop3A_610, %parallel_loop3A_612 : vector<16xi32>
      %parallel_loop3A_614 = tpu.vector_load_idx %arg6[%parallel_loop3A_33, %parallel_loop3A_613] : memref<96x128xf32, #tpu.memory_space<vmem>>[vector<16xi32>, vector<16xi32>], vector<16xf32>,
      %parallel_loop3A_615 = tpu.vector_load_idx %arg8[%parallel_loop3A_42, %parallel_loop3A_613] : memref<4x128xf32, #tpu.memory_space<vmem>>[vector<16xi32>, vector<16xi32>], vector<16xf32>,
      %parallel_loop3A_616 = arith.mulf %parallel_loop3A_614, %parallel_loop3A_615 : vector<16xf32>
      %parallel_loop3A_617 = arith.addf %parallel_loop3A_577, %parallel_loop3A_616 : vector<16xf32>
      %parallel_loop3A_618 = arith.constant 1 : i32
      %parallel_loop3A_619 = vector.broadcast %parallel_loop3A_618 : i32 to vector<16xi32>
      %parallel_loop3A_620 = arith.addi %parallel_loop3A_613, %parallel_loop3A_619 : vector<16xi32>
      %parallel_loop3A_621 = arith.constant 127 : i32
      %parallel_loop3A_622 = vector.broadcast %parallel_loop3A_621 : i32 to vector<16xi32>
      %parallel_loop3A_623 = arith.andi %parallel_loop3A_620, %parallel_loop3A_622 : vector<16xi32>
      %parallel_loop3A_624 = tpu.vector_load_idx %arg6[%parallel_loop3A_33, %parallel_loop3A_623] : memref<96x128xf32, #tpu.memory_space<vmem>>[vector<16xi32>, vector<16xi32>], vector<16xf32>,
      %parallel_loop3A_625 = tpu.vector_load_idx %arg8[%parallel_loop3A_42, %parallel_loop3A_623] : memref<4x128xf32, #tpu.memory_space<vmem>>[vector<16xi32>, vector<16xi32>], vector<16xf32>,
      %parallel_loop3A_626 = arith.mulf %parallel_loop3A_624, %parallel_loop3A_625 : vector<16xf32>
      %parallel_loop3A_627 = arith.addf %parallel_loop3A_587, %parallel_loop3A_626 : vector<16xf32>
      %parallel_loop3A_628 = arith.constant 1 : i32
      %parallel_loop3A_629 = vector.broadcast %parallel_loop3A_628 : i32 to vector<16xi32>
      %parallel_loop3A_630 = arith.addi %parallel_loop3A_623, %parallel_loop3A_629 : vector<16xi32>
      %parallel_loop3A_631 = arith.constant 127 : i32
      %parallel_loop3A_632 = vector.broadcast %parallel_loop3A_631 : i32 to vector<16xi32>
      %parallel_loop3A_633 = arith.andi %parallel_loop3A_630, %parallel_loop3A_632 : vector<16xi32>
      %parallel_loop3A_634 = tpu.vector_load_idx %arg6[%parallel_loop3A_33, %parallel_loop3A_633] : memref<96x128xf32, #tpu.memory_space<vmem>>[vector<16xi32>, vector<16xi32>], vector<16xf32>,
      %parallel_loop3A_635 = tpu.vector_load_idx %arg8[%parallel_loop3A_42, %parallel_loop3A_633] : memref<4x128xf32, #tpu.memory_space<vmem>>[vector<16xi32>, vector<16xi32>], vector<16xf32>,
      %parallel_loop3A_636 = arith.mulf %parallel_loop3A_634, %parallel_loop3A_635 : vector<16xf32>
      %parallel_loop3A_637 = arith.addf %parallel_loop3A_597, %parallel_loop3A_636 : vector<16xf32>
      %parallel_loop3A_638 = arith.constant 1 : i32
      %parallel_loop3A_639 = vector.broadcast %parallel_loop3A_638 : i32 to vector<16xi32>
      %parallel_loop3A_640 = arith.addi %parallel_loop3A_633, %parallel_loop3A_639 : vector<16xi32>
      %parallel_loop3A_641 = arith.constant 127 : i32
      %parallel_loop3A_642 = vector.broadcast %parallel_loop3A_641 : i32 to vector<16xi32>
      %parallel_loop3A_643 = arith.andi %parallel_loop3A_640, %parallel_loop3A_642 : vector<16xi32>
      %parallel_loop3A_644 = tpu.vector_load_idx %arg6[%parallel_loop3A_33, %parallel_loop3A_643] : memref<96x128xf32, #tpu.memory_space<vmem>>[vector<16xi32>, vector<16xi32>], vector<16xf32>,
      %parallel_loop3A_645 = tpu.vector_load_idx %arg8[%parallel_loop3A_42, %parallel_loop3A_643] : memref<4x128xf32, #tpu.memory_space<vmem>>[vector<16xi32>, vector<16xi32>], vector<16xf32>,
      %parallel_loop3A_646 = arith.mulf %parallel_loop3A_644, %parallel_loop3A_645 : vector<16xf32>
      %parallel_loop3A_647 = arith.addf %parallel_loop3A_607, %parallel_loop3A_646 : vector<16xf32>
      %parallel_loop3A_648 = arith.constant 1 : i32
      %parallel_loop3A_649 = vector.broadcast %parallel_loop3A_648 : i32 to vector<16xi32>
      %parallel_loop3A_650 = arith.addi %parallel_loop3A_643, %parallel_loop3A_649 : vector<16xi32>
      %parallel_loop3A_651 = arith.constant 127 : i32
      %parallel_loop3A_652 = vector.broadcast %parallel_loop3A_651 : i32 to vector<16xi32>
      %parallel_loop3A_653 = arith.andi %parallel_loop3A_650, %parallel_loop3A_652 : vector<16xi32>
      %parallel_loop3A_654 = tpu.vector_load_idx %arg6[%parallel_loop3A_33, %parallel_loop3A_653] : memref<96x128xf32, #tpu.memory_space<vmem>>[vector<16xi32>, vector<16xi32>], vector<16xf32>,
      %parallel_loop3A_655 = tpu.vector_load_idx %arg8[%parallel_loop3A_42, %parallel_loop3A_653] : memref<4x128xf32, #tpu.memory_space<vmem>>[vector<16xi32>, vector<16xi32>], vector<16xf32>,
      %parallel_loop3A_656 = arith.mulf %parallel_loop3A_654, %parallel_loop3A_655 : vector<16xf32>
      %parallel_loop3A_657 = arith.addf %parallel_loop3A_617, %parallel_loop3A_656 : vector<16xf32>
      %parallel_loop3A_658 = arith.constant 1 : i32
      %parallel_loop3A_659 = vector.broadcast %parallel_loop3A_658 : i32 to vector<16xi32>
      %parallel_loop3A_660 = arith.addi %parallel_loop3A_653, %parallel_loop3A_659 : vector<16xi32>
      %parallel_loop3A_661 = arith.constant 127 : i32
      %parallel_loop3A_662 = vector.broadcast %parallel_loop3A_661 : i32 to vector<16xi32>
      %parallel_loop3A_663 = arith.andi %parallel_loop3A_660, %parallel_loop3A_662 : vector<16xi32>
      %parallel_loop3A_664 = tpu.vector_load_idx %arg6[%parallel_loop3A_33, %parallel_loop3A_663] : memref<96x128xf32, #tpu.memory_space<vmem>>[vector<16xi32>, vector<16xi32>], vector<16xf32>,
      %parallel_loop3A_665 = tpu.vector_load_idx %arg8[%parallel_loop3A_42, %parallel_loop3A_663] : memref<4x128xf32, #tpu.memory_space<vmem>>[vector<16xi32>, vector<16xi32>], vector<16xf32>,
      %parallel_loop3A_666 = arith.mulf %parallel_loop3A_664, %parallel_loop3A_665 : vector<16xf32>
      %parallel_loop3A_667 = arith.addf %parallel_loop3A_627, %parallel_loop3A_666 : vector<16xf32>
      %parallel_loop3A_668 = arith.constant 1 : i32
      %parallel_loop3A_669 = vector.broadcast %parallel_loop3A_668 : i32 to vector<16xi32>
      %parallel_loop3A_670 = arith.addi %parallel_loop3A_663, %parallel_loop3A_669 : vector<16xi32>
      %parallel_loop3A_671 = arith.constant 127 : i32
      %parallel_loop3A_672 = vector.broadcast %parallel_loop3A_671 : i32 to vector<16xi32>
      %parallel_loop3A_673 = arith.andi %parallel_loop3A_670, %parallel_loop3A_672 : vector<16xi32>
      %parallel_loop3A_674 = tpu.vector_load_idx %arg6[%parallel_loop3A_33, %parallel_loop3A_673] : memref<96x128xf32, #tpu.memory_space<vmem>>[vector<16xi32>, vector<16xi32>], vector<16xf32>,
      %parallel_loop3A_675 = tpu.vector_load_idx %arg8[%parallel_loop3A_42, %parallel_loop3A_673] : memref<4x128xf32, #tpu.memory_space<vmem>>[vector<16xi32>, vector<16xi32>], vector<16xf32>,
      %parallel_loop3A_676 = arith.mulf %parallel_loop3A_674, %parallel_loop3A_675 : vector<16xf32>
      %parallel_loop3A_677 = arith.addf %parallel_loop3A_637, %parallel_loop3A_676 : vector<16xf32>
      %parallel_loop3A_678 = arith.constant 1 : i32
      %parallel_loop3A_679 = vector.broadcast %parallel_loop3A_678 : i32 to vector<16xi32>
      %parallel_loop3A_680 = arith.addi %parallel_loop3A_673, %parallel_loop3A_679 : vector<16xi32>
      %parallel_loop3A_681 = arith.constant 127 : i32
      %parallel_loop3A_682 = vector.broadcast %parallel_loop3A_681 : i32 to vector<16xi32>
      %parallel_loop3A_683 = arith.andi %parallel_loop3A_680, %parallel_loop3A_682 : vector<16xi32>
      %parallel_loop3A_684 = tpu.vector_load_idx %arg6[%parallel_loop3A_33, %parallel_loop3A_683] : memref<96x128xf32, #tpu.memory_space<vmem>>[vector<16xi32>, vector<16xi32>], vector<16xf32>,
      %parallel_loop3A_685 = tpu.vector_load_idx %arg8[%parallel_loop3A_42, %parallel_loop3A_683] : memref<4x128xf32, #tpu.memory_space<vmem>>[vector<16xi32>, vector<16xi32>], vector<16xf32>,
      %parallel_loop3A_686 = arith.mulf %parallel_loop3A_684, %parallel_loop3A_685 : vector<16xf32>
      %parallel_loop3A_687 = arith.addf %parallel_loop3A_647, %parallel_loop3A_686 : vector<16xf32>
      %parallel_loop3A_688 = arith.constant 1 : i32
      %parallel_loop3A_689 = vector.broadcast %parallel_loop3A_688 : i32 to vector<16xi32>
      %parallel_loop3A_690 = arith.addi %parallel_loop3A_683, %parallel_loop3A_689 : vector<16xi32>
      %parallel_loop3A_691 = arith.constant 127 : i32
      %parallel_loop3A_692 = vector.broadcast %parallel_loop3A_691 : i32 to vector<16xi32>
      %parallel_loop3A_693 = arith.andi %parallel_loop3A_690, %parallel_loop3A_692 : vector<16xi32>
      %parallel_loop3A_694 = tpu.vector_load_idx %arg6[%parallel_loop3A_33, %parallel_loop3A_693] : memref<96x128xf32, #tpu.memory_space<vmem>>[vector<16xi32>, vector<16xi32>], vector<16xf32>,
      %parallel_loop3A_695 = tpu.vector_load_idx %arg8[%parallel_loop3A_42, %parallel_loop3A_693] : memref<4x128xf32, #tpu.memory_space<vmem>>[vector<16xi32>, vector<16xi32>], vector<16xf32>,
      %parallel_loop3A_696 = arith.mulf %parallel_loop3A_694, %parallel_loop3A_695 : vector<16xf32>
      %parallel_loop3A_697 = arith.addf %parallel_loop3A_657, %parallel_loop3A_696 : vector<16xf32>
      %parallel_loop3A_698 = arith.constant 1 : i32
      %parallel_loop3A_699 = vector.broadcast %parallel_loop3A_698 : i32 to vector<16xi32>
      %parallel_loop3A_700 = arith.addi %parallel_loop3A_693, %parallel_loop3A_699 : vector<16xi32>
      %parallel_loop3A_701 = arith.constant 127 : i32
      %parallel_loop3A_702 = vector.broadcast %parallel_loop3A_701 : i32 to vector<16xi32>
      %parallel_loop3A_703 = arith.andi %parallel_loop3A_700, %parallel_loop3A_702 : vector<16xi32>
      %parallel_loop3A_704 = tpu.vector_load_idx %arg6[%parallel_loop3A_33, %parallel_loop3A_703] : memref<96x128xf32, #tpu.memory_space<vmem>>[vector<16xi32>, vector<16xi32>], vector<16xf32>,
      %parallel_loop3A_705 = tpu.vector_load_idx %arg8[%parallel_loop3A_42, %parallel_loop3A_703] : memref<4x128xf32, #tpu.memory_space<vmem>>[vector<16xi32>, vector<16xi32>], vector<16xf32>,
      %parallel_loop3A_706 = arith.mulf %parallel_loop3A_704, %parallel_loop3A_705 : vector<16xf32>
      %parallel_loop3A_707 = arith.addf %parallel_loop3A_667, %parallel_loop3A_706 : vector<16xf32>
      %parallel_loop3A_708 = arith.constant 1 : i32
      %parallel_loop3A_709 = vector.broadcast %parallel_loop3A_708 : i32 to vector<16xi32>
      %parallel_loop3A_710 = arith.addi %parallel_loop3A_703, %parallel_loop3A_709 : vector<16xi32>
      %parallel_loop3A_711 = arith.constant 127 : i32
      %parallel_loop3A_712 = vector.broadcast %parallel_loop3A_711 : i32 to vector<16xi32>
      %parallel_loop3A_713 = arith.andi %parallel_loop3A_710, %parallel_loop3A_712 : vector<16xi32>
      %parallel_loop3A_714 = tpu.vector_load_idx %arg6[%parallel_loop3A_33, %parallel_loop3A_713] : memref<96x128xf32, #tpu.memory_space<vmem>>[vector<16xi32>, vector<16xi32>], vector<16xf32>,
      %parallel_loop3A_715 = tpu.vector_load_idx %arg8[%parallel_loop3A_42, %parallel_loop3A_713] : memref<4x128xf32, #tpu.memory_space<vmem>>[vector<16xi32>, vector<16xi32>], vector<16xf32>,
      %parallel_loop3A_716 = arith.mulf %parallel_loop3A_714, %parallel_loop3A_715 : vector<16xf32>
      %parallel_loop3A_717 = arith.addf %parallel_loop3A_677, %parallel_loop3A_716 : vector<16xf32>
      %parallel_loop3A_718 = arith.constant 1 : i32
      %parallel_loop3A_719 = vector.broadcast %parallel_loop3A_718 : i32 to vector<16xi32>
      %parallel_loop3A_720 = arith.addi %parallel_loop3A_713, %parallel_loop3A_719 : vector<16xi32>
      %parallel_loop3A_721 = arith.constant 127 : i32
      %parallel_loop3A_722 = vector.broadcast %parallel_loop3A_721 : i32 to vector<16xi32>
      %parallel_loop3A_723 = arith.andi %parallel_loop3A_720, %parallel_loop3A_722 : vector<16xi32>
      %parallel_loop3A_724 = tpu.vector_load_idx %arg6[%parallel_loop3A_33, %parallel_loop3A_723] : memref<96x128xf32, #tpu.memory_space<vmem>>[vector<16xi32>, vector<16xi32>], vector<16xf32>,
      %parallel_loop3A_725 = tpu.vector_load_idx %arg8[%parallel_loop3A_42, %parallel_loop3A_723] : memref<4x128xf32, #tpu.memory_space<vmem>>[vector<16xi32>, vector<16xi32>], vector<16xf32>,
      %parallel_loop3A_726 = arith.mulf %parallel_loop3A_724, %parallel_loop3A_725 : vector<16xf32>
      %parallel_loop3A_727 = arith.addf %parallel_loop3A_687, %parallel_loop3A_726 : vector<16xf32>
      %parallel_loop3A_728 = arith.constant 1 : i32
      %parallel_loop3A_729 = vector.broadcast %parallel_loop3A_728 : i32 to vector<16xi32>
      %parallel_loop3A_730 = arith.addi %parallel_loop3A_723, %parallel_loop3A_729 : vector<16xi32>
      %parallel_loop3A_731 = arith.constant 127 : i32
      %parallel_loop3A_732 = vector.broadcast %parallel_loop3A_731 : i32 to vector<16xi32>
      %parallel_loop3A_733 = arith.andi %parallel_loop3A_730, %parallel_loop3A_732 : vector<16xi32>
      %parallel_loop3A_734 = tpu.vector_load_idx %arg6[%parallel_loop3A_33, %parallel_loop3A_733] : memref<96x128xf32, #tpu.memory_space<vmem>>[vector<16xi32>, vector<16xi32>], vector<16xf32>,
      %parallel_loop3A_735 = tpu.vector_load_idx %arg8[%parallel_loop3A_42, %parallel_loop3A_733] : memref<4x128xf32, #tpu.memory_space<vmem>>[vector<16xi32>, vector<16xi32>], vector<16xf32>,
      %parallel_loop3A_736 = arith.mulf %parallel_loop3A_734, %parallel_loop3A_735 : vector<16xf32>
      %parallel_loop3A_737 = arith.addf %parallel_loop3A_697, %parallel_loop3A_736 : vector<16xf32>
      %parallel_loop3A_738 = arith.constant 1 : i32
      %parallel_loop3A_739 = vector.broadcast %parallel_loop3A_738 : i32 to vector<16xi32>
      %parallel_loop3A_740 = arith.addi %parallel_loop3A_733, %parallel_loop3A_739 : vector<16xi32>
      %parallel_loop3A_741 = arith.constant 127 : i32
      %parallel_loop3A_742 = vector.broadcast %parallel_loop3A_741 : i32 to vector<16xi32>
      %parallel_loop3A_743 = arith.andi %parallel_loop3A_740, %parallel_loop3A_742 : vector<16xi32>
      %parallel_loop3A_744 = tpu.vector_load_idx %arg6[%parallel_loop3A_33, %parallel_loop3A_743] : memref<96x128xf32, #tpu.memory_space<vmem>>[vector<16xi32>, vector<16xi32>], vector<16xf32>,
      %parallel_loop3A_745 = tpu.vector_load_idx %arg8[%parallel_loop3A_42, %parallel_loop3A_743] : memref<4x128xf32, #tpu.memory_space<vmem>>[vector<16xi32>, vector<16xi32>], vector<16xf32>,
      %parallel_loop3A_746 = arith.mulf %parallel_loop3A_744, %parallel_loop3A_745 : vector<16xf32>
      %parallel_loop3A_747 = arith.addf %parallel_loop3A_707, %parallel_loop3A_746 : vector<16xf32>
      %parallel_loop3A_748 = arith.constant 1 : i32
      %parallel_loop3A_749 = vector.broadcast %parallel_loop3A_748 : i32 to vector<16xi32>
      %parallel_loop3A_750 = arith.addi %parallel_loop3A_743, %parallel_loop3A_749 : vector<16xi32>
      %parallel_loop3A_751 = arith.constant 127 : i32
      %parallel_loop3A_752 = vector.broadcast %parallel_loop3A_751 : i32 to vector<16xi32>
      %parallel_loop3A_753 = arith.andi %parallel_loop3A_750, %parallel_loop3A_752 : vector<16xi32>
      %parallel_loop3A_754 = tpu.vector_load_idx %arg6[%parallel_loop3A_33, %parallel_loop3A_753] : memref<96x128xf32, #tpu.memory_space<vmem>>[vector<16xi32>, vector<16xi32>], vector<16xf32>,
      %parallel_loop3A_755 = tpu.vector_load_idx %arg8[%parallel_loop3A_42, %parallel_loop3A_753] : memref<4x128xf32, #tpu.memory_space<vmem>>[vector<16xi32>, vector<16xi32>], vector<16xf32>,
      %parallel_loop3A_756 = arith.mulf %parallel_loop3A_754, %parallel_loop3A_755 : vector<16xf32>
      %parallel_loop3A_757 = arith.addf %parallel_loop3A_717, %parallel_loop3A_756 : vector<16xf32>
      %parallel_loop3A_758 = arith.constant 1 : i32
      %parallel_loop3A_759 = vector.broadcast %parallel_loop3A_758 : i32 to vector<16xi32>
      %parallel_loop3A_760 = arith.addi %parallel_loop3A_753, %parallel_loop3A_759 : vector<16xi32>
      %parallel_loop3A_761 = arith.constant 127 : i32
      %parallel_loop3A_762 = vector.broadcast %parallel_loop3A_761 : i32 to vector<16xi32>
      %parallel_loop3A_763 = arith.andi %parallel_loop3A_760, %parallel_loop3A_762 : vector<16xi32>
      %parallel_loop3A_764 = tpu.vector_load_idx %arg6[%parallel_loop3A_33, %parallel_loop3A_763] : memref<96x128xf32, #tpu.memory_space<vmem>>[vector<16xi32>, vector<16xi32>], vector<16xf32>,
      %parallel_loop3A_765 = tpu.vector_load_idx %arg8[%parallel_loop3A_42, %parallel_loop3A_763] : memref<4x128xf32, #tpu.memory_space<vmem>>[vector<16xi32>, vector<16xi32>], vector<16xf32>,
      %parallel_loop3A_766 = arith.mulf %parallel_loop3A_764, %parallel_loop3A_765 : vector<16xf32>
      %parallel_loop3A_767 = arith.addf %parallel_loop3A_727, %parallel_loop3A_766 : vector<16xf32>
      %parallel_loop3A_768 = arith.constant 1 : i32
      %parallel_loop3A_769 = vector.broadcast %parallel_loop3A_768 : i32 to vector<16xi32>
      %parallel_loop3A_770 = arith.addi %parallel_loop3A_763, %parallel_loop3A_769 : vector<16xi32>
      %parallel_loop3A_771 = arith.constant 127 : i32
      %parallel_loop3A_772 = vector.broadcast %parallel_loop3A_771 : i32 to vector<16xi32>
      %parallel_loop3A_773 = arith.andi %parallel_loop3A_770, %parallel_loop3A_772 : vector<16xi32>
      %parallel_loop3A_774 = tpu.vector_load_idx %arg6[%parallel_loop3A_33, %parallel_loop3A_773] : memref<96x128xf32, #tpu.memory_space<vmem>>[vector<16xi32>, vector<16xi32>], vector<16xf32>,
      %parallel_loop3A_775 = tpu.vector_load_idx %arg8[%parallel_loop3A_42, %parallel_loop3A_773] : memref<4x128xf32, #tpu.memory_space<vmem>>[vector<16xi32>, vector<16xi32>], vector<16xf32>,
      %parallel_loop3A_776 = arith.mulf %parallel_loop3A_774, %parallel_loop3A_775 : vector<16xf32>
      %parallel_loop3A_777 = arith.addf %parallel_loop3A_737, %parallel_loop3A_776 : vector<16xf32>
      %parallel_loop3A_778 = arith.constant 1 : i32
      %parallel_loop3A_779 = vector.broadcast %parallel_loop3A_778 : i32 to vector<16xi32>
      %parallel_loop3A_780 = arith.addi %parallel_loop3A_773, %parallel_loop3A_779 : vector<16xi32>
      %parallel_loop3A_781 = arith.constant 127 : i32
      %parallel_loop3A_782 = vector.broadcast %parallel_loop3A_781 : i32 to vector<16xi32>
      %parallel_loop3A_783 = arith.andi %parallel_loop3A_780, %parallel_loop3A_782 : vector<16xi32>
      %parallel_loop3A_784 = tpu.vector_load_idx %arg6[%parallel_loop3A_33, %parallel_loop3A_783] : memref<96x128xf32, #tpu.memory_space<vmem>>[vector<16xi32>, vector<16xi32>], vector<16xf32>,
      %parallel_loop3A_785 = tpu.vector_load_idx %arg8[%parallel_loop3A_42, %parallel_loop3A_783] : memref<4x128xf32, #tpu.memory_space<vmem>>[vector<16xi32>, vector<16xi32>], vector<16xf32>,
      %parallel_loop3A_786 = arith.mulf %parallel_loop3A_784, %parallel_loop3A_785 : vector<16xf32>
      %parallel_loop3A_787 = arith.addf %parallel_loop3A_747, %parallel_loop3A_786 : vector<16xf32>
      %parallel_loop3A_788 = arith.constant 1 : i32
      %parallel_loop3A_789 = vector.broadcast %parallel_loop3A_788 : i32 to vector<16xi32>
      %parallel_loop3A_790 = arith.addi %parallel_loop3A_783, %parallel_loop3A_789 : vector<16xi32>
      %parallel_loop3A_791 = arith.constant 127 : i32
      %parallel_loop3A_792 = vector.broadcast %parallel_loop3A_791 : i32 to vector<16xi32>
      %parallel_loop3A_793 = arith.andi %parallel_loop3A_790, %parallel_loop3A_792 : vector<16xi32>
      %parallel_loop3A_794 = tpu.vector_load_idx %arg6[%parallel_loop3A_33, %parallel_loop3A_793] : memref<96x128xf32, #tpu.memory_space<vmem>>[vector<16xi32>, vector<16xi32>], vector<16xf32>,
      %parallel_loop3A_795 = tpu.vector_load_idx %arg8[%parallel_loop3A_42, %parallel_loop3A_793] : memref<4x128xf32, #tpu.memory_space<vmem>>[vector<16xi32>, vector<16xi32>], vector<16xf32>,
      %parallel_loop3A_796 = arith.mulf %parallel_loop3A_794, %parallel_loop3A_795 : vector<16xf32>
      %parallel_loop3A_797 = arith.addf %parallel_loop3A_757, %parallel_loop3A_796 : vector<16xf32>
      %parallel_loop3A_798 = arith.constant 1 : i32
      %parallel_loop3A_799 = vector.broadcast %parallel_loop3A_798 : i32 to vector<16xi32>
      %parallel_loop3A_800 = arith.addi %parallel_loop3A_793, %parallel_loop3A_799 : vector<16xi32>
      %parallel_loop3A_801 = arith.constant 127 : i32
      %parallel_loop3A_802 = vector.broadcast %parallel_loop3A_801 : i32 to vector<16xi32>
      %parallel_loop3A_803 = arith.andi %parallel_loop3A_800, %parallel_loop3A_802 : vector<16xi32>
      %parallel_loop3A_804 = tpu.vector_load_idx %arg6[%parallel_loop3A_33, %parallel_loop3A_803] : memref<96x128xf32, #tpu.memory_space<vmem>>[vector<16xi32>, vector<16xi32>], vector<16xf32>,
      %parallel_loop3A_805 = tpu.vector_load_idx %arg8[%parallel_loop3A_42, %parallel_loop3A_803] : memref<4x128xf32, #tpu.memory_space<vmem>>[vector<16xi32>, vector<16xi32>], vector<16xf32>,
      %parallel_loop3A_806 = arith.mulf %parallel_loop3A_804, %parallel_loop3A_805 : vector<16xf32>
      %parallel_loop3A_807 = arith.addf %parallel_loop3A_767, %parallel_loop3A_806 : vector<16xf32>
      %parallel_loop3A_808 = arith.constant 1 : i32
      %parallel_loop3A_809 = vector.broadcast %parallel_loop3A_808 : i32 to vector<16xi32>
      %parallel_loop3A_810 = arith.addi %parallel_loop3A_803, %parallel_loop3A_809 : vector<16xi32>
      %parallel_loop3A_811 = arith.constant 127 : i32
      %parallel_loop3A_812 = vector.broadcast %parallel_loop3A_811 : i32 to vector<16xi32>
      %parallel_loop3A_813 = arith.andi %parallel_loop3A_810, %parallel_loop3A_812 : vector<16xi32>
      %parallel_loop3A_814 = tpu.vector_load_idx %arg6[%parallel_loop3A_33, %parallel_loop3A_813] : memref<96x128xf32, #tpu.memory_space<vmem>>[vector<16xi32>, vector<16xi32>], vector<16xf32>,
      %parallel_loop3A_815 = tpu.vector_load_idx %arg8[%parallel_loop3A_42, %parallel_loop3A_813] : memref<4x128xf32, #tpu.memory_space<vmem>>[vector<16xi32>, vector<16xi32>], vector<16xf32>,
      %parallel_loop3A_816 = arith.mulf %parallel_loop3A_814, %parallel_loop3A_815 : vector<16xf32>
      %parallel_loop3A_817 = arith.addf %parallel_loop3A_777, %parallel_loop3A_816 : vector<16xf32>
      %parallel_loop3A_818 = arith.constant 1 : i32
      %parallel_loop3A_819 = vector.broadcast %parallel_loop3A_818 : i32 to vector<16xi32>
      %parallel_loop3A_820 = arith.addi %parallel_loop3A_813, %parallel_loop3A_819 : vector<16xi32>
      %parallel_loop3A_821 = arith.constant 127 : i32
      %parallel_loop3A_822 = vector.broadcast %parallel_loop3A_821 : i32 to vector<16xi32>
      %parallel_loop3A_823 = arith.andi %parallel_loop3A_820, %parallel_loop3A_822 : vector<16xi32>
      %parallel_loop3A_824 = tpu.vector_load_idx %arg6[%parallel_loop3A_33, %parallel_loop3A_823] : memref<96x128xf32, #tpu.memory_space<vmem>>[vector<16xi32>, vector<16xi32>], vector<16xf32>,
      %parallel_loop3A_825 = tpu.vector_load_idx %arg8[%parallel_loop3A_42, %parallel_loop3A_823] : memref<4x128xf32, #tpu.memory_space<vmem>>[vector<16xi32>, vector<16xi32>], vector<16xf32>,
      %parallel_loop3A_826 = arith.mulf %parallel_loop3A_824, %parallel_loop3A_825 : vector<16xf32>
      %parallel_loop3A_827 = arith.addf %parallel_loop3A_787, %parallel_loop3A_826 : vector<16xf32>
      %parallel_loop3A_828 = arith.constant 1 : i32
      %parallel_loop3A_829 = vector.broadcast %parallel_loop3A_828 : i32 to vector<16xi32>
      %parallel_loop3A_830 = arith.addi %parallel_loop3A_823, %parallel_loop3A_829 : vector<16xi32>
      %parallel_loop3A_831 = arith.constant 127 : i32
      %parallel_loop3A_832 = vector.broadcast %parallel_loop3A_831 : i32 to vector<16xi32>
      %parallel_loop3A_833 = arith.andi %parallel_loop3A_830, %parallel_loop3A_832 : vector<16xi32>
      %parallel_loop3A_834 = tpu.vector_load_idx %arg6[%parallel_loop3A_33, %parallel_loop3A_833] : memref<96x128xf32, #tpu.memory_space<vmem>>[vector<16xi32>, vector<16xi32>], vector<16xf32>,
      %parallel_loop3A_835 = tpu.vector_load_idx %arg8[%parallel_loop3A_42, %parallel_loop3A_833] : memref<4x128xf32, #tpu.memory_space<vmem>>[vector<16xi32>, vector<16xi32>], vector<16xf32>,
      %parallel_loop3A_836 = arith.mulf %parallel_loop3A_834, %parallel_loop3A_835 : vector<16xf32>
      %parallel_loop3A_837 = arith.addf %parallel_loop3A_797, %parallel_loop3A_836 : vector<16xf32>
      %parallel_loop3A_838 = arith.constant 1 : i32
      %parallel_loop3A_839 = vector.broadcast %parallel_loop3A_838 : i32 to vector<16xi32>
      %parallel_loop3A_840 = arith.addi %parallel_loop3A_833, %parallel_loop3A_839 : vector<16xi32>
      %parallel_loop3A_841 = arith.constant 127 : i32
      %parallel_loop3A_842 = vector.broadcast %parallel_loop3A_841 : i32 to vector<16xi32>
      %parallel_loop3A_843 = arith.andi %parallel_loop3A_840, %parallel_loop3A_842 : vector<16xi32>
      %parallel_loop3A_844 = tpu.vector_load_idx %arg6[%parallel_loop3A_33, %parallel_loop3A_843] : memref<96x128xf32, #tpu.memory_space<vmem>>[vector<16xi32>, vector<16xi32>], vector<16xf32>,
      %parallel_loop3A_845 = tpu.vector_load_idx %arg8[%parallel_loop3A_42, %parallel_loop3A_843] : memref<4x128xf32, #tpu.memory_space<vmem>>[vector<16xi32>, vector<16xi32>], vector<16xf32>,
      %parallel_loop3A_846 = arith.mulf %parallel_loop3A_844, %parallel_loop3A_845 : vector<16xf32>
      %parallel_loop3A_847 = arith.addf %parallel_loop3A_807, %parallel_loop3A_846 : vector<16xf32>
      %parallel_loop3A_848 = arith.constant 1 : i32
      %parallel_loop3A_849 = vector.broadcast %parallel_loop3A_848 : i32 to vector<16xi32>
      %parallel_loop3A_850 = arith.addi %parallel_loop3A_843, %parallel_loop3A_849 : vector<16xi32>
      %parallel_loop3A_851 = arith.constant 127 : i32
      %parallel_loop3A_852 = vector.broadcast %parallel_loop3A_851 : i32 to vector<16xi32>
      %parallel_loop3A_853 = arith.andi %parallel_loop3A_850, %parallel_loop3A_852 : vector<16xi32>
      %parallel_loop3A_854 = tpu.vector_load_idx %arg6[%parallel_loop3A_33, %parallel_loop3A_853] : memref<96x128xf32, #tpu.memory_space<vmem>>[vector<16xi32>, vector<16xi32>], vector<16xf32>,
      %parallel_loop3A_855 = tpu.vector_load_idx %arg8[%parallel_loop3A_42, %parallel_loop3A_853] : memref<4x128xf32, #tpu.memory_space<vmem>>[vector<16xi32>, vector<16xi32>], vector<16xf32>,
      %parallel_loop3A_856 = arith.mulf %parallel_loop3A_854, %parallel_loop3A_855 : vector<16xf32>
      %parallel_loop3A_857 = arith.addf %parallel_loop3A_817, %parallel_loop3A_856 : vector<16xf32>
      %parallel_loop3A_858 = arith.constant 1 : i32
      %parallel_loop3A_859 = vector.broadcast %parallel_loop3A_858 : i32 to vector<16xi32>
      %parallel_loop3A_860 = arith.addi %parallel_loop3A_853, %parallel_loop3A_859 : vector<16xi32>
      %parallel_loop3A_861 = arith.constant 127 : i32
      %parallel_loop3A_862 = vector.broadcast %parallel_loop3A_861 : i32 to vector<16xi32>
      %parallel_loop3A_863 = arith.andi %parallel_loop3A_860, %parallel_loop3A_862 : vector<16xi32>
      %parallel_loop3A_864 = tpu.vector_load_idx %arg6[%parallel_loop3A_33, %parallel_loop3A_863] : memref<96x128xf32, #tpu.memory_space<vmem>>[vector<16xi32>, vector<16xi32>], vector<16xf32>,
      %parallel_loop3A_865 = tpu.vector_load_idx %arg8[%parallel_loop3A_42, %parallel_loop3A_863] : memref<4x128xf32, #tpu.memory_space<vmem>>[vector<16xi32>, vector<16xi32>], vector<16xf32>,
      %parallel_loop3A_866 = arith.mulf %parallel_loop3A_864, %parallel_loop3A_865 : vector<16xf32>
      %parallel_loop3A_867 = arith.addf %parallel_loop3A_827, %parallel_loop3A_866 : vector<16xf32>
      %parallel_loop3A_868 = arith.constant 1 : i32
      %parallel_loop3A_869 = vector.broadcast %parallel_loop3A_868 : i32 to vector<16xi32>
      %parallel_loop3A_870 = arith.addi %parallel_loop3A_863, %parallel_loop3A_869 : vector<16xi32>
      %parallel_loop3A_871 = arith.constant 127 : i32
      %parallel_loop3A_872 = vector.broadcast %parallel_loop3A_871 : i32 to vector<16xi32>
      %parallel_loop3A_873 = arith.andi %parallel_loop3A_870, %parallel_loop3A_872 : vector<16xi32>
      %parallel_loop3A_874 = tpu.vector_load_idx %arg6[%parallel_loop3A_33, %parallel_loop3A_873] : memref<96x128xf32, #tpu.memory_space<vmem>>[vector<16xi32>, vector<16xi32>], vector<16xf32>,
      %parallel_loop3A_875 = tpu.vector_load_idx %arg8[%parallel_loop3A_42, %parallel_loop3A_873] : memref<4x128xf32, #tpu.memory_space<vmem>>[vector<16xi32>, vector<16xi32>], vector<16xf32>,
      %parallel_loop3A_876 = arith.mulf %parallel_loop3A_874, %parallel_loop3A_875 : vector<16xf32>
      %parallel_loop3A_877 = arith.addf %parallel_loop3A_837, %parallel_loop3A_876 : vector<16xf32>
      %parallel_loop3A_878 = arith.constant 1 : i32
      %parallel_loop3A_879 = vector.broadcast %parallel_loop3A_878 : i32 to vector<16xi32>
      %parallel_loop3A_880 = arith.addi %parallel_loop3A_873, %parallel_loop3A_879 : vector<16xi32>
      %parallel_loop3A_881 = arith.constant 127 : i32
      %parallel_loop3A_882 = vector.broadcast %parallel_loop3A_881 : i32 to vector<16xi32>
      %parallel_loop3A_883 = arith.andi %parallel_loop3A_880, %parallel_loop3A_882 : vector<16xi32>
      %parallel_loop3A_884 = tpu.vector_load_idx %arg6[%parallel_loop3A_33, %parallel_loop3A_883] : memref<96x128xf32, #tpu.memory_space<vmem>>[vector<16xi32>, vector<16xi32>], vector<16xf32>,
      %parallel_loop3A_885 = tpu.vector_load_idx %arg8[%parallel_loop3A_42, %parallel_loop3A_883] : memref<4x128xf32, #tpu.memory_space<vmem>>[vector<16xi32>, vector<16xi32>], vector<16xf32>,
      %parallel_loop3A_886 = arith.mulf %parallel_loop3A_884, %parallel_loop3A_885 : vector<16xf32>
      %parallel_loop3A_887 = arith.addf %parallel_loop3A_847, %parallel_loop3A_886 : vector<16xf32>
      %parallel_loop3A_888 = arith.constant 1 : i32
      %parallel_loop3A_889 = vector.broadcast %parallel_loop3A_888 : i32 to vector<16xi32>
      %parallel_loop3A_890 = arith.addi %parallel_loop3A_883, %parallel_loop3A_889 : vector<16xi32>
      %parallel_loop3A_891 = arith.constant 127 : i32
      %parallel_loop3A_892 = vector.broadcast %parallel_loop3A_891 : i32 to vector<16xi32>
      %parallel_loop3A_893 = arith.andi %parallel_loop3A_890, %parallel_loop3A_892 : vector<16xi32>
      %parallel_loop3A_894 = tpu.vector_load_idx %arg6[%parallel_loop3A_33, %parallel_loop3A_893] : memref<96x128xf32, #tpu.memory_space<vmem>>[vector<16xi32>, vector<16xi32>], vector<16xf32>,
      %parallel_loop3A_895 = tpu.vector_load_idx %arg8[%parallel_loop3A_42, %parallel_loop3A_893] : memref<4x128xf32, #tpu.memory_space<vmem>>[vector<16xi32>, vector<16xi32>], vector<16xf32>,
      %parallel_loop3A_896 = arith.mulf %parallel_loop3A_894, %parallel_loop3A_895 : vector<16xf32>
      %parallel_loop3A_897 = arith.addf %parallel_loop3A_857, %parallel_loop3A_896 : vector<16xf32>
      %parallel_loop3A_898 = arith.constant 1 : i32
      %parallel_loop3A_899 = vector.broadcast %parallel_loop3A_898 : i32 to vector<16xi32>
      %parallel_loop3A_900 = arith.addi %parallel_loop3A_893, %parallel_loop3A_899 : vector<16xi32>
      %parallel_loop3A_901 = arith.constant 127 : i32
      %parallel_loop3A_902 = vector.broadcast %parallel_loop3A_901 : i32 to vector<16xi32>
      %parallel_loop3A_903 = arith.andi %parallel_loop3A_900, %parallel_loop3A_902 : vector<16xi32>
      %parallel_loop3A_904 = tpu.vector_load_idx %arg6[%parallel_loop3A_33, %parallel_loop3A_903] : memref<96x128xf32, #tpu.memory_space<vmem>>[vector<16xi32>, vector<16xi32>], vector<16xf32>,
      %parallel_loop3A_905 = tpu.vector_load_idx %arg8[%parallel_loop3A_42, %parallel_loop3A_903] : memref<4x128xf32, #tpu.memory_space<vmem>>[vector<16xi32>, vector<16xi32>], vector<16xf32>,
      %parallel_loop3A_906 = arith.mulf %parallel_loop3A_904, %parallel_loop3A_905 : vector<16xf32>
      %parallel_loop3A_907 = arith.addf %parallel_loop3A_867, %parallel_loop3A_906 : vector<16xf32>
      %parallel_loop3A_908 = arith.constant 1 : i32
      %parallel_loop3A_909 = vector.broadcast %parallel_loop3A_908 : i32 to vector<16xi32>
      %parallel_loop3A_910 = arith.addi %parallel_loop3A_903, %parallel_loop3A_909 : vector<16xi32>
      %parallel_loop3A_911 = arith.constant 127 : i32
      %parallel_loop3A_912 = vector.broadcast %parallel_loop3A_911 : i32 to vector<16xi32>
      %parallel_loop3A_913 = arith.andi %parallel_loop3A_910, %parallel_loop3A_912 : vector<16xi32>
      %parallel_loop3A_914 = tpu.vector_load_idx %arg6[%parallel_loop3A_33, %parallel_loop3A_913] : memref<96x128xf32, #tpu.memory_space<vmem>>[vector<16xi32>, vector<16xi32>], vector<16xf32>,
      %parallel_loop3A_915 = tpu.vector_load_idx %arg8[%parallel_loop3A_42, %parallel_loop3A_913] : memref<4x128xf32, #tpu.memory_space<vmem>>[vector<16xi32>, vector<16xi32>], vector<16xf32>,
      %parallel_loop3A_916 = arith.mulf %parallel_loop3A_914, %parallel_loop3A_915 : vector<16xf32>
      %parallel_loop3A_917 = arith.addf %parallel_loop3A_877, %parallel_loop3A_916 : vector<16xf32>
      %parallel_loop3A_918 = arith.constant 1 : i32
      %parallel_loop3A_919 = vector.broadcast %parallel_loop3A_918 : i32 to vector<16xi32>
      %parallel_loop3A_920 = arith.addi %parallel_loop3A_913, %parallel_loop3A_919 : vector<16xi32>
      %parallel_loop3A_921 = arith.constant 127 : i32
      %parallel_loop3A_922 = vector.broadcast %parallel_loop3A_921 : i32 to vector<16xi32>
      %parallel_loop3A_923 = arith.andi %parallel_loop3A_920, %parallel_loop3A_922 : vector<16xi32>
      %parallel_loop3A_924 = tpu.vector_load_idx %arg6[%parallel_loop3A_33, %parallel_loop3A_923] : memref<96x128xf32, #tpu.memory_space<vmem>>[vector<16xi32>, vector<16xi32>], vector<16xf32>,
      %parallel_loop3A_925 = tpu.vector_load_idx %arg8[%parallel_loop3A_42, %parallel_loop3A_923] : memref<4x128xf32, #tpu.memory_space<vmem>>[vector<16xi32>, vector<16xi32>], vector<16xf32>,
      %parallel_loop3A_926 = arith.mulf %parallel_loop3A_924, %parallel_loop3A_925 : vector<16xf32>
      %parallel_loop3A_927 = arith.addf %parallel_loop3A_887, %parallel_loop3A_926 : vector<16xf32>
      %parallel_loop3A_928 = arith.constant 1 : i32
      %parallel_loop3A_929 = vector.broadcast %parallel_loop3A_928 : i32 to vector<16xi32>
      %parallel_loop3A_930 = arith.addi %parallel_loop3A_923, %parallel_loop3A_929 : vector<16xi32>
      %parallel_loop3A_931 = arith.constant 127 : i32
      %parallel_loop3A_932 = vector.broadcast %parallel_loop3A_931 : i32 to vector<16xi32>
      %parallel_loop3A_933 = arith.andi %parallel_loop3A_930, %parallel_loop3A_932 : vector<16xi32>
      %parallel_loop3A_934 = tpu.vector_load_idx %arg6[%parallel_loop3A_33, %parallel_loop3A_933] : memref<96x128xf32, #tpu.memory_space<vmem>>[vector<16xi32>, vector<16xi32>], vector<16xf32>,
      %parallel_loop3A_935 = tpu.vector_load_idx %arg8[%parallel_loop3A_42, %parallel_loop3A_933] : memref<4x128xf32, #tpu.memory_space<vmem>>[vector<16xi32>, vector<16xi32>], vector<16xf32>,
      %parallel_loop3A_936 = arith.mulf %parallel_loop3A_934, %parallel_loop3A_935 : vector<16xf32>
      %parallel_loop3A_937 = arith.addf %parallel_loop3A_897, %parallel_loop3A_936 : vector<16xf32>
      %parallel_loop3A_938 = arith.constant 1 : i32
      %parallel_loop3A_939 = vector.broadcast %parallel_loop3A_938 : i32 to vector<16xi32>
      %parallel_loop3A_940 = arith.addi %parallel_loop3A_933, %parallel_loop3A_939 : vector<16xi32>
      %parallel_loop3A_941 = arith.constant 127 : i32
      %parallel_loop3A_942 = vector.broadcast %parallel_loop3A_941 : i32 to vector<16xi32>
      %parallel_loop3A_943 = arith.andi %parallel_loop3A_940, %parallel_loop3A_942 : vector<16xi32>
      %parallel_loop3A_944 = tpu.vector_load_idx %arg6[%parallel_loop3A_33, %parallel_loop3A_943] : memref<96x128xf32, #tpu.memory_space<vmem>>[vector<16xi32>, vector<16xi32>], vector<16xf32>,
      %parallel_loop3A_945 = tpu.vector_load_idx %arg8[%parallel_loop3A_42, %parallel_loop3A_943] : memref<4x128xf32, #tpu.memory_space<vmem>>[vector<16xi32>, vector<16xi32>], vector<16xf32>,
      %parallel_loop3A_946 = arith.mulf %parallel_loop3A_944, %parallel_loop3A_945 : vector<16xf32>
      %parallel_loop3A_947 = arith.addf %parallel_loop3A_907, %parallel_loop3A_946 : vector<16xf32>
      %parallel_loop3A_948 = arith.constant 1 : i32
      %parallel_loop3A_949 = vector.broadcast %parallel_loop3A_948 : i32 to vector<16xi32>
      %parallel_loop3A_950 = arith.addi %parallel_loop3A_943, %parallel_loop3A_949 : vector<16xi32>
      %parallel_loop3A_951 = arith.constant 127 : i32
      %parallel_loop3A_952 = vector.broadcast %parallel_loop3A_951 : i32 to vector<16xi32>
      %parallel_loop3A_953 = arith.andi %parallel_loop3A_950, %parallel_loop3A_952 : vector<16xi32>
      %parallel_loop3A_954 = tpu.vector_load_idx %arg6[%parallel_loop3A_33, %parallel_loop3A_953] : memref<96x128xf32, #tpu.memory_space<vmem>>[vector<16xi32>, vector<16xi32>], vector<16xf32>,
      %parallel_loop3A_955 = tpu.vector_load_idx %arg8[%parallel_loop3A_42, %parallel_loop3A_953] : memref<4x128xf32, #tpu.memory_space<vmem>>[vector<16xi32>, vector<16xi32>], vector<16xf32>,
      %parallel_loop3A_956 = arith.mulf %parallel_loop3A_954, %parallel_loop3A_955 : vector<16xf32>
      %parallel_loop3A_957 = arith.addf %parallel_loop3A_917, %parallel_loop3A_956 : vector<16xf32>
      %parallel_loop3A_958 = arith.constant 1 : i32
      %parallel_loop3A_959 = vector.broadcast %parallel_loop3A_958 : i32 to vector<16xi32>
      %parallel_loop3A_960 = arith.addi %parallel_loop3A_953, %parallel_loop3A_959 : vector<16xi32>
      %parallel_loop3A_961 = arith.constant 127 : i32
      %parallel_loop3A_962 = vector.broadcast %parallel_loop3A_961 : i32 to vector<16xi32>
      %parallel_loop3A_963 = arith.andi %parallel_loop3A_960, %parallel_loop3A_962 : vector<16xi32>
      %parallel_loop3A_964 = tpu.vector_load_idx %arg6[%parallel_loop3A_33, %parallel_loop3A_963] : memref<96x128xf32, #tpu.memory_space<vmem>>[vector<16xi32>, vector<16xi32>], vector<16xf32>,
      %parallel_loop3A_965 = tpu.vector_load_idx %arg8[%parallel_loop3A_42, %parallel_loop3A_963] : memref<4x128xf32, #tpu.memory_space<vmem>>[vector<16xi32>, vector<16xi32>], vector<16xf32>,
      %parallel_loop3A_966 = arith.mulf %parallel_loop3A_964, %parallel_loop3A_965 : vector<16xf32>
      %parallel_loop3A_967 = arith.addf %parallel_loop3A_927, %parallel_loop3A_966 : vector<16xf32>
      %parallel_loop3A_968 = arith.constant 1 : i32
      %parallel_loop3A_969 = vector.broadcast %parallel_loop3A_968 : i32 to vector<16xi32>
      %parallel_loop3A_970 = arith.addi %parallel_loop3A_963, %parallel_loop3A_969 : vector<16xi32>
      %parallel_loop3A_971 = arith.constant 127 : i32
      %parallel_loop3A_972 = vector.broadcast %parallel_loop3A_971 : i32 to vector<16xi32>
      %parallel_loop3A_973 = arith.andi %parallel_loop3A_970, %parallel_loop3A_972 : vector<16xi32>
      %parallel_loop3A_974 = tpu.vector_load_idx %arg6[%parallel_loop3A_33, %parallel_loop3A_973] : memref<96x128xf32, #tpu.memory_space<vmem>>[vector<16xi32>, vector<16xi32>], vector<16xf32>,
      %parallel_loop3A_975 = tpu.vector_load_idx %arg8[%parallel_loop3A_42, %parallel_loop3A_973] : memref<4x128xf32, #tpu.memory_space<vmem>>[vector<16xi32>, vector<16xi32>], vector<16xf32>,
      %parallel_loop3A_976 = arith.mulf %parallel_loop3A_974, %parallel_loop3A_975 : vector<16xf32>
      %parallel_loop3A_977 = arith.addf %parallel_loop3A_937, %parallel_loop3A_976 : vector<16xf32>
      %parallel_loop3A_978 = arith.constant 1 : i32
      %parallel_loop3A_979 = vector.broadcast %parallel_loop3A_978 : i32 to vector<16xi32>
      %parallel_loop3A_980 = arith.addi %parallel_loop3A_973, %parallel_loop3A_979 : vector<16xi32>
      %parallel_loop3A_981 = arith.constant 127 : i32
      %parallel_loop3A_982 = vector.broadcast %parallel_loop3A_981 : i32 to vector<16xi32>
      %parallel_loop3A_983 = arith.andi %parallel_loop3A_980, %parallel_loop3A_982 : vector<16xi32>
      %parallel_loop3A_984 = tpu.vector_load_idx %arg6[%parallel_loop3A_33, %parallel_loop3A_983] : memref<96x128xf32, #tpu.memory_space<vmem>>[vector<16xi32>, vector<16xi32>], vector<16xf32>,
      %parallel_loop3A_985 = tpu.vector_load_idx %arg8[%parallel_loop3A_42, %parallel_loop3A_983] : memref<4x128xf32, #tpu.memory_space<vmem>>[vector<16xi32>, vector<16xi32>], vector<16xf32>,
      %parallel_loop3A_986 = arith.mulf %parallel_loop3A_984, %parallel_loop3A_985 : vector<16xf32>
      %parallel_loop3A_987 = arith.addf %parallel_loop3A_947, %parallel_loop3A_986 : vector<16xf32>
      %parallel_loop3A_988 = arith.constant 1 : i32
      %parallel_loop3A_989 = vector.broadcast %parallel_loop3A_988 : i32 to vector<16xi32>
      %parallel_loop3A_990 = arith.addi %parallel_loop3A_983, %parallel_loop3A_989 : vector<16xi32>
      %parallel_loop3A_991 = arith.constant 127 : i32
      %parallel_loop3A_992 = vector.broadcast %parallel_loop3A_991 : i32 to vector<16xi32>
      %parallel_loop3A_993 = arith.andi %parallel_loop3A_990, %parallel_loop3A_992 : vector<16xi32>
      %parallel_loop3A_994 = tpu.vector_load_idx %arg6[%parallel_loop3A_33, %parallel_loop3A_993] : memref<96x128xf32, #tpu.memory_space<vmem>>[vector<16xi32>, vector<16xi32>], vector<16xf32>,
      %parallel_loop3A_995 = tpu.vector_load_idx %arg8[%parallel_loop3A_42, %parallel_loop3A_993] : memref<4x128xf32, #tpu.memory_space<vmem>>[vector<16xi32>, vector<16xi32>], vector<16xf32>,
      %parallel_loop3A_996 = arith.mulf %parallel_loop3A_994, %parallel_loop3A_995 : vector<16xf32>
      %parallel_loop3A_997 = arith.addf %parallel_loop3A_957, %parallel_loop3A_996 : vector<16xf32>
      %parallel_loop3A_998 = arith.constant 1 : i32
      %parallel_loop3A_999 = vector.broadcast %parallel_loop3A_998 : i32 to vector<16xi32>
      %parallel_loop3A_1000 = arith.addi %parallel_loop3A_993, %parallel_loop3A_999 : vector<16xi32>
      %parallel_loop3A_1001 = arith.constant 127 : i32
      %parallel_loop3A_1002 = vector.broadcast %parallel_loop3A_1001 : i32 to vector<16xi32>
      %parallel_loop3A_1003 = arith.andi %parallel_loop3A_1000, %parallel_loop3A_1002 : vector<16xi32>
      %parallel_loop3A_1004 = tpu.vector_load_idx %arg6[%parallel_loop3A_33, %parallel_loop3A_1003] : memref<96x128xf32, #tpu.memory_space<vmem>>[vector<16xi32>, vector<16xi32>], vector<16xf32>,
      %parallel_loop3A_1005 = tpu.vector_load_idx %arg8[%parallel_loop3A_42, %parallel_loop3A_1003] : memref<4x128xf32, #tpu.memory_space<vmem>>[vector<16xi32>, vector<16xi32>], vector<16xf32>,
      %parallel_loop3A_1006 = arith.mulf %parallel_loop3A_1004, %parallel_loop3A_1005 : vector<16xf32>
      %parallel_loop3A_1007 = arith.addf %parallel_loop3A_967, %parallel_loop3A_1006 : vector<16xf32>
      %parallel_loop3A_1008 = arith.constant 1 : i32
      %parallel_loop3A_1009 = vector.broadcast %parallel_loop3A_1008 : i32 to vector<16xi32>
      %parallel_loop3A_1010 = arith.addi %parallel_loop3A_1003, %parallel_loop3A_1009 : vector<16xi32>
      %parallel_loop3A_1011 = arith.constant 127 : i32
      %parallel_loop3A_1012 = vector.broadcast %parallel_loop3A_1011 : i32 to vector<16xi32>
      %parallel_loop3A_1013 = arith.andi %parallel_loop3A_1010, %parallel_loop3A_1012 : vector<16xi32>
      %parallel_loop3A_1014 = tpu.vector_load_idx %arg6[%parallel_loop3A_33, %parallel_loop3A_1013] : memref<96x128xf32, #tpu.memory_space<vmem>>[vector<16xi32>, vector<16xi32>], vector<16xf32>,
      %parallel_loop3A_1015 = tpu.vector_load_idx %arg8[%parallel_loop3A_42, %parallel_loop3A_1013] : memref<4x128xf32, #tpu.memory_space<vmem>>[vector<16xi32>, vector<16xi32>], vector<16xf32>,
      %parallel_loop3A_1016 = arith.mulf %parallel_loop3A_1014, %parallel_loop3A_1015 : vector<16xf32>
      %parallel_loop3A_1017 = arith.addf %parallel_loop3A_977, %parallel_loop3A_1016 : vector<16xf32>
      %parallel_loop3A_1018 = arith.constant 1 : i32
      %parallel_loop3A_1019 = vector.broadcast %parallel_loop3A_1018 : i32 to vector<16xi32>
      %parallel_loop3A_1020 = arith.addi %parallel_loop3A_1013, %parallel_loop3A_1019 : vector<16xi32>
      %parallel_loop3A_1021 = arith.constant 127 : i32
      %parallel_loop3A_1022 = vector.broadcast %parallel_loop3A_1021 : i32 to vector<16xi32>
      %parallel_loop3A_1023 = arith.andi %parallel_loop3A_1020, %parallel_loop3A_1022 : vector<16xi32>
      %parallel_loop3A_1024 = tpu.vector_load_idx %arg6[%parallel_loop3A_33, %parallel_loop3A_1023] : memref<96x128xf32, #tpu.memory_space<vmem>>[vector<16xi32>, vector<16xi32>], vector<16xf32>,
      %parallel_loop3A_1025 = tpu.vector_load_idx %arg8[%parallel_loop3A_42, %parallel_loop3A_1023] : memref<4x128xf32, #tpu.memory_space<vmem>>[vector<16xi32>, vector<16xi32>], vector<16xf32>,
      %parallel_loop3A_1026 = arith.mulf %parallel_loop3A_1024, %parallel_loop3A_1025 : vector<16xf32>
      %parallel_loop3A_1027 = arith.addf %parallel_loop3A_987, %parallel_loop3A_1026 : vector<16xf32>
      %parallel_loop3A_1028 = arith.constant 1 : i32
      %parallel_loop3A_1029 = vector.broadcast %parallel_loop3A_1028 : i32 to vector<16xi32>
      %parallel_loop3A_1030 = arith.addi %parallel_loop3A_1023, %parallel_loop3A_1029 : vector<16xi32>
      %parallel_loop3A_1031 = arith.constant 127 : i32
      %parallel_loop3A_1032 = vector.broadcast %parallel_loop3A_1031 : i32 to vector<16xi32>
      %parallel_loop3A_1033 = arith.andi %parallel_loop3A_1030, %parallel_loop3A_1032 : vector<16xi32>
      %parallel_loop3A_1034 = tpu.vector_load_idx %arg6[%parallel_loop3A_33, %parallel_loop3A_1033] : memref<96x128xf32, #tpu.memory_space<vmem>>[vector<16xi32>, vector<16xi32>], vector<16xf32>,
      %parallel_loop3A_1035 = tpu.vector_load_idx %arg8[%parallel_loop3A_42, %parallel_loop3A_1033] : memref<4x128xf32, #tpu.memory_space<vmem>>[vector<16xi32>, vector<16xi32>], vector<16xf32>,
      %parallel_loop3A_1036 = arith.mulf %parallel_loop3A_1034, %parallel_loop3A_1035 : vector<16xf32>
      %parallel_loop3A_1037 = arith.addf %parallel_loop3A_997, %parallel_loop3A_1036 : vector<16xf32>
      %parallel_loop3A_1038 = arith.constant 1 : i32
      %parallel_loop3A_1039 = vector.broadcast %parallel_loop3A_1038 : i32 to vector<16xi32>
      %parallel_loop3A_1040 = arith.addi %parallel_loop3A_1033, %parallel_loop3A_1039 : vector<16xi32>
      %parallel_loop3A_1041 = arith.constant 127 : i32
      %parallel_loop3A_1042 = vector.broadcast %parallel_loop3A_1041 : i32 to vector<16xi32>
      %parallel_loop3A_1043 = arith.andi %parallel_loop3A_1040, %parallel_loop3A_1042 : vector<16xi32>
      %parallel_loop3A_1044 = tpu.vector_load_idx %arg6[%parallel_loop3A_33, %parallel_loop3A_1043] : memref<96x128xf32, #tpu.memory_space<vmem>>[vector<16xi32>, vector<16xi32>], vector<16xf32>,
      %parallel_loop3A_1045 = tpu.vector_load_idx %arg8[%parallel_loop3A_42, %parallel_loop3A_1043] : memref<4x128xf32, #tpu.memory_space<vmem>>[vector<16xi32>, vector<16xi32>], vector<16xf32>,
      %parallel_loop3A_1046 = arith.mulf %parallel_loop3A_1044, %parallel_loop3A_1045 : vector<16xf32>
      %parallel_loop3A_1047 = arith.addf %parallel_loop3A_1007, %parallel_loop3A_1046 : vector<16xf32>
      %parallel_loop3A_1048 = arith.constant 1 : i32
      %parallel_loop3A_1049 = vector.broadcast %parallel_loop3A_1048 : i32 to vector<16xi32>
      %parallel_loop3A_1050 = arith.addi %parallel_loop3A_1043, %parallel_loop3A_1049 : vector<16xi32>
      %parallel_loop3A_1051 = arith.constant 127 : i32
      %parallel_loop3A_1052 = vector.broadcast %parallel_loop3A_1051 : i32 to vector<16xi32>
      %parallel_loop3A_1053 = arith.andi %parallel_loop3A_1050, %parallel_loop3A_1052 : vector<16xi32>
      %parallel_loop3A_1054 = tpu.vector_load_idx %arg6[%parallel_loop3A_33, %parallel_loop3A_1053] : memref<96x128xf32, #tpu.memory_space<vmem>>[vector<16xi32>, vector<16xi32>], vector<16xf32>,
      %parallel_loop3A_1055 = tpu.vector_load_idx %arg8[%parallel_loop3A_42, %parallel_loop3A_1053] : memref<4x128xf32, #tpu.memory_space<vmem>>[vector<16xi32>, vector<16xi32>], vector<16xf32>,
      %parallel_loop3A_1056 = arith.mulf %parallel_loop3A_1054, %parallel_loop3A_1055 : vector<16xf32>
      %parallel_loop3A_1057 = arith.addf %parallel_loop3A_1017, %parallel_loop3A_1056 : vector<16xf32>
      %parallel_loop3A_1058 = arith.constant 1 : i32
      %parallel_loop3A_1059 = vector.broadcast %parallel_loop3A_1058 : i32 to vector<16xi32>
      %parallel_loop3A_1060 = arith.addi %parallel_loop3A_1053, %parallel_loop3A_1059 : vector<16xi32>
      %parallel_loop3A_1061 = arith.constant 127 : i32
      %parallel_loop3A_1062 = vector.broadcast %parallel_loop3A_1061 : i32 to vector<16xi32>
      %parallel_loop3A_1063 = arith.andi %parallel_loop3A_1060, %parallel_loop3A_1062 : vector<16xi32>
      %parallel_loop3A_1064 = tpu.vector_load_idx %arg6[%parallel_loop3A_33, %parallel_loop3A_1063] : memref<96x128xf32, #tpu.memory_space<vmem>>[vector<16xi32>, vector<16xi32>], vector<16xf32>,
      %parallel_loop3A_1065 = tpu.vector_load_idx %arg8[%parallel_loop3A_42, %parallel_loop3A_1063] : memref<4x128xf32, #tpu.memory_space<vmem>>[vector<16xi32>, vector<16xi32>], vector<16xf32>,
      %parallel_loop3A_1066 = arith.mulf %parallel_loop3A_1064, %parallel_loop3A_1065 : vector<16xf32>
      %parallel_loop3A_1067 = arith.addf %parallel_loop3A_1027, %parallel_loop3A_1066 : vector<16xf32>
      %parallel_loop3A_1068 = arith.constant 1 : i32
      %parallel_loop3A_1069 = vector.broadcast %parallel_loop3A_1068 : i32 to vector<16xi32>
      %parallel_loop3A_1070 = arith.addi %parallel_loop3A_1063, %parallel_loop3A_1069 : vector<16xi32>
      %parallel_loop3A_1071 = arith.constant 127 : i32
      %parallel_loop3A_1072 = vector.broadcast %parallel_loop3A_1071 : i32 to vector<16xi32>
      %parallel_loop3A_1073 = arith.andi %parallel_loop3A_1070, %parallel_loop3A_1072 : vector<16xi32>
      %parallel_loop3A_1074 = tpu.vector_load_idx %arg6[%parallel_loop3A_33, %parallel_loop3A_1073] : memref<96x128xf32, #tpu.memory_space<vmem>>[vector<16xi32>, vector<16xi32>], vector<16xf32>,
      %parallel_loop3A_1075 = tpu.vector_load_idx %arg8[%parallel_loop3A_42, %parallel_loop3A_1073] : memref<4x128xf32, #tpu.memory_space<vmem>>[vector<16xi32>, vector<16xi32>], vector<16xf32>,
      %parallel_loop3A_1076 = arith.mulf %parallel_loop3A_1074, %parallel_loop3A_1075 : vector<16xf32>
      %parallel_loop3A_1077 = arith.addf %parallel_loop3A_1037, %parallel_loop3A_1076 : vector<16xf32>
      %parallel_loop3A_1078 = arith.constant 1 : i32
      %parallel_loop3A_1079 = vector.broadcast %parallel_loop3A_1078 : i32 to vector<16xi32>
      %parallel_loop3A_1080 = arith.addi %parallel_loop3A_1073, %parallel_loop3A_1079 : vector<16xi32>
      %parallel_loop3A_1081 = arith.constant 127 : i32
      %parallel_loop3A_1082 = vector.broadcast %parallel_loop3A_1081 : i32 to vector<16xi32>
      %parallel_loop3A_1083 = arith.andi %parallel_loop3A_1080, %parallel_loop3A_1082 : vector<16xi32>
      %parallel_loop3A_1084 = tpu.vector_load_idx %arg6[%parallel_loop3A_33, %parallel_loop3A_1083] : memref<96x128xf32, #tpu.memory_space<vmem>>[vector<16xi32>, vector<16xi32>], vector<16xf32>,
      %parallel_loop3A_1085 = tpu.vector_load_idx %arg8[%parallel_loop3A_42, %parallel_loop3A_1083] : memref<4x128xf32, #tpu.memory_space<vmem>>[vector<16xi32>, vector<16xi32>], vector<16xf32>,
      %parallel_loop3A_1086 = arith.mulf %parallel_loop3A_1084, %parallel_loop3A_1085 : vector<16xf32>
      %parallel_loop3A_1087 = arith.addf %parallel_loop3A_1047, %parallel_loop3A_1086 : vector<16xf32>
      %parallel_loop3A_1088 = arith.constant 1 : i32
      %parallel_loop3A_1089 = vector.broadcast %parallel_loop3A_1088 : i32 to vector<16xi32>
      %parallel_loop3A_1090 = arith.addi %parallel_loop3A_1083, %parallel_loop3A_1089 : vector<16xi32>
      %parallel_loop3A_1091 = arith.constant 127 : i32
      %parallel_loop3A_1092 = vector.broadcast %parallel_loop3A_1091 : i32 to vector<16xi32>
      %parallel_loop3A_1093 = arith.andi %parallel_loop3A_1090, %parallel_loop3A_1092 : vector<16xi32>
      %parallel_loop3A_1094 = tpu.vector_load_idx %arg6[%parallel_loop3A_33, %parallel_loop3A_1093] : memref<96x128xf32, #tpu.memory_space<vmem>>[vector<16xi32>, vector<16xi32>], vector<16xf32>,
      %parallel_loop3A_1095 = tpu.vector_load_idx %arg8[%parallel_loop3A_42, %parallel_loop3A_1093] : memref<4x128xf32, #tpu.memory_space<vmem>>[vector<16xi32>, vector<16xi32>], vector<16xf32>,
      %parallel_loop3A_1096 = arith.mulf %parallel_loop3A_1094, %parallel_loop3A_1095 : vector<16xf32>
      %parallel_loop3A_1097 = arith.addf %parallel_loop3A_1057, %parallel_loop3A_1096 : vector<16xf32>
      %parallel_loop3A_1098 = arith.constant 1 : i32
      %parallel_loop3A_1099 = vector.broadcast %parallel_loop3A_1098 : i32 to vector<16xi32>
      %parallel_loop3A_1100 = arith.addi %parallel_loop3A_1093, %parallel_loop3A_1099 : vector<16xi32>
      %parallel_loop3A_1101 = arith.constant 127 : i32
      %parallel_loop3A_1102 = vector.broadcast %parallel_loop3A_1101 : i32 to vector<16xi32>
      %parallel_loop3A_1103 = arith.andi %parallel_loop3A_1100, %parallel_loop3A_1102 : vector<16xi32>
      %parallel_loop3A_1104 = tpu.vector_load_idx %arg6[%parallel_loop3A_33, %parallel_loop3A_1103] : memref<96x128xf32, #tpu.memory_space<vmem>>[vector<16xi32>, vector<16xi32>], vector<16xf32>,
      %parallel_loop3A_1105 = tpu.vector_load_idx %arg8[%parallel_loop3A_42, %parallel_loop3A_1103] : memref<4x128xf32, #tpu.memory_space<vmem>>[vector<16xi32>, vector<16xi32>], vector<16xf32>,
      %parallel_loop3A_1106 = arith.mulf %parallel_loop3A_1104, %parallel_loop3A_1105 : vector<16xf32>
      %parallel_loop3A_1107 = arith.addf %parallel_loop3A_1067, %parallel_loop3A_1106 : vector<16xf32>
      %parallel_loop3A_1108 = arith.constant 1 : i32
      %parallel_loop3A_1109 = vector.broadcast %parallel_loop3A_1108 : i32 to vector<16xi32>
      %parallel_loop3A_1110 = arith.addi %parallel_loop3A_1103, %parallel_loop3A_1109 : vector<16xi32>
      %parallel_loop3A_1111 = arith.constant 127 : i32
      %parallel_loop3A_1112 = vector.broadcast %parallel_loop3A_1111 : i32 to vector<16xi32>
      %parallel_loop3A_1113 = arith.andi %parallel_loop3A_1110, %parallel_loop3A_1112 : vector<16xi32>
      %parallel_loop3A_1114 = tpu.vector_load_idx %arg6[%parallel_loop3A_33, %parallel_loop3A_1113] : memref<96x128xf32, #tpu.memory_space<vmem>>[vector<16xi32>, vector<16xi32>], vector<16xf32>,
      %parallel_loop3A_1115 = tpu.vector_load_idx %arg8[%parallel_loop3A_42, %parallel_loop3A_1113] : memref<4x128xf32, #tpu.memory_space<vmem>>[vector<16xi32>, vector<16xi32>], vector<16xf32>,
      %parallel_loop3A_1116 = arith.mulf %parallel_loop3A_1114, %parallel_loop3A_1115 : vector<16xf32>
      %parallel_loop3A_1117 = arith.addf %parallel_loop3A_1077, %parallel_loop3A_1116 : vector<16xf32>
      %parallel_loop3A_1118 = arith.constant 1 : i32
      %parallel_loop3A_1119 = vector.broadcast %parallel_loop3A_1118 : i32 to vector<16xi32>
      %parallel_loop3A_1120 = arith.addi %parallel_loop3A_1113, %parallel_loop3A_1119 : vector<16xi32>
      %parallel_loop3A_1121 = arith.constant 127 : i32
      %parallel_loop3A_1122 = vector.broadcast %parallel_loop3A_1121 : i32 to vector<16xi32>
      %parallel_loop3A_1123 = arith.andi %parallel_loop3A_1120, %parallel_loop3A_1122 : vector<16xi32>
      %parallel_loop3A_1124 = tpu.vector_load_idx %arg6[%parallel_loop3A_33, %parallel_loop3A_1123] : memref<96x128xf32, #tpu.memory_space<vmem>>[vector<16xi32>, vector<16xi32>], vector<16xf32>,
      %parallel_loop3A_1125 = tpu.vector_load_idx %arg8[%parallel_loop3A_42, %parallel_loop3A_1123] : memref<4x128xf32, #tpu.memory_space<vmem>>[vector<16xi32>, vector<16xi32>], vector<16xf32>,
      %parallel_loop3A_1126 = arith.mulf %parallel_loop3A_1124, %parallel_loop3A_1125 : vector<16xf32>
      %parallel_loop3A_1127 = arith.addf %parallel_loop3A_1087, %parallel_loop3A_1126 : vector<16xf32>
      %parallel_loop3A_1128 = arith.constant 1 : i32
      %parallel_loop3A_1129 = vector.broadcast %parallel_loop3A_1128 : i32 to vector<16xi32>
      %parallel_loop3A_1130 = arith.addi %parallel_loop3A_1123, %parallel_loop3A_1129 : vector<16xi32>
      %parallel_loop3A_1131 = arith.constant 127 : i32
      %parallel_loop3A_1132 = vector.broadcast %parallel_loop3A_1131 : i32 to vector<16xi32>
      %parallel_loop3A_1133 = arith.andi %parallel_loop3A_1130, %parallel_loop3A_1132 : vector<16xi32>
      %parallel_loop3A_1134 = tpu.vector_load_idx %arg6[%parallel_loop3A_33, %parallel_loop3A_1133] : memref<96x128xf32, #tpu.memory_space<vmem>>[vector<16xi32>, vector<16xi32>], vector<16xf32>,
      %parallel_loop3A_1135 = tpu.vector_load_idx %arg8[%parallel_loop3A_42, %parallel_loop3A_1133] : memref<4x128xf32, #tpu.memory_space<vmem>>[vector<16xi32>, vector<16xi32>], vector<16xf32>,
      %parallel_loop3A_1136 = arith.mulf %parallel_loop3A_1134, %parallel_loop3A_1135 : vector<16xf32>
      %parallel_loop3A_1137 = arith.addf %parallel_loop3A_1097, %parallel_loop3A_1136 : vector<16xf32>
      %parallel_loop3A_1138 = arith.constant 1 : i32
      %parallel_loop3A_1139 = vector.broadcast %parallel_loop3A_1138 : i32 to vector<16xi32>
      %parallel_loop3A_1140 = arith.addi %parallel_loop3A_1133, %parallel_loop3A_1139 : vector<16xi32>
      %parallel_loop3A_1141 = arith.constant 127 : i32
      %parallel_loop3A_1142 = vector.broadcast %parallel_loop3A_1141 : i32 to vector<16xi32>
      %parallel_loop3A_1143 = arith.andi %parallel_loop3A_1140, %parallel_loop3A_1142 : vector<16xi32>
      %parallel_loop3A_1144 = tpu.vector_load_idx %arg6[%parallel_loop3A_33, %parallel_loop3A_1143] : memref<96x128xf32, #tpu.memory_space<vmem>>[vector<16xi32>, vector<16xi32>], vector<16xf32>,
      %parallel_loop3A_1145 = tpu.vector_load_idx %arg8[%parallel_loop3A_42, %parallel_loop3A_1143] : memref<4x128xf32, #tpu.memory_space<vmem>>[vector<16xi32>, vector<16xi32>], vector<16xf32>,
      %parallel_loop3A_1146 = arith.mulf %parallel_loop3A_1144, %parallel_loop3A_1145 : vector<16xf32>
      %parallel_loop3A_1147 = arith.addf %parallel_loop3A_1107, %parallel_loop3A_1146 : vector<16xf32>
      %parallel_loop3A_1148 = arith.constant 1 : i32
      %parallel_loop3A_1149 = vector.broadcast %parallel_loop3A_1148 : i32 to vector<16xi32>
      %parallel_loop3A_1150 = arith.addi %parallel_loop3A_1143, %parallel_loop3A_1149 : vector<16xi32>
      %parallel_loop3A_1151 = arith.constant 127 : i32
      %parallel_loop3A_1152 = vector.broadcast %parallel_loop3A_1151 : i32 to vector<16xi32>
      %parallel_loop3A_1153 = arith.andi %parallel_loop3A_1150, %parallel_loop3A_1152 : vector<16xi32>
      %parallel_loop3A_1154 = tpu.vector_load_idx %arg6[%parallel_loop3A_33, %parallel_loop3A_1153] : memref<96x128xf32, #tpu.memory_space<vmem>>[vector<16xi32>, vector<16xi32>], vector<16xf32>,
      %parallel_loop3A_1155 = tpu.vector_load_idx %arg8[%parallel_loop3A_42, %parallel_loop3A_1153] : memref<4x128xf32, #tpu.memory_space<vmem>>[vector<16xi32>, vector<16xi32>], vector<16xf32>,
      %parallel_loop3A_1156 = arith.mulf %parallel_loop3A_1154, %parallel_loop3A_1155 : vector<16xf32>
      %parallel_loop3A_1157 = arith.addf %parallel_loop3A_1117, %parallel_loop3A_1156 : vector<16xf32>
      %parallel_loop3A_1158 = arith.constant 1 : i32
      %parallel_loop3A_1159 = vector.broadcast %parallel_loop3A_1158 : i32 to vector<16xi32>
      %parallel_loop3A_1160 = arith.addi %parallel_loop3A_1153, %parallel_loop3A_1159 : vector<16xi32>
      %parallel_loop3A_1161 = arith.constant 127 : i32
      %parallel_loop3A_1162 = vector.broadcast %parallel_loop3A_1161 : i32 to vector<16xi32>
      %parallel_loop3A_1163 = arith.andi %parallel_loop3A_1160, %parallel_loop3A_1162 : vector<16xi32>
      %parallel_loop3A_1164 = tpu.vector_load_idx %arg6[%parallel_loop3A_33, %parallel_loop3A_1163] : memref<96x128xf32, #tpu.memory_space<vmem>>[vector<16xi32>, vector<16xi32>], vector<16xf32>,
      %parallel_loop3A_1165 = tpu.vector_load_idx %arg8[%parallel_loop3A_42, %parallel_loop3A_1163] : memref<4x128xf32, #tpu.memory_space<vmem>>[vector<16xi32>, vector<16xi32>], vector<16xf32>,
      %parallel_loop3A_1166 = arith.mulf %parallel_loop3A_1164, %parallel_loop3A_1165 : vector<16xf32>
      %parallel_loop3A_1167 = arith.addf %parallel_loop3A_1127, %parallel_loop3A_1166 : vector<16xf32>
      %parallel_loop3A_1168 = arith.constant 1 : i32
      %parallel_loop3A_1169 = vector.broadcast %parallel_loop3A_1168 : i32 to vector<16xi32>
      %parallel_loop3A_1170 = arith.addi %parallel_loop3A_1163, %parallel_loop3A_1169 : vector<16xi32>
      %parallel_loop3A_1171 = arith.constant 127 : i32
      %parallel_loop3A_1172 = vector.broadcast %parallel_loop3A_1171 : i32 to vector<16xi32>
      %parallel_loop3A_1173 = arith.andi %parallel_loop3A_1170, %parallel_loop3A_1172 : vector<16xi32>
      %parallel_loop3A_1174 = tpu.vector_load_idx %arg6[%parallel_loop3A_33, %parallel_loop3A_1173] : memref<96x128xf32, #tpu.memory_space<vmem>>[vector<16xi32>, vector<16xi32>], vector<16xf32>,
      %parallel_loop3A_1175 = tpu.vector_load_idx %arg8[%parallel_loop3A_42, %parallel_loop3A_1173] : memref<4x128xf32, #tpu.memory_space<vmem>>[vector<16xi32>, vector<16xi32>], vector<16xf32>,
      %parallel_loop3A_1176 = arith.mulf %parallel_loop3A_1174, %parallel_loop3A_1175 : vector<16xf32>
      %parallel_loop3A_1177 = arith.addf %parallel_loop3A_1137, %parallel_loop3A_1176 : vector<16xf32>
      %parallel_loop3A_1178 = arith.constant 1 : i32
      %parallel_loop3A_1179 = vector.broadcast %parallel_loop3A_1178 : i32 to vector<16xi32>
      %parallel_loop3A_1180 = arith.addi %parallel_loop3A_1173, %parallel_loop3A_1179 : vector<16xi32>
      %parallel_loop3A_1181 = arith.constant 127 : i32
      %parallel_loop3A_1182 = vector.broadcast %parallel_loop3A_1181 : i32 to vector<16xi32>
      %parallel_loop3A_1183 = arith.andi %parallel_loop3A_1180, %parallel_loop3A_1182 : vector<16xi32>
      %parallel_loop3A_1184 = tpu.vector_load_idx %arg6[%parallel_loop3A_33, %parallel_loop3A_1183] : memref<96x128xf32, #tpu.memory_space<vmem>>[vector<16xi32>, vector<16xi32>], vector<16xf32>,
      %parallel_loop3A_1185 = tpu.vector_load_idx %arg8[%parallel_loop3A_42, %parallel_loop3A_1183] : memref<4x128xf32, #tpu.memory_space<vmem>>[vector<16xi32>, vector<16xi32>], vector<16xf32>,
      %parallel_loop3A_1186 = arith.mulf %parallel_loop3A_1184, %parallel_loop3A_1185 : vector<16xf32>
      %parallel_loop3A_1187 = arith.addf %parallel_loop3A_1147, %parallel_loop3A_1186 : vector<16xf32>
      %parallel_loop3A_1188 = arith.constant 1 : i32
      %parallel_loop3A_1189 = vector.broadcast %parallel_loop3A_1188 : i32 to vector<16xi32>
      %parallel_loop3A_1190 = arith.addi %parallel_loop3A_1183, %parallel_loop3A_1189 : vector<16xi32>
      %parallel_loop3A_1191 = arith.constant 127 : i32
      %parallel_loop3A_1192 = vector.broadcast %parallel_loop3A_1191 : i32 to vector<16xi32>
      %parallel_loop3A_1193 = arith.andi %parallel_loop3A_1190, %parallel_loop3A_1192 : vector<16xi32>
      %parallel_loop3A_1194 = tpu.vector_load_idx %arg6[%parallel_loop3A_33, %parallel_loop3A_1193] : memref<96x128xf32, #tpu.memory_space<vmem>>[vector<16xi32>, vector<16xi32>], vector<16xf32>,
      %parallel_loop3A_1195 = tpu.vector_load_idx %arg8[%parallel_loop3A_42, %parallel_loop3A_1193] : memref<4x128xf32, #tpu.memory_space<vmem>>[vector<16xi32>, vector<16xi32>], vector<16xf32>,
      %parallel_loop3A_1196 = arith.mulf %parallel_loop3A_1194, %parallel_loop3A_1195 : vector<16xf32>
      %parallel_loop3A_1197 = arith.addf %parallel_loop3A_1157, %parallel_loop3A_1196 : vector<16xf32>
      %parallel_loop3A_1198 = arith.constant 1 : i32
      %parallel_loop3A_1199 = vector.broadcast %parallel_loop3A_1198 : i32 to vector<16xi32>
      %parallel_loop3A_1200 = arith.addi %parallel_loop3A_1193, %parallel_loop3A_1199 : vector<16xi32>
      %parallel_loop3A_1201 = arith.constant 127 : i32
      %parallel_loop3A_1202 = vector.broadcast %parallel_loop3A_1201 : i32 to vector<16xi32>
      %parallel_loop3A_1203 = arith.andi %parallel_loop3A_1200, %parallel_loop3A_1202 : vector<16xi32>
      %parallel_loop3A_1204 = tpu.vector_load_idx %arg6[%parallel_loop3A_33, %parallel_loop3A_1203] : memref<96x128xf32, #tpu.memory_space<vmem>>[vector<16xi32>, vector<16xi32>], vector<16xf32>,
      %parallel_loop3A_1205 = tpu.vector_load_idx %arg8[%parallel_loop3A_42, %parallel_loop3A_1203] : memref<4x128xf32, #tpu.memory_space<vmem>>[vector<16xi32>, vector<16xi32>], vector<16xf32>,
      %parallel_loop3A_1206 = arith.mulf %parallel_loop3A_1204, %parallel_loop3A_1205 : vector<16xf32>
      %parallel_loop3A_1207 = arith.addf %parallel_loop3A_1167, %parallel_loop3A_1206 : vector<16xf32>
      %parallel_loop3A_1208 = arith.constant 1 : i32
      %parallel_loop3A_1209 = vector.broadcast %parallel_loop3A_1208 : i32 to vector<16xi32>
      %parallel_loop3A_1210 = arith.addi %parallel_loop3A_1203, %parallel_loop3A_1209 : vector<16xi32>
      %parallel_loop3A_1211 = arith.constant 127 : i32
      %parallel_loop3A_1212 = vector.broadcast %parallel_loop3A_1211 : i32 to vector<16xi32>
      %parallel_loop3A_1213 = arith.andi %parallel_loop3A_1210, %parallel_loop3A_1212 : vector<16xi32>
      %parallel_loop3A_1214 = tpu.vector_load_idx %arg6[%parallel_loop3A_33, %parallel_loop3A_1213] : memref<96x128xf32, #tpu.memory_space<vmem>>[vector<16xi32>, vector<16xi32>], vector<16xf32>,
      %parallel_loop3A_1215 = tpu.vector_load_idx %arg8[%parallel_loop3A_42, %parallel_loop3A_1213] : memref<4x128xf32, #tpu.memory_space<vmem>>[vector<16xi32>, vector<16xi32>], vector<16xf32>,
      %parallel_loop3A_1216 = arith.mulf %parallel_loop3A_1214, %parallel_loop3A_1215 : vector<16xf32>
      %parallel_loop3A_1217 = arith.addf %parallel_loop3A_1177, %parallel_loop3A_1216 : vector<16xf32>
      %parallel_loop3A_1218 = arith.constant 1 : i32
      %parallel_loop3A_1219 = vector.broadcast %parallel_loop3A_1218 : i32 to vector<16xi32>
      %parallel_loop3A_1220 = arith.addi %parallel_loop3A_1213, %parallel_loop3A_1219 : vector<16xi32>
      %parallel_loop3A_1221 = arith.constant 127 : i32
      %parallel_loop3A_1222 = vector.broadcast %parallel_loop3A_1221 : i32 to vector<16xi32>
      %parallel_loop3A_1223 = arith.andi %parallel_loop3A_1220, %parallel_loop3A_1222 : vector<16xi32>
      %parallel_loop3A_1224 = tpu.vector_load_idx %arg6[%parallel_loop3A_33, %parallel_loop3A_1223] : memref<96x128xf32, #tpu.memory_space<vmem>>[vector<16xi32>, vector<16xi32>], vector<16xf32>,
      %parallel_loop3A_1225 = tpu.vector_load_idx %arg8[%parallel_loop3A_42, %parallel_loop3A_1223] : memref<4x128xf32, #tpu.memory_space<vmem>>[vector<16xi32>, vector<16xi32>], vector<16xf32>,
      %parallel_loop3A_1226 = arith.mulf %parallel_loop3A_1224, %parallel_loop3A_1225 : vector<16xf32>
      %parallel_loop3A_1227 = arith.addf %parallel_loop3A_1187, %parallel_loop3A_1226 : vector<16xf32>
      %parallel_loop3A_1228 = arith.constant 1 : i32
      %parallel_loop3A_1229 = vector.broadcast %parallel_loop3A_1228 : i32 to vector<16xi32>
      %parallel_loop3A_1230 = arith.addi %parallel_loop3A_1223, %parallel_loop3A_1229 : vector<16xi32>
      %parallel_loop3A_1231 = arith.constant 127 : i32
      %parallel_loop3A_1232 = vector.broadcast %parallel_loop3A_1231 : i32 to vector<16xi32>
      %parallel_loop3A_1233 = arith.andi %parallel_loop3A_1230, %parallel_loop3A_1232 : vector<16xi32>
      %parallel_loop3A_1234 = tpu.vector_load_idx %arg6[%parallel_loop3A_33, %parallel_loop3A_1233] : memref<96x128xf32, #tpu.memory_space<vmem>>[vector<16xi32>, vector<16xi32>], vector<16xf32>,
      %parallel_loop3A_1235 = tpu.vector_load_idx %arg8[%parallel_loop3A_42, %parallel_loop3A_1233] : memref<4x128xf32, #tpu.memory_space<vmem>>[vector<16xi32>, vector<16xi32>], vector<16xf32>,
      %parallel_loop3A_1236 = arith.mulf %parallel_loop3A_1234, %parallel_loop3A_1235 : vector<16xf32>
      %parallel_loop3A_1237 = arith.addf %parallel_loop3A_1197, %parallel_loop3A_1236 : vector<16xf32>
      %parallel_loop3A_1238 = arith.constant 1 : i32
      %parallel_loop3A_1239 = vector.broadcast %parallel_loop3A_1238 : i32 to vector<16xi32>
      %parallel_loop3A_1240 = arith.addi %parallel_loop3A_1233, %parallel_loop3A_1239 : vector<16xi32>
      %parallel_loop3A_1241 = arith.constant 127 : i32
      %parallel_loop3A_1242 = vector.broadcast %parallel_loop3A_1241 : i32 to vector<16xi32>
      %parallel_loop3A_1243 = arith.andi %parallel_loop3A_1240, %parallel_loop3A_1242 : vector<16xi32>
      %parallel_loop3A_1244 = tpu.vector_load_idx %arg6[%parallel_loop3A_33, %parallel_loop3A_1243] : memref<96x128xf32, #tpu.memory_space<vmem>>[vector<16xi32>, vector<16xi32>], vector<16xf32>,
      %parallel_loop3A_1245 = tpu.vector_load_idx %arg8[%parallel_loop3A_42, %parallel_loop3A_1243] : memref<4x128xf32, #tpu.memory_space<vmem>>[vector<16xi32>, vector<16xi32>], vector<16xf32>,
      %parallel_loop3A_1246 = arith.mulf %parallel_loop3A_1244, %parallel_loop3A_1245 : vector<16xf32>
      %parallel_loop3A_1247 = arith.addf %parallel_loop3A_1207, %parallel_loop3A_1246 : vector<16xf32>
      %parallel_loop3A_1248 = arith.constant 1 : i32
      %parallel_loop3A_1249 = vector.broadcast %parallel_loop3A_1248 : i32 to vector<16xi32>
      %parallel_loop3A_1250 = arith.addi %parallel_loop3A_1243, %parallel_loop3A_1249 : vector<16xi32>
      %parallel_loop3A_1251 = arith.constant 127 : i32
      %parallel_loop3A_1252 = vector.broadcast %parallel_loop3A_1251 : i32 to vector<16xi32>
      %parallel_loop3A_1253 = arith.andi %parallel_loop3A_1250, %parallel_loop3A_1252 : vector<16xi32>
      %parallel_loop3A_1254 = tpu.vector_load_idx %arg6[%parallel_loop3A_33, %parallel_loop3A_1253] : memref<96x128xf32, #tpu.memory_space<vmem>>[vector<16xi32>, vector<16xi32>], vector<16xf32>,
      %parallel_loop3A_1255 = tpu.vector_load_idx %arg8[%parallel_loop3A_42, %parallel_loop3A_1253] : memref<4x128xf32, #tpu.memory_space<vmem>>[vector<16xi32>, vector<16xi32>], vector<16xf32>,
      %parallel_loop3A_1256 = arith.mulf %parallel_loop3A_1254, %parallel_loop3A_1255 : vector<16xf32>
      %parallel_loop3A_1257 = arith.addf %parallel_loop3A_1217, %parallel_loop3A_1256 : vector<16xf32>
      %parallel_loop3A_1258 = arith.constant 1 : i32
      %parallel_loop3A_1259 = vector.broadcast %parallel_loop3A_1258 : i32 to vector<16xi32>
      %parallel_loop3A_1260 = arith.addi %parallel_loop3A_1253, %parallel_loop3A_1259 : vector<16xi32>
      %parallel_loop3A_1261 = arith.constant 127 : i32
      %parallel_loop3A_1262 = vector.broadcast %parallel_loop3A_1261 : i32 to vector<16xi32>
      %parallel_loop3A_1263 = arith.andi %parallel_loop3A_1260, %parallel_loop3A_1262 : vector<16xi32>
      %parallel_loop3A_1264 = tpu.vector_load_idx %arg6[%parallel_loop3A_33, %parallel_loop3A_1263] : memref<96x128xf32, #tpu.memory_space<vmem>>[vector<16xi32>, vector<16xi32>], vector<16xf32>,
      %parallel_loop3A_1265 = tpu.vector_load_idx %arg8[%parallel_loop3A_42, %parallel_loop3A_1263] : memref<4x128xf32, #tpu.memory_space<vmem>>[vector<16xi32>, vector<16xi32>], vector<16xf32>,
      %parallel_loop3A_1266 = arith.mulf %parallel_loop3A_1264, %parallel_loop3A_1265 : vector<16xf32>
      %parallel_loop3A_1267 = arith.addf %parallel_loop3A_1227, %parallel_loop3A_1266 : vector<16xf32>
      %parallel_loop3A_1268 = arith.constant 1 : i32
      %parallel_loop3A_1269 = vector.broadcast %parallel_loop3A_1268 : i32 to vector<16xi32>
      %parallel_loop3A_1270 = arith.addi %parallel_loop3A_1263, %parallel_loop3A_1269 : vector<16xi32>
      %parallel_loop3A_1271 = arith.constant 127 : i32
      %parallel_loop3A_1272 = vector.broadcast %parallel_loop3A_1271 : i32 to vector<16xi32>
      %parallel_loop3A_1273 = arith.andi %parallel_loop3A_1270, %parallel_loop3A_1272 : vector<16xi32>
      %parallel_loop3A_1274 = tpu.vector_load_idx %arg6[%parallel_loop3A_33, %parallel_loop3A_1273] : memref<96x128xf32, #tpu.memory_space<vmem>>[vector<16xi32>, vector<16xi32>], vector<16xf32>,
      %parallel_loop3A_1275 = tpu.vector_load_idx %arg8[%parallel_loop3A_42, %parallel_loop3A_1273] : memref<4x128xf32, #tpu.memory_space<vmem>>[vector<16xi32>, vector<16xi32>], vector<16xf32>,
      %parallel_loop3A_1276 = arith.mulf %parallel_loop3A_1274, %parallel_loop3A_1275 : vector<16xf32>
      %parallel_loop3A_1277 = arith.addf %parallel_loop3A_1237, %parallel_loop3A_1276 : vector<16xf32>
      %parallel_loop3A_1278 = arith.constant 1 : i32
      %parallel_loop3A_1279 = vector.broadcast %parallel_loop3A_1278 : i32 to vector<16xi32>
      %parallel_loop3A_1280 = arith.addi %parallel_loop3A_1273, %parallel_loop3A_1279 : vector<16xi32>
      %parallel_loop3A_1281 = arith.constant 127 : i32
      %parallel_loop3A_1282 = vector.broadcast %parallel_loop3A_1281 : i32 to vector<16xi32>
      %parallel_loop3A_1283 = arith.andi %parallel_loop3A_1280, %parallel_loop3A_1282 : vector<16xi32>
      %parallel_loop3A_1284 = tpu.vector_load_idx %arg6[%parallel_loop3A_33, %parallel_loop3A_1283] : memref<96x128xf32, #tpu.memory_space<vmem>>[vector<16xi32>, vector<16xi32>], vector<16xf32>,
      %parallel_loop3A_1285 = tpu.vector_load_idx %arg8[%parallel_loop3A_42, %parallel_loop3A_1283] : memref<4x128xf32, #tpu.memory_space<vmem>>[vector<16xi32>, vector<16xi32>], vector<16xf32>,
      %parallel_loop3A_1286 = arith.mulf %parallel_loop3A_1284, %parallel_loop3A_1285 : vector<16xf32>
      %parallel_loop3A_1287 = arith.addf %parallel_loop3A_1247, %parallel_loop3A_1286 : vector<16xf32>
      %parallel_loop3A_1288 = arith.constant 1 : i32
      %parallel_loop3A_1289 = vector.broadcast %parallel_loop3A_1288 : i32 to vector<16xi32>
      %parallel_loop3A_1290 = arith.addi %parallel_loop3A_1283, %parallel_loop3A_1289 : vector<16xi32>
      %parallel_loop3A_1291 = arith.constant 127 : i32
      %parallel_loop3A_1292 = vector.broadcast %parallel_loop3A_1291 : i32 to vector<16xi32>
      %parallel_loop3A_1293 = arith.andi %parallel_loop3A_1290, %parallel_loop3A_1292 : vector<16xi32>
      %parallel_loop3A_1294 = tpu.vector_load_idx %arg6[%parallel_loop3A_33, %parallel_loop3A_1293] : memref<96x128xf32, #tpu.memory_space<vmem>>[vector<16xi32>, vector<16xi32>], vector<16xf32>,
      %parallel_loop3A_1295 = tpu.vector_load_idx %arg8[%parallel_loop3A_42, %parallel_loop3A_1293] : memref<4x128xf32, #tpu.memory_space<vmem>>[vector<16xi32>, vector<16xi32>], vector<16xf32>,
      %parallel_loop3A_1296 = arith.mulf %parallel_loop3A_1294, %parallel_loop3A_1295 : vector<16xf32>
      %parallel_loop3A_1297 = arith.addf %parallel_loop3A_1257, %parallel_loop3A_1296 : vector<16xf32>
      %parallel_loop3A_1298 = arith.constant 1 : i32
      %parallel_loop3A_1299 = vector.broadcast %parallel_loop3A_1298 : i32 to vector<16xi32>
      %parallel_loop3A_1300 = arith.addi %parallel_loop3A_1293, %parallel_loop3A_1299 : vector<16xi32>
      %parallel_loop3A_1301 = arith.constant 127 : i32
      %parallel_loop3A_1302 = vector.broadcast %parallel_loop3A_1301 : i32 to vector<16xi32>
      %parallel_loop3A_1303 = arith.andi %parallel_loop3A_1300, %parallel_loop3A_1302 : vector<16xi32>
      %parallel_loop3A_1304 = tpu.vector_load_idx %arg6[%parallel_loop3A_33, %parallel_loop3A_1303] : memref<96x128xf32, #tpu.memory_space<vmem>>[vector<16xi32>, vector<16xi32>], vector<16xf32>,
      %parallel_loop3A_1305 = tpu.vector_load_idx %arg8[%parallel_loop3A_42, %parallel_loop3A_1303] : memref<4x128xf32, #tpu.memory_space<vmem>>[vector<16xi32>, vector<16xi32>], vector<16xf32>,
      %parallel_loop3A_1306 = arith.mulf %parallel_loop3A_1304, %parallel_loop3A_1305 : vector<16xf32>
      %parallel_loop3A_1307 = arith.addf %parallel_loop3A_1267, %parallel_loop3A_1306 : vector<16xf32>
      %parallel_loop3A_1308 = arith.constant 1 : i32
      %parallel_loop3A_1309 = vector.broadcast %parallel_loop3A_1308 : i32 to vector<16xi32>
      %parallel_loop3A_1310 = arith.addi %parallel_loop3A_1303, %parallel_loop3A_1309 : vector<16xi32>
      %parallel_loop3A_1311 = arith.constant 127 : i32
      %parallel_loop3A_1312 = vector.broadcast %parallel_loop3A_1311 : i32 to vector<16xi32>
      %parallel_loop3A_1313 = arith.andi %parallel_loop3A_1310, %parallel_loop3A_1312 : vector<16xi32>
      %parallel_loop3A_1314 = tpu.vector_load_idx %arg6[%parallel_loop3A_33, %parallel_loop3A_1313] : memref<96x128xf32, #tpu.memory_space<vmem>>[vector<16xi32>, vector<16xi32>], vector<16xf32>,
      %parallel_loop3A_1315 = tpu.vector_load_idx %arg8[%parallel_loop3A_42, %parallel_loop3A_1313] : memref<4x128xf32, #tpu.memory_space<vmem>>[vector<16xi32>, vector<16xi32>], vector<16xf32>,
      %parallel_loop3A_1316 = arith.mulf %parallel_loop3A_1314, %parallel_loop3A_1315 : vector<16xf32>
      %parallel_loop3A_1317 = arith.addf %parallel_loop3A_1277, %parallel_loop3A_1316 : vector<16xf32>
      %parallel_loop3A_1318 = arith.constant 1 : i32
      %parallel_loop3A_1319 = vector.broadcast %parallel_loop3A_1318 : i32 to vector<16xi32>
      %parallel_loop3A_1320 = arith.addi %parallel_loop3A_1313, %parallel_loop3A_1319 : vector<16xi32>
      %parallel_loop3A_1321 = arith.constant 127 : i32
      %parallel_loop3A_1322 = vector.broadcast %parallel_loop3A_1321 : i32 to vector<16xi32>
      %parallel_loop3A_1323 = arith.andi %parallel_loop3A_1320, %parallel_loop3A_1322 : vector<16xi32>
      %parallel_loop3A_1324 = tpu.vector_load_idx %arg6[%parallel_loop3A_33, %parallel_loop3A_1323] : memref<96x128xf32, #tpu.memory_space<vmem>>[vector<16xi32>, vector<16xi32>], vector<16xf32>,
      %parallel_loop3A_1325 = tpu.vector_load_idx %arg8[%parallel_loop3A_42, %parallel_loop3A_1323] : memref<4x128xf32, #tpu.memory_space<vmem>>[vector<16xi32>, vector<16xi32>], vector<16xf32>,
      %parallel_loop3A_1326 = arith.mulf %parallel_loop3A_1324, %parallel_loop3A_1325 : vector<16xf32>
      %parallel_loop3A_1327 = arith.addf %parallel_loop3A_1287, %parallel_loop3A_1326 : vector<16xf32>
      %parallel_loop3A_1328 = arith.constant 1 : i32
      %parallel_loop3A_1329 = vector.broadcast %parallel_loop3A_1328 : i32 to vector<16xi32>
      %parallel_loop3A_1330 = arith.addi %parallel_loop3A_1323, %parallel_loop3A_1329 : vector<16xi32>
      %parallel_loop3A_1331 = arith.constant 127 : i32
      %parallel_loop3A_1332 = vector.broadcast %parallel_loop3A_1331 : i32 to vector<16xi32>
      %parallel_loop3A_1333 = arith.andi %parallel_loop3A_1330, %parallel_loop3A_1332 : vector<16xi32>
      %parallel_loop3A_1334 = arith.addf %parallel_loop3A_1297, %parallel_loop3A_1307 : vector<16xf32>
      %parallel_loop3A_1335 = arith.addf %parallel_loop3A_1317, %parallel_loop3A_1327 : vector<16xf32>
      %parallel_loop3A_1336 = arith.addf %parallel_loop3A_1334, %parallel_loop3A_1335 : vector<16xf32>
      %parallel_loop3A_1337 = arith.constant 16 : i32
      %parallel_loop3A_1338 = arith.muli %parallel_loop3A_29, %parallel_loop3A_1337 : i32
      %parallel_loop3A_1339 = arith.constant 0 : i32
      %parallel_loop3A_1340 = arith.addi %parallel_loop3A_1339, %parallel_loop3A_1338 : i32
      %parallel_loop3A_1341 = arith.index_cast %parallel_loop3A_1340 : i32 to index
      %parallel_loop3A_1342 = tpu.vector_load %arg10[%parallel_loop3A_1341] {strides = array<i32>} : memref<192xf32, #tpu.memory_space<vmem>>, vector<16xf32>,
      tpu.vector_store %arg10[%parallel_loop3A_1341], %parallel_loop3A_1336 {strides = array<i32>} : memref<192xf32, #tpu.memory_space<vmem>>, vector<16xf32>,
    } {sc.loop_unroll_factor = 1 : i64, sc.parallel_access}
    %dma_wait3A_21 = arith.constant 0 : i32
    %dma_wait3A_22 = tpu.memref_slice %arg2[%add3A_9, %dma_wait3A_21] : memref<16384x128xf32, #tpu.memory_space<hbm>> -> memref<96x128xf32, #tpu.memory_space<hbm>>
    %dma_wait3A_23 = arith.constant 0 : i32
    %dma_wait3A_24 = tpu.memref_slice %arg2[%add3A_9, %dma_wait3A_23] : memref<16384x128xf32, #tpu.memory_space<hbm>> -> memref<96x128xf32, #tpu.memory_space<hbm>>
    tpu.wait_dma2 semaphore(%arg14 : memref<!tpu.dma_semaphore, #tpu.memory_space<semaphore_mem>>) src(%dma_wait3A_24 : memref<96x128xf32, #tpu.memory_space<hbm>>) dst(%arg7 : memref<96x128xf32, #tpu.memory_space<vmem>>)
    %iota3A_25 = tpu.iota {dimensions = array<i32: 0>} : vector<16xi32>
    %parallel_loop3A_26 = arith.constant 0 : i32
    %parallel_loop3A_27 = arith.constant 6 : i32
    %parallel_loop3A_28 = arith.constant 1 : i32
    scf.for %parallel_loop3A_29 = %parallel_loop3A_26 to %parallel_loop3A_27 step %parallel_loop3A_28  : i32 {
      %parallel_loop3A_30 = arith.constant 16 : i32
      %parallel_loop3A_31 = arith.muli %parallel_loop3A_29, %parallel_loop3A_30 : i32
      %parallel_loop3A_32 = vector.broadcast %parallel_loop3A_31 : i32 to vector<16xi32>
      %parallel_loop3A_33 = arith.addi %parallel_loop3A_32, %iota3A_25 : vector<16xi32>
      %parallel_loop3A_34 = arith.constant 96 : i32
      %parallel_loop3A_35 = vector.broadcast %parallel_loop3A_34 : i32 to vector<16xi32>
      %parallel_loop3A_36 = arith.addi %parallel_loop3A_35, %parallel_loop3A_33 : vector<16xi32>
      %parallel_loop3A_37 = arith.constant 16 : i32
      %parallel_loop3A_38 = arith.muli %parallel_loop3A_29, %parallel_loop3A_37 : i32
      %parallel_loop3A_39 = arith.constant 96 : i32
      %parallel_loop3A_40 = arith.addi %parallel_loop3A_39, %parallel_loop3A_38 : i32
      %parallel_loop3A_41 = arith.index_cast %parallel_loop3A_40 : i32 to index
      %parallel_loop3A_42 = tpu.vector_load %arg9[%parallel_loop3A_41] {strides = array<i32>} : memref<192xi32, #tpu.memory_space<vmem>>, vector<16xi32>,
      %parallel_loop3A_43 = arith.constant 127 : i32
      %parallel_loop3A_44 = vector.broadcast %parallel_loop3A_43 : i32 to vector<16xi32>
      %parallel_loop3A_45 = arith.andi %parallel_loop3A_36, %parallel_loop3A_44 : vector<16xi32>
      %parallel_loop3A_46 = arith.constant 0.000000e+00 : f32
      %parallel_loop3A_47 = vector.broadcast %parallel_loop3A_46 : f32 to vector<16xf32>
      %parallel_loop3A_48 = arith.constant 0.000000e+00 : f32
      %parallel_loop3A_49 = vector.broadcast %parallel_loop3A_48 : f32 to vector<16xf32>
      %parallel_loop3A_50 = arith.constant 0.000000e+00 : f32
      %parallel_loop3A_51 = vector.broadcast %parallel_loop3A_50 : f32 to vector<16xf32>
      %parallel_loop3A_52 = arith.constant 0.000000e+00 : f32
      %parallel_loop3A_53 = vector.broadcast %parallel_loop3A_52 : f32 to vector<16xf32>
      %parallel_loop3A_54 = tpu.vector_load_idx %arg7[%parallel_loop3A_33, %parallel_loop3A_45] : memref<96x128xf32, #tpu.memory_space<vmem>>[vector<16xi32>, vector<16xi32>], vector<16xf32>,
      %parallel_loop3A_55 = tpu.vector_load_idx %arg8[%parallel_loop3A_42, %parallel_loop3A_45] : memref<4x128xf32, #tpu.memory_space<vmem>>[vector<16xi32>, vector<16xi32>], vector<16xf32>,
      %parallel_loop3A_56 = arith.mulf %parallel_loop3A_54, %parallel_loop3A_55 : vector<16xf32>
      %parallel_loop3A_57 = arith.addf %parallel_loop3A_47, %parallel_loop3A_56 : vector<16xf32>
      %parallel_loop3A_58 = arith.constant 1 : i32
      %parallel_loop3A_59 = vector.broadcast %parallel_loop3A_58 : i32 to vector<16xi32>
      %parallel_loop3A_60 = arith.addi %parallel_loop3A_45, %parallel_loop3A_59 : vector<16xi32>
      %parallel_loop3A_61 = arith.constant 127 : i32
      %parallel_loop3A_62 = vector.broadcast %parallel_loop3A_61 : i32 to vector<16xi32>
      %parallel_loop3A_63 = arith.andi %parallel_loop3A_60, %parallel_loop3A_62 : vector<16xi32>
      %parallel_loop3A_64 = tpu.vector_load_idx %arg7[%parallel_loop3A_33, %parallel_loop3A_63] : memref<96x128xf32, #tpu.memory_space<vmem>>[vector<16xi32>, vector<16xi32>], vector<16xf32>,
      %parallel_loop3A_65 = tpu.vector_load_idx %arg8[%parallel_loop3A_42, %parallel_loop3A_63] : memref<4x128xf32, #tpu.memory_space<vmem>>[vector<16xi32>, vector<16xi32>], vector<16xf32>,
      %parallel_loop3A_66 = arith.mulf %parallel_loop3A_64, %parallel_loop3A_65 : vector<16xf32>
      %parallel_loop3A_67 = arith.addf %parallel_loop3A_49, %parallel_loop3A_66 : vector<16xf32>
      %parallel_loop3A_68 = arith.constant 1 : i32
      %parallel_loop3A_69 = vector.broadcast %parallel_loop3A_68 : i32 to vector<16xi32>
      %parallel_loop3A_70 = arith.addi %parallel_loop3A_63, %parallel_loop3A_69 : vector<16xi32>
      %parallel_loop3A_71 = arith.constant 127 : i32
      %parallel_loop3A_72 = vector.broadcast %parallel_loop3A_71 : i32 to vector<16xi32>
      %parallel_loop3A_73 = arith.andi %parallel_loop3A_70, %parallel_loop3A_72 : vector<16xi32>
      %parallel_loop3A_74 = tpu.vector_load_idx %arg7[%parallel_loop3A_33, %parallel_loop3A_73] : memref<96x128xf32, #tpu.memory_space<vmem>>[vector<16xi32>, vector<16xi32>], vector<16xf32>,
      %parallel_loop3A_75 = tpu.vector_load_idx %arg8[%parallel_loop3A_42, %parallel_loop3A_73] : memref<4x128xf32, #tpu.memory_space<vmem>>[vector<16xi32>, vector<16xi32>], vector<16xf32>,
      %parallel_loop3A_76 = arith.mulf %parallel_loop3A_74, %parallel_loop3A_75 : vector<16xf32>
      %parallel_loop3A_77 = arith.addf %parallel_loop3A_51, %parallel_loop3A_76 : vector<16xf32>
      %parallel_loop3A_78 = arith.constant 1 : i32
      %parallel_loop3A_79 = vector.broadcast %parallel_loop3A_78 : i32 to vector<16xi32>
      %parallel_loop3A_80 = arith.addi %parallel_loop3A_73, %parallel_loop3A_79 : vector<16xi32>
      %parallel_loop3A_81 = arith.constant 127 : i32
      %parallel_loop3A_82 = vector.broadcast %parallel_loop3A_81 : i32 to vector<16xi32>
      %parallel_loop3A_83 = arith.andi %parallel_loop3A_80, %parallel_loop3A_82 : vector<16xi32>
      %parallel_loop3A_84 = tpu.vector_load_idx %arg7[%parallel_loop3A_33, %parallel_loop3A_83] : memref<96x128xf32, #tpu.memory_space<vmem>>[vector<16xi32>, vector<16xi32>], vector<16xf32>,
      %parallel_loop3A_85 = tpu.vector_load_idx %arg8[%parallel_loop3A_42, %parallel_loop3A_83] : memref<4x128xf32, #tpu.memory_space<vmem>>[vector<16xi32>, vector<16xi32>], vector<16xf32>,
      %parallel_loop3A_86 = arith.mulf %parallel_loop3A_84, %parallel_loop3A_85 : vector<16xf32>
      %parallel_loop3A_87 = arith.addf %parallel_loop3A_53, %parallel_loop3A_86 : vector<16xf32>
      %parallel_loop3A_88 = arith.constant 1 : i32
      %parallel_loop3A_89 = vector.broadcast %parallel_loop3A_88 : i32 to vector<16xi32>
      %parallel_loop3A_90 = arith.addi %parallel_loop3A_83, %parallel_loop3A_89 : vector<16xi32>
      %parallel_loop3A_91 = arith.constant 127 : i32
      %parallel_loop3A_92 = vector.broadcast %parallel_loop3A_91 : i32 to vector<16xi32>
      %parallel_loop3A_93 = arith.andi %parallel_loop3A_90, %parallel_loop3A_92 : vector<16xi32>
      %parallel_loop3A_94 = tpu.vector_load_idx %arg7[%parallel_loop3A_33, %parallel_loop3A_93] : memref<96x128xf32, #tpu.memory_space<vmem>>[vector<16xi32>, vector<16xi32>], vector<16xf32>,
      %parallel_loop3A_95 = tpu.vector_load_idx %arg8[%parallel_loop3A_42, %parallel_loop3A_93] : memref<4x128xf32, #tpu.memory_space<vmem>>[vector<16xi32>, vector<16xi32>], vector<16xf32>,
      %parallel_loop3A_96 = arith.mulf %parallel_loop3A_94, %parallel_loop3A_95 : vector<16xf32>
      %parallel_loop3A_97 = arith.addf %parallel_loop3A_57, %parallel_loop3A_96 : vector<16xf32>
      %parallel_loop3A_98 = arith.constant 1 : i32
      %parallel_loop3A_99 = vector.broadcast %parallel_loop3A_98 : i32 to vector<16xi32>
      %parallel_loop3A_100 = arith.addi %parallel_loop3A_93, %parallel_loop3A_99 : vector<16xi32>
      %parallel_loop3A_101 = arith.constant 127 : i32
      %parallel_loop3A_102 = vector.broadcast %parallel_loop3A_101 : i32 to vector<16xi32>
      %parallel_loop3A_103 = arith.andi %parallel_loop3A_100, %parallel_loop3A_102 : vector<16xi32>
      %parallel_loop3A_104 = tpu.vector_load_idx %arg7[%parallel_loop3A_33, %parallel_loop3A_103] : memref<96x128xf32, #tpu.memory_space<vmem>>[vector<16xi32>, vector<16xi32>], vector<16xf32>,
      %parallel_loop3A_105 = tpu.vector_load_idx %arg8[%parallel_loop3A_42, %parallel_loop3A_103] : memref<4x128xf32, #tpu.memory_space<vmem>>[vector<16xi32>, vector<16xi32>], vector<16xf32>,
      %parallel_loop3A_106 = arith.mulf %parallel_loop3A_104, %parallel_loop3A_105 : vector<16xf32>
      %parallel_loop3A_107 = arith.addf %parallel_loop3A_67, %parallel_loop3A_106 : vector<16xf32>
      %parallel_loop3A_108 = arith.constant 1 : i32
      %parallel_loop3A_109 = vector.broadcast %parallel_loop3A_108 : i32 to vector<16xi32>
      %parallel_loop3A_110 = arith.addi %parallel_loop3A_103, %parallel_loop3A_109 : vector<16xi32>
      %parallel_loop3A_111 = arith.constant 127 : i32
      %parallel_loop3A_112 = vector.broadcast %parallel_loop3A_111 : i32 to vector<16xi32>
      %parallel_loop3A_113 = arith.andi %parallel_loop3A_110, %parallel_loop3A_112 : vector<16xi32>
      %parallel_loop3A_114 = tpu.vector_load_idx %arg7[%parallel_loop3A_33, %parallel_loop3A_113] : memref<96x128xf32, #tpu.memory_space<vmem>>[vector<16xi32>, vector<16xi32>], vector<16xf32>,
      %parallel_loop3A_115 = tpu.vector_load_idx %arg8[%parallel_loop3A_42, %parallel_loop3A_113] : memref<4x128xf32, #tpu.memory_space<vmem>>[vector<16xi32>, vector<16xi32>], vector<16xf32>,
      %parallel_loop3A_116 = arith.mulf %parallel_loop3A_114, %parallel_loop3A_115 : vector<16xf32>
      %parallel_loop3A_117 = arith.addf %parallel_loop3A_77, %parallel_loop3A_116 : vector<16xf32>
      %parallel_loop3A_118 = arith.constant 1 : i32
      %parallel_loop3A_119 = vector.broadcast %parallel_loop3A_118 : i32 to vector<16xi32>
      %parallel_loop3A_120 = arith.addi %parallel_loop3A_113, %parallel_loop3A_119 : vector<16xi32>
      %parallel_loop3A_121 = arith.constant 127 : i32
      %parallel_loop3A_122 = vector.broadcast %parallel_loop3A_121 : i32 to vector<16xi32>
      %parallel_loop3A_123 = arith.andi %parallel_loop3A_120, %parallel_loop3A_122 : vector<16xi32>
      %parallel_loop3A_124 = tpu.vector_load_idx %arg7[%parallel_loop3A_33, %parallel_loop3A_123] : memref<96x128xf32, #tpu.memory_space<vmem>>[vector<16xi32>, vector<16xi32>], vector<16xf32>,
      %parallel_loop3A_125 = tpu.vector_load_idx %arg8[%parallel_loop3A_42, %parallel_loop3A_123] : memref<4x128xf32, #tpu.memory_space<vmem>>[vector<16xi32>, vector<16xi32>], vector<16xf32>,
      %parallel_loop3A_126 = arith.mulf %parallel_loop3A_124, %parallel_loop3A_125 : vector<16xf32>
      %parallel_loop3A_127 = arith.addf %parallel_loop3A_87, %parallel_loop3A_126 : vector<16xf32>
      %parallel_loop3A_128 = arith.constant 1 : i32
      %parallel_loop3A_129 = vector.broadcast %parallel_loop3A_128 : i32 to vector<16xi32>
      %parallel_loop3A_130 = arith.addi %parallel_loop3A_123, %parallel_loop3A_129 : vector<16xi32>
      %parallel_loop3A_131 = arith.constant 127 : i32
      %parallel_loop3A_132 = vector.broadcast %parallel_loop3A_131 : i32 to vector<16xi32>
      %parallel_loop3A_133 = arith.andi %parallel_loop3A_130, %parallel_loop3A_132 : vector<16xi32>
      %parallel_loop3A_134 = tpu.vector_load_idx %arg7[%parallel_loop3A_33, %parallel_loop3A_133] : memref<96x128xf32, #tpu.memory_space<vmem>>[vector<16xi32>, vector<16xi32>], vector<16xf32>,
      %parallel_loop3A_135 = tpu.vector_load_idx %arg8[%parallel_loop3A_42, %parallel_loop3A_133] : memref<4x128xf32, #tpu.memory_space<vmem>>[vector<16xi32>, vector<16xi32>], vector<16xf32>,
      %parallel_loop3A_136 = arith.mulf %parallel_loop3A_134, %parallel_loop3A_135 : vector<16xf32>
      %parallel_loop3A_137 = arith.addf %parallel_loop3A_97, %parallel_loop3A_136 : vector<16xf32>
      %parallel_loop3A_138 = arith.constant 1 : i32
      %parallel_loop3A_139 = vector.broadcast %parallel_loop3A_138 : i32 to vector<16xi32>
      %parallel_loop3A_140 = arith.addi %parallel_loop3A_133, %parallel_loop3A_139 : vector<16xi32>
      %parallel_loop3A_141 = arith.constant 127 : i32
      %parallel_loop3A_142 = vector.broadcast %parallel_loop3A_141 : i32 to vector<16xi32>
      %parallel_loop3A_143 = arith.andi %parallel_loop3A_140, %parallel_loop3A_142 : vector<16xi32>
      %parallel_loop3A_144 = tpu.vector_load_idx %arg7[%parallel_loop3A_33, %parallel_loop3A_143] : memref<96x128xf32, #tpu.memory_space<vmem>>[vector<16xi32>, vector<16xi32>], vector<16xf32>,
      %parallel_loop3A_145 = tpu.vector_load_idx %arg8[%parallel_loop3A_42, %parallel_loop3A_143] : memref<4x128xf32, #tpu.memory_space<vmem>>[vector<16xi32>, vector<16xi32>], vector<16xf32>,
      %parallel_loop3A_146 = arith.mulf %parallel_loop3A_144, %parallel_loop3A_145 : vector<16xf32>
      %parallel_loop3A_147 = arith.addf %parallel_loop3A_107, %parallel_loop3A_146 : vector<16xf32>
      %parallel_loop3A_148 = arith.constant 1 : i32
      %parallel_loop3A_149 = vector.broadcast %parallel_loop3A_148 : i32 to vector<16xi32>
      %parallel_loop3A_150 = arith.addi %parallel_loop3A_143, %parallel_loop3A_149 : vector<16xi32>
      %parallel_loop3A_151 = arith.constant 127 : i32
      %parallel_loop3A_152 = vector.broadcast %parallel_loop3A_151 : i32 to vector<16xi32>
      %parallel_loop3A_153 = arith.andi %parallel_loop3A_150, %parallel_loop3A_152 : vector<16xi32>
      %parallel_loop3A_154 = tpu.vector_load_idx %arg7[%parallel_loop3A_33, %parallel_loop3A_153] : memref<96x128xf32, #tpu.memory_space<vmem>>[vector<16xi32>, vector<16xi32>], vector<16xf32>,
      %parallel_loop3A_155 = tpu.vector_load_idx %arg8[%parallel_loop3A_42, %parallel_loop3A_153] : memref<4x128xf32, #tpu.memory_space<vmem>>[vector<16xi32>, vector<16xi32>], vector<16xf32>,
      %parallel_loop3A_156 = arith.mulf %parallel_loop3A_154, %parallel_loop3A_155 : vector<16xf32>
      %parallel_loop3A_157 = arith.addf %parallel_loop3A_117, %parallel_loop3A_156 : vector<16xf32>
      %parallel_loop3A_158 = arith.constant 1 : i32
      %parallel_loop3A_159 = vector.broadcast %parallel_loop3A_158 : i32 to vector<16xi32>
      %parallel_loop3A_160 = arith.addi %parallel_loop3A_153, %parallel_loop3A_159 : vector<16xi32>
      %parallel_loop3A_161 = arith.constant 127 : i32
      %parallel_loop3A_162 = vector.broadcast %parallel_loop3A_161 : i32 to vector<16xi32>
      %parallel_loop3A_163 = arith.andi %parallel_loop3A_160, %parallel_loop3A_162 : vector<16xi32>
      %parallel_loop3A_164 = tpu.vector_load_idx %arg7[%parallel_loop3A_33, %parallel_loop3A_163] : memref<96x128xf32, #tpu.memory_space<vmem>>[vector<16xi32>, vector<16xi32>], vector<16xf32>,
      %parallel_loop3A_165 = tpu.vector_load_idx %arg8[%parallel_loop3A_42, %parallel_loop3A_163] : memref<4x128xf32, #tpu.memory_space<vmem>>[vector<16xi32>, vector<16xi32>], vector<16xf32>,
      %parallel_loop3A_166 = arith.mulf %parallel_loop3A_164, %parallel_loop3A_165 : vector<16xf32>
      %parallel_loop3A_167 = arith.addf %parallel_loop3A_127, %parallel_loop3A_166 : vector<16xf32>
      %parallel_loop3A_168 = arith.constant 1 : i32
      %parallel_loop3A_169 = vector.broadcast %parallel_loop3A_168 : i32 to vector<16xi32>
      %parallel_loop3A_170 = arith.addi %parallel_loop3A_163, %parallel_loop3A_169 : vector<16xi32>
      %parallel_loop3A_171 = arith.constant 127 : i32
      %parallel_loop3A_172 = vector.broadcast %parallel_loop3A_171 : i32 to vector<16xi32>
      %parallel_loop3A_173 = arith.andi %parallel_loop3A_170, %parallel_loop3A_172 : vector<16xi32>
      %parallel_loop3A_174 = tpu.vector_load_idx %arg7[%parallel_loop3A_33, %parallel_loop3A_173] : memref<96x128xf32, #tpu.memory_space<vmem>>[vector<16xi32>, vector<16xi32>], vector<16xf32>,
      %parallel_loop3A_175 = tpu.vector_load_idx %arg8[%parallel_loop3A_42, %parallel_loop3A_173] : memref<4x128xf32, #tpu.memory_space<vmem>>[vector<16xi32>, vector<16xi32>], vector<16xf32>,
      %parallel_loop3A_176 = arith.mulf %parallel_loop3A_174, %parallel_loop3A_175 : vector<16xf32>
      %parallel_loop3A_177 = arith.addf %parallel_loop3A_137, %parallel_loop3A_176 : vector<16xf32>
      %parallel_loop3A_178 = arith.constant 1 : i32
      %parallel_loop3A_179 = vector.broadcast %parallel_loop3A_178 : i32 to vector<16xi32>
      %parallel_loop3A_180 = arith.addi %parallel_loop3A_173, %parallel_loop3A_179 : vector<16xi32>
      %parallel_loop3A_181 = arith.constant 127 : i32
      %parallel_loop3A_182 = vector.broadcast %parallel_loop3A_181 : i32 to vector<16xi32>
      %parallel_loop3A_183 = arith.andi %parallel_loop3A_180, %parallel_loop3A_182 : vector<16xi32>
      %parallel_loop3A_184 = tpu.vector_load_idx %arg7[%parallel_loop3A_33, %parallel_loop3A_183] : memref<96x128xf32, #tpu.memory_space<vmem>>[vector<16xi32>, vector<16xi32>], vector<16xf32>,
      %parallel_loop3A_185 = tpu.vector_load_idx %arg8[%parallel_loop3A_42, %parallel_loop3A_183] : memref<4x128xf32, #tpu.memory_space<vmem>>[vector<16xi32>, vector<16xi32>], vector<16xf32>,
      %parallel_loop3A_186 = arith.mulf %parallel_loop3A_184, %parallel_loop3A_185 : vector<16xf32>
      %parallel_loop3A_187 = arith.addf %parallel_loop3A_147, %parallel_loop3A_186 : vector<16xf32>
      %parallel_loop3A_188 = arith.constant 1 : i32
      %parallel_loop3A_189 = vector.broadcast %parallel_loop3A_188 : i32 to vector<16xi32>
      %parallel_loop3A_190 = arith.addi %parallel_loop3A_183, %parallel_loop3A_189 : vector<16xi32>
      %parallel_loop3A_191 = arith.constant 127 : i32
      %parallel_loop3A_192 = vector.broadcast %parallel_loop3A_191 : i32 to vector<16xi32>
      %parallel_loop3A_193 = arith.andi %parallel_loop3A_190, %parallel_loop3A_192 : vector<16xi32>
      %parallel_loop3A_194 = tpu.vector_load_idx %arg7[%parallel_loop3A_33, %parallel_loop3A_193] : memref<96x128xf32, #tpu.memory_space<vmem>>[vector<16xi32>, vector<16xi32>], vector<16xf32>,
      %parallel_loop3A_195 = tpu.vector_load_idx %arg8[%parallel_loop3A_42, %parallel_loop3A_193] : memref<4x128xf32, #tpu.memory_space<vmem>>[vector<16xi32>, vector<16xi32>], vector<16xf32>,
      %parallel_loop3A_196 = arith.mulf %parallel_loop3A_194, %parallel_loop3A_195 : vector<16xf32>
      %parallel_loop3A_197 = arith.addf %parallel_loop3A_157, %parallel_loop3A_196 : vector<16xf32>
      %parallel_loop3A_198 = arith.constant 1 : i32
      %parallel_loop3A_199 = vector.broadcast %parallel_loop3A_198 : i32 to vector<16xi32>
      %parallel_loop3A_200 = arith.addi %parallel_loop3A_193, %parallel_loop3A_199 : vector<16xi32>
      %parallel_loop3A_201 = arith.constant 127 : i32
      %parallel_loop3A_202 = vector.broadcast %parallel_loop3A_201 : i32 to vector<16xi32>
      %parallel_loop3A_203 = arith.andi %parallel_loop3A_200, %parallel_loop3A_202 : vector<16xi32>
      %parallel_loop3A_204 = tpu.vector_load_idx %arg7[%parallel_loop3A_33, %parallel_loop3A_203] : memref<96x128xf32, #tpu.memory_space<vmem>>[vector<16xi32>, vector<16xi32>], vector<16xf32>,
      %parallel_loop3A_205 = tpu.vector_load_idx %arg8[%parallel_loop3A_42, %parallel_loop3A_203] : memref<4x128xf32, #tpu.memory_space<vmem>>[vector<16xi32>, vector<16xi32>], vector<16xf32>,
      %parallel_loop3A_206 = arith.mulf %parallel_loop3A_204, %parallel_loop3A_205 : vector<16xf32>
      %parallel_loop3A_207 = arith.addf %parallel_loop3A_167, %parallel_loop3A_206 : vector<16xf32>
      %parallel_loop3A_208 = arith.constant 1 : i32
      %parallel_loop3A_209 = vector.broadcast %parallel_loop3A_208 : i32 to vector<16xi32>
      %parallel_loop3A_210 = arith.addi %parallel_loop3A_203, %parallel_loop3A_209 : vector<16xi32>
      %parallel_loop3A_211 = arith.constant 127 : i32
      %parallel_loop3A_212 = vector.broadcast %parallel_loop3A_211 : i32 to vector<16xi32>
      %parallel_loop3A_213 = arith.andi %parallel_loop3A_210, %parallel_loop3A_212 : vector<16xi32>
      %parallel_loop3A_214 = tpu.vector_load_idx %arg7[%parallel_loop3A_33, %parallel_loop3A_213] : memref<96x128xf32, #tpu.memory_space<vmem>>[vector<16xi32>, vector<16xi32>], vector<16xf32>,
      %parallel_loop3A_215 = tpu.vector_load_idx %arg8[%parallel_loop3A_42, %parallel_loop3A_213] : memref<4x128xf32, #tpu.memory_space<vmem>>[vector<16xi32>, vector<16xi32>], vector<16xf32>,
      %parallel_loop3A_216 = arith.mulf %parallel_loop3A_214, %parallel_loop3A_215 : vector<16xf32>
      %parallel_loop3A_217 = arith.addf %parallel_loop3A_177, %parallel_loop3A_216 : vector<16xf32>
      %parallel_loop3A_218 = arith.constant 1 : i32
      %parallel_loop3A_219 = vector.broadcast %parallel_loop3A_218 : i32 to vector<16xi32>
      %parallel_loop3A_220 = arith.addi %parallel_loop3A_213, %parallel_loop3A_219 : vector<16xi32>
      %parallel_loop3A_221 = arith.constant 127 : i32
      %parallel_loop3A_222 = vector.broadcast %parallel_loop3A_221 : i32 to vector<16xi32>
      %parallel_loop3A_223 = arith.andi %parallel_loop3A_220, %parallel_loop3A_222 : vector<16xi32>
      %parallel_loop3A_224 = tpu.vector_load_idx %arg7[%parallel_loop3A_33, %parallel_loop3A_223] : memref<96x128xf32, #tpu.memory_space<vmem>>[vector<16xi32>, vector<16xi32>], vector<16xf32>,
      %parallel_loop3A_225 = tpu.vector_load_idx %arg8[%parallel_loop3A_42, %parallel_loop3A_223] : memref<4x128xf32, #tpu.memory_space<vmem>>[vector<16xi32>, vector<16xi32>], vector<16xf32>,
      %parallel_loop3A_226 = arith.mulf %parallel_loop3A_224, %parallel_loop3A_225 : vector<16xf32>
      %parallel_loop3A_227 = arith.addf %parallel_loop3A_187, %parallel_loop3A_226 : vector<16xf32>
      %parallel_loop3A_228 = arith.constant 1 : i32
      %parallel_loop3A_229 = vector.broadcast %parallel_loop3A_228 : i32 to vector<16xi32>
      %parallel_loop3A_230 = arith.addi %parallel_loop3A_223, %parallel_loop3A_229 : vector<16xi32>
      %parallel_loop3A_231 = arith.constant 127 : i32
      %parallel_loop3A_232 = vector.broadcast %parallel_loop3A_231 : i32 to vector<16xi32>
      %parallel_loop3A_233 = arith.andi %parallel_loop3A_230, %parallel_loop3A_232 : vector<16xi32>
      %parallel_loop3A_234 = tpu.vector_load_idx %arg7[%parallel_loop3A_33, %parallel_loop3A_233] : memref<96x128xf32, #tpu.memory_space<vmem>>[vector<16xi32>, vector<16xi32>], vector<16xf32>,
      %parallel_loop3A_235 = tpu.vector_load_idx %arg8[%parallel_loop3A_42, %parallel_loop3A_233] : memref<4x128xf32, #tpu.memory_space<vmem>>[vector<16xi32>, vector<16xi32>], vector<16xf32>,
      %parallel_loop3A_236 = arith.mulf %parallel_loop3A_234, %parallel_loop3A_235 : vector<16xf32>
      %parallel_loop3A_237 = arith.addf %parallel_loop3A_197, %parallel_loop3A_236 : vector<16xf32>
      %parallel_loop3A_238 = arith.constant 1 : i32
      %parallel_loop3A_239 = vector.broadcast %parallel_loop3A_238 : i32 to vector<16xi32>
      %parallel_loop3A_240 = arith.addi %parallel_loop3A_233, %parallel_loop3A_239 : vector<16xi32>
      %parallel_loop3A_241 = arith.constant 127 : i32
      %parallel_loop3A_242 = vector.broadcast %parallel_loop3A_241 : i32 to vector<16xi32>
      %parallel_loop3A_243 = arith.andi %parallel_loop3A_240, %parallel_loop3A_242 : vector<16xi32>
      %parallel_loop3A_244 = tpu.vector_load_idx %arg7[%parallel_loop3A_33, %parallel_loop3A_243] : memref<96x128xf32, #tpu.memory_space<vmem>>[vector<16xi32>, vector<16xi32>], vector<16xf32>,
      %parallel_loop3A_245 = tpu.vector_load_idx %arg8[%parallel_loop3A_42, %parallel_loop3A_243] : memref<4x128xf32, #tpu.memory_space<vmem>>[vector<16xi32>, vector<16xi32>], vector<16xf32>,
      %parallel_loop3A_246 = arith.mulf %parallel_loop3A_244, %parallel_loop3A_245 : vector<16xf32>
      %parallel_loop3A_247 = arith.addf %parallel_loop3A_207, %parallel_loop3A_246 : vector<16xf32>
      %parallel_loop3A_248 = arith.constant 1 : i32
      %parallel_loop3A_249 = vector.broadcast %parallel_loop3A_248 : i32 to vector<16xi32>
      %parallel_loop3A_250 = arith.addi %parallel_loop3A_243, %parallel_loop3A_249 : vector<16xi32>
      %parallel_loop3A_251 = arith.constant 127 : i32
      %parallel_loop3A_252 = vector.broadcast %parallel_loop3A_251 : i32 to vector<16xi32>
      %parallel_loop3A_253 = arith.andi %parallel_loop3A_250, %parallel_loop3A_252 : vector<16xi32>
      %parallel_loop3A_254 = tpu.vector_load_idx %arg7[%parallel_loop3A_33, %parallel_loop3A_253] : memref<96x128xf32, #tpu.memory_space<vmem>>[vector<16xi32>, vector<16xi32>], vector<16xf32>,
      %parallel_loop3A_255 = tpu.vector_load_idx %arg8[%parallel_loop3A_42, %parallel_loop3A_253] : memref<4x128xf32, #tpu.memory_space<vmem>>[vector<16xi32>, vector<16xi32>], vector<16xf32>,
      %parallel_loop3A_256 = arith.mulf %parallel_loop3A_254, %parallel_loop3A_255 : vector<16xf32>
      %parallel_loop3A_257 = arith.addf %parallel_loop3A_217, %parallel_loop3A_256 : vector<16xf32>
      %parallel_loop3A_258 = arith.constant 1 : i32
      %parallel_loop3A_259 = vector.broadcast %parallel_loop3A_258 : i32 to vector<16xi32>
      %parallel_loop3A_260 = arith.addi %parallel_loop3A_253, %parallel_loop3A_259 : vector<16xi32>
      %parallel_loop3A_261 = arith.constant 127 : i32
      %parallel_loop3A_262 = vector.broadcast %parallel_loop3A_261 : i32 to vector<16xi32>
      %parallel_loop3A_263 = arith.andi %parallel_loop3A_260, %parallel_loop3A_262 : vector<16xi32>
      %parallel_loop3A_264 = tpu.vector_load_idx %arg7[%parallel_loop3A_33, %parallel_loop3A_263] : memref<96x128xf32, #tpu.memory_space<vmem>>[vector<16xi32>, vector<16xi32>], vector<16xf32>,
      %parallel_loop3A_265 = tpu.vector_load_idx %arg8[%parallel_loop3A_42, %parallel_loop3A_263] : memref<4x128xf32, #tpu.memory_space<vmem>>[vector<16xi32>, vector<16xi32>], vector<16xf32>,
      %parallel_loop3A_266 = arith.mulf %parallel_loop3A_264, %parallel_loop3A_265 : vector<16xf32>
      %parallel_loop3A_267 = arith.addf %parallel_loop3A_227, %parallel_loop3A_266 : vector<16xf32>
      %parallel_loop3A_268 = arith.constant 1 : i32
      %parallel_loop3A_269 = vector.broadcast %parallel_loop3A_268 : i32 to vector<16xi32>
      %parallel_loop3A_270 = arith.addi %parallel_loop3A_263, %parallel_loop3A_269 : vector<16xi32>
      %parallel_loop3A_271 = arith.constant 127 : i32
      %parallel_loop3A_272 = vector.broadcast %parallel_loop3A_271 : i32 to vector<16xi32>
      %parallel_loop3A_273 = arith.andi %parallel_loop3A_270, %parallel_loop3A_272 : vector<16xi32>
      %parallel_loop3A_274 = tpu.vector_load_idx %arg7[%parallel_loop3A_33, %parallel_loop3A_273] : memref<96x128xf32, #tpu.memory_space<vmem>>[vector<16xi32>, vector<16xi32>], vector<16xf32>,
      %parallel_loop3A_275 = tpu.vector_load_idx %arg8[%parallel_loop3A_42, %parallel_loop3A_273] : memref<4x128xf32, #tpu.memory_space<vmem>>[vector<16xi32>, vector<16xi32>], vector<16xf32>,
      %parallel_loop3A_276 = arith.mulf %parallel_loop3A_274, %parallel_loop3A_275 : vector<16xf32>
      %parallel_loop3A_277 = arith.addf %parallel_loop3A_237, %parallel_loop3A_276 : vector<16xf32>
      %parallel_loop3A_278 = arith.constant 1 : i32
      %parallel_loop3A_279 = vector.broadcast %parallel_loop3A_278 : i32 to vector<16xi32>
      %parallel_loop3A_280 = arith.addi %parallel_loop3A_273, %parallel_loop3A_279 : vector<16xi32>
      %parallel_loop3A_281 = arith.constant 127 : i32
      %parallel_loop3A_282 = vector.broadcast %parallel_loop3A_281 : i32 to vector<16xi32>
      %parallel_loop3A_283 = arith.andi %parallel_loop3A_280, %parallel_loop3A_282 : vector<16xi32>
      %parallel_loop3A_284 = tpu.vector_load_idx %arg7[%parallel_loop3A_33, %parallel_loop3A_283] : memref<96x128xf32, #tpu.memory_space<vmem>>[vector<16xi32>, vector<16xi32>], vector<16xf32>,
      %parallel_loop3A_285 = tpu.vector_load_idx %arg8[%parallel_loop3A_42, %parallel_loop3A_283] : memref<4x128xf32, #tpu.memory_space<vmem>>[vector<16xi32>, vector<16xi32>], vector<16xf32>,
      %parallel_loop3A_286 = arith.mulf %parallel_loop3A_284, %parallel_loop3A_285 : vector<16xf32>
      %parallel_loop3A_287 = arith.addf %parallel_loop3A_247, %parallel_loop3A_286 : vector<16xf32>
      %parallel_loop3A_288 = arith.constant 1 : i32
      %parallel_loop3A_289 = vector.broadcast %parallel_loop3A_288 : i32 to vector<16xi32>
      %parallel_loop3A_290 = arith.addi %parallel_loop3A_283, %parallel_loop3A_289 : vector<16xi32>
      %parallel_loop3A_291 = arith.constant 127 : i32
      %parallel_loop3A_292 = vector.broadcast %parallel_loop3A_291 : i32 to vector<16xi32>
      %parallel_loop3A_293 = arith.andi %parallel_loop3A_290, %parallel_loop3A_292 : vector<16xi32>
      %parallel_loop3A_294 = tpu.vector_load_idx %arg7[%parallel_loop3A_33, %parallel_loop3A_293] : memref<96x128xf32, #tpu.memory_space<vmem>>[vector<16xi32>, vector<16xi32>], vector<16xf32>,
      %parallel_loop3A_295 = tpu.vector_load_idx %arg8[%parallel_loop3A_42, %parallel_loop3A_293] : memref<4x128xf32, #tpu.memory_space<vmem>>[vector<16xi32>, vector<16xi32>], vector<16xf32>,
      %parallel_loop3A_296 = arith.mulf %parallel_loop3A_294, %parallel_loop3A_295 : vector<16xf32>
      %parallel_loop3A_297 = arith.addf %parallel_loop3A_257, %parallel_loop3A_296 : vector<16xf32>
      %parallel_loop3A_298 = arith.constant 1 : i32
      %parallel_loop3A_299 = vector.broadcast %parallel_loop3A_298 : i32 to vector<16xi32>
      %parallel_loop3A_300 = arith.addi %parallel_loop3A_293, %parallel_loop3A_299 : vector<16xi32>
      %parallel_loop3A_301 = arith.constant 127 : i32
      %parallel_loop3A_302 = vector.broadcast %parallel_loop3A_301 : i32 to vector<16xi32>
      %parallel_loop3A_303 = arith.andi %parallel_loop3A_300, %parallel_loop3A_302 : vector<16xi32>
      %parallel_loop3A_304 = tpu.vector_load_idx %arg7[%parallel_loop3A_33, %parallel_loop3A_303] : memref<96x128xf32, #tpu.memory_space<vmem>>[vector<16xi32>, vector<16xi32>], vector<16xf32>,
      %parallel_loop3A_305 = tpu.vector_load_idx %arg8[%parallel_loop3A_42, %parallel_loop3A_303] : memref<4x128xf32, #tpu.memory_space<vmem>>[vector<16xi32>, vector<16xi32>], vector<16xf32>,
      %parallel_loop3A_306 = arith.mulf %parallel_loop3A_304, %parallel_loop3A_305 : vector<16xf32>
      %parallel_loop3A_307 = arith.addf %parallel_loop3A_267, %parallel_loop3A_306 : vector<16xf32>
      %parallel_loop3A_308 = arith.constant 1 : i32
      %parallel_loop3A_309 = vector.broadcast %parallel_loop3A_308 : i32 to vector<16xi32>
      %parallel_loop3A_310 = arith.addi %parallel_loop3A_303, %parallel_loop3A_309 : vector<16xi32>
      %parallel_loop3A_311 = arith.constant 127 : i32
      %parallel_loop3A_312 = vector.broadcast %parallel_loop3A_311 : i32 to vector<16xi32>
      %parallel_loop3A_313 = arith.andi %parallel_loop3A_310, %parallel_loop3A_312 : vector<16xi32>
      %parallel_loop3A_314 = tpu.vector_load_idx %arg7[%parallel_loop3A_33, %parallel_loop3A_313] : memref<96x128xf32, #tpu.memory_space<vmem>>[vector<16xi32>, vector<16xi32>], vector<16xf32>,
      %parallel_loop3A_315 = tpu.vector_load_idx %arg8[%parallel_loop3A_42, %parallel_loop3A_313] : memref<4x128xf32, #tpu.memory_space<vmem>>[vector<16xi32>, vector<16xi32>], vector<16xf32>,
      %parallel_loop3A_316 = arith.mulf %parallel_loop3A_314, %parallel_loop3A_315 : vector<16xf32>
      %parallel_loop3A_317 = arith.addf %parallel_loop3A_277, %parallel_loop3A_316 : vector<16xf32>
      %parallel_loop3A_318 = arith.constant 1 : i32
      %parallel_loop3A_319 = vector.broadcast %parallel_loop3A_318 : i32 to vector<16xi32>
      %parallel_loop3A_320 = arith.addi %parallel_loop3A_313, %parallel_loop3A_319 : vector<16xi32>
      %parallel_loop3A_321 = arith.constant 127 : i32
      %parallel_loop3A_322 = vector.broadcast %parallel_loop3A_321 : i32 to vector<16xi32>
      %parallel_loop3A_323 = arith.andi %parallel_loop3A_320, %parallel_loop3A_322 : vector<16xi32>
      %parallel_loop3A_324 = tpu.vector_load_idx %arg7[%parallel_loop3A_33, %parallel_loop3A_323] : memref<96x128xf32, #tpu.memory_space<vmem>>[vector<16xi32>, vector<16xi32>], vector<16xf32>,
      %parallel_loop3A_325 = tpu.vector_load_idx %arg8[%parallel_loop3A_42, %parallel_loop3A_323] : memref<4x128xf32, #tpu.memory_space<vmem>>[vector<16xi32>, vector<16xi32>], vector<16xf32>,
      %parallel_loop3A_326 = arith.mulf %parallel_loop3A_324, %parallel_loop3A_325 : vector<16xf32>
      %parallel_loop3A_327 = arith.addf %parallel_loop3A_287, %parallel_loop3A_326 : vector<16xf32>
      %parallel_loop3A_328 = arith.constant 1 : i32
      %parallel_loop3A_329 = vector.broadcast %parallel_loop3A_328 : i32 to vector<16xi32>
      %parallel_loop3A_330 = arith.addi %parallel_loop3A_323, %parallel_loop3A_329 : vector<16xi32>
      %parallel_loop3A_331 = arith.constant 127 : i32
      %parallel_loop3A_332 = vector.broadcast %parallel_loop3A_331 : i32 to vector<16xi32>
      %parallel_loop3A_333 = arith.andi %parallel_loop3A_330, %parallel_loop3A_332 : vector<16xi32>
      %parallel_loop3A_334 = tpu.vector_load_idx %arg7[%parallel_loop3A_33, %parallel_loop3A_333] : memref<96x128xf32, #tpu.memory_space<vmem>>[vector<16xi32>, vector<16xi32>], vector<16xf32>,
      %parallel_loop3A_335 = tpu.vector_load_idx %arg8[%parallel_loop3A_42, %parallel_loop3A_333] : memref<4x128xf32, #tpu.memory_space<vmem>>[vector<16xi32>, vector<16xi32>], vector<16xf32>,
      %parallel_loop3A_336 = arith.mulf %parallel_loop3A_334, %parallel_loop3A_335 : vector<16xf32>
      %parallel_loop3A_337 = arith.addf %parallel_loop3A_297, %parallel_loop3A_336 : vector<16xf32>
      %parallel_loop3A_338 = arith.constant 1 : i32
      %parallel_loop3A_339 = vector.broadcast %parallel_loop3A_338 : i32 to vector<16xi32>
      %parallel_loop3A_340 = arith.addi %parallel_loop3A_333, %parallel_loop3A_339 : vector<16xi32>
      %parallel_loop3A_341 = arith.constant 127 : i32
      %parallel_loop3A_342 = vector.broadcast %parallel_loop3A_341 : i32 to vector<16xi32>
      %parallel_loop3A_343 = arith.andi %parallel_loop3A_340, %parallel_loop3A_342 : vector<16xi32>
      %parallel_loop3A_344 = tpu.vector_load_idx %arg7[%parallel_loop3A_33, %parallel_loop3A_343] : memref<96x128xf32, #tpu.memory_space<vmem>>[vector<16xi32>, vector<16xi32>], vector<16xf32>,
      %parallel_loop3A_345 = tpu.vector_load_idx %arg8[%parallel_loop3A_42, %parallel_loop3A_343] : memref<4x128xf32, #tpu.memory_space<vmem>>[vector<16xi32>, vector<16xi32>], vector<16xf32>,
      %parallel_loop3A_346 = arith.mulf %parallel_loop3A_344, %parallel_loop3A_345 : vector<16xf32>
      %parallel_loop3A_347 = arith.addf %parallel_loop3A_307, %parallel_loop3A_346 : vector<16xf32>
      %parallel_loop3A_348 = arith.constant 1 : i32
      %parallel_loop3A_349 = vector.broadcast %parallel_loop3A_348 : i32 to vector<16xi32>
      %parallel_loop3A_350 = arith.addi %parallel_loop3A_343, %parallel_loop3A_349 : vector<16xi32>
      %parallel_loop3A_351 = arith.constant 127 : i32
      %parallel_loop3A_352 = vector.broadcast %parallel_loop3A_351 : i32 to vector<16xi32>
      %parallel_loop3A_353 = arith.andi %parallel_loop3A_350, %parallel_loop3A_352 : vector<16xi32>
      %parallel_loop3A_354 = tpu.vector_load_idx %arg7[%parallel_loop3A_33, %parallel_loop3A_353] : memref<96x128xf32, #tpu.memory_space<vmem>>[vector<16xi32>, vector<16xi32>], vector<16xf32>,
      %parallel_loop3A_355 = tpu.vector_load_idx %arg8[%parallel_loop3A_42, %parallel_loop3A_353] : memref<4x128xf32, #tpu.memory_space<vmem>>[vector<16xi32>, vector<16xi32>], vector<16xf32>,
      %parallel_loop3A_356 = arith.mulf %parallel_loop3A_354, %parallel_loop3A_355 : vector<16xf32>
      %parallel_loop3A_357 = arith.addf %parallel_loop3A_317, %parallel_loop3A_356 : vector<16xf32>
      %parallel_loop3A_358 = arith.constant 1 : i32
      %parallel_loop3A_359 = vector.broadcast %parallel_loop3A_358 : i32 to vector<16xi32>
      %parallel_loop3A_360 = arith.addi %parallel_loop3A_353, %parallel_loop3A_359 : vector<16xi32>
      %parallel_loop3A_361 = arith.constant 127 : i32
      %parallel_loop3A_362 = vector.broadcast %parallel_loop3A_361 : i32 to vector<16xi32>
      %parallel_loop3A_363 = arith.andi %parallel_loop3A_360, %parallel_loop3A_362 : vector<16xi32>
      %parallel_loop3A_364 = tpu.vector_load_idx %arg7[%parallel_loop3A_33, %parallel_loop3A_363] : memref<96x128xf32, #tpu.memory_space<vmem>>[vector<16xi32>, vector<16xi32>], vector<16xf32>,
      %parallel_loop3A_365 = tpu.vector_load_idx %arg8[%parallel_loop3A_42, %parallel_loop3A_363] : memref<4x128xf32, #tpu.memory_space<vmem>>[vector<16xi32>, vector<16xi32>], vector<16xf32>,
      %parallel_loop3A_366 = arith.mulf %parallel_loop3A_364, %parallel_loop3A_365 : vector<16xf32>
      %parallel_loop3A_367 = arith.addf %parallel_loop3A_327, %parallel_loop3A_366 : vector<16xf32>
      %parallel_loop3A_368 = arith.constant 1 : i32
      %parallel_loop3A_369 = vector.broadcast %parallel_loop3A_368 : i32 to vector<16xi32>
      %parallel_loop3A_370 = arith.addi %parallel_loop3A_363, %parallel_loop3A_369 : vector<16xi32>
      %parallel_loop3A_371 = arith.constant 127 : i32
      %parallel_loop3A_372 = vector.broadcast %parallel_loop3A_371 : i32 to vector<16xi32>
      %parallel_loop3A_373 = arith.andi %parallel_loop3A_370, %parallel_loop3A_372 : vector<16xi32>
      %parallel_loop3A_374 = tpu.vector_load_idx %arg7[%parallel_loop3A_33, %parallel_loop3A_373] : memref<96x128xf32, #tpu.memory_space<vmem>>[vector<16xi32>, vector<16xi32>], vector<16xf32>,
      %parallel_loop3A_375 = tpu.vector_load_idx %arg8[%parallel_loop3A_42, %parallel_loop3A_373] : memref<4x128xf32, #tpu.memory_space<vmem>>[vector<16xi32>, vector<16xi32>], vector<16xf32>,
      %parallel_loop3A_376 = arith.mulf %parallel_loop3A_374, %parallel_loop3A_375 : vector<16xf32>
      %parallel_loop3A_377 = arith.addf %parallel_loop3A_337, %parallel_loop3A_376 : vector<16xf32>
      %parallel_loop3A_378 = arith.constant 1 : i32
      %parallel_loop3A_379 = vector.broadcast %parallel_loop3A_378 : i32 to vector<16xi32>
      %parallel_loop3A_380 = arith.addi %parallel_loop3A_373, %parallel_loop3A_379 : vector<16xi32>
      %parallel_loop3A_381 = arith.constant 127 : i32
      %parallel_loop3A_382 = vector.broadcast %parallel_loop3A_381 : i32 to vector<16xi32>
      %parallel_loop3A_383 = arith.andi %parallel_loop3A_380, %parallel_loop3A_382 : vector<16xi32>
      %parallel_loop3A_384 = tpu.vector_load_idx %arg7[%parallel_loop3A_33, %parallel_loop3A_383] : memref<96x128xf32, #tpu.memory_space<vmem>>[vector<16xi32>, vector<16xi32>], vector<16xf32>,
      %parallel_loop3A_385 = tpu.vector_load_idx %arg8[%parallel_loop3A_42, %parallel_loop3A_383] : memref<4x128xf32, #tpu.memory_space<vmem>>[vector<16xi32>, vector<16xi32>], vector<16xf32>,
      %parallel_loop3A_386 = arith.mulf %parallel_loop3A_384, %parallel_loop3A_385 : vector<16xf32>
      %parallel_loop3A_387 = arith.addf %parallel_loop3A_347, %parallel_loop3A_386 : vector<16xf32>
      %parallel_loop3A_388 = arith.constant 1 : i32
      %parallel_loop3A_389 = vector.broadcast %parallel_loop3A_388 : i32 to vector<16xi32>
      %parallel_loop3A_390 = arith.addi %parallel_loop3A_383, %parallel_loop3A_389 : vector<16xi32>
      %parallel_loop3A_391 = arith.constant 127 : i32
      %parallel_loop3A_392 = vector.broadcast %parallel_loop3A_391 : i32 to vector<16xi32>
      %parallel_loop3A_393 = arith.andi %parallel_loop3A_390, %parallel_loop3A_392 : vector<16xi32>
      %parallel_loop3A_394 = tpu.vector_load_idx %arg7[%parallel_loop3A_33, %parallel_loop3A_393] : memref<96x128xf32, #tpu.memory_space<vmem>>[vector<16xi32>, vector<16xi32>], vector<16xf32>,
      %parallel_loop3A_395 = tpu.vector_load_idx %arg8[%parallel_loop3A_42, %parallel_loop3A_393] : memref<4x128xf32, #tpu.memory_space<vmem>>[vector<16xi32>, vector<16xi32>], vector<16xf32>,
      %parallel_loop3A_396 = arith.mulf %parallel_loop3A_394, %parallel_loop3A_395 : vector<16xf32>
      %parallel_loop3A_397 = arith.addf %parallel_loop3A_357, %parallel_loop3A_396 : vector<16xf32>
      %parallel_loop3A_398 = arith.constant 1 : i32
      %parallel_loop3A_399 = vector.broadcast %parallel_loop3A_398 : i32 to vector<16xi32>
      %parallel_loop3A_400 = arith.addi %parallel_loop3A_393, %parallel_loop3A_399 : vector<16xi32>
      %parallel_loop3A_401 = arith.constant 127 : i32
      %parallel_loop3A_402 = vector.broadcast %parallel_loop3A_401 : i32 to vector<16xi32>
      %parallel_loop3A_403 = arith.andi %parallel_loop3A_400, %parallel_loop3A_402 : vector<16xi32>
      %parallel_loop3A_404 = tpu.vector_load_idx %arg7[%parallel_loop3A_33, %parallel_loop3A_403] : memref<96x128xf32, #tpu.memory_space<vmem>>[vector<16xi32>, vector<16xi32>], vector<16xf32>,
      %parallel_loop3A_405 = tpu.vector_load_idx %arg8[%parallel_loop3A_42, %parallel_loop3A_403] : memref<4x128xf32, #tpu.memory_space<vmem>>[vector<16xi32>, vector<16xi32>], vector<16xf32>,
      %parallel_loop3A_406 = arith.mulf %parallel_loop3A_404, %parallel_loop3A_405 : vector<16xf32>
      %parallel_loop3A_407 = arith.addf %parallel_loop3A_367, %parallel_loop3A_406 : vector<16xf32>
      %parallel_loop3A_408 = arith.constant 1 : i32
      %parallel_loop3A_409 = vector.broadcast %parallel_loop3A_408 : i32 to vector<16xi32>
      %parallel_loop3A_410 = arith.addi %parallel_loop3A_403, %parallel_loop3A_409 : vector<16xi32>
      %parallel_loop3A_411 = arith.constant 127 : i32
      %parallel_loop3A_412 = vector.broadcast %parallel_loop3A_411 : i32 to vector<16xi32>
      %parallel_loop3A_413 = arith.andi %parallel_loop3A_410, %parallel_loop3A_412 : vector<16xi32>
      %parallel_loop3A_414 = tpu.vector_load_idx %arg7[%parallel_loop3A_33, %parallel_loop3A_413] : memref<96x128xf32, #tpu.memory_space<vmem>>[vector<16xi32>, vector<16xi32>], vector<16xf32>,
      %parallel_loop3A_415 = tpu.vector_load_idx %arg8[%parallel_loop3A_42, %parallel_loop3A_413] : memref<4x128xf32, #tpu.memory_space<vmem>>[vector<16xi32>, vector<16xi32>], vector<16xf32>,
      %parallel_loop3A_416 = arith.mulf %parallel_loop3A_414, %parallel_loop3A_415 : vector<16xf32>
      %parallel_loop3A_417 = arith.addf %parallel_loop3A_377, %parallel_loop3A_416 : vector<16xf32>
      %parallel_loop3A_418 = arith.constant 1 : i32
      %parallel_loop3A_419 = vector.broadcast %parallel_loop3A_418 : i32 to vector<16xi32>
      %parallel_loop3A_420 = arith.addi %parallel_loop3A_413, %parallel_loop3A_419 : vector<16xi32>
      %parallel_loop3A_421 = arith.constant 127 : i32
      %parallel_loop3A_422 = vector.broadcast %parallel_loop3A_421 : i32 to vector<16xi32>
      %parallel_loop3A_423 = arith.andi %parallel_loop3A_420, %parallel_loop3A_422 : vector<16xi32>
      %parallel_loop3A_424 = tpu.vector_load_idx %arg7[%parallel_loop3A_33, %parallel_loop3A_423] : memref<96x128xf32, #tpu.memory_space<vmem>>[vector<16xi32>, vector<16xi32>], vector<16xf32>,
      %parallel_loop3A_425 = tpu.vector_load_idx %arg8[%parallel_loop3A_42, %parallel_loop3A_423] : memref<4x128xf32, #tpu.memory_space<vmem>>[vector<16xi32>, vector<16xi32>], vector<16xf32>,
      %parallel_loop3A_426 = arith.mulf %parallel_loop3A_424, %parallel_loop3A_425 : vector<16xf32>
      %parallel_loop3A_427 = arith.addf %parallel_loop3A_387, %parallel_loop3A_426 : vector<16xf32>
      %parallel_loop3A_428 = arith.constant 1 : i32
      %parallel_loop3A_429 = vector.broadcast %parallel_loop3A_428 : i32 to vector<16xi32>
      %parallel_loop3A_430 = arith.addi %parallel_loop3A_423, %parallel_loop3A_429 : vector<16xi32>
      %parallel_loop3A_431 = arith.constant 127 : i32
      %parallel_loop3A_432 = vector.broadcast %parallel_loop3A_431 : i32 to vector<16xi32>
      %parallel_loop3A_433 = arith.andi %parallel_loop3A_430, %parallel_loop3A_432 : vector<16xi32>
      %parallel_loop3A_434 = tpu.vector_load_idx %arg7[%parallel_loop3A_33, %parallel_loop3A_433] : memref<96x128xf32, #tpu.memory_space<vmem>>[vector<16xi32>, vector<16xi32>], vector<16xf32>,
      %parallel_loop3A_435 = tpu.vector_load_idx %arg8[%parallel_loop3A_42, %parallel_loop3A_433] : memref<4x128xf32, #tpu.memory_space<vmem>>[vector<16xi32>, vector<16xi32>], vector<16xf32>,
      %parallel_loop3A_436 = arith.mulf %parallel_loop3A_434, %parallel_loop3A_435 : vector<16xf32>
      %parallel_loop3A_437 = arith.addf %parallel_loop3A_397, %parallel_loop3A_436 : vector<16xf32>
      %parallel_loop3A_438 = arith.constant 1 : i32
      %parallel_loop3A_439 = vector.broadcast %parallel_loop3A_438 : i32 to vector<16xi32>
      %parallel_loop3A_440 = arith.addi %parallel_loop3A_433, %parallel_loop3A_439 : vector<16xi32>
      %parallel_loop3A_441 = arith.constant 127 : i32
      %parallel_loop3A_442 = vector.broadcast %parallel_loop3A_441 : i32 to vector<16xi32>
      %parallel_loop3A_443 = arith.andi %parallel_loop3A_440, %parallel_loop3A_442 : vector<16xi32>
      %parallel_loop3A_444 = tpu.vector_load_idx %arg7[%parallel_loop3A_33, %parallel_loop3A_443] : memref<96x128xf32, #tpu.memory_space<vmem>>[vector<16xi32>, vector<16xi32>], vector<16xf32>,
      %parallel_loop3A_445 = tpu.vector_load_idx %arg8[%parallel_loop3A_42, %parallel_loop3A_443] : memref<4x128xf32, #tpu.memory_space<vmem>>[vector<16xi32>, vector<16xi32>], vector<16xf32>,
      %parallel_loop3A_446 = arith.mulf %parallel_loop3A_444, %parallel_loop3A_445 : vector<16xf32>
      %parallel_loop3A_447 = arith.addf %parallel_loop3A_407, %parallel_loop3A_446 : vector<16xf32>
      %parallel_loop3A_448 = arith.constant 1 : i32
      %parallel_loop3A_449 = vector.broadcast %parallel_loop3A_448 : i32 to vector<16xi32>
      %parallel_loop3A_450 = arith.addi %parallel_loop3A_443, %parallel_loop3A_449 : vector<16xi32>
      %parallel_loop3A_451 = arith.constant 127 : i32
      %parallel_loop3A_452 = vector.broadcast %parallel_loop3A_451 : i32 to vector<16xi32>
      %parallel_loop3A_453 = arith.andi %parallel_loop3A_450, %parallel_loop3A_452 : vector<16xi32>
      %parallel_loop3A_454 = tpu.vector_load_idx %arg7[%parallel_loop3A_33, %parallel_loop3A_453] : memref<96x128xf32, #tpu.memory_space<vmem>>[vector<16xi32>, vector<16xi32>], vector<16xf32>,
      %parallel_loop3A_455 = tpu.vector_load_idx %arg8[%parallel_loop3A_42, %parallel_loop3A_453] : memref<4x128xf32, #tpu.memory_space<vmem>>[vector<16xi32>, vector<16xi32>], vector<16xf32>,
      %parallel_loop3A_456 = arith.mulf %parallel_loop3A_454, %parallel_loop3A_455 : vector<16xf32>
      %parallel_loop3A_457 = arith.addf %parallel_loop3A_417, %parallel_loop3A_456 : vector<16xf32>
      %parallel_loop3A_458 = arith.constant 1 : i32
      %parallel_loop3A_459 = vector.broadcast %parallel_loop3A_458 : i32 to vector<16xi32>
      %parallel_loop3A_460 = arith.addi %parallel_loop3A_453, %parallel_loop3A_459 : vector<16xi32>
      %parallel_loop3A_461 = arith.constant 127 : i32
      %parallel_loop3A_462 = vector.broadcast %parallel_loop3A_461 : i32 to vector<16xi32>
      %parallel_loop3A_463 = arith.andi %parallel_loop3A_460, %parallel_loop3A_462 : vector<16xi32>
      %parallel_loop3A_464 = tpu.vector_load_idx %arg7[%parallel_loop3A_33, %parallel_loop3A_463] : memref<96x128xf32, #tpu.memory_space<vmem>>[vector<16xi32>, vector<16xi32>], vector<16xf32>,
      %parallel_loop3A_465 = tpu.vector_load_idx %arg8[%parallel_loop3A_42, %parallel_loop3A_463] : memref<4x128xf32, #tpu.memory_space<vmem>>[vector<16xi32>, vector<16xi32>], vector<16xf32>,
      %parallel_loop3A_466 = arith.mulf %parallel_loop3A_464, %parallel_loop3A_465 : vector<16xf32>
      %parallel_loop3A_467 = arith.addf %parallel_loop3A_427, %parallel_loop3A_466 : vector<16xf32>
      %parallel_loop3A_468 = arith.constant 1 : i32
      %parallel_loop3A_469 = vector.broadcast %parallel_loop3A_468 : i32 to vector<16xi32>
      %parallel_loop3A_470 = arith.addi %parallel_loop3A_463, %parallel_loop3A_469 : vector<16xi32>
      %parallel_loop3A_471 = arith.constant 127 : i32
      %parallel_loop3A_472 = vector.broadcast %parallel_loop3A_471 : i32 to vector<16xi32>
      %parallel_loop3A_473 = arith.andi %parallel_loop3A_470, %parallel_loop3A_472 : vector<16xi32>
      %parallel_loop3A_474 = tpu.vector_load_idx %arg7[%parallel_loop3A_33, %parallel_loop3A_473] : memref<96x128xf32, #tpu.memory_space<vmem>>[vector<16xi32>, vector<16xi32>], vector<16xf32>,
      %parallel_loop3A_475 = tpu.vector_load_idx %arg8[%parallel_loop3A_42, %parallel_loop3A_473] : memref<4x128xf32, #tpu.memory_space<vmem>>[vector<16xi32>, vector<16xi32>], vector<16xf32>,
      %parallel_loop3A_476 = arith.mulf %parallel_loop3A_474, %parallel_loop3A_475 : vector<16xf32>
      %parallel_loop3A_477 = arith.addf %parallel_loop3A_437, %parallel_loop3A_476 : vector<16xf32>
      %parallel_loop3A_478 = arith.constant 1 : i32
      %parallel_loop3A_479 = vector.broadcast %parallel_loop3A_478 : i32 to vector<16xi32>
      %parallel_loop3A_480 = arith.addi %parallel_loop3A_473, %parallel_loop3A_479 : vector<16xi32>
      %parallel_loop3A_481 = arith.constant 127 : i32
      %parallel_loop3A_482 = vector.broadcast %parallel_loop3A_481 : i32 to vector<16xi32>
      %parallel_loop3A_483 = arith.andi %parallel_loop3A_480, %parallel_loop3A_482 : vector<16xi32>
      %parallel_loop3A_484 = tpu.vector_load_idx %arg7[%parallel_loop3A_33, %parallel_loop3A_483] : memref<96x128xf32, #tpu.memory_space<vmem>>[vector<16xi32>, vector<16xi32>], vector<16xf32>,
      %parallel_loop3A_485 = tpu.vector_load_idx %arg8[%parallel_loop3A_42, %parallel_loop3A_483] : memref<4x128xf32, #tpu.memory_space<vmem>>[vector<16xi32>, vector<16xi32>], vector<16xf32>,
      %parallel_loop3A_486 = arith.mulf %parallel_loop3A_484, %parallel_loop3A_485 : vector<16xf32>
      %parallel_loop3A_487 = arith.addf %parallel_loop3A_447, %parallel_loop3A_486 : vector<16xf32>
      %parallel_loop3A_488 = arith.constant 1 : i32
      %parallel_loop3A_489 = vector.broadcast %parallel_loop3A_488 : i32 to vector<16xi32>
      %parallel_loop3A_490 = arith.addi %parallel_loop3A_483, %parallel_loop3A_489 : vector<16xi32>
      %parallel_loop3A_491 = arith.constant 127 : i32
      %parallel_loop3A_492 = vector.broadcast %parallel_loop3A_491 : i32 to vector<16xi32>
      %parallel_loop3A_493 = arith.andi %parallel_loop3A_490, %parallel_loop3A_492 : vector<16xi32>
      %parallel_loop3A_494 = tpu.vector_load_idx %arg7[%parallel_loop3A_33, %parallel_loop3A_493] : memref<96x128xf32, #tpu.memory_space<vmem>>[vector<16xi32>, vector<16xi32>], vector<16xf32>,
      %parallel_loop3A_495 = tpu.vector_load_idx %arg8[%parallel_loop3A_42, %parallel_loop3A_493] : memref<4x128xf32, #tpu.memory_space<vmem>>[vector<16xi32>, vector<16xi32>], vector<16xf32>,
      %parallel_loop3A_496 = arith.mulf %parallel_loop3A_494, %parallel_loop3A_495 : vector<16xf32>
      %parallel_loop3A_497 = arith.addf %parallel_loop3A_457, %parallel_loop3A_496 : vector<16xf32>
      %parallel_loop3A_498 = arith.constant 1 : i32
      %parallel_loop3A_499 = vector.broadcast %parallel_loop3A_498 : i32 to vector<16xi32>
      %parallel_loop3A_500 = arith.addi %parallel_loop3A_493, %parallel_loop3A_499 : vector<16xi32>
      %parallel_loop3A_501 = arith.constant 127 : i32
      %parallel_loop3A_502 = vector.broadcast %parallel_loop3A_501 : i32 to vector<16xi32>
      %parallel_loop3A_503 = arith.andi %parallel_loop3A_500, %parallel_loop3A_502 : vector<16xi32>
      %parallel_loop3A_504 = tpu.vector_load_idx %arg7[%parallel_loop3A_33, %parallel_loop3A_503] : memref<96x128xf32, #tpu.memory_space<vmem>>[vector<16xi32>, vector<16xi32>], vector<16xf32>,
      %parallel_loop3A_505 = tpu.vector_load_idx %arg8[%parallel_loop3A_42, %parallel_loop3A_503] : memref<4x128xf32, #tpu.memory_space<vmem>>[vector<16xi32>, vector<16xi32>], vector<16xf32>,
      %parallel_loop3A_506 = arith.mulf %parallel_loop3A_504, %parallel_loop3A_505 : vector<16xf32>
      %parallel_loop3A_507 = arith.addf %parallel_loop3A_467, %parallel_loop3A_506 : vector<16xf32>
      %parallel_loop3A_508 = arith.constant 1 : i32
      %parallel_loop3A_509 = vector.broadcast %parallel_loop3A_508 : i32 to vector<16xi32>
      %parallel_loop3A_510 = arith.addi %parallel_loop3A_503, %parallel_loop3A_509 : vector<16xi32>
      %parallel_loop3A_511 = arith.constant 127 : i32
      %parallel_loop3A_512 = vector.broadcast %parallel_loop3A_511 : i32 to vector<16xi32>
      %parallel_loop3A_513 = arith.andi %parallel_loop3A_510, %parallel_loop3A_512 : vector<16xi32>
      %parallel_loop3A_514 = tpu.vector_load_idx %arg7[%parallel_loop3A_33, %parallel_loop3A_513] : memref<96x128xf32, #tpu.memory_space<vmem>>[vector<16xi32>, vector<16xi32>], vector<16xf32>,
      %parallel_loop3A_515 = tpu.vector_load_idx %arg8[%parallel_loop3A_42, %parallel_loop3A_513] : memref<4x128xf32, #tpu.memory_space<vmem>>[vector<16xi32>, vector<16xi32>], vector<16xf32>,
      %parallel_loop3A_516 = arith.mulf %parallel_loop3A_514, %parallel_loop3A_515 : vector<16xf32>
      %parallel_loop3A_517 = arith.addf %parallel_loop3A_477, %parallel_loop3A_516 : vector<16xf32>
      %parallel_loop3A_518 = arith.constant 1 : i32
      %parallel_loop3A_519 = vector.broadcast %parallel_loop3A_518 : i32 to vector<16xi32>
      %parallel_loop3A_520 = arith.addi %parallel_loop3A_513, %parallel_loop3A_519 : vector<16xi32>
      %parallel_loop3A_521 = arith.constant 127 : i32
      %parallel_loop3A_522 = vector.broadcast %parallel_loop3A_521 : i32 to vector<16xi32>
      %parallel_loop3A_523 = arith.andi %parallel_loop3A_520, %parallel_loop3A_522 : vector<16xi32>
      %parallel_loop3A_524 = tpu.vector_load_idx %arg7[%parallel_loop3A_33, %parallel_loop3A_523] : memref<96x128xf32, #tpu.memory_space<vmem>>[vector<16xi32>, vector<16xi32>], vector<16xf32>,
      %parallel_loop3A_525 = tpu.vector_load_idx %arg8[%parallel_loop3A_42, %parallel_loop3A_523] : memref<4x128xf32, #tpu.memory_space<vmem>>[vector<16xi32>, vector<16xi32>], vector<16xf32>,
      %parallel_loop3A_526 = arith.mulf %parallel_loop3A_524, %parallel_loop3A_525 : vector<16xf32>
      %parallel_loop3A_527 = arith.addf %parallel_loop3A_487, %parallel_loop3A_526 : vector<16xf32>
      %parallel_loop3A_528 = arith.constant 1 : i32
      %parallel_loop3A_529 = vector.broadcast %parallel_loop3A_528 : i32 to vector<16xi32>
      %parallel_loop3A_530 = arith.addi %parallel_loop3A_523, %parallel_loop3A_529 : vector<16xi32>
      %parallel_loop3A_531 = arith.constant 127 : i32
      %parallel_loop3A_532 = vector.broadcast %parallel_loop3A_531 : i32 to vector<16xi32>
      %parallel_loop3A_533 = arith.andi %parallel_loop3A_530, %parallel_loop3A_532 : vector<16xi32>
      %parallel_loop3A_534 = tpu.vector_load_idx %arg7[%parallel_loop3A_33, %parallel_loop3A_533] : memref<96x128xf32, #tpu.memory_space<vmem>>[vector<16xi32>, vector<16xi32>], vector<16xf32>,
      %parallel_loop3A_535 = tpu.vector_load_idx %arg8[%parallel_loop3A_42, %parallel_loop3A_533] : memref<4x128xf32, #tpu.memory_space<vmem>>[vector<16xi32>, vector<16xi32>], vector<16xf32>,
      %parallel_loop3A_536 = arith.mulf %parallel_loop3A_534, %parallel_loop3A_535 : vector<16xf32>
      %parallel_loop3A_537 = arith.addf %parallel_loop3A_497, %parallel_loop3A_536 : vector<16xf32>
      %parallel_loop3A_538 = arith.constant 1 : i32
      %parallel_loop3A_539 = vector.broadcast %parallel_loop3A_538 : i32 to vector<16xi32>
      %parallel_loop3A_540 = arith.addi %parallel_loop3A_533, %parallel_loop3A_539 : vector<16xi32>
      %parallel_loop3A_541 = arith.constant 127 : i32
      %parallel_loop3A_542 = vector.broadcast %parallel_loop3A_541 : i32 to vector<16xi32>
      %parallel_loop3A_543 = arith.andi %parallel_loop3A_540, %parallel_loop3A_542 : vector<16xi32>
      %parallel_loop3A_544 = tpu.vector_load_idx %arg7[%parallel_loop3A_33, %parallel_loop3A_543] : memref<96x128xf32, #tpu.memory_space<vmem>>[vector<16xi32>, vector<16xi32>], vector<16xf32>,
      %parallel_loop3A_545 = tpu.vector_load_idx %arg8[%parallel_loop3A_42, %parallel_loop3A_543] : memref<4x128xf32, #tpu.memory_space<vmem>>[vector<16xi32>, vector<16xi32>], vector<16xf32>,
      %parallel_loop3A_546 = arith.mulf %parallel_loop3A_544, %parallel_loop3A_545 : vector<16xf32>
      %parallel_loop3A_547 = arith.addf %parallel_loop3A_507, %parallel_loop3A_546 : vector<16xf32>
      %parallel_loop3A_548 = arith.constant 1 : i32
      %parallel_loop3A_549 = vector.broadcast %parallel_loop3A_548 : i32 to vector<16xi32>
      %parallel_loop3A_550 = arith.addi %parallel_loop3A_543, %parallel_loop3A_549 : vector<16xi32>
      %parallel_loop3A_551 = arith.constant 127 : i32
      %parallel_loop3A_552 = vector.broadcast %parallel_loop3A_551 : i32 to vector<16xi32>
      %parallel_loop3A_553 = arith.andi %parallel_loop3A_550, %parallel_loop3A_552 : vector<16xi32>
      %parallel_loop3A_554 = tpu.vector_load_idx %arg7[%parallel_loop3A_33, %parallel_loop3A_553] : memref<96x128xf32, #tpu.memory_space<vmem>>[vector<16xi32>, vector<16xi32>], vector<16xf32>,
      %parallel_loop3A_555 = tpu.vector_load_idx %arg8[%parallel_loop3A_42, %parallel_loop3A_553] : memref<4x128xf32, #tpu.memory_space<vmem>>[vector<16xi32>, vector<16xi32>], vector<16xf32>,
      %parallel_loop3A_556 = arith.mulf %parallel_loop3A_554, %parallel_loop3A_555 : vector<16xf32>
      %parallel_loop3A_557 = arith.addf %parallel_loop3A_517, %parallel_loop3A_556 : vector<16xf32>
      %parallel_loop3A_558 = arith.constant 1 : i32
      %parallel_loop3A_559 = vector.broadcast %parallel_loop3A_558 : i32 to vector<16xi32>
      %parallel_loop3A_560 = arith.addi %parallel_loop3A_553, %parallel_loop3A_559 : vector<16xi32>
      %parallel_loop3A_561 = arith.constant 127 : i32
      %parallel_loop3A_562 = vector.broadcast %parallel_loop3A_561 : i32 to vector<16xi32>
      %parallel_loop3A_563 = arith.andi %parallel_loop3A_560, %parallel_loop3A_562 : vector<16xi32>
      %parallel_loop3A_564 = tpu.vector_load_idx %arg7[%parallel_loop3A_33, %parallel_loop3A_563] : memref<96x128xf32, #tpu.memory_space<vmem>>[vector<16xi32>, vector<16xi32>], vector<16xf32>,
      %parallel_loop3A_565 = tpu.vector_load_idx %arg8[%parallel_loop3A_42, %parallel_loop3A_563] : memref<4x128xf32, #tpu.memory_space<vmem>>[vector<16xi32>, vector<16xi32>], vector<16xf32>,
      %parallel_loop3A_566 = arith.mulf %parallel_loop3A_564, %parallel_loop3A_565 : vector<16xf32>
      %parallel_loop3A_567 = arith.addf %parallel_loop3A_527, %parallel_loop3A_566 : vector<16xf32>
      %parallel_loop3A_568 = arith.constant 1 : i32
      %parallel_loop3A_569 = vector.broadcast %parallel_loop3A_568 : i32 to vector<16xi32>
      %parallel_loop3A_570 = arith.addi %parallel_loop3A_563, %parallel_loop3A_569 : vector<16xi32>
      %parallel_loop3A_571 = arith.constant 127 : i32
      %parallel_loop3A_572 = vector.broadcast %parallel_loop3A_571 : i32 to vector<16xi32>
      %parallel_loop3A_573 = arith.andi %parallel_loop3A_570, %parallel_loop3A_572 : vector<16xi32>
      %parallel_loop3A_574 = tpu.vector_load_idx %arg7[%parallel_loop3A_33, %parallel_loop3A_573] : memref<96x128xf32, #tpu.memory_space<vmem>>[vector<16xi32>, vector<16xi32>], vector<16xf32>,
      %parallel_loop3A_575 = tpu.vector_load_idx %arg8[%parallel_loop3A_42, %parallel_loop3A_573] : memref<4x128xf32, #tpu.memory_space<vmem>>[vector<16xi32>, vector<16xi32>], vector<16xf32>,
      %parallel_loop3A_576 = arith.mulf %parallel_loop3A_574, %parallel_loop3A_575 : vector<16xf32>
      %parallel_loop3A_577 = arith.addf %parallel_loop3A_537, %parallel_loop3A_576 : vector<16xf32>
      %parallel_loop3A_578 = arith.constant 1 : i32
      %parallel_loop3A_579 = vector.broadcast %parallel_loop3A_578 : i32 to vector<16xi32>
      %parallel_loop3A_580 = arith.addi %parallel_loop3A_573, %parallel_loop3A_579 : vector<16xi32>
      %parallel_loop3A_581 = arith.constant 127 : i32
      %parallel_loop3A_582 = vector.broadcast %parallel_loop3A_581 : i32 to vector<16xi32>
      %parallel_loop3A_583 = arith.andi %parallel_loop3A_580, %parallel_loop3A_582 : vector<16xi32>
      %parallel_loop3A_584 = tpu.vector_load_idx %arg7[%parallel_loop3A_33, %parallel_loop3A_583] : memref<96x128xf32, #tpu.memory_space<vmem>>[vector<16xi32>, vector<16xi32>], vector<16xf32>,
      %parallel_loop3A_585 = tpu.vector_load_idx %arg8[%parallel_loop3A_42, %parallel_loop3A_583] : memref<4x128xf32, #tpu.memory_space<vmem>>[vector<16xi32>, vector<16xi32>], vector<16xf32>,
      %parallel_loop3A_586 = arith.mulf %parallel_loop3A_584, %parallel_loop3A_585 : vector<16xf32>
      %parallel_loop3A_587 = arith.addf %parallel_loop3A_547, %parallel_loop3A_586 : vector<16xf32>
      %parallel_loop3A_588 = arith.constant 1 : i32
      %parallel_loop3A_589 = vector.broadcast %parallel_loop3A_588 : i32 to vector<16xi32>
      %parallel_loop3A_590 = arith.addi %parallel_loop3A_583, %parallel_loop3A_589 : vector<16xi32>
      %parallel_loop3A_591 = arith.constant 127 : i32
      %parallel_loop3A_592 = vector.broadcast %parallel_loop3A_591 : i32 to vector<16xi32>
      %parallel_loop3A_593 = arith.andi %parallel_loop3A_590, %parallel_loop3A_592 : vector<16xi32>
      %parallel_loop3A_594 = tpu.vector_load_idx %arg7[%parallel_loop3A_33, %parallel_loop3A_593] : memref<96x128xf32, #tpu.memory_space<vmem>>[vector<16xi32>, vector<16xi32>], vector<16xf32>,
      %parallel_loop3A_595 = tpu.vector_load_idx %arg8[%parallel_loop3A_42, %parallel_loop3A_593] : memref<4x128xf32, #tpu.memory_space<vmem>>[vector<16xi32>, vector<16xi32>], vector<16xf32>,
      %parallel_loop3A_596 = arith.mulf %parallel_loop3A_594, %parallel_loop3A_595 : vector<16xf32>
      %parallel_loop3A_597 = arith.addf %parallel_loop3A_557, %parallel_loop3A_596 : vector<16xf32>
      %parallel_loop3A_598 = arith.constant 1 : i32
      %parallel_loop3A_599 = vector.broadcast %parallel_loop3A_598 : i32 to vector<16xi32>
      %parallel_loop3A_600 = arith.addi %parallel_loop3A_593, %parallel_loop3A_599 : vector<16xi32>
      %parallel_loop3A_601 = arith.constant 127 : i32
      %parallel_loop3A_602 = vector.broadcast %parallel_loop3A_601 : i32 to vector<16xi32>
      %parallel_loop3A_603 = arith.andi %parallel_loop3A_600, %parallel_loop3A_602 : vector<16xi32>
      %parallel_loop3A_604 = tpu.vector_load_idx %arg7[%parallel_loop3A_33, %parallel_loop3A_603] : memref<96x128xf32, #tpu.memory_space<vmem>>[vector<16xi32>, vector<16xi32>], vector<16xf32>,
      %parallel_loop3A_605 = tpu.vector_load_idx %arg8[%parallel_loop3A_42, %parallel_loop3A_603] : memref<4x128xf32, #tpu.memory_space<vmem>>[vector<16xi32>, vector<16xi32>], vector<16xf32>,
      %parallel_loop3A_606 = arith.mulf %parallel_loop3A_604, %parallel_loop3A_605 : vector<16xf32>
      %parallel_loop3A_607 = arith.addf %parallel_loop3A_567, %parallel_loop3A_606 : vector<16xf32>
      %parallel_loop3A_608 = arith.constant 1 : i32
      %parallel_loop3A_609 = vector.broadcast %parallel_loop3A_608 : i32 to vector<16xi32>
      %parallel_loop3A_610 = arith.addi %parallel_loop3A_603, %parallel_loop3A_609 : vector<16xi32>
      %parallel_loop3A_611 = arith.constant 127 : i32
      %parallel_loop3A_612 = vector.broadcast %parallel_loop3A_611 : i32 to vector<16xi32>
      %parallel_loop3A_613 = arith.andi %parallel_loop3A_610, %parallel_loop3A_612 : vector<16xi32>
      %parallel_loop3A_614 = tpu.vector_load_idx %arg7[%parallel_loop3A_33, %parallel_loop3A_613] : memref<96x128xf32, #tpu.memory_space<vmem>>[vector<16xi32>, vector<16xi32>], vector<16xf32>,
      %parallel_loop3A_615 = tpu.vector_load_idx %arg8[%parallel_loop3A_42, %parallel_loop3A_613] : memref<4x128xf32, #tpu.memory_space<vmem>>[vector<16xi32>, vector<16xi32>], vector<16xf32>,
      %parallel_loop3A_616 = arith.mulf %parallel_loop3A_614, %parallel_loop3A_615 : vector<16xf32>
      %parallel_loop3A_617 = arith.addf %parallel_loop3A_577, %parallel_loop3A_616 : vector<16xf32>
      %parallel_loop3A_618 = arith.constant 1 : i32
      %parallel_loop3A_619 = vector.broadcast %parallel_loop3A_618 : i32 to vector<16xi32>
      %parallel_loop3A_620 = arith.addi %parallel_loop3A_613, %parallel_loop3A_619 : vector<16xi32>
      %parallel_loop3A_621 = arith.constant 127 : i32
      %parallel_loop3A_622 = vector.broadcast %parallel_loop3A_621 : i32 to vector<16xi32>
      %parallel_loop3A_623 = arith.andi %parallel_loop3A_620, %parallel_loop3A_622 : vector<16xi32>
      %parallel_loop3A_624 = tpu.vector_load_idx %arg7[%parallel_loop3A_33, %parallel_loop3A_623] : memref<96x128xf32, #tpu.memory_space<vmem>>[vector<16xi32>, vector<16xi32>], vector<16xf32>,
      %parallel_loop3A_625 = tpu.vector_load_idx %arg8[%parallel_loop3A_42, %parallel_loop3A_623] : memref<4x128xf32, #tpu.memory_space<vmem>>[vector<16xi32>, vector<16xi32>], vector<16xf32>,
      %parallel_loop3A_626 = arith.mulf %parallel_loop3A_624, %parallel_loop3A_625 : vector<16xf32>
      %parallel_loop3A_627 = arith.addf %parallel_loop3A_587, %parallel_loop3A_626 : vector<16xf32>
      %parallel_loop3A_628 = arith.constant 1 : i32
      %parallel_loop3A_629 = vector.broadcast %parallel_loop3A_628 : i32 to vector<16xi32>
      %parallel_loop3A_630 = arith.addi %parallel_loop3A_623, %parallel_loop3A_629 : vector<16xi32>
      %parallel_loop3A_631 = arith.constant 127 : i32
      %parallel_loop3A_632 = vector.broadcast %parallel_loop3A_631 : i32 to vector<16xi32>
      %parallel_loop3A_633 = arith.andi %parallel_loop3A_630, %parallel_loop3A_632 : vector<16xi32>
      %parallel_loop3A_634 = tpu.vector_load_idx %arg7[%parallel_loop3A_33, %parallel_loop3A_633] : memref<96x128xf32, #tpu.memory_space<vmem>>[vector<16xi32>, vector<16xi32>], vector<16xf32>,
      %parallel_loop3A_635 = tpu.vector_load_idx %arg8[%parallel_loop3A_42, %parallel_loop3A_633] : memref<4x128xf32, #tpu.memory_space<vmem>>[vector<16xi32>, vector<16xi32>], vector<16xf32>,
      %parallel_loop3A_636 = arith.mulf %parallel_loop3A_634, %parallel_loop3A_635 : vector<16xf32>
      %parallel_loop3A_637 = arith.addf %parallel_loop3A_597, %parallel_loop3A_636 : vector<16xf32>
      %parallel_loop3A_638 = arith.constant 1 : i32
      %parallel_loop3A_639 = vector.broadcast %parallel_loop3A_638 : i32 to vector<16xi32>
      %parallel_loop3A_640 = arith.addi %parallel_loop3A_633, %parallel_loop3A_639 : vector<16xi32>
      %parallel_loop3A_641 = arith.constant 127 : i32
      %parallel_loop3A_642 = vector.broadcast %parallel_loop3A_641 : i32 to vector<16xi32>
      %parallel_loop3A_643 = arith.andi %parallel_loop3A_640, %parallel_loop3A_642 : vector<16xi32>
      %parallel_loop3A_644 = tpu.vector_load_idx %arg7[%parallel_loop3A_33, %parallel_loop3A_643] : memref<96x128xf32, #tpu.memory_space<vmem>>[vector<16xi32>, vector<16xi32>], vector<16xf32>,
      %parallel_loop3A_645 = tpu.vector_load_idx %arg8[%parallel_loop3A_42, %parallel_loop3A_643] : memref<4x128xf32, #tpu.memory_space<vmem>>[vector<16xi32>, vector<16xi32>], vector<16xf32>,
      %parallel_loop3A_646 = arith.mulf %parallel_loop3A_644, %parallel_loop3A_645 : vector<16xf32>
      %parallel_loop3A_647 = arith.addf %parallel_loop3A_607, %parallel_loop3A_646 : vector<16xf32>
      %parallel_loop3A_648 = arith.constant 1 : i32
      %parallel_loop3A_649 = vector.broadcast %parallel_loop3A_648 : i32 to vector<16xi32>
      %parallel_loop3A_650 = arith.addi %parallel_loop3A_643, %parallel_loop3A_649 : vector<16xi32>
      %parallel_loop3A_651 = arith.constant 127 : i32
      %parallel_loop3A_652 = vector.broadcast %parallel_loop3A_651 : i32 to vector<16xi32>
      %parallel_loop3A_653 = arith.andi %parallel_loop3A_650, %parallel_loop3A_652 : vector<16xi32>
      %parallel_loop3A_654 = tpu.vector_load_idx %arg7[%parallel_loop3A_33, %parallel_loop3A_653] : memref<96x128xf32, #tpu.memory_space<vmem>>[vector<16xi32>, vector<16xi32>], vector<16xf32>,
      %parallel_loop3A_655 = tpu.vector_load_idx %arg8[%parallel_loop3A_42, %parallel_loop3A_653] : memref<4x128xf32, #tpu.memory_space<vmem>>[vector<16xi32>, vector<16xi32>], vector<16xf32>,
      %parallel_loop3A_656 = arith.mulf %parallel_loop3A_654, %parallel_loop3A_655 : vector<16xf32>
      %parallel_loop3A_657 = arith.addf %parallel_loop3A_617, %parallel_loop3A_656 : vector<16xf32>
      %parallel_loop3A_658 = arith.constant 1 : i32
      %parallel_loop3A_659 = vector.broadcast %parallel_loop3A_658 : i32 to vector<16xi32>
      %parallel_loop3A_660 = arith.addi %parallel_loop3A_653, %parallel_loop3A_659 : vector<16xi32>
      %parallel_loop3A_661 = arith.constant 127 : i32
      %parallel_loop3A_662 = vector.broadcast %parallel_loop3A_661 : i32 to vector<16xi32>
      %parallel_loop3A_663 = arith.andi %parallel_loop3A_660, %parallel_loop3A_662 : vector<16xi32>
      %parallel_loop3A_664 = tpu.vector_load_idx %arg7[%parallel_loop3A_33, %parallel_loop3A_663] : memref<96x128xf32, #tpu.memory_space<vmem>>[vector<16xi32>, vector<16xi32>], vector<16xf32>,
      %parallel_loop3A_665 = tpu.vector_load_idx %arg8[%parallel_loop3A_42, %parallel_loop3A_663] : memref<4x128xf32, #tpu.memory_space<vmem>>[vector<16xi32>, vector<16xi32>], vector<16xf32>,
      %parallel_loop3A_666 = arith.mulf %parallel_loop3A_664, %parallel_loop3A_665 : vector<16xf32>
      %parallel_loop3A_667 = arith.addf %parallel_loop3A_627, %parallel_loop3A_666 : vector<16xf32>
      %parallel_loop3A_668 = arith.constant 1 : i32
      %parallel_loop3A_669 = vector.broadcast %parallel_loop3A_668 : i32 to vector<16xi32>
      %parallel_loop3A_670 = arith.addi %parallel_loop3A_663, %parallel_loop3A_669 : vector<16xi32>
      %parallel_loop3A_671 = arith.constant 127 : i32
      %parallel_loop3A_672 = vector.broadcast %parallel_loop3A_671 : i32 to vector<16xi32>
      %parallel_loop3A_673 = arith.andi %parallel_loop3A_670, %parallel_loop3A_672 : vector<16xi32>
      %parallel_loop3A_674 = tpu.vector_load_idx %arg7[%parallel_loop3A_33, %parallel_loop3A_673] : memref<96x128xf32, #tpu.memory_space<vmem>>[vector<16xi32>, vector<16xi32>], vector<16xf32>,
      %parallel_loop3A_675 = tpu.vector_load_idx %arg8[%parallel_loop3A_42, %parallel_loop3A_673] : memref<4x128xf32, #tpu.memory_space<vmem>>[vector<16xi32>, vector<16xi32>], vector<16xf32>,
      %parallel_loop3A_676 = arith.mulf %parallel_loop3A_674, %parallel_loop3A_675 : vector<16xf32>
      %parallel_loop3A_677 = arith.addf %parallel_loop3A_637, %parallel_loop3A_676 : vector<16xf32>
      %parallel_loop3A_678 = arith.constant 1 : i32
      %parallel_loop3A_679 = vector.broadcast %parallel_loop3A_678 : i32 to vector<16xi32>
      %parallel_loop3A_680 = arith.addi %parallel_loop3A_673, %parallel_loop3A_679 : vector<16xi32>
      %parallel_loop3A_681 = arith.constant 127 : i32
      %parallel_loop3A_682 = vector.broadcast %parallel_loop3A_681 : i32 to vector<16xi32>
      %parallel_loop3A_683 = arith.andi %parallel_loop3A_680, %parallel_loop3A_682 : vector<16xi32>
      %parallel_loop3A_684 = tpu.vector_load_idx %arg7[%parallel_loop3A_33, %parallel_loop3A_683] : memref<96x128xf32, #tpu.memory_space<vmem>>[vector<16xi32>, vector<16xi32>], vector<16xf32>,
      %parallel_loop3A_685 = tpu.vector_load_idx %arg8[%parallel_loop3A_42, %parallel_loop3A_683] : memref<4x128xf32, #tpu.memory_space<vmem>>[vector<16xi32>, vector<16xi32>], vector<16xf32>,
      %parallel_loop3A_686 = arith.mulf %parallel_loop3A_684, %parallel_loop3A_685 : vector<16xf32>
      %parallel_loop3A_687 = arith.addf %parallel_loop3A_647, %parallel_loop3A_686 : vector<16xf32>
      %parallel_loop3A_688 = arith.constant 1 : i32
      %parallel_loop3A_689 = vector.broadcast %parallel_loop3A_688 : i32 to vector<16xi32>
      %parallel_loop3A_690 = arith.addi %parallel_loop3A_683, %parallel_loop3A_689 : vector<16xi32>
      %parallel_loop3A_691 = arith.constant 127 : i32
      %parallel_loop3A_692 = vector.broadcast %parallel_loop3A_691 : i32 to vector<16xi32>
      %parallel_loop3A_693 = arith.andi %parallel_loop3A_690, %parallel_loop3A_692 : vector<16xi32>
      %parallel_loop3A_694 = tpu.vector_load_idx %arg7[%parallel_loop3A_33, %parallel_loop3A_693] : memref<96x128xf32, #tpu.memory_space<vmem>>[vector<16xi32>, vector<16xi32>], vector<16xf32>,
      %parallel_loop3A_695 = tpu.vector_load_idx %arg8[%parallel_loop3A_42, %parallel_loop3A_693] : memref<4x128xf32, #tpu.memory_space<vmem>>[vector<16xi32>, vector<16xi32>], vector<16xf32>,
      %parallel_loop3A_696 = arith.mulf %parallel_loop3A_694, %parallel_loop3A_695 : vector<16xf32>
      %parallel_loop3A_697 = arith.addf %parallel_loop3A_657, %parallel_loop3A_696 : vector<16xf32>
      %parallel_loop3A_698 = arith.constant 1 : i32
      %parallel_loop3A_699 = vector.broadcast %parallel_loop3A_698 : i32 to vector<16xi32>
      %parallel_loop3A_700 = arith.addi %parallel_loop3A_693, %parallel_loop3A_699 : vector<16xi32>
      %parallel_loop3A_701 = arith.constant 127 : i32
      %parallel_loop3A_702 = vector.broadcast %parallel_loop3A_701 : i32 to vector<16xi32>
      %parallel_loop3A_703 = arith.andi %parallel_loop3A_700, %parallel_loop3A_702 : vector<16xi32>
      %parallel_loop3A_704 = tpu.vector_load_idx %arg7[%parallel_loop3A_33, %parallel_loop3A_703] : memref<96x128xf32, #tpu.memory_space<vmem>>[vector<16xi32>, vector<16xi32>], vector<16xf32>,
      %parallel_loop3A_705 = tpu.vector_load_idx %arg8[%parallel_loop3A_42, %parallel_loop3A_703] : memref<4x128xf32, #tpu.memory_space<vmem>>[vector<16xi32>, vector<16xi32>], vector<16xf32>,
      %parallel_loop3A_706 = arith.mulf %parallel_loop3A_704, %parallel_loop3A_705 : vector<16xf32>
      %parallel_loop3A_707 = arith.addf %parallel_loop3A_667, %parallel_loop3A_706 : vector<16xf32>
      %parallel_loop3A_708 = arith.constant 1 : i32
      %parallel_loop3A_709 = vector.broadcast %parallel_loop3A_708 : i32 to vector<16xi32>
      %parallel_loop3A_710 = arith.addi %parallel_loop3A_703, %parallel_loop3A_709 : vector<16xi32>
      %parallel_loop3A_711 = arith.constant 127 : i32
      %parallel_loop3A_712 = vector.broadcast %parallel_loop3A_711 : i32 to vector<16xi32>
      %parallel_loop3A_713 = arith.andi %parallel_loop3A_710, %parallel_loop3A_712 : vector<16xi32>
      %parallel_loop3A_714 = tpu.vector_load_idx %arg7[%parallel_loop3A_33, %parallel_loop3A_713] : memref<96x128xf32, #tpu.memory_space<vmem>>[vector<16xi32>, vector<16xi32>], vector<16xf32>,
      %parallel_loop3A_715 = tpu.vector_load_idx %arg8[%parallel_loop3A_42, %parallel_loop3A_713] : memref<4x128xf32, #tpu.memory_space<vmem>>[vector<16xi32>, vector<16xi32>], vector<16xf32>,
      %parallel_loop3A_716 = arith.mulf %parallel_loop3A_714, %parallel_loop3A_715 : vector<16xf32>
      %parallel_loop3A_717 = arith.addf %parallel_loop3A_677, %parallel_loop3A_716 : vector<16xf32>
      %parallel_loop3A_718 = arith.constant 1 : i32
      %parallel_loop3A_719 = vector.broadcast %parallel_loop3A_718 : i32 to vector<16xi32>
      %parallel_loop3A_720 = arith.addi %parallel_loop3A_713, %parallel_loop3A_719 : vector<16xi32>
      %parallel_loop3A_721 = arith.constant 127 : i32
      %parallel_loop3A_722 = vector.broadcast %parallel_loop3A_721 : i32 to vector<16xi32>
      %parallel_loop3A_723 = arith.andi %parallel_loop3A_720, %parallel_loop3A_722 : vector<16xi32>
      %parallel_loop3A_724 = tpu.vector_load_idx %arg7[%parallel_loop3A_33, %parallel_loop3A_723] : memref<96x128xf32, #tpu.memory_space<vmem>>[vector<16xi32>, vector<16xi32>], vector<16xf32>,
      %parallel_loop3A_725 = tpu.vector_load_idx %arg8[%parallel_loop3A_42, %parallel_loop3A_723] : memref<4x128xf32, #tpu.memory_space<vmem>>[vector<16xi32>, vector<16xi32>], vector<16xf32>,
      %parallel_loop3A_726 = arith.mulf %parallel_loop3A_724, %parallel_loop3A_725 : vector<16xf32>
      %parallel_loop3A_727 = arith.addf %parallel_loop3A_687, %parallel_loop3A_726 : vector<16xf32>
      %parallel_loop3A_728 = arith.constant 1 : i32
      %parallel_loop3A_729 = vector.broadcast %parallel_loop3A_728 : i32 to vector<16xi32>
      %parallel_loop3A_730 = arith.addi %parallel_loop3A_723, %parallel_loop3A_729 : vector<16xi32>
      %parallel_loop3A_731 = arith.constant 127 : i32
      %parallel_loop3A_732 = vector.broadcast %parallel_loop3A_731 : i32 to vector<16xi32>
      %parallel_loop3A_733 = arith.andi %parallel_loop3A_730, %parallel_loop3A_732 : vector<16xi32>
      %parallel_loop3A_734 = tpu.vector_load_idx %arg7[%parallel_loop3A_33, %parallel_loop3A_733] : memref<96x128xf32, #tpu.memory_space<vmem>>[vector<16xi32>, vector<16xi32>], vector<16xf32>,
      %parallel_loop3A_735 = tpu.vector_load_idx %arg8[%parallel_loop3A_42, %parallel_loop3A_733] : memref<4x128xf32, #tpu.memory_space<vmem>>[vector<16xi32>, vector<16xi32>], vector<16xf32>,
      %parallel_loop3A_736 = arith.mulf %parallel_loop3A_734, %parallel_loop3A_735 : vector<16xf32>
      %parallel_loop3A_737 = arith.addf %parallel_loop3A_697, %parallel_loop3A_736 : vector<16xf32>
      %parallel_loop3A_738 = arith.constant 1 : i32
      %parallel_loop3A_739 = vector.broadcast %parallel_loop3A_738 : i32 to vector<16xi32>
      %parallel_loop3A_740 = arith.addi %parallel_loop3A_733, %parallel_loop3A_739 : vector<16xi32>
      %parallel_loop3A_741 = arith.constant 127 : i32
      %parallel_loop3A_742 = vector.broadcast %parallel_loop3A_741 : i32 to vector<16xi32>
      %parallel_loop3A_743 = arith.andi %parallel_loop3A_740, %parallel_loop3A_742 : vector<16xi32>
      %parallel_loop3A_744 = tpu.vector_load_idx %arg7[%parallel_loop3A_33, %parallel_loop3A_743] : memref<96x128xf32, #tpu.memory_space<vmem>>[vector<16xi32>, vector<16xi32>], vector<16xf32>,
      %parallel_loop3A_745 = tpu.vector_load_idx %arg8[%parallel_loop3A_42, %parallel_loop3A_743] : memref<4x128xf32, #tpu.memory_space<vmem>>[vector<16xi32>, vector<16xi32>], vector<16xf32>,
      %parallel_loop3A_746 = arith.mulf %parallel_loop3A_744, %parallel_loop3A_745 : vector<16xf32>
      %parallel_loop3A_747 = arith.addf %parallel_loop3A_707, %parallel_loop3A_746 : vector<16xf32>
      %parallel_loop3A_748 = arith.constant 1 : i32
      %parallel_loop3A_749 = vector.broadcast %parallel_loop3A_748 : i32 to vector<16xi32>
      %parallel_loop3A_750 = arith.addi %parallel_loop3A_743, %parallel_loop3A_749 : vector<16xi32>
      %parallel_loop3A_751 = arith.constant 127 : i32
      %parallel_loop3A_752 = vector.broadcast %parallel_loop3A_751 : i32 to vector<16xi32>
      %parallel_loop3A_753 = arith.andi %parallel_loop3A_750, %parallel_loop3A_752 : vector<16xi32>
      %parallel_loop3A_754 = tpu.vector_load_idx %arg7[%parallel_loop3A_33, %parallel_loop3A_753] : memref<96x128xf32, #tpu.memory_space<vmem>>[vector<16xi32>, vector<16xi32>], vector<16xf32>,
      %parallel_loop3A_755 = tpu.vector_load_idx %arg8[%parallel_loop3A_42, %parallel_loop3A_753] : memref<4x128xf32, #tpu.memory_space<vmem>>[vector<16xi32>, vector<16xi32>], vector<16xf32>,
      %parallel_loop3A_756 = arith.mulf %parallel_loop3A_754, %parallel_loop3A_755 : vector<16xf32>
      %parallel_loop3A_757 = arith.addf %parallel_loop3A_717, %parallel_loop3A_756 : vector<16xf32>
      %parallel_loop3A_758 = arith.constant 1 : i32
      %parallel_loop3A_759 = vector.broadcast %parallel_loop3A_758 : i32 to vector<16xi32>
      %parallel_loop3A_760 = arith.addi %parallel_loop3A_753, %parallel_loop3A_759 : vector<16xi32>
      %parallel_loop3A_761 = arith.constant 127 : i32
      %parallel_loop3A_762 = vector.broadcast %parallel_loop3A_761 : i32 to vector<16xi32>
      %parallel_loop3A_763 = arith.andi %parallel_loop3A_760, %parallel_loop3A_762 : vector<16xi32>
      %parallel_loop3A_764 = tpu.vector_load_idx %arg7[%parallel_loop3A_33, %parallel_loop3A_763] : memref<96x128xf32, #tpu.memory_space<vmem>>[vector<16xi32>, vector<16xi32>], vector<16xf32>,
      %parallel_loop3A_765 = tpu.vector_load_idx %arg8[%parallel_loop3A_42, %parallel_loop3A_763] : memref<4x128xf32, #tpu.memory_space<vmem>>[vector<16xi32>, vector<16xi32>], vector<16xf32>,
      %parallel_loop3A_766 = arith.mulf %parallel_loop3A_764, %parallel_loop3A_765 : vector<16xf32>
      %parallel_loop3A_767 = arith.addf %parallel_loop3A_727, %parallel_loop3A_766 : vector<16xf32>
      %parallel_loop3A_768 = arith.constant 1 : i32
      %parallel_loop3A_769 = vector.broadcast %parallel_loop3A_768 : i32 to vector<16xi32>
      %parallel_loop3A_770 = arith.addi %parallel_loop3A_763, %parallel_loop3A_769 : vector<16xi32>
      %parallel_loop3A_771 = arith.constant 127 : i32
      %parallel_loop3A_772 = vector.broadcast %parallel_loop3A_771 : i32 to vector<16xi32>
      %parallel_loop3A_773 = arith.andi %parallel_loop3A_770, %parallel_loop3A_772 : vector<16xi32>
      %parallel_loop3A_774 = tpu.vector_load_idx %arg7[%parallel_loop3A_33, %parallel_loop3A_773] : memref<96x128xf32, #tpu.memory_space<vmem>>[vector<16xi32>, vector<16xi32>], vector<16xf32>,
      %parallel_loop3A_775 = tpu.vector_load_idx %arg8[%parallel_loop3A_42, %parallel_loop3A_773] : memref<4x128xf32, #tpu.memory_space<vmem>>[vector<16xi32>, vector<16xi32>], vector<16xf32>,
      %parallel_loop3A_776 = arith.mulf %parallel_loop3A_774, %parallel_loop3A_775 : vector<16xf32>
      %parallel_loop3A_777 = arith.addf %parallel_loop3A_737, %parallel_loop3A_776 : vector<16xf32>
      %parallel_loop3A_778 = arith.constant 1 : i32
      %parallel_loop3A_779 = vector.broadcast %parallel_loop3A_778 : i32 to vector<16xi32>
      %parallel_loop3A_780 = arith.addi %parallel_loop3A_773, %parallel_loop3A_779 : vector<16xi32>
      %parallel_loop3A_781 = arith.constant 127 : i32
      %parallel_loop3A_782 = vector.broadcast %parallel_loop3A_781 : i32 to vector<16xi32>
      %parallel_loop3A_783 = arith.andi %parallel_loop3A_780, %parallel_loop3A_782 : vector<16xi32>
      %parallel_loop3A_784 = tpu.vector_load_idx %arg7[%parallel_loop3A_33, %parallel_loop3A_783] : memref<96x128xf32, #tpu.memory_space<vmem>>[vector<16xi32>, vector<16xi32>], vector<16xf32>,
      %parallel_loop3A_785 = tpu.vector_load_idx %arg8[%parallel_loop3A_42, %parallel_loop3A_783] : memref<4x128xf32, #tpu.memory_space<vmem>>[vector<16xi32>, vector<16xi32>], vector<16xf32>,
      %parallel_loop3A_786 = arith.mulf %parallel_loop3A_784, %parallel_loop3A_785 : vector<16xf32>
      %parallel_loop3A_787 = arith.addf %parallel_loop3A_747, %parallel_loop3A_786 : vector<16xf32>
      %parallel_loop3A_788 = arith.constant 1 : i32
      %parallel_loop3A_789 = vector.broadcast %parallel_loop3A_788 : i32 to vector<16xi32>
      %parallel_loop3A_790 = arith.addi %parallel_loop3A_783, %parallel_loop3A_789 : vector<16xi32>
      %parallel_loop3A_791 = arith.constant 127 : i32
      %parallel_loop3A_792 = vector.broadcast %parallel_loop3A_791 : i32 to vector<16xi32>
      %parallel_loop3A_793 = arith.andi %parallel_loop3A_790, %parallel_loop3A_792 : vector<16xi32>
      %parallel_loop3A_794 = tpu.vector_load_idx %arg7[%parallel_loop3A_33, %parallel_loop3A_793] : memref<96x128xf32, #tpu.memory_space<vmem>>[vector<16xi32>, vector<16xi32>], vector<16xf32>,
      %parallel_loop3A_795 = tpu.vector_load_idx %arg8[%parallel_loop3A_42, %parallel_loop3A_793] : memref<4x128xf32, #tpu.memory_space<vmem>>[vector<16xi32>, vector<16xi32>], vector<16xf32>,
      %parallel_loop3A_796 = arith.mulf %parallel_loop3A_794, %parallel_loop3A_795 : vector<16xf32>
      %parallel_loop3A_797 = arith.addf %parallel_loop3A_757, %parallel_loop3A_796 : vector<16xf32>
      %parallel_loop3A_798 = arith.constant 1 : i32
      %parallel_loop3A_799 = vector.broadcast %parallel_loop3A_798 : i32 to vector<16xi32>
      %parallel_loop3A_800 = arith.addi %parallel_loop3A_793, %parallel_loop3A_799 : vector<16xi32>
      %parallel_loop3A_801 = arith.constant 127 : i32
      %parallel_loop3A_802 = vector.broadcast %parallel_loop3A_801 : i32 to vector<16xi32>
      %parallel_loop3A_803 = arith.andi %parallel_loop3A_800, %parallel_loop3A_802 : vector<16xi32>
      %parallel_loop3A_804 = tpu.vector_load_idx %arg7[%parallel_loop3A_33, %parallel_loop3A_803] : memref<96x128xf32, #tpu.memory_space<vmem>>[vector<16xi32>, vector<16xi32>], vector<16xf32>,
      %parallel_loop3A_805 = tpu.vector_load_idx %arg8[%parallel_loop3A_42, %parallel_loop3A_803] : memref<4x128xf32, #tpu.memory_space<vmem>>[vector<16xi32>, vector<16xi32>], vector<16xf32>,
      %parallel_loop3A_806 = arith.mulf %parallel_loop3A_804, %parallel_loop3A_805 : vector<16xf32>
      %parallel_loop3A_807 = arith.addf %parallel_loop3A_767, %parallel_loop3A_806 : vector<16xf32>
      %parallel_loop3A_808 = arith.constant 1 : i32
      %parallel_loop3A_809 = vector.broadcast %parallel_loop3A_808 : i32 to vector<16xi32>
      %parallel_loop3A_810 = arith.addi %parallel_loop3A_803, %parallel_loop3A_809 : vector<16xi32>
      %parallel_loop3A_811 = arith.constant 127 : i32
      %parallel_loop3A_812 = vector.broadcast %parallel_loop3A_811 : i32 to vector<16xi32>
      %parallel_loop3A_813 = arith.andi %parallel_loop3A_810, %parallel_loop3A_812 : vector<16xi32>
      %parallel_loop3A_814 = tpu.vector_load_idx %arg7[%parallel_loop3A_33, %parallel_loop3A_813] : memref<96x128xf32, #tpu.memory_space<vmem>>[vector<16xi32>, vector<16xi32>], vector<16xf32>,
      %parallel_loop3A_815 = tpu.vector_load_idx %arg8[%parallel_loop3A_42, %parallel_loop3A_813] : memref<4x128xf32, #tpu.memory_space<vmem>>[vector<16xi32>, vector<16xi32>], vector<16xf32>,
      %parallel_loop3A_816 = arith.mulf %parallel_loop3A_814, %parallel_loop3A_815 : vector<16xf32>
      %parallel_loop3A_817 = arith.addf %parallel_loop3A_777, %parallel_loop3A_816 : vector<16xf32>
      %parallel_loop3A_818 = arith.constant 1 : i32
      %parallel_loop3A_819 = vector.broadcast %parallel_loop3A_818 : i32 to vector<16xi32>
      %parallel_loop3A_820 = arith.addi %parallel_loop3A_813, %parallel_loop3A_819 : vector<16xi32>
      %parallel_loop3A_821 = arith.constant 127 : i32
      %parallel_loop3A_822 = vector.broadcast %parallel_loop3A_821 : i32 to vector<16xi32>
      %parallel_loop3A_823 = arith.andi %parallel_loop3A_820, %parallel_loop3A_822 : vector<16xi32>
      %parallel_loop3A_824 = tpu.vector_load_idx %arg7[%parallel_loop3A_33, %parallel_loop3A_823] : memref<96x128xf32, #tpu.memory_space<vmem>>[vector<16xi32>, vector<16xi32>], vector<16xf32>,
      %parallel_loop3A_825 = tpu.vector_load_idx %arg8[%parallel_loop3A_42, %parallel_loop3A_823] : memref<4x128xf32, #tpu.memory_space<vmem>>[vector<16xi32>, vector<16xi32>], vector<16xf32>,
      %parallel_loop3A_826 = arith.mulf %parallel_loop3A_824, %parallel_loop3A_825 : vector<16xf32>
      %parallel_loop3A_827 = arith.addf %parallel_loop3A_787, %parallel_loop3A_826 : vector<16xf32>
      %parallel_loop3A_828 = arith.constant 1 : i32
      %parallel_loop3A_829 = vector.broadcast %parallel_loop3A_828 : i32 to vector<16xi32>
      %parallel_loop3A_830 = arith.addi %parallel_loop3A_823, %parallel_loop3A_829 : vector<16xi32>
      %parallel_loop3A_831 = arith.constant 127 : i32
      %parallel_loop3A_832 = vector.broadcast %parallel_loop3A_831 : i32 to vector<16xi32>
      %parallel_loop3A_833 = arith.andi %parallel_loop3A_830, %parallel_loop3A_832 : vector<16xi32>
      %parallel_loop3A_834 = tpu.vector_load_idx %arg7[%parallel_loop3A_33, %parallel_loop3A_833] : memref<96x128xf32, #tpu.memory_space<vmem>>[vector<16xi32>, vector<16xi32>], vector<16xf32>,
      %parallel_loop3A_835 = tpu.vector_load_idx %arg8[%parallel_loop3A_42, %parallel_loop3A_833] : memref<4x128xf32, #tpu.memory_space<vmem>>[vector<16xi32>, vector<16xi32>], vector<16xf32>,
      %parallel_loop3A_836 = arith.mulf %parallel_loop3A_834, %parallel_loop3A_835 : vector<16xf32>
      %parallel_loop3A_837 = arith.addf %parallel_loop3A_797, %parallel_loop3A_836 : vector<16xf32>
      %parallel_loop3A_838 = arith.constant 1 : i32
      %parallel_loop3A_839 = vector.broadcast %parallel_loop3A_838 : i32 to vector<16xi32>
      %parallel_loop3A_840 = arith.addi %parallel_loop3A_833, %parallel_loop3A_839 : vector<16xi32>
      %parallel_loop3A_841 = arith.constant 127 : i32
      %parallel_loop3A_842 = vector.broadcast %parallel_loop3A_841 : i32 to vector<16xi32>
      %parallel_loop3A_843 = arith.andi %parallel_loop3A_840, %parallel_loop3A_842 : vector<16xi32>
      %parallel_loop3A_844 = tpu.vector_load_idx %arg7[%parallel_loop3A_33, %parallel_loop3A_843] : memref<96x128xf32, #tpu.memory_space<vmem>>[vector<16xi32>, vector<16xi32>], vector<16xf32>,
      %parallel_loop3A_845 = tpu.vector_load_idx %arg8[%parallel_loop3A_42, %parallel_loop3A_843] : memref<4x128xf32, #tpu.memory_space<vmem>>[vector<16xi32>, vector<16xi32>], vector<16xf32>,
      %parallel_loop3A_846 = arith.mulf %parallel_loop3A_844, %parallel_loop3A_845 : vector<16xf32>
      %parallel_loop3A_847 = arith.addf %parallel_loop3A_807, %parallel_loop3A_846 : vector<16xf32>
      %parallel_loop3A_848 = arith.constant 1 : i32
      %parallel_loop3A_849 = vector.broadcast %parallel_loop3A_848 : i32 to vector<16xi32>
      %parallel_loop3A_850 = arith.addi %parallel_loop3A_843, %parallel_loop3A_849 : vector<16xi32>
      %parallel_loop3A_851 = arith.constant 127 : i32
      %parallel_loop3A_852 = vector.broadcast %parallel_loop3A_851 : i32 to vector<16xi32>
      %parallel_loop3A_853 = arith.andi %parallel_loop3A_850, %parallel_loop3A_852 : vector<16xi32>
      %parallel_loop3A_854 = tpu.vector_load_idx %arg7[%parallel_loop3A_33, %parallel_loop3A_853] : memref<96x128xf32, #tpu.memory_space<vmem>>[vector<16xi32>, vector<16xi32>], vector<16xf32>,
      %parallel_loop3A_855 = tpu.vector_load_idx %arg8[%parallel_loop3A_42, %parallel_loop3A_853] : memref<4x128xf32, #tpu.memory_space<vmem>>[vector<16xi32>, vector<16xi32>], vector<16xf32>,
      %parallel_loop3A_856 = arith.mulf %parallel_loop3A_854, %parallel_loop3A_855 : vector<16xf32>
      %parallel_loop3A_857 = arith.addf %parallel_loop3A_817, %parallel_loop3A_856 : vector<16xf32>
      %parallel_loop3A_858 = arith.constant 1 : i32
      %parallel_loop3A_859 = vector.broadcast %parallel_loop3A_858 : i32 to vector<16xi32>
      %parallel_loop3A_860 = arith.addi %parallel_loop3A_853, %parallel_loop3A_859 : vector<16xi32>
      %parallel_loop3A_861 = arith.constant 127 : i32
      %parallel_loop3A_862 = vector.broadcast %parallel_loop3A_861 : i32 to vector<16xi32>
      %parallel_loop3A_863 = arith.andi %parallel_loop3A_860, %parallel_loop3A_862 : vector<16xi32>
      %parallel_loop3A_864 = tpu.vector_load_idx %arg7[%parallel_loop3A_33, %parallel_loop3A_863] : memref<96x128xf32, #tpu.memory_space<vmem>>[vector<16xi32>, vector<16xi32>], vector<16xf32>,
      %parallel_loop3A_865 = tpu.vector_load_idx %arg8[%parallel_loop3A_42, %parallel_loop3A_863] : memref<4x128xf32, #tpu.memory_space<vmem>>[vector<16xi32>, vector<16xi32>], vector<16xf32>,
      %parallel_loop3A_866 = arith.mulf %parallel_loop3A_864, %parallel_loop3A_865 : vector<16xf32>
      %parallel_loop3A_867 = arith.addf %parallel_loop3A_827, %parallel_loop3A_866 : vector<16xf32>
      %parallel_loop3A_868 = arith.constant 1 : i32
      %parallel_loop3A_869 = vector.broadcast %parallel_loop3A_868 : i32 to vector<16xi32>
      %parallel_loop3A_870 = arith.addi %parallel_loop3A_863, %parallel_loop3A_869 : vector<16xi32>
      %parallel_loop3A_871 = arith.constant 127 : i32
      %parallel_loop3A_872 = vector.broadcast %parallel_loop3A_871 : i32 to vector<16xi32>
      %parallel_loop3A_873 = arith.andi %parallel_loop3A_870, %parallel_loop3A_872 : vector<16xi32>
      %parallel_loop3A_874 = tpu.vector_load_idx %arg7[%parallel_loop3A_33, %parallel_loop3A_873] : memref<96x128xf32, #tpu.memory_space<vmem>>[vector<16xi32>, vector<16xi32>], vector<16xf32>,
      %parallel_loop3A_875 = tpu.vector_load_idx %arg8[%parallel_loop3A_42, %parallel_loop3A_873] : memref<4x128xf32, #tpu.memory_space<vmem>>[vector<16xi32>, vector<16xi32>], vector<16xf32>,
      %parallel_loop3A_876 = arith.mulf %parallel_loop3A_874, %parallel_loop3A_875 : vector<16xf32>
      %parallel_loop3A_877 = arith.addf %parallel_loop3A_837, %parallel_loop3A_876 : vector<16xf32>
      %parallel_loop3A_878 = arith.constant 1 : i32
      %parallel_loop3A_879 = vector.broadcast %parallel_loop3A_878 : i32 to vector<16xi32>
      %parallel_loop3A_880 = arith.addi %parallel_loop3A_873, %parallel_loop3A_879 : vector<16xi32>
      %parallel_loop3A_881 = arith.constant 127 : i32
      %parallel_loop3A_882 = vector.broadcast %parallel_loop3A_881 : i32 to vector<16xi32>
      %parallel_loop3A_883 = arith.andi %parallel_loop3A_880, %parallel_loop3A_882 : vector<16xi32>
      %parallel_loop3A_884 = tpu.vector_load_idx %arg7[%parallel_loop3A_33, %parallel_loop3A_883] : memref<96x128xf32, #tpu.memory_space<vmem>>[vector<16xi32>, vector<16xi32>], vector<16xf32>,
      %parallel_loop3A_885 = tpu.vector_load_idx %arg8[%parallel_loop3A_42, %parallel_loop3A_883] : memref<4x128xf32, #tpu.memory_space<vmem>>[vector<16xi32>, vector<16xi32>], vector<16xf32>,
      %parallel_loop3A_886 = arith.mulf %parallel_loop3A_884, %parallel_loop3A_885 : vector<16xf32>
      %parallel_loop3A_887 = arith.addf %parallel_loop3A_847, %parallel_loop3A_886 : vector<16xf32>
      %parallel_loop3A_888 = arith.constant 1 : i32
      %parallel_loop3A_889 = vector.broadcast %parallel_loop3A_888 : i32 to vector<16xi32>
      %parallel_loop3A_890 = arith.addi %parallel_loop3A_883, %parallel_loop3A_889 : vector<16xi32>
      %parallel_loop3A_891 = arith.constant 127 : i32
      %parallel_loop3A_892 = vector.broadcast %parallel_loop3A_891 : i32 to vector<16xi32>
      %parallel_loop3A_893 = arith.andi %parallel_loop3A_890, %parallel_loop3A_892 : vector<16xi32>
      %parallel_loop3A_894 = tpu.vector_load_idx %arg7[%parallel_loop3A_33, %parallel_loop3A_893] : memref<96x128xf32, #tpu.memory_space<vmem>>[vector<16xi32>, vector<16xi32>], vector<16xf32>,
      %parallel_loop3A_895 = tpu.vector_load_idx %arg8[%parallel_loop3A_42, %parallel_loop3A_893] : memref<4x128xf32, #tpu.memory_space<vmem>>[vector<16xi32>, vector<16xi32>], vector<16xf32>,
      %parallel_loop3A_896 = arith.mulf %parallel_loop3A_894, %parallel_loop3A_895 : vector<16xf32>
      %parallel_loop3A_897 = arith.addf %parallel_loop3A_857, %parallel_loop3A_896 : vector<16xf32>
      %parallel_loop3A_898 = arith.constant 1 : i32
      %parallel_loop3A_899 = vector.broadcast %parallel_loop3A_898 : i32 to vector<16xi32>
      %parallel_loop3A_900 = arith.addi %parallel_loop3A_893, %parallel_loop3A_899 : vector<16xi32>
      %parallel_loop3A_901 = arith.constant 127 : i32
      %parallel_loop3A_902 = vector.broadcast %parallel_loop3A_901 : i32 to vector<16xi32>
      %parallel_loop3A_903 = arith.andi %parallel_loop3A_900, %parallel_loop3A_902 : vector<16xi32>
      %parallel_loop3A_904 = tpu.vector_load_idx %arg7[%parallel_loop3A_33, %parallel_loop3A_903] : memref<96x128xf32, #tpu.memory_space<vmem>>[vector<16xi32>, vector<16xi32>], vector<16xf32>,
      %parallel_loop3A_905 = tpu.vector_load_idx %arg8[%parallel_loop3A_42, %parallel_loop3A_903] : memref<4x128xf32, #tpu.memory_space<vmem>>[vector<16xi32>, vector<16xi32>], vector<16xf32>,
      %parallel_loop3A_906 = arith.mulf %parallel_loop3A_904, %parallel_loop3A_905 : vector<16xf32>
      %parallel_loop3A_907 = arith.addf %parallel_loop3A_867, %parallel_loop3A_906 : vector<16xf32>
      %parallel_loop3A_908 = arith.constant 1 : i32
      %parallel_loop3A_909 = vector.broadcast %parallel_loop3A_908 : i32 to vector<16xi32>
      %parallel_loop3A_910 = arith.addi %parallel_loop3A_903, %parallel_loop3A_909 : vector<16xi32>
      %parallel_loop3A_911 = arith.constant 127 : i32
      %parallel_loop3A_912 = vector.broadcast %parallel_loop3A_911 : i32 to vector<16xi32>
      %parallel_loop3A_913 = arith.andi %parallel_loop3A_910, %parallel_loop3A_912 : vector<16xi32>
      %parallel_loop3A_914 = tpu.vector_load_idx %arg7[%parallel_loop3A_33, %parallel_loop3A_913] : memref<96x128xf32, #tpu.memory_space<vmem>>[vector<16xi32>, vector<16xi32>], vector<16xf32>,
      %parallel_loop3A_915 = tpu.vector_load_idx %arg8[%parallel_loop3A_42, %parallel_loop3A_913] : memref<4x128xf32, #tpu.memory_space<vmem>>[vector<16xi32>, vector<16xi32>], vector<16xf32>,
      %parallel_loop3A_916 = arith.mulf %parallel_loop3A_914, %parallel_loop3A_915 : vector<16xf32>
      %parallel_loop3A_917 = arith.addf %parallel_loop3A_877, %parallel_loop3A_916 : vector<16xf32>
      %parallel_loop3A_918 = arith.constant 1 : i32
      %parallel_loop3A_919 = vector.broadcast %parallel_loop3A_918 : i32 to vector<16xi32>
      %parallel_loop3A_920 = arith.addi %parallel_loop3A_913, %parallel_loop3A_919 : vector<16xi32>
      %parallel_loop3A_921 = arith.constant 127 : i32
      %parallel_loop3A_922 = vector.broadcast %parallel_loop3A_921 : i32 to vector<16xi32>
      %parallel_loop3A_923 = arith.andi %parallel_loop3A_920, %parallel_loop3A_922 : vector<16xi32>
      %parallel_loop3A_924 = tpu.vector_load_idx %arg7[%parallel_loop3A_33, %parallel_loop3A_923] : memref<96x128xf32, #tpu.memory_space<vmem>>[vector<16xi32>, vector<16xi32>], vector<16xf32>,
      %parallel_loop3A_925 = tpu.vector_load_idx %arg8[%parallel_loop3A_42, %parallel_loop3A_923] : memref<4x128xf32, #tpu.memory_space<vmem>>[vector<16xi32>, vector<16xi32>], vector<16xf32>,
      %parallel_loop3A_926 = arith.mulf %parallel_loop3A_924, %parallel_loop3A_925 : vector<16xf32>
      %parallel_loop3A_927 = arith.addf %parallel_loop3A_887, %parallel_loop3A_926 : vector<16xf32>
      %parallel_loop3A_928 = arith.constant 1 : i32
      %parallel_loop3A_929 = vector.broadcast %parallel_loop3A_928 : i32 to vector<16xi32>
      %parallel_loop3A_930 = arith.addi %parallel_loop3A_923, %parallel_loop3A_929 : vector<16xi32>
      %parallel_loop3A_931 = arith.constant 127 : i32
      %parallel_loop3A_932 = vector.broadcast %parallel_loop3A_931 : i32 to vector<16xi32>
      %parallel_loop3A_933 = arith.andi %parallel_loop3A_930, %parallel_loop3A_932 : vector<16xi32>
      %parallel_loop3A_934 = tpu.vector_load_idx %arg7[%parallel_loop3A_33, %parallel_loop3A_933] : memref<96x128xf32, #tpu.memory_space<vmem>>[vector<16xi32>, vector<16xi32>], vector<16xf32>,
      %parallel_loop3A_935 = tpu.vector_load_idx %arg8[%parallel_loop3A_42, %parallel_loop3A_933] : memref<4x128xf32, #tpu.memory_space<vmem>>[vector<16xi32>, vector<16xi32>], vector<16xf32>,
      %parallel_loop3A_936 = arith.mulf %parallel_loop3A_934, %parallel_loop3A_935 : vector<16xf32>
      %parallel_loop3A_937 = arith.addf %parallel_loop3A_897, %parallel_loop3A_936 : vector<16xf32>
      %parallel_loop3A_938 = arith.constant 1 : i32
      %parallel_loop3A_939 = vector.broadcast %parallel_loop3A_938 : i32 to vector<16xi32>
      %parallel_loop3A_940 = arith.addi %parallel_loop3A_933, %parallel_loop3A_939 : vector<16xi32>
      %parallel_loop3A_941 = arith.constant 127 : i32
      %parallel_loop3A_942 = vector.broadcast %parallel_loop3A_941 : i32 to vector<16xi32>
      %parallel_loop3A_943 = arith.andi %parallel_loop3A_940, %parallel_loop3A_942 : vector<16xi32>
      %parallel_loop3A_944 = tpu.vector_load_idx %arg7[%parallel_loop3A_33, %parallel_loop3A_943] : memref<96x128xf32, #tpu.memory_space<vmem>>[vector<16xi32>, vector<16xi32>], vector<16xf32>,
      %parallel_loop3A_945 = tpu.vector_load_idx %arg8[%parallel_loop3A_42, %parallel_loop3A_943] : memref<4x128xf32, #tpu.memory_space<vmem>>[vector<16xi32>, vector<16xi32>], vector<16xf32>,
      %parallel_loop3A_946 = arith.mulf %parallel_loop3A_944, %parallel_loop3A_945 : vector<16xf32>
      %parallel_loop3A_947 = arith.addf %parallel_loop3A_907, %parallel_loop3A_946 : vector<16xf32>
      %parallel_loop3A_948 = arith.constant 1 : i32
      %parallel_loop3A_949 = vector.broadcast %parallel_loop3A_948 : i32 to vector<16xi32>
      %parallel_loop3A_950 = arith.addi %parallel_loop3A_943, %parallel_loop3A_949 : vector<16xi32>
      %parallel_loop3A_951 = arith.constant 127 : i32
      %parallel_loop3A_952 = vector.broadcast %parallel_loop3A_951 : i32 to vector<16xi32>
      %parallel_loop3A_953 = arith.andi %parallel_loop3A_950, %parallel_loop3A_952 : vector<16xi32>
      %parallel_loop3A_954 = tpu.vector_load_idx %arg7[%parallel_loop3A_33, %parallel_loop3A_953] : memref<96x128xf32, #tpu.memory_space<vmem>>[vector<16xi32>, vector<16xi32>], vector<16xf32>,
      %parallel_loop3A_955 = tpu.vector_load_idx %arg8[%parallel_loop3A_42, %parallel_loop3A_953] : memref<4x128xf32, #tpu.memory_space<vmem>>[vector<16xi32>, vector<16xi32>], vector<16xf32>,
      %parallel_loop3A_956 = arith.mulf %parallel_loop3A_954, %parallel_loop3A_955 : vector<16xf32>
      %parallel_loop3A_957 = arith.addf %parallel_loop3A_917, %parallel_loop3A_956 : vector<16xf32>
      %parallel_loop3A_958 = arith.constant 1 : i32
      %parallel_loop3A_959 = vector.broadcast %parallel_loop3A_958 : i32 to vector<16xi32>
      %parallel_loop3A_960 = arith.addi %parallel_loop3A_953, %parallel_loop3A_959 : vector<16xi32>
      %parallel_loop3A_961 = arith.constant 127 : i32
      %parallel_loop3A_962 = vector.broadcast %parallel_loop3A_961 : i32 to vector<16xi32>
      %parallel_loop3A_963 = arith.andi %parallel_loop3A_960, %parallel_loop3A_962 : vector<16xi32>
      %parallel_loop3A_964 = tpu.vector_load_idx %arg7[%parallel_loop3A_33, %parallel_loop3A_963] : memref<96x128xf32, #tpu.memory_space<vmem>>[vector<16xi32>, vector<16xi32>], vector<16xf32>,
      %parallel_loop3A_965 = tpu.vector_load_idx %arg8[%parallel_loop3A_42, %parallel_loop3A_963] : memref<4x128xf32, #tpu.memory_space<vmem>>[vector<16xi32>, vector<16xi32>], vector<16xf32>,
      %parallel_loop3A_966 = arith.mulf %parallel_loop3A_964, %parallel_loop3A_965 : vector<16xf32>
      %parallel_loop3A_967 = arith.addf %parallel_loop3A_927, %parallel_loop3A_966 : vector<16xf32>
      %parallel_loop3A_968 = arith.constant 1 : i32
      %parallel_loop3A_969 = vector.broadcast %parallel_loop3A_968 : i32 to vector<16xi32>
      %parallel_loop3A_970 = arith.addi %parallel_loop3A_963, %parallel_loop3A_969 : vector<16xi32>
      %parallel_loop3A_971 = arith.constant 127 : i32
      %parallel_loop3A_972 = vector.broadcast %parallel_loop3A_971 : i32 to vector<16xi32>
      %parallel_loop3A_973 = arith.andi %parallel_loop3A_970, %parallel_loop3A_972 : vector<16xi32>
      %parallel_loop3A_974 = tpu.vector_load_idx %arg7[%parallel_loop3A_33, %parallel_loop3A_973] : memref<96x128xf32, #tpu.memory_space<vmem>>[vector<16xi32>, vector<16xi32>], vector<16xf32>,
      %parallel_loop3A_975 = tpu.vector_load_idx %arg8[%parallel_loop3A_42, %parallel_loop3A_973] : memref<4x128xf32, #tpu.memory_space<vmem>>[vector<16xi32>, vector<16xi32>], vector<16xf32>,
      %parallel_loop3A_976 = arith.mulf %parallel_loop3A_974, %parallel_loop3A_975 : vector<16xf32>
      %parallel_loop3A_977 = arith.addf %parallel_loop3A_937, %parallel_loop3A_976 : vector<16xf32>
      %parallel_loop3A_978 = arith.constant 1 : i32
      %parallel_loop3A_979 = vector.broadcast %parallel_loop3A_978 : i32 to vector<16xi32>
      %parallel_loop3A_980 = arith.addi %parallel_loop3A_973, %parallel_loop3A_979 : vector<16xi32>
      %parallel_loop3A_981 = arith.constant 127 : i32
      %parallel_loop3A_982 = vector.broadcast %parallel_loop3A_981 : i32 to vector<16xi32>
      %parallel_loop3A_983 = arith.andi %parallel_loop3A_980, %parallel_loop3A_982 : vector<16xi32>
      %parallel_loop3A_984 = tpu.vector_load_idx %arg7[%parallel_loop3A_33, %parallel_loop3A_983] : memref<96x128xf32, #tpu.memory_space<vmem>>[vector<16xi32>, vector<16xi32>], vector<16xf32>,
      %parallel_loop3A_985 = tpu.vector_load_idx %arg8[%parallel_loop3A_42, %parallel_loop3A_983] : memref<4x128xf32, #tpu.memory_space<vmem>>[vector<16xi32>, vector<16xi32>], vector<16xf32>,
      %parallel_loop3A_986 = arith.mulf %parallel_loop3A_984, %parallel_loop3A_985 : vector<16xf32>
      %parallel_loop3A_987 = arith.addf %parallel_loop3A_947, %parallel_loop3A_986 : vector<16xf32>
      %parallel_loop3A_988 = arith.constant 1 : i32
      %parallel_loop3A_989 = vector.broadcast %parallel_loop3A_988 : i32 to vector<16xi32>
      %parallel_loop3A_990 = arith.addi %parallel_loop3A_983, %parallel_loop3A_989 : vector<16xi32>
      %parallel_loop3A_991 = arith.constant 127 : i32
      %parallel_loop3A_992 = vector.broadcast %parallel_loop3A_991 : i32 to vector<16xi32>
      %parallel_loop3A_993 = arith.andi %parallel_loop3A_990, %parallel_loop3A_992 : vector<16xi32>
      %parallel_loop3A_994 = tpu.vector_load_idx %arg7[%parallel_loop3A_33, %parallel_loop3A_993] : memref<96x128xf32, #tpu.memory_space<vmem>>[vector<16xi32>, vector<16xi32>], vector<16xf32>,
      %parallel_loop3A_995 = tpu.vector_load_idx %arg8[%parallel_loop3A_42, %parallel_loop3A_993] : memref<4x128xf32, #tpu.memory_space<vmem>>[vector<16xi32>, vector<16xi32>], vector<16xf32>,
      %parallel_loop3A_996 = arith.mulf %parallel_loop3A_994, %parallel_loop3A_995 : vector<16xf32>
      %parallel_loop3A_997 = arith.addf %parallel_loop3A_957, %parallel_loop3A_996 : vector<16xf32>
      %parallel_loop3A_998 = arith.constant 1 : i32
      %parallel_loop3A_999 = vector.broadcast %parallel_loop3A_998 : i32 to vector<16xi32>
      %parallel_loop3A_1000 = arith.addi %parallel_loop3A_993, %parallel_loop3A_999 : vector<16xi32>
      %parallel_loop3A_1001 = arith.constant 127 : i32
      %parallel_loop3A_1002 = vector.broadcast %parallel_loop3A_1001 : i32 to vector<16xi32>
      %parallel_loop3A_1003 = arith.andi %parallel_loop3A_1000, %parallel_loop3A_1002 : vector<16xi32>
      %parallel_loop3A_1004 = tpu.vector_load_idx %arg7[%parallel_loop3A_33, %parallel_loop3A_1003] : memref<96x128xf32, #tpu.memory_space<vmem>>[vector<16xi32>, vector<16xi32>], vector<16xf32>,
      %parallel_loop3A_1005 = tpu.vector_load_idx %arg8[%parallel_loop3A_42, %parallel_loop3A_1003] : memref<4x128xf32, #tpu.memory_space<vmem>>[vector<16xi32>, vector<16xi32>], vector<16xf32>,
      %parallel_loop3A_1006 = arith.mulf %parallel_loop3A_1004, %parallel_loop3A_1005 : vector<16xf32>
      %parallel_loop3A_1007 = arith.addf %parallel_loop3A_967, %parallel_loop3A_1006 : vector<16xf32>
      %parallel_loop3A_1008 = arith.constant 1 : i32
      %parallel_loop3A_1009 = vector.broadcast %parallel_loop3A_1008 : i32 to vector<16xi32>
      %parallel_loop3A_1010 = arith.addi %parallel_loop3A_1003, %parallel_loop3A_1009 : vector<16xi32>
      %parallel_loop3A_1011 = arith.constant 127 : i32
      %parallel_loop3A_1012 = vector.broadcast %parallel_loop3A_1011 : i32 to vector<16xi32>
      %parallel_loop3A_1013 = arith.andi %parallel_loop3A_1010, %parallel_loop3A_1012 : vector<16xi32>
      %parallel_loop3A_1014 = tpu.vector_load_idx %arg7[%parallel_loop3A_33, %parallel_loop3A_1013] : memref<96x128xf32, #tpu.memory_space<vmem>>[vector<16xi32>, vector<16xi32>], vector<16xf32>,
      %parallel_loop3A_1015 = tpu.vector_load_idx %arg8[%parallel_loop3A_42, %parallel_loop3A_1013] : memref<4x128xf32, #tpu.memory_space<vmem>>[vector<16xi32>, vector<16xi32>], vector<16xf32>,
      %parallel_loop3A_1016 = arith.mulf %parallel_loop3A_1014, %parallel_loop3A_1015 : vector<16xf32>
      %parallel_loop3A_1017 = arith.addf %parallel_loop3A_977, %parallel_loop3A_1016 : vector<16xf32>
      %parallel_loop3A_1018 = arith.constant 1 : i32
      %parallel_loop3A_1019 = vector.broadcast %parallel_loop3A_1018 : i32 to vector<16xi32>
      %parallel_loop3A_1020 = arith.addi %parallel_loop3A_1013, %parallel_loop3A_1019 : vector<16xi32>
      %parallel_loop3A_1021 = arith.constant 127 : i32
      %parallel_loop3A_1022 = vector.broadcast %parallel_loop3A_1021 : i32 to vector<16xi32>
      %parallel_loop3A_1023 = arith.andi %parallel_loop3A_1020, %parallel_loop3A_1022 : vector<16xi32>
      %parallel_loop3A_1024 = tpu.vector_load_idx %arg7[%parallel_loop3A_33, %parallel_loop3A_1023] : memref<96x128xf32, #tpu.memory_space<vmem>>[vector<16xi32>, vector<16xi32>], vector<16xf32>,
      %parallel_loop3A_1025 = tpu.vector_load_idx %arg8[%parallel_loop3A_42, %parallel_loop3A_1023] : memref<4x128xf32, #tpu.memory_space<vmem>>[vector<16xi32>, vector<16xi32>], vector<16xf32>,
      %parallel_loop3A_1026 = arith.mulf %parallel_loop3A_1024, %parallel_loop3A_1025 : vector<16xf32>
      %parallel_loop3A_1027 = arith.addf %parallel_loop3A_987, %parallel_loop3A_1026 : vector<16xf32>
      %parallel_loop3A_1028 = arith.constant 1 : i32
      %parallel_loop3A_1029 = vector.broadcast %parallel_loop3A_1028 : i32 to vector<16xi32>
      %parallel_loop3A_1030 = arith.addi %parallel_loop3A_1023, %parallel_loop3A_1029 : vector<16xi32>
      %parallel_loop3A_1031 = arith.constant 127 : i32
      %parallel_loop3A_1032 = vector.broadcast %parallel_loop3A_1031 : i32 to vector<16xi32>
      %parallel_loop3A_1033 = arith.andi %parallel_loop3A_1030, %parallel_loop3A_1032 : vector<16xi32>
      %parallel_loop3A_1034 = tpu.vector_load_idx %arg7[%parallel_loop3A_33, %parallel_loop3A_1033] : memref<96x128xf32, #tpu.memory_space<vmem>>[vector<16xi32>, vector<16xi32>], vector<16xf32>,
      %parallel_loop3A_1035 = tpu.vector_load_idx %arg8[%parallel_loop3A_42, %parallel_loop3A_1033] : memref<4x128xf32, #tpu.memory_space<vmem>>[vector<16xi32>, vector<16xi32>], vector<16xf32>,
      %parallel_loop3A_1036 = arith.mulf %parallel_loop3A_1034, %parallel_loop3A_1035 : vector<16xf32>
      %parallel_loop3A_1037 = arith.addf %parallel_loop3A_997, %parallel_loop3A_1036 : vector<16xf32>
      %parallel_loop3A_1038 = arith.constant 1 : i32
      %parallel_loop3A_1039 = vector.broadcast %parallel_loop3A_1038 : i32 to vector<16xi32>
      %parallel_loop3A_1040 = arith.addi %parallel_loop3A_1033, %parallel_loop3A_1039 : vector<16xi32>
      %parallel_loop3A_1041 = arith.constant 127 : i32
      %parallel_loop3A_1042 = vector.broadcast %parallel_loop3A_1041 : i32 to vector<16xi32>
      %parallel_loop3A_1043 = arith.andi %parallel_loop3A_1040, %parallel_loop3A_1042 : vector<16xi32>
      %parallel_loop3A_1044 = tpu.vector_load_idx %arg7[%parallel_loop3A_33, %parallel_loop3A_1043] : memref<96x128xf32, #tpu.memory_space<vmem>>[vector<16xi32>, vector<16xi32>], vector<16xf32>,
      %parallel_loop3A_1045 = tpu.vector_load_idx %arg8[%parallel_loop3A_42, %parallel_loop3A_1043] : memref<4x128xf32, #tpu.memory_space<vmem>>[vector<16xi32>, vector<16xi32>], vector<16xf32>,
      %parallel_loop3A_1046 = arith.mulf %parallel_loop3A_1044, %parallel_loop3A_1045 : vector<16xf32>
      %parallel_loop3A_1047 = arith.addf %parallel_loop3A_1007, %parallel_loop3A_1046 : vector<16xf32>
      %parallel_loop3A_1048 = arith.constant 1 : i32
      %parallel_loop3A_1049 = vector.broadcast %parallel_loop3A_1048 : i32 to vector<16xi32>
      %parallel_loop3A_1050 = arith.addi %parallel_loop3A_1043, %parallel_loop3A_1049 : vector<16xi32>
      %parallel_loop3A_1051 = arith.constant 127 : i32
      %parallel_loop3A_1052 = vector.broadcast %parallel_loop3A_1051 : i32 to vector<16xi32>
      %parallel_loop3A_1053 = arith.andi %parallel_loop3A_1050, %parallel_loop3A_1052 : vector<16xi32>
      %parallel_loop3A_1054 = tpu.vector_load_idx %arg7[%parallel_loop3A_33, %parallel_loop3A_1053] : memref<96x128xf32, #tpu.memory_space<vmem>>[vector<16xi32>, vector<16xi32>], vector<16xf32>,
      %parallel_loop3A_1055 = tpu.vector_load_idx %arg8[%parallel_loop3A_42, %parallel_loop3A_1053] : memref<4x128xf32, #tpu.memory_space<vmem>>[vector<16xi32>, vector<16xi32>], vector<16xf32>,
      %parallel_loop3A_1056 = arith.mulf %parallel_loop3A_1054, %parallel_loop3A_1055 : vector<16xf32>
      %parallel_loop3A_1057 = arith.addf %parallel_loop3A_1017, %parallel_loop3A_1056 : vector<16xf32>
      %parallel_loop3A_1058 = arith.constant 1 : i32
      %parallel_loop3A_1059 = vector.broadcast %parallel_loop3A_1058 : i32 to vector<16xi32>
      %parallel_loop3A_1060 = arith.addi %parallel_loop3A_1053, %parallel_loop3A_1059 : vector<16xi32>
      %parallel_loop3A_1061 = arith.constant 127 : i32
      %parallel_loop3A_1062 = vector.broadcast %parallel_loop3A_1061 : i32 to vector<16xi32>
      %parallel_loop3A_1063 = arith.andi %parallel_loop3A_1060, %parallel_loop3A_1062 : vector<16xi32>
      %parallel_loop3A_1064 = tpu.vector_load_idx %arg7[%parallel_loop3A_33, %parallel_loop3A_1063] : memref<96x128xf32, #tpu.memory_space<vmem>>[vector<16xi32>, vector<16xi32>], vector<16xf32>,
      %parallel_loop3A_1065 = tpu.vector_load_idx %arg8[%parallel_loop3A_42, %parallel_loop3A_1063] : memref<4x128xf32, #tpu.memory_space<vmem>>[vector<16xi32>, vector<16xi32>], vector<16xf32>,
      %parallel_loop3A_1066 = arith.mulf %parallel_loop3A_1064, %parallel_loop3A_1065 : vector<16xf32>
      %parallel_loop3A_1067 = arith.addf %parallel_loop3A_1027, %parallel_loop3A_1066 : vector<16xf32>
      %parallel_loop3A_1068 = arith.constant 1 : i32
      %parallel_loop3A_1069 = vector.broadcast %parallel_loop3A_1068 : i32 to vector<16xi32>
      %parallel_loop3A_1070 = arith.addi %parallel_loop3A_1063, %parallel_loop3A_1069 : vector<16xi32>
      %parallel_loop3A_1071 = arith.constant 127 : i32
      %parallel_loop3A_1072 = vector.broadcast %parallel_loop3A_1071 : i32 to vector<16xi32>
      %parallel_loop3A_1073 = arith.andi %parallel_loop3A_1070, %parallel_loop3A_1072 : vector<16xi32>
      %parallel_loop3A_1074 = tpu.vector_load_idx %arg7[%parallel_loop3A_33, %parallel_loop3A_1073] : memref<96x128xf32, #tpu.memory_space<vmem>>[vector<16xi32>, vector<16xi32>], vector<16xf32>,
      %parallel_loop3A_1075 = tpu.vector_load_idx %arg8[%parallel_loop3A_42, %parallel_loop3A_1073] : memref<4x128xf32, #tpu.memory_space<vmem>>[vector<16xi32>, vector<16xi32>], vector<16xf32>,
      %parallel_loop3A_1076 = arith.mulf %parallel_loop3A_1074, %parallel_loop3A_1075 : vector<16xf32>
      %parallel_loop3A_1077 = arith.addf %parallel_loop3A_1037, %parallel_loop3A_1076 : vector<16xf32>
      %parallel_loop3A_1078 = arith.constant 1 : i32
      %parallel_loop3A_1079 = vector.broadcast %parallel_loop3A_1078 : i32 to vector<16xi32>
      %parallel_loop3A_1080 = arith.addi %parallel_loop3A_1073, %parallel_loop3A_1079 : vector<16xi32>
      %parallel_loop3A_1081 = arith.constant 127 : i32
      %parallel_loop3A_1082 = vector.broadcast %parallel_loop3A_1081 : i32 to vector<16xi32>
      %parallel_loop3A_1083 = arith.andi %parallel_loop3A_1080, %parallel_loop3A_1082 : vector<16xi32>
      %parallel_loop3A_1084 = tpu.vector_load_idx %arg7[%parallel_loop3A_33, %parallel_loop3A_1083] : memref<96x128xf32, #tpu.memory_space<vmem>>[vector<16xi32>, vector<16xi32>], vector<16xf32>,
      %parallel_loop3A_1085 = tpu.vector_load_idx %arg8[%parallel_loop3A_42, %parallel_loop3A_1083] : memref<4x128xf32, #tpu.memory_space<vmem>>[vector<16xi32>, vector<16xi32>], vector<16xf32>,
      %parallel_loop3A_1086 = arith.mulf %parallel_loop3A_1084, %parallel_loop3A_1085 : vector<16xf32>
      %parallel_loop3A_1087 = arith.addf %parallel_loop3A_1047, %parallel_loop3A_1086 : vector<16xf32>
      %parallel_loop3A_1088 = arith.constant 1 : i32
      %parallel_loop3A_1089 = vector.broadcast %parallel_loop3A_1088 : i32 to vector<16xi32>
      %parallel_loop3A_1090 = arith.addi %parallel_loop3A_1083, %parallel_loop3A_1089 : vector<16xi32>
      %parallel_loop3A_1091 = arith.constant 127 : i32
      %parallel_loop3A_1092 = vector.broadcast %parallel_loop3A_1091 : i32 to vector<16xi32>
      %parallel_loop3A_1093 = arith.andi %parallel_loop3A_1090, %parallel_loop3A_1092 : vector<16xi32>
      %parallel_loop3A_1094 = tpu.vector_load_idx %arg7[%parallel_loop3A_33, %parallel_loop3A_1093] : memref<96x128xf32, #tpu.memory_space<vmem>>[vector<16xi32>, vector<16xi32>], vector<16xf32>,
      %parallel_loop3A_1095 = tpu.vector_load_idx %arg8[%parallel_loop3A_42, %parallel_loop3A_1093] : memref<4x128xf32, #tpu.memory_space<vmem>>[vector<16xi32>, vector<16xi32>], vector<16xf32>,
      %parallel_loop3A_1096 = arith.mulf %parallel_loop3A_1094, %parallel_loop3A_1095 : vector<16xf32>
      %parallel_loop3A_1097 = arith.addf %parallel_loop3A_1057, %parallel_loop3A_1096 : vector<16xf32>
      %parallel_loop3A_1098 = arith.constant 1 : i32
      %parallel_loop3A_1099 = vector.broadcast %parallel_loop3A_1098 : i32 to vector<16xi32>
      %parallel_loop3A_1100 = arith.addi %parallel_loop3A_1093, %parallel_loop3A_1099 : vector<16xi32>
      %parallel_loop3A_1101 = arith.constant 127 : i32
      %parallel_loop3A_1102 = vector.broadcast %parallel_loop3A_1101 : i32 to vector<16xi32>
      %parallel_loop3A_1103 = arith.andi %parallel_loop3A_1100, %parallel_loop3A_1102 : vector<16xi32>
      %parallel_loop3A_1104 = tpu.vector_load_idx %arg7[%parallel_loop3A_33, %parallel_loop3A_1103] : memref<96x128xf32, #tpu.memory_space<vmem>>[vector<16xi32>, vector<16xi32>], vector<16xf32>,
      %parallel_loop3A_1105 = tpu.vector_load_idx %arg8[%parallel_loop3A_42, %parallel_loop3A_1103] : memref<4x128xf32, #tpu.memory_space<vmem>>[vector<16xi32>, vector<16xi32>], vector<16xf32>,
      %parallel_loop3A_1106 = arith.mulf %parallel_loop3A_1104, %parallel_loop3A_1105 : vector<16xf32>
      %parallel_loop3A_1107 = arith.addf %parallel_loop3A_1067, %parallel_loop3A_1106 : vector<16xf32>
      %parallel_loop3A_1108 = arith.constant 1 : i32
      %parallel_loop3A_1109 = vector.broadcast %parallel_loop3A_1108 : i32 to vector<16xi32>
      %parallel_loop3A_1110 = arith.addi %parallel_loop3A_1103, %parallel_loop3A_1109 : vector<16xi32>
      %parallel_loop3A_1111 = arith.constant 127 : i32
      %parallel_loop3A_1112 = vector.broadcast %parallel_loop3A_1111 : i32 to vector<16xi32>
      %parallel_loop3A_1113 = arith.andi %parallel_loop3A_1110, %parallel_loop3A_1112 : vector<16xi32>
      %parallel_loop3A_1114 = tpu.vector_load_idx %arg7[%parallel_loop3A_33, %parallel_loop3A_1113] : memref<96x128xf32, #tpu.memory_space<vmem>>[vector<16xi32>, vector<16xi32>], vector<16xf32>,
      %parallel_loop3A_1115 = tpu.vector_load_idx %arg8[%parallel_loop3A_42, %parallel_loop3A_1113] : memref<4x128xf32, #tpu.memory_space<vmem>>[vector<16xi32>, vector<16xi32>], vector<16xf32>,
      %parallel_loop3A_1116 = arith.mulf %parallel_loop3A_1114, %parallel_loop3A_1115 : vector<16xf32>
      %parallel_loop3A_1117 = arith.addf %parallel_loop3A_1077, %parallel_loop3A_1116 : vector<16xf32>
      %parallel_loop3A_1118 = arith.constant 1 : i32
      %parallel_loop3A_1119 = vector.broadcast %parallel_loop3A_1118 : i32 to vector<16xi32>
      %parallel_loop3A_1120 = arith.addi %parallel_loop3A_1113, %parallel_loop3A_1119 : vector<16xi32>
      %parallel_loop3A_1121 = arith.constant 127 : i32
      %parallel_loop3A_1122 = vector.broadcast %parallel_loop3A_1121 : i32 to vector<16xi32>
      %parallel_loop3A_1123 = arith.andi %parallel_loop3A_1120, %parallel_loop3A_1122 : vector<16xi32>
      %parallel_loop3A_1124 = tpu.vector_load_idx %arg7[%parallel_loop3A_33, %parallel_loop3A_1123] : memref<96x128xf32, #tpu.memory_space<vmem>>[vector<16xi32>, vector<16xi32>], vector<16xf32>,
      %parallel_loop3A_1125 = tpu.vector_load_idx %arg8[%parallel_loop3A_42, %parallel_loop3A_1123] : memref<4x128xf32, #tpu.memory_space<vmem>>[vector<16xi32>, vector<16xi32>], vector<16xf32>,
      %parallel_loop3A_1126 = arith.mulf %parallel_loop3A_1124, %parallel_loop3A_1125 : vector<16xf32>
      %parallel_loop3A_1127 = arith.addf %parallel_loop3A_1087, %parallel_loop3A_1126 : vector<16xf32>
      %parallel_loop3A_1128 = arith.constant 1 : i32
      %parallel_loop3A_1129 = vector.broadcast %parallel_loop3A_1128 : i32 to vector<16xi32>
      %parallel_loop3A_1130 = arith.addi %parallel_loop3A_1123, %parallel_loop3A_1129 : vector<16xi32>
      %parallel_loop3A_1131 = arith.constant 127 : i32
      %parallel_loop3A_1132 = vector.broadcast %parallel_loop3A_1131 : i32 to vector<16xi32>
      %parallel_loop3A_1133 = arith.andi %parallel_loop3A_1130, %parallel_loop3A_1132 : vector<16xi32>
      %parallel_loop3A_1134 = tpu.vector_load_idx %arg7[%parallel_loop3A_33, %parallel_loop3A_1133] : memref<96x128xf32, #tpu.memory_space<vmem>>[vector<16xi32>, vector<16xi32>], vector<16xf32>,
      %parallel_loop3A_1135 = tpu.vector_load_idx %arg8[%parallel_loop3A_42, %parallel_loop3A_1133] : memref<4x128xf32, #tpu.memory_space<vmem>>[vector<16xi32>, vector<16xi32>], vector<16xf32>,
      %parallel_loop3A_1136 = arith.mulf %parallel_loop3A_1134, %parallel_loop3A_1135 : vector<16xf32>
      %parallel_loop3A_1137 = arith.addf %parallel_loop3A_1097, %parallel_loop3A_1136 : vector<16xf32>
      %parallel_loop3A_1138 = arith.constant 1 : i32
      %parallel_loop3A_1139 = vector.broadcast %parallel_loop3A_1138 : i32 to vector<16xi32>
      %parallel_loop3A_1140 = arith.addi %parallel_loop3A_1133, %parallel_loop3A_1139 : vector<16xi32>
      %parallel_loop3A_1141 = arith.constant 127 : i32
      %parallel_loop3A_1142 = vector.broadcast %parallel_loop3A_1141 : i32 to vector<16xi32>
      %parallel_loop3A_1143 = arith.andi %parallel_loop3A_1140, %parallel_loop3A_1142 : vector<16xi32>
      %parallel_loop3A_1144 = tpu.vector_load_idx %arg7[%parallel_loop3A_33, %parallel_loop3A_1143] : memref<96x128xf32, #tpu.memory_space<vmem>>[vector<16xi32>, vector<16xi32>], vector<16xf32>,
      %parallel_loop3A_1145 = tpu.vector_load_idx %arg8[%parallel_loop3A_42, %parallel_loop3A_1143] : memref<4x128xf32, #tpu.memory_space<vmem>>[vector<16xi32>, vector<16xi32>], vector<16xf32>,
      %parallel_loop3A_1146 = arith.mulf %parallel_loop3A_1144, %parallel_loop3A_1145 : vector<16xf32>
      %parallel_loop3A_1147 = arith.addf %parallel_loop3A_1107, %parallel_loop3A_1146 : vector<16xf32>
      %parallel_loop3A_1148 = arith.constant 1 : i32
      %parallel_loop3A_1149 = vector.broadcast %parallel_loop3A_1148 : i32 to vector<16xi32>
      %parallel_loop3A_1150 = arith.addi %parallel_loop3A_1143, %parallel_loop3A_1149 : vector<16xi32>
      %parallel_loop3A_1151 = arith.constant 127 : i32
      %parallel_loop3A_1152 = vector.broadcast %parallel_loop3A_1151 : i32 to vector<16xi32>
      %parallel_loop3A_1153 = arith.andi %parallel_loop3A_1150, %parallel_loop3A_1152 : vector<16xi32>
      %parallel_loop3A_1154 = tpu.vector_load_idx %arg7[%parallel_loop3A_33, %parallel_loop3A_1153] : memref<96x128xf32, #tpu.memory_space<vmem>>[vector<16xi32>, vector<16xi32>], vector<16xf32>,
      %parallel_loop3A_1155 = tpu.vector_load_idx %arg8[%parallel_loop3A_42, %parallel_loop3A_1153] : memref<4x128xf32, #tpu.memory_space<vmem>>[vector<16xi32>, vector<16xi32>], vector<16xf32>,
      %parallel_loop3A_1156 = arith.mulf %parallel_loop3A_1154, %parallel_loop3A_1155 : vector<16xf32>
      %parallel_loop3A_1157 = arith.addf %parallel_loop3A_1117, %parallel_loop3A_1156 : vector<16xf32>
      %parallel_loop3A_1158 = arith.constant 1 : i32
      %parallel_loop3A_1159 = vector.broadcast %parallel_loop3A_1158 : i32 to vector<16xi32>
      %parallel_loop3A_1160 = arith.addi %parallel_loop3A_1153, %parallel_loop3A_1159 : vector<16xi32>
      %parallel_loop3A_1161 = arith.constant 127 : i32
      %parallel_loop3A_1162 = vector.broadcast %parallel_loop3A_1161 : i32 to vector<16xi32>
      %parallel_loop3A_1163 = arith.andi %parallel_loop3A_1160, %parallel_loop3A_1162 : vector<16xi32>
      %parallel_loop3A_1164 = tpu.vector_load_idx %arg7[%parallel_loop3A_33, %parallel_loop3A_1163] : memref<96x128xf32, #tpu.memory_space<vmem>>[vector<16xi32>, vector<16xi32>], vector<16xf32>,
      %parallel_loop3A_1165 = tpu.vector_load_idx %arg8[%parallel_loop3A_42, %parallel_loop3A_1163] : memref<4x128xf32, #tpu.memory_space<vmem>>[vector<16xi32>, vector<16xi32>], vector<16xf32>,
      %parallel_loop3A_1166 = arith.mulf %parallel_loop3A_1164, %parallel_loop3A_1165 : vector<16xf32>
      %parallel_loop3A_1167 = arith.addf %parallel_loop3A_1127, %parallel_loop3A_1166 : vector<16xf32>
      %parallel_loop3A_1168 = arith.constant 1 : i32
      %parallel_loop3A_1169 = vector.broadcast %parallel_loop3A_1168 : i32 to vector<16xi32>
      %parallel_loop3A_1170 = arith.addi %parallel_loop3A_1163, %parallel_loop3A_1169 : vector<16xi32>
      %parallel_loop3A_1171 = arith.constant 127 : i32
      %parallel_loop3A_1172 = vector.broadcast %parallel_loop3A_1171 : i32 to vector<16xi32>
      %parallel_loop3A_1173 = arith.andi %parallel_loop3A_1170, %parallel_loop3A_1172 : vector<16xi32>
      %parallel_loop3A_1174 = tpu.vector_load_idx %arg7[%parallel_loop3A_33, %parallel_loop3A_1173] : memref<96x128xf32, #tpu.memory_space<vmem>>[vector<16xi32>, vector<16xi32>], vector<16xf32>,
      %parallel_loop3A_1175 = tpu.vector_load_idx %arg8[%parallel_loop3A_42, %parallel_loop3A_1173] : memref<4x128xf32, #tpu.memory_space<vmem>>[vector<16xi32>, vector<16xi32>], vector<16xf32>,
      %parallel_loop3A_1176 = arith.mulf %parallel_loop3A_1174, %parallel_loop3A_1175 : vector<16xf32>
      %parallel_loop3A_1177 = arith.addf %parallel_loop3A_1137, %parallel_loop3A_1176 : vector<16xf32>
      %parallel_loop3A_1178 = arith.constant 1 : i32
      %parallel_loop3A_1179 = vector.broadcast %parallel_loop3A_1178 : i32 to vector<16xi32>
      %parallel_loop3A_1180 = arith.addi %parallel_loop3A_1173, %parallel_loop3A_1179 : vector<16xi32>
      %parallel_loop3A_1181 = arith.constant 127 : i32
      %parallel_loop3A_1182 = vector.broadcast %parallel_loop3A_1181 : i32 to vector<16xi32>
      %parallel_loop3A_1183 = arith.andi %parallel_loop3A_1180, %parallel_loop3A_1182 : vector<16xi32>
      %parallel_loop3A_1184 = tpu.vector_load_idx %arg7[%parallel_loop3A_33, %parallel_loop3A_1183] : memref<96x128xf32, #tpu.memory_space<vmem>>[vector<16xi32>, vector<16xi32>], vector<16xf32>,
      %parallel_loop3A_1185 = tpu.vector_load_idx %arg8[%parallel_loop3A_42, %parallel_loop3A_1183] : memref<4x128xf32, #tpu.memory_space<vmem>>[vector<16xi32>, vector<16xi32>], vector<16xf32>,
      %parallel_loop3A_1186 = arith.mulf %parallel_loop3A_1184, %parallel_loop3A_1185 : vector<16xf32>
      %parallel_loop3A_1187 = arith.addf %parallel_loop3A_1147, %parallel_loop3A_1186 : vector<16xf32>
      %parallel_loop3A_1188 = arith.constant 1 : i32
      %parallel_loop3A_1189 = vector.broadcast %parallel_loop3A_1188 : i32 to vector<16xi32>
      %parallel_loop3A_1190 = arith.addi %parallel_loop3A_1183, %parallel_loop3A_1189 : vector<16xi32>
      %parallel_loop3A_1191 = arith.constant 127 : i32
      %parallel_loop3A_1192 = vector.broadcast %parallel_loop3A_1191 : i32 to vector<16xi32>
      %parallel_loop3A_1193 = arith.andi %parallel_loop3A_1190, %parallel_loop3A_1192 : vector<16xi32>
      %parallel_loop3A_1194 = tpu.vector_load_idx %arg7[%parallel_loop3A_33, %parallel_loop3A_1193] : memref<96x128xf32, #tpu.memory_space<vmem>>[vector<16xi32>, vector<16xi32>], vector<16xf32>,
      %parallel_loop3A_1195 = tpu.vector_load_idx %arg8[%parallel_loop3A_42, %parallel_loop3A_1193] : memref<4x128xf32, #tpu.memory_space<vmem>>[vector<16xi32>, vector<16xi32>], vector<16xf32>,
      %parallel_loop3A_1196 = arith.mulf %parallel_loop3A_1194, %parallel_loop3A_1195 : vector<16xf32>
      %parallel_loop3A_1197 = arith.addf %parallel_loop3A_1157, %parallel_loop3A_1196 : vector<16xf32>
      %parallel_loop3A_1198 = arith.constant 1 : i32
      %parallel_loop3A_1199 = vector.broadcast %parallel_loop3A_1198 : i32 to vector<16xi32>
      %parallel_loop3A_1200 = arith.addi %parallel_loop3A_1193, %parallel_loop3A_1199 : vector<16xi32>
      %parallel_loop3A_1201 = arith.constant 127 : i32
      %parallel_loop3A_1202 = vector.broadcast %parallel_loop3A_1201 : i32 to vector<16xi32>
      %parallel_loop3A_1203 = arith.andi %parallel_loop3A_1200, %parallel_loop3A_1202 : vector<16xi32>
      %parallel_loop3A_1204 = tpu.vector_load_idx %arg7[%parallel_loop3A_33, %parallel_loop3A_1203] : memref<96x128xf32, #tpu.memory_space<vmem>>[vector<16xi32>, vector<16xi32>], vector<16xf32>,
      %parallel_loop3A_1205 = tpu.vector_load_idx %arg8[%parallel_loop3A_42, %parallel_loop3A_1203] : memref<4x128xf32, #tpu.memory_space<vmem>>[vector<16xi32>, vector<16xi32>], vector<16xf32>,
      %parallel_loop3A_1206 = arith.mulf %parallel_loop3A_1204, %parallel_loop3A_1205 : vector<16xf32>
      %parallel_loop3A_1207 = arith.addf %parallel_loop3A_1167, %parallel_loop3A_1206 : vector<16xf32>
      %parallel_loop3A_1208 = arith.constant 1 : i32
      %parallel_loop3A_1209 = vector.broadcast %parallel_loop3A_1208 : i32 to vector<16xi32>
      %parallel_loop3A_1210 = arith.addi %parallel_loop3A_1203, %parallel_loop3A_1209 : vector<16xi32>
      %parallel_loop3A_1211 = arith.constant 127 : i32
      %parallel_loop3A_1212 = vector.broadcast %parallel_loop3A_1211 : i32 to vector<16xi32>
      %parallel_loop3A_1213 = arith.andi %parallel_loop3A_1210, %parallel_loop3A_1212 : vector<16xi32>
      %parallel_loop3A_1214 = tpu.vector_load_idx %arg7[%parallel_loop3A_33, %parallel_loop3A_1213] : memref<96x128xf32, #tpu.memory_space<vmem>>[vector<16xi32>, vector<16xi32>], vector<16xf32>,
      %parallel_loop3A_1215 = tpu.vector_load_idx %arg8[%parallel_loop3A_42, %parallel_loop3A_1213] : memref<4x128xf32, #tpu.memory_space<vmem>>[vector<16xi32>, vector<16xi32>], vector<16xf32>,
      %parallel_loop3A_1216 = arith.mulf %parallel_loop3A_1214, %parallel_loop3A_1215 : vector<16xf32>
      %parallel_loop3A_1217 = arith.addf %parallel_loop3A_1177, %parallel_loop3A_1216 : vector<16xf32>
      %parallel_loop3A_1218 = arith.constant 1 : i32
      %parallel_loop3A_1219 = vector.broadcast %parallel_loop3A_1218 : i32 to vector<16xi32>
      %parallel_loop3A_1220 = arith.addi %parallel_loop3A_1213, %parallel_loop3A_1219 : vector<16xi32>
      %parallel_loop3A_1221 = arith.constant 127 : i32
      %parallel_loop3A_1222 = vector.broadcast %parallel_loop3A_1221 : i32 to vector<16xi32>
      %parallel_loop3A_1223 = arith.andi %parallel_loop3A_1220, %parallel_loop3A_1222 : vector<16xi32>
      %parallel_loop3A_1224 = tpu.vector_load_idx %arg7[%parallel_loop3A_33, %parallel_loop3A_1223] : memref<96x128xf32, #tpu.memory_space<vmem>>[vector<16xi32>, vector<16xi32>], vector<16xf32>,
      %parallel_loop3A_1225 = tpu.vector_load_idx %arg8[%parallel_loop3A_42, %parallel_loop3A_1223] : memref<4x128xf32, #tpu.memory_space<vmem>>[vector<16xi32>, vector<16xi32>], vector<16xf32>,
      %parallel_loop3A_1226 = arith.mulf %parallel_loop3A_1224, %parallel_loop3A_1225 : vector<16xf32>
      %parallel_loop3A_1227 = arith.addf %parallel_loop3A_1187, %parallel_loop3A_1226 : vector<16xf32>
      %parallel_loop3A_1228 = arith.constant 1 : i32
      %parallel_loop3A_1229 = vector.broadcast %parallel_loop3A_1228 : i32 to vector<16xi32>
      %parallel_loop3A_1230 = arith.addi %parallel_loop3A_1223, %parallel_loop3A_1229 : vector<16xi32>
      %parallel_loop3A_1231 = arith.constant 127 : i32
      %parallel_loop3A_1232 = vector.broadcast %parallel_loop3A_1231 : i32 to vector<16xi32>
      %parallel_loop3A_1233 = arith.andi %parallel_loop3A_1230, %parallel_loop3A_1232 : vector<16xi32>
      %parallel_loop3A_1234 = tpu.vector_load_idx %arg7[%parallel_loop3A_33, %parallel_loop3A_1233] : memref<96x128xf32, #tpu.memory_space<vmem>>[vector<16xi32>, vector<16xi32>], vector<16xf32>,
      %parallel_loop3A_1235 = tpu.vector_load_idx %arg8[%parallel_loop3A_42, %parallel_loop3A_1233] : memref<4x128xf32, #tpu.memory_space<vmem>>[vector<16xi32>, vector<16xi32>], vector<16xf32>,
      %parallel_loop3A_1236 = arith.mulf %parallel_loop3A_1234, %parallel_loop3A_1235 : vector<16xf32>
      %parallel_loop3A_1237 = arith.addf %parallel_loop3A_1197, %parallel_loop3A_1236 : vector<16xf32>
      %parallel_loop3A_1238 = arith.constant 1 : i32
      %parallel_loop3A_1239 = vector.broadcast %parallel_loop3A_1238 : i32 to vector<16xi32>
      %parallel_loop3A_1240 = arith.addi %parallel_loop3A_1233, %parallel_loop3A_1239 : vector<16xi32>
      %parallel_loop3A_1241 = arith.constant 127 : i32
      %parallel_loop3A_1242 = vector.broadcast %parallel_loop3A_1241 : i32 to vector<16xi32>
      %parallel_loop3A_1243 = arith.andi %parallel_loop3A_1240, %parallel_loop3A_1242 : vector<16xi32>
      %parallel_loop3A_1244 = tpu.vector_load_idx %arg7[%parallel_loop3A_33, %parallel_loop3A_1243] : memref<96x128xf32, #tpu.memory_space<vmem>>[vector<16xi32>, vector<16xi32>], vector<16xf32>,
      %parallel_loop3A_1245 = tpu.vector_load_idx %arg8[%parallel_loop3A_42, %parallel_loop3A_1243] : memref<4x128xf32, #tpu.memory_space<vmem>>[vector<16xi32>, vector<16xi32>], vector<16xf32>,
      %parallel_loop3A_1246 = arith.mulf %parallel_loop3A_1244, %parallel_loop3A_1245 : vector<16xf32>
      %parallel_loop3A_1247 = arith.addf %parallel_loop3A_1207, %parallel_loop3A_1246 : vector<16xf32>
      %parallel_loop3A_1248 = arith.constant 1 : i32
      %parallel_loop3A_1249 = vector.broadcast %parallel_loop3A_1248 : i32 to vector<16xi32>
      %parallel_loop3A_1250 = arith.addi %parallel_loop3A_1243, %parallel_loop3A_1249 : vector<16xi32>
      %parallel_loop3A_1251 = arith.constant 127 : i32
      %parallel_loop3A_1252 = vector.broadcast %parallel_loop3A_1251 : i32 to vector<16xi32>
      %parallel_loop3A_1253 = arith.andi %parallel_loop3A_1250, %parallel_loop3A_1252 : vector<16xi32>
      %parallel_loop3A_1254 = tpu.vector_load_idx %arg7[%parallel_loop3A_33, %parallel_loop3A_1253] : memref<96x128xf32, #tpu.memory_space<vmem>>[vector<16xi32>, vector<16xi32>], vector<16xf32>,
      %parallel_loop3A_1255 = tpu.vector_load_idx %arg8[%parallel_loop3A_42, %parallel_loop3A_1253] : memref<4x128xf32, #tpu.memory_space<vmem>>[vector<16xi32>, vector<16xi32>], vector<16xf32>,
      %parallel_loop3A_1256 = arith.mulf %parallel_loop3A_1254, %parallel_loop3A_1255 : vector<16xf32>
      %parallel_loop3A_1257 = arith.addf %parallel_loop3A_1217, %parallel_loop3A_1256 : vector<16xf32>
      %parallel_loop3A_1258 = arith.constant 1 : i32
      %parallel_loop3A_1259 = vector.broadcast %parallel_loop3A_1258 : i32 to vector<16xi32>
      %parallel_loop3A_1260 = arith.addi %parallel_loop3A_1253, %parallel_loop3A_1259 : vector<16xi32>
      %parallel_loop3A_1261 = arith.constant 127 : i32
      %parallel_loop3A_1262 = vector.broadcast %parallel_loop3A_1261 : i32 to vector<16xi32>
      %parallel_loop3A_1263 = arith.andi %parallel_loop3A_1260, %parallel_loop3A_1262 : vector<16xi32>
      %parallel_loop3A_1264 = tpu.vector_load_idx %arg7[%parallel_loop3A_33, %parallel_loop3A_1263] : memref<96x128xf32, #tpu.memory_space<vmem>>[vector<16xi32>, vector<16xi32>], vector<16xf32>,
      %parallel_loop3A_1265 = tpu.vector_load_idx %arg8[%parallel_loop3A_42, %parallel_loop3A_1263] : memref<4x128xf32, #tpu.memory_space<vmem>>[vector<16xi32>, vector<16xi32>], vector<16xf32>,
      %parallel_loop3A_1266 = arith.mulf %parallel_loop3A_1264, %parallel_loop3A_1265 : vector<16xf32>
      %parallel_loop3A_1267 = arith.addf %parallel_loop3A_1227, %parallel_loop3A_1266 : vector<16xf32>
      %parallel_loop3A_1268 = arith.constant 1 : i32
      %parallel_loop3A_1269 = vector.broadcast %parallel_loop3A_1268 : i32 to vector<16xi32>
      %parallel_loop3A_1270 = arith.addi %parallel_loop3A_1263, %parallel_loop3A_1269 : vector<16xi32>
      %parallel_loop3A_1271 = arith.constant 127 : i32
      %parallel_loop3A_1272 = vector.broadcast %parallel_loop3A_1271 : i32 to vector<16xi32>
      %parallel_loop3A_1273 = arith.andi %parallel_loop3A_1270, %parallel_loop3A_1272 : vector<16xi32>
      %parallel_loop3A_1274 = tpu.vector_load_idx %arg7[%parallel_loop3A_33, %parallel_loop3A_1273] : memref<96x128xf32, #tpu.memory_space<vmem>>[vector<16xi32>, vector<16xi32>], vector<16xf32>,
      %parallel_loop3A_1275 = tpu.vector_load_idx %arg8[%parallel_loop3A_42, %parallel_loop3A_1273] : memref<4x128xf32, #tpu.memory_space<vmem>>[vector<16xi32>, vector<16xi32>], vector<16xf32>,
      %parallel_loop3A_1276 = arith.mulf %parallel_loop3A_1274, %parallel_loop3A_1275 : vector<16xf32>
      %parallel_loop3A_1277 = arith.addf %parallel_loop3A_1237, %parallel_loop3A_1276 : vector<16xf32>
      %parallel_loop3A_1278 = arith.constant 1 : i32
      %parallel_loop3A_1279 = vector.broadcast %parallel_loop3A_1278 : i32 to vector<16xi32>
      %parallel_loop3A_1280 = arith.addi %parallel_loop3A_1273, %parallel_loop3A_1279 : vector<16xi32>
      %parallel_loop3A_1281 = arith.constant 127 : i32
      %parallel_loop3A_1282 = vector.broadcast %parallel_loop3A_1281 : i32 to vector<16xi32>
      %parallel_loop3A_1283 = arith.andi %parallel_loop3A_1280, %parallel_loop3A_1282 : vector<16xi32>
      %parallel_loop3A_1284 = tpu.vector_load_idx %arg7[%parallel_loop3A_33, %parallel_loop3A_1283] : memref<96x128xf32, #tpu.memory_space<vmem>>[vector<16xi32>, vector<16xi32>], vector<16xf32>,
      %parallel_loop3A_1285 = tpu.vector_load_idx %arg8[%parallel_loop3A_42, %parallel_loop3A_1283] : memref<4x128xf32, #tpu.memory_space<vmem>>[vector<16xi32>, vector<16xi32>], vector<16xf32>,
      %parallel_loop3A_1286 = arith.mulf %parallel_loop3A_1284, %parallel_loop3A_1285 : vector<16xf32>
      %parallel_loop3A_1287 = arith.addf %parallel_loop3A_1247, %parallel_loop3A_1286 : vector<16xf32>
      %parallel_loop3A_1288 = arith.constant 1 : i32
      %parallel_loop3A_1289 = vector.broadcast %parallel_loop3A_1288 : i32 to vector<16xi32>
      %parallel_loop3A_1290 = arith.addi %parallel_loop3A_1283, %parallel_loop3A_1289 : vector<16xi32>
      %parallel_loop3A_1291 = arith.constant 127 : i32
      %parallel_loop3A_1292 = vector.broadcast %parallel_loop3A_1291 : i32 to vector<16xi32>
      %parallel_loop3A_1293 = arith.andi %parallel_loop3A_1290, %parallel_loop3A_1292 : vector<16xi32>
      %parallel_loop3A_1294 = tpu.vector_load_idx %arg7[%parallel_loop3A_33, %parallel_loop3A_1293] : memref<96x128xf32, #tpu.memory_space<vmem>>[vector<16xi32>, vector<16xi32>], vector<16xf32>,
      %parallel_loop3A_1295 = tpu.vector_load_idx %arg8[%parallel_loop3A_42, %parallel_loop3A_1293] : memref<4x128xf32, #tpu.memory_space<vmem>>[vector<16xi32>, vector<16xi32>], vector<16xf32>,
      %parallel_loop3A_1296 = arith.mulf %parallel_loop3A_1294, %parallel_loop3A_1295 : vector<16xf32>
      %parallel_loop3A_1297 = arith.addf %parallel_loop3A_1257, %parallel_loop3A_1296 : vector<16xf32>
      %parallel_loop3A_1298 = arith.constant 1 : i32
      %parallel_loop3A_1299 = vector.broadcast %parallel_loop3A_1298 : i32 to vector<16xi32>
      %parallel_loop3A_1300 = arith.addi %parallel_loop3A_1293, %parallel_loop3A_1299 : vector<16xi32>
      %parallel_loop3A_1301 = arith.constant 127 : i32
      %parallel_loop3A_1302 = vector.broadcast %parallel_loop3A_1301 : i32 to vector<16xi32>
      %parallel_loop3A_1303 = arith.andi %parallel_loop3A_1300, %parallel_loop3A_1302 : vector<16xi32>
      %parallel_loop3A_1304 = tpu.vector_load_idx %arg7[%parallel_loop3A_33, %parallel_loop3A_1303] : memref<96x128xf32, #tpu.memory_space<vmem>>[vector<16xi32>, vector<16xi32>], vector<16xf32>,
      %parallel_loop3A_1305 = tpu.vector_load_idx %arg8[%parallel_loop3A_42, %parallel_loop3A_1303] : memref<4x128xf32, #tpu.memory_space<vmem>>[vector<16xi32>, vector<16xi32>], vector<16xf32>,
      %parallel_loop3A_1306 = arith.mulf %parallel_loop3A_1304, %parallel_loop3A_1305 : vector<16xf32>
      %parallel_loop3A_1307 = arith.addf %parallel_loop3A_1267, %parallel_loop3A_1306 : vector<16xf32>
      %parallel_loop3A_1308 = arith.constant 1 : i32
      %parallel_loop3A_1309 = vector.broadcast %parallel_loop3A_1308 : i32 to vector<16xi32>
      %parallel_loop3A_1310 = arith.addi %parallel_loop3A_1303, %parallel_loop3A_1309 : vector<16xi32>
      %parallel_loop3A_1311 = arith.constant 127 : i32
      %parallel_loop3A_1312 = vector.broadcast %parallel_loop3A_1311 : i32 to vector<16xi32>
      %parallel_loop3A_1313 = arith.andi %parallel_loop3A_1310, %parallel_loop3A_1312 : vector<16xi32>
      %parallel_loop3A_1314 = tpu.vector_load_idx %arg7[%parallel_loop3A_33, %parallel_loop3A_1313] : memref<96x128xf32, #tpu.memory_space<vmem>>[vector<16xi32>, vector<16xi32>], vector<16xf32>,
      %parallel_loop3A_1315 = tpu.vector_load_idx %arg8[%parallel_loop3A_42, %parallel_loop3A_1313] : memref<4x128xf32, #tpu.memory_space<vmem>>[vector<16xi32>, vector<16xi32>], vector<16xf32>,
      %parallel_loop3A_1316 = arith.mulf %parallel_loop3A_1314, %parallel_loop3A_1315 : vector<16xf32>
      %parallel_loop3A_1317 = arith.addf %parallel_loop3A_1277, %parallel_loop3A_1316 : vector<16xf32>
      %parallel_loop3A_1318 = arith.constant 1 : i32
      %parallel_loop3A_1319 = vector.broadcast %parallel_loop3A_1318 : i32 to vector<16xi32>
      %parallel_loop3A_1320 = arith.addi %parallel_loop3A_1313, %parallel_loop3A_1319 : vector<16xi32>
      %parallel_loop3A_1321 = arith.constant 127 : i32
      %parallel_loop3A_1322 = vector.broadcast %parallel_loop3A_1321 : i32 to vector<16xi32>
      %parallel_loop3A_1323 = arith.andi %parallel_loop3A_1320, %parallel_loop3A_1322 : vector<16xi32>
      %parallel_loop3A_1324 = tpu.vector_load_idx %arg7[%parallel_loop3A_33, %parallel_loop3A_1323] : memref<96x128xf32, #tpu.memory_space<vmem>>[vector<16xi32>, vector<16xi32>], vector<16xf32>,
      %parallel_loop3A_1325 = tpu.vector_load_idx %arg8[%parallel_loop3A_42, %parallel_loop3A_1323] : memref<4x128xf32, #tpu.memory_space<vmem>>[vector<16xi32>, vector<16xi32>], vector<16xf32>,
      %parallel_loop3A_1326 = arith.mulf %parallel_loop3A_1324, %parallel_loop3A_1325 : vector<16xf32>
      %parallel_loop3A_1327 = arith.addf %parallel_loop3A_1287, %parallel_loop3A_1326 : vector<16xf32>
      %parallel_loop3A_1328 = arith.constant 1 : i32
      %parallel_loop3A_1329 = vector.broadcast %parallel_loop3A_1328 : i32 to vector<16xi32>
      %parallel_loop3A_1330 = arith.addi %parallel_loop3A_1323, %parallel_loop3A_1329 : vector<16xi32>
      %parallel_loop3A_1331 = arith.constant 127 : i32
      %parallel_loop3A_1332 = vector.broadcast %parallel_loop3A_1331 : i32 to vector<16xi32>
      %parallel_loop3A_1333 = arith.andi %parallel_loop3A_1330, %parallel_loop3A_1332 : vector<16xi32>
      %parallel_loop3A_1334 = arith.addf %parallel_loop3A_1297, %parallel_loop3A_1307 : vector<16xf32>
      %parallel_loop3A_1335 = arith.addf %parallel_loop3A_1317, %parallel_loop3A_1327 : vector<16xf32>
      %parallel_loop3A_1336 = arith.addf %parallel_loop3A_1334, %parallel_loop3A_1335 : vector<16xf32>
      %parallel_loop3A_1337 = arith.constant 16 : i32
      %parallel_loop3A_1338 = arith.muli %parallel_loop3A_29, %parallel_loop3A_1337 : i32
      %parallel_loop3A_1339 = arith.constant 96 : i32
      %parallel_loop3A_1340 = arith.addi %parallel_loop3A_1339, %parallel_loop3A_1338 : i32
      %parallel_loop3A_1341 = arith.index_cast %parallel_loop3A_1340 : i32 to index
      %parallel_loop3A_1342 = tpu.vector_load %arg10[%parallel_loop3A_1341] {strides = array<i32>} : memref<192xf32, #tpu.memory_space<vmem>>, vector<16xf32>,
      tpu.vector_store %arg10[%parallel_loop3A_1341], %parallel_loop3A_1336 {strides = array<i32>} : memref<192xf32, #tpu.memory_space<vmem>>, vector<16xf32>,
    } {sc.loop_unroll_factor = 1 : i64, sc.parallel_access}
    "tpu.region"() ({
      %run_scoped3A = tpu.sem_alloc : memref<!tpu.dma_semaphore, #tpu.memory_space<semaphore_mem>>
      %dma_start3A_29 = tpu.memref_slice %arg5[%mul3A_2] : memref<6144xf32, #tpu.memory_space<hbm>> -> memref<192xf32, #tpu.memory_space<hbm>>
      %dma_start3A_30 = tpu.memref_slice %arg5[%mul3A_2] : memref<6144xf32, #tpu.memory_space<hbm>> -> memref<192xf32, #tpu.memory_space<hbm>>
      tpu.enqueue_dma source(%arg10 : memref<192xf32, #tpu.memory_space<vmem>>) target(%dma_start3A_30 : memref<192xf32, #tpu.memory_space<hbm>>) target_semaphore(%run_scoped3A : memref<!tpu.dma_semaphore, #tpu.memory_space<semaphore_mem>>)
      %dma_wait3A_31 = tpu.memref_slice %arg5[%mul3A_2] : memref<6144xf32, #tpu.memory_space<hbm>> -> memref<192xf32, #tpu.memory_space<hbm>>
      %dma_wait3A_32 = tpu.memref_slice %arg5[%mul3A_2] : memref<6144xf32, #tpu.memory_space<hbm>> -> memref<192xf32, #tpu.memory_space<hbm>>
      tpu.wait_dma2 semaphore(%run_scoped3A : memref<!tpu.dma_semaphore, #tpu.memory_space<semaphore_mem>>) src(%arg10 : memref<192xf32, #tpu.memory_space<vmem>>) dst(%dma_wait3A_32 : memref<192xf32, #tpu.memory_space<hbm>>)
      tpu.yield
    }) : () -> ()
    return
  }
}

module attributes {stable_mosaic.version = 14 : i64} {
  func.func @_tc_body(%arg0: i32, %arg1: memref<2048x128xf32, #tpu.memory_space<vmem>>, %arg2: memref<2048xi32, #tpu.memory_space<vmem>>, %arg3: memref<4x128xf32, #tpu.memory_space<vmem>>, %arg4: memref<2048xf32, #tpu.memory_space<vmem>>) attributes {dimension_semantics = [#tpu.dimension_semantics<arbitrary>], iteration_bounds = array<i64: 5>, scalar_prefetch = 0 : i64, scratch_operands = 0 : i64, tpu.core_type = #tpu.core_type<tc>, window_params = [{transform_indices = @transform_0, window_bounds = array<i64: 2048, 128>}, {transform_indices = @transform_1, window_bounds = array<i64: 2048>}, {pipeline_mode = #tpu.pipeline_mode<synchronous>, transform_indices = @transform_2, window_bounds = array<i64: 4, 128>}, {transform_indices = @transform_3, window_bounds = array<i64: 2048>}]} {
    %get3A = arith.constant 0 : index
    %get3A_0 = vector.load %arg2[%get3A] : memref<2048xi32, #tpu.memory_space<vmem>>, vector<2048xi32>
    %broadcast_in_dim3A = vector.shape_cast %get3A_0 : vector<2048xi32> to vector<2048x1xi32>
    %get3A_1 = arith.constant 0 : index
    %get3A_2 = arith.constant 0 : index
    %get3A_3 = vector.load %arg3[%get3A_1, %get3A_2] : memref<4x128xf32, #tpu.memory_space<vmem>>, vector<4x128xf32>
    %eq3A = arith.constant 0 : i32
    %eq3A_4 = vector.broadcast %eq3A : i32 to vector<2048x1xi32>
    %eq3A_5 = arith.cmpi eq, %broadcast_in_dim3A, %eq3A_4 : vector<2048x1xi32>
    %slice3A = vector.extract_strided_slice %get3A_3 {offsets = [0, 0], sizes = [1, 128], strides = [1, 1]} : vector<4x128xf32> to vector<1x128xf32>
    %eq3A_6 = arith.constant 1 : i32
    %eq3A_7 = vector.broadcast %eq3A_6 : i32 to vector<2048x1xi32>
    %eq3A_8 = arith.cmpi eq, %broadcast_in_dim3A, %eq3A_7 : vector<2048x1xi32>
    %slice3A_9 = vector.extract_strided_slice %get3A_3 {offsets = [1, 0], sizes = [1, 128], strides = [1, 1]} : vector<4x128xf32> to vector<1x128xf32>
    %eq3A_10 = arith.constant 2 : i32
    %eq3A_11 = vector.broadcast %eq3A_10 : i32 to vector<2048x1xi32>
    %eq3A_12 = arith.cmpi eq, %broadcast_in_dim3A, %eq3A_11 : vector<2048x1xi32>
    %slice3A_13 = vector.extract_strided_slice %get3A_3 {offsets = [2, 0], sizes = [1, 128], strides = [1, 1]} : vector<4x128xf32> to vector<1x128xf32>
    %slice3A_14 = vector.extract_strided_slice %get3A_3 {offsets = [3, 0], sizes = [1, 128], strides = [1, 1]} : vector<4x128xf32> to vector<1x128xf32>
    %broadcast_in_dim3A_15 = vector.shape_cast %eq3A_12 : vector<2048x1xi1> to vector<2048x1xi1>
    %broadcast_in_dim3A_16 = vector.broadcast %broadcast_in_dim3A_15 : vector<2048x1xi1> to vector<2048x128xi1>
    %broadcast_in_dim3A_17 = vector.shape_cast %slice3A_13 : vector<1x128xf32> to vector<1x128xf32>
    %broadcast_in_dim3A_18 = vector.broadcast %broadcast_in_dim3A_17 : vector<1x128xf32> to vector<2048x128xf32>
    %broadcast_in_dim3A_19 = vector.shape_cast %slice3A_14 : vector<1x128xf32> to vector<1x128xf32>
    %broadcast_in_dim3A_20 = vector.broadcast %broadcast_in_dim3A_19 : vector<1x128xf32> to vector<2048x128xf32>
    %select_n3A = arith.select %broadcast_in_dim3A_16, %broadcast_in_dim3A_18, %broadcast_in_dim3A_20 : vector<2048x128xi1>, vector<2048x128xf32>
    %broadcast_in_dim3A_21 = vector.shape_cast %eq3A_8 : vector<2048x1xi1> to vector<2048x1xi1>
    %broadcast_in_dim3A_22 = vector.broadcast %broadcast_in_dim3A_21 : vector<2048x1xi1> to vector<2048x128xi1>
    %broadcast_in_dim3A_23 = vector.shape_cast %slice3A_9 : vector<1x128xf32> to vector<1x128xf32>
    %broadcast_in_dim3A_24 = vector.broadcast %broadcast_in_dim3A_23 : vector<1x128xf32> to vector<2048x128xf32>
    %select_n3A_25 = arith.select %broadcast_in_dim3A_22, %broadcast_in_dim3A_24, %select_n3A : vector<2048x128xi1>, vector<2048x128xf32>
    %broadcast_in_dim3A_26 = vector.shape_cast %eq3A_5 : vector<2048x1xi1> to vector<2048x1xi1>
    %broadcast_in_dim3A_27 = vector.broadcast %broadcast_in_dim3A_26 : vector<2048x1xi1> to vector<2048x128xi1>
    %broadcast_in_dim3A_28 = vector.shape_cast %slice3A : vector<1x128xf32> to vector<1x128xf32>
    %broadcast_in_dim3A_29 = vector.broadcast %broadcast_in_dim3A_28 : vector<1x128xf32> to vector<2048x128xf32>
    %select_n3A_30 = arith.select %broadcast_in_dim3A_27, %broadcast_in_dim3A_29, %select_n3A_25 : vector<2048x128xi1>, vector<2048x128xf32>
    %get3A_31 = arith.constant 0 : index
    %get3A_32 = arith.constant 0 : index
    %get3A_33 = vector.load %arg1[%get3A_31, %get3A_32] : memref<2048x128xf32, #tpu.memory_space<vmem>>, vector<2048x128xf32>
    %mul3A = arith.mulf %get3A_33, %select_n3A_30 : vector<2048x128xf32>
    %reduce_sum3A = arith.constant dense<0.000000e+00> : vector<2048xf32>
    %reduce_sum3A_34 = vector.multi_reduction <add>, %mul3A, %reduce_sum3A [1] : vector<2048x128xf32> to vector<2048xf32>
    %swap3A = arith.constant 0 : index
    %swap3A_35 = vector.load %arg4[%swap3A] : memref<2048xf32, #tpu.memory_space<vmem>>, vector<2048xf32>
    tpu.vector_store %arg4[%swap3A], %reduce_sum3A_34 {strides = array<i32>} : memref<2048xf32, #tpu.memory_space<vmem>>, vector<2048xf32>,
    return
  }
  func.func @transform_0(%arg0: i32) -> (i32, i32) {
    %add3A = arith.constant 3 : i32
    %add3A_0 = arith.addi %add3A, %arg0 : i32
    %c0_i32 = arith.constant 0 : i32
    %c0_i32_1 = arith.constant 0 : i32
    return %add3A_0, %c0_i32 : i32, i32
  }
  func.func @transform_1(%arg0: i32) -> i32 {
    %add3A = arith.constant 3 : i32
    %add3A_0 = arith.addi %add3A, %arg0 : i32
    %c0_i32 = arith.constant 0 : i32
    return %add3A_0 : i32
  }
  func.func @transform_2(%arg0: i32) -> (i32, i32) {
    %c0_i32 = arith.constant 0 : i32
    %c0_i32_0 = arith.constant 0 : i32
    %c0_i32_1 = arith.constant 0 : i32
    return %c0_i32, %c0_i32_0 : i32, i32
  }
  func.func @transform_3(%arg0: i32) -> i32 {
    %c0_i32 = arith.constant 0 : i32
    return %arg0 : i32
  }
}

</mosaic_0001>

<sc_bundles>
// kernel: kernel.4.cloned.1.call-start
scs
__scs_entry_jumppad:
0x0: {  	(pc) =	sbr.rel $0x88, $3  }
0x1: {  	(tag) =	ssettag $0x0;
	lr =	simm.s32 $0x1  }
0x2: {  	[smem:$0x3F9E] =	sst lr;
	_ =	strace $0xD0000000  }
0x3: {  	_ = 	snop  }
0x4: {  	_ = 	snop  }
0x5: {  	_ = 	snop  }
0x6: {  	_ = 	snop  }
0x7: {  	_ = 	snop  }
__scs_overlays_trampoline_lowered:
0x8: {  	[smem:$0x3FAD] =	sst s0  }
0x9: {  	[smem:$0x3FAE] =	sst s1  }
0xa: {  	[smem:$0x3FAF] =	sst s2  }
0xb: {  	[smem:$0x3FB0] =	sst s3  }
0xc: {  	[smem:$0x3FB1] =	sst s4  }
0xd: {  	[smem:$0x3FB2] =	sst s5  }
0xe: {  	[smem:$0x3FB3] =	sst s6  }
0xf: {  	[smem:$0x3FB4] =	sst s7  }
0x10: {  	[smem:$0x3FB5] =	sst s8  }
0x11: {  	[smem:$0x3FB6] =	sst s9;
	s0 =	simm.s32 @!p0 $0x0  }
0x12: {  	s1 =	sld [smem:$0x3F9C];
	s0 =	simm.s32 @p0 $0x1  }
0x13: {  	[smem:$0x3FB7] =	sst s0;
	s0 =	simm.s32 @!p1 $0x0  }
0x14: {  	s2 =	sld [smem:$0x3F9B];
	s0 =	simm.s32 @p1 $0x1  }
0x15: {  	[smem:$0x3FB8] =	sst s0;
	s0 =	simm.s32 @!p2 $0x0  }
0x16: {  	s3 =	sld [smem:$0x3FDB];
	s0 =	simm.s32 @p2 $0x1  }
0x17: {  	s4 =	simm.s32 $0x1BF5;
	[smem:$0x3FBA] =	sst s0  }
0x18: {  	s0 =	sld [smem:$0x3F9D];
	_ =	swait.ge [sflag:s4], $0x0  }
0x19: {  	s7 =	sld [smem:$0x3F9E]  }
0x1a: {  	s8 =	sadd.s32 $0xFFFFE003, lr  }
0x1b: {  	s9 =	sadd.s32 $0xFFFFFEF7, lr;
	s5 =	simm.s32 $0xFFFFFFFF;
	p2 =	slt.u32 s8, $0xFFFFF086  }
0x1c: {  	p1 =	slt.u32 s9, $0xF7A;
	s5 =	simm.s32 @!p2 $0x0  }
0x1d: {  	s5 =	simm.s32 @p1 $0x1;
	p0 =	seq.s32 s7, s2  }
0x1e: {  	s7 =	smul.u32 @!p0 $0xF7A, s2;
	p2 =	seq.s32 @!p0 s5, $0x0  }
0x1f: {  	s9 =	smul.u32 $0xF7A, s1;
	s8 =	simm.s32 @!p0 $0x1BF5;
	p2 =	por !p2, p0  }
0x20: {  	[sflag:s8] =	ssyncset.s32 @!p0 $0xFFFFF086;
	s6 =	sadd.s32 @!p0 s3, s7;
	s7 =	simm.s32 @!p0 $0x108  }
0x21: {  	s3 =	sadd.s32 s3, s9;
	s6 =	sadd.s32 @!p0 $0x88, s6;
	s7 =	simm.s32 @p2 $0x1082  }
0x22: {  	[simem:s7], [sflag:s8] =	dma.local @!p0 [hbm:s6], $0xF7A  }
0x23: {  	s9 =	sor.u32 $0xD0000000, s2;
	s6 =	simm.s32 $0x108;
	_ =	swait.ge @!p0 [sflag:s8], $0x0  }
0x24: {  	s3 =	sadd.s32 $0x88, s3;
	s6 =	simm.s32 @!p1 $0x1082;
	[sflag:s4] =	ssyncset.s32 $0xFFFFF086  }
0x25: {  	[simem:s6], [sflag:s4] =	dma.local [hbm:s3], $0xF7A  }
0x26: {  	[smem:$0x3F9E] =	sst s1;
	(tag) =	ssettag s2;
	_ =	strace s9  }
0x27: {  	s1 =	sld [smem:$0x3FAE]  }
0x28: {  	s2 =	sld [smem:$0x3FAF]  }
0x29: {  	s4 =	sld [smem:$0x3FB1]  }
0x2a: {  	p0 =	seq.s32 s5, $0x0;
	s5 =	sld [smem:$0x3FB2]  }
0x2b: {  	s6 =	sld [smem:$0x3FB3]  }
0x2c: {  	s7 =	sld [smem:$0x3FB4]  }
0x2d: {  	s3 =	simm.s32 $0x108;
	s8 =	sld [smem:$0x3FB5]  }
0x2e: {  	s3 =	simm.s32 @!p0 $0x1082;
	s9 =	sld [smem:$0x3FB6]  }
0x2f: {  	lr =	sadd.s32 s0, s3;
	s0 =	sld [smem:$0x3FAD]  }
0x30: {  	s3 =	sld [smem:$0x3FB0]  }
0x31: {  	[smem:$0x3FB9] =	sst s10  }
0x32: {  	s10 =	sld [smem:$0x3FB7];
	_ =	sdelay $0x3  }
0x33: {  	p0 =	seq.s32 s10, $0x1;
	s10 =	sld [smem:$0x3FB9];
	_ =	sdelay $0x3  }
0x34: {  	[smem:$0x3FB9] =	sst s10  }
0x35: {  	s10 =	sld [smem:$0x3FB8];
	_ =	sdelay $0x3  }
0x36: {  	p1 =	seq.s32 s10, $0x1;
	s10 =	sld [smem:$0x3FB9];
	_ =	sdelay $0x3  }
0x37: {  	[smem:$0x3FB9] =	sst s10  }
0x38: {  	s10 =	sld [smem:$0x3FBA]  }
0x39: {  	_ = 	snop;
	(pc) =	sbr.ind lr, $3  }
0x3a: {  	_ = 	snop  }
0x3b: {  	_ = 	snop  }
0x3c: {  	p2 =	seq.s32 s10, $0x1;
	s10 =	sld [smem:$0x3FB9]  }
0x3d: {  	_ =	shalt  }
0x3e: {  	_ =	shalt  }
0x3f: {  	_ =	shalt  }
0x40: {  	_ =	shalt  }
0x41: {  	_ =	shalt  }
0x42: {  	_ =	shalt  }
0x43: {  	_ =	shalt  }
0x44: {  	_ =	shalt  }
0x45: {  	_ =	shalt  }
0x46: {  	_ =	shalt  }
0x47: {  	_ =	shalt  }
0x48: {  	_ =	shalt  }
0x49: {  	_ =	shalt  }
0x4a: {  	_ =	shalt  }
0x4b: {  	_ =	shalt  }
0x4c: {  	_ =	shalt  }
0x4d: {  	_ =	shalt  }
0x4e: {  	_ =	shalt  }
0x4f: {  	_ =	shalt  }
0x50: {  	_ =	shalt  }
0x51: {  	_ =	shalt  }
0x52: {  	_ =	shalt  }
0x53: {  	_ =	shalt  }
0x54: {  	_ =	shalt  }
0x55: {  	_ =	shalt  }
0x56: {  	_ =	shalt  }
0x57: {  	_ =	shalt  }
0x58: {  	_ =	shalt  }
0x59: {  	_ =	shalt  }
0x5a: {  	_ =	shalt  }
0x5b: {  	_ =	shalt  }
0x5c: {  	_ =	shalt  }
0x5d: {  	_ =	shalt  }
0x5e: {  	_ =	shalt  }
0x5f: {  	_ =	shalt  }
0x60: {  	_ =	shalt  }
0x61: {  	_ =	shalt  }
0x62: {  	_ =	shalt  }
0x63: {  	_ =	shalt  }
0x64: {  	_ =	shalt  }
0x65: {  	_ =	shalt  }
0x66: {  	_ =	shalt  }
0x67: {  	_ =	shalt  }
0x68: {  	_ =	shalt  }
0x69: {  	_ =	shalt  }
0x6a: {  	_ =	shalt  }
0x6b: {  	_ =	shalt  }
0x6c: {  	_ =	shalt  }
0x6d: {  	_ =	shalt  }
0x6e: {  	_ =	shalt  }
0x6f: {  	_ =	shalt  }
0x70: {  	_ =	shalt  }
0x71: {  	_ =	shalt  }
0x72: {  	_ =	shalt  }
0x73: {  	_ =	shalt  }
0x74: {  	_ =	shalt  }
0x75: {  	_ =	shalt  }
0x76: {  	_ =	shalt  }
0x77: {  	_ =	shalt  }
0x78: {  	_ =	shalt  }
0x79: {  	_ =	shalt  }
0x7a: {  	_ =	shalt  }
0x7b: {  	_ =	shalt  }
0x7c: {  	_ =	shalt  }
0x7d: {  	_ =	shalt  }
0x7e: {  	_ =	shalt  }
0x7f: {  	_ =	shalt  }
0x80: {  	_ =	shalt  }
0x81: {  	_ =	shalt  }
0x82: {  	_ =	shalt  }
0x83: {  	_ =	shalt  }
0x84: {  	_ =	shalt  }
0x85: {  	_ =	shalt  }
0x86: {  	_ =	shalt  }
0x87: {  	_ =	shalt  }
.Lfunc_end0:
.L_simem_size_0:
called_computation_lowered:
.L_overlay_start_0:
0x88: {  	s2 =	sld [smem:$0x3FD9]  }
0x89: {  	s3 =	sld [smem:$0x3FFE];
	_ =	sdelay $0x1  }
0x8a: {  	s1 =	srdreg.scid  }
0x8b: {  	s0 =	sand.u32 $0x1, s1  }
0x8c: {  	s17 =	sshll.u32 s0, $0xA;
	s2 =	sadd.s32 s3, s2  }
0x8d: {  	s2 =	sadd.s32 s2, s17  }
0x8e: {  	[smem:$0x3FC5] =	sst s2  }
0x8f: {  	_ = 	snop  }
0x90: {  	s2 =	sld [smem:$0x3FC9]  }
0x91: {  	s18 =	sld [smem:$0x3FC7]  }
0x92: {  	s4 =	sld [smem:$0x3FD0];
	(tm) =	ssettm $0x1  }
0x93: {  	s5 =	sld [smem:$0x3FFB];
	_ =	sdelay $0x3  }
0x94: {  	_ =	strace s5  }
0x95: {  	s5 =	sld [smem:$0x3FFC];
	_ =	sdelay $0x3  }
0x96: {  	_ =	strace s5  }
0x97: {  	s5 =	sld [smem:$0x3FFD];
	_ =	sdelay $0x3  }
0x98: {  	_ =	strace s5  }
0x99: {  	_ =	strace $0x8FFFFFFF  }
0x9a: {  	s19 =	sld [smem:$0x3FDB];
	_ =	sdelay $0x1  }
0x9b: {  	s6 =	simm.s32 $_scs_section_size  }
0x9c: {  	s7 =	simm.s32 $_size__tile_overlayer_lowered;
	s8 =	simm.s32 $_tile_overlayer_lowered  }
0x9d: {  	s22 =	simm.s32 $0x1BFF;
	s21 =	sshll.u32 s8, $0x1;
	s5 =	sadd.s32 s6, s19  }
0x9e: {  	s9 =	simm.s32 $0x0;
	s20 =	sshll.u32 s7, $0x1;
	s7 =	sadd.s32 s21, s5  }
0x9f: {  	[timem:s9], [sflag:s22] =	dma.local [hbm:s7], s20  }
0xa0: {  	_ =	swait.ge [sflag:s22], s20  }
0xa1: {  	s6 =	ssub.s32 $0x0, s20;
	[sflag:s22] =	ssyncset.done $0x0  }
0xa2: {  	[sflag:s22] =	ssyncadd.s32 s6;
	_ =	sdelay $0x1  }
0xa3: {  	s23 =	simm.s32 $0x1B8B  }
0xa4: {  	_ =	swait.ge [sflag:s23], $0x1  }
0xa5: {  	[sflag:s23] =	ssyncset.done $0x0  }
0xa6: {  	s25 =	simm.s32 $0x1B8E;
	s24 =	sld [smem:$0x3FFE];
	[sflag:s23] =	ssyncadd.s32 $0xFFFFFFFF  }
0xa7: {  	s26 =	simm.s32 $execute0_lowered;
	[smem:$0x3FD2] =	sst s25  }
0xa8: {  	s7 =	sshll.u32 s26, $0x1;
	_ =	strace $0x80000046;
	[dreg:$0x1] =	wrdreg $0xFFFFFFFF  }
0xa9: {  	s28 =	simm.s32 $_size_execute0_lowered;
	s5 =	sadd.s32 s5, s7;
	[dreg:$0x0] =	wrdreg $0x0  }
0xaa: {  	s7 =	sshll.u32 s28, $0x1;
	[dreg:$0x2] =	wrdreg s5  }
0xab: {  	[dreg:$0x3] =	wrdreg s7  }
0xac: {  	[dreg:$0x4] =	wrdreg $0xC0  }
0xad: {  	_ =	task [dreg:s9], $0x5FFFF  }
0xae: {  	[dreg:$0x1] =	wrdreg $0xFFFFFFFF  }
0xaf: {  	[dreg:$0x0] =	wrdreg $0x60  }
0xb0: {  	[dreg:$0x2] =	wrdreg s2  }
0xb1: {  	[dreg:$0x3] =	wrdreg s4  }
0xb2: {  	[dreg:$0x4] =	wrdreg s18  }
0xb3: {  	[dreg:$0x5] =	wrdreg s24  }
0xb4: {  	[dreg:$0x6] =	wrdreg $0x9  }
0xb5: {  	_ =	task.clear_ibuf [dreg:s9], $0x7FFFF;
	_ =	strace $0x90000046  }
0xb6: {  	s29 =	simm.s32 $0x9;
	_ =	strace $0x80000048  }
0xb7: {  	_ =	swait.ge [sflag:s29], $0x1  }
0xb8: {  	[sflag:s29] =	ssyncadd.s32 $0xFFFFFFFF  }
0xb9: {  	_ =	strace $0x90000048  }
0xba: {  	_ =	sfence  }
0xbb: {  	s30 =	sld [smem:$0x0];
	_ =	sdelay $0x2  }
0xbc: {  	s31 =	sshll.u32 s1, $0xD;
	s1 =	sshrl.u32 s1, $0x2  }
0xbd: {  	s3 =	sand.u32 $0x4000, s31;
	s1 =	sadd.s32 s1, s30  }
0xbe: {  	s0 =	sor.u32 s3, s0;
	s1 =	sshll.u32 s1, $0x11  }
0xbf: {  	s0 =	sor.u32 s1, s0  }
0xc0: {  	s0 =	sadd.s32 $0x8F2B, s0  }
0xc1: {  	[sflag:s0] =	ssyncadd.remote.s32 $0x1  }
0xc2: {  	_ =	sfence.sel $0xFFFF  }
0xc3: {  	[dreg:$0x0] =	wrdreg $0xFFFFFFFF;
	(pc) =	sbr.abs _section_cstart, $3  }
0xc4: {  	[dreg:$0x1] =	wrdreg $0xFFFFFFFF  }
0xc5: {  	_ =	task.clear_ibuf [dreg:s9], $0x2FFFF;
	_ =	strace $0x9FFFFFFF  }
0xc6: {  	(tm) =	ssettm $0x7FFFFFFF  }
0xc7: {  	_ =	shalt  }
tec
execute0_lowered:
.L_overlay_start_1:
0x0: {  	(tag) =	ssettag $0x1  }
0x1: {  	v0 =	vlaneseq.u32  }
0x2: {  	v1 =	vadd.s32 $0x1, v0  }
0x3: {  	[tilespmem:$0x1FC10] =	vst v1;
	v1 =	vadd.s32 $0x2, v0  }
0x4: {  	[tilespmem:$0x1FC20] =	vst v1;
	v1 =	vadd.s32 $0x3, v0  }
0x5: {  	[tilespmem:$0x1FC30] =	vst v1;
	v1 =	vadd.s32 $0x4, v0  }
0x6: {  	[tilespmem:$0x1FC40] =	vst v1;
	v1 =	vadd.s32 $0x5, v0  }
0x7: {  	[tilespmem:$0x1FC50] =	vst v1;
	v1 =	vadd.s32 $0x6, v0  }
0x8: {  	[tilespmem:$0x1FC60] =	vst v1;
	v1 =	vadd.s32 $0x7, v0  }
0x9: {  	[tilespmem:$0x1FC70] =	vst v1;
	v1 =	vadd.s32 $0x8, v0  }
0xa: {  	[tilespmem:$0x1FC80] =	vst v1;
	v1 =	vadd.s32 $0x9, v0  }
0xb: {  	[tilespmem:$0x1FC90] =	vst v1;
	v1 =	vadd.s32 $0xA, v0  }
0xc: {  	[tilespmem:$0x1FCA0] =	vst v1;
	v1 =	vadd.s32 $0xB, v0  }
0xd: {  	[tilespmem:$0x1FCB0] =	vst v1;
	v1 =	vadd.s32 $0xC, v0  }
0xe: {  	[tilespmem:$0x1FCC0] =	vst v1;
	v1 =	vadd.s32 $0xD, v0  }
0xf: {  	[tilespmem:$0x1FCD0] =	vst v1;
	v1 =	vadd.s32 $0xE, v0  }
0x10: {  	[tilespmem:$0x1FCE0] =	vst v1;
	v1 =	vadd.s32 $0xF, v0  }
0x11: {  	[tilespmem:$0x1FCF0] =	vst v1;
	v1 =	vor.u32 $0x10, v0  }
0x12: {  	[tilespmem:$0x1FD00] =	vst v1;
	v1 =	vadd.s32 $0x11, v0  }
0x13: {  	[tilespmem:$0x1FD10] =	vst v1;
	v1 =	vadd.s32 $0x12, v0  }
0x14: {  	[tilespmem:$0x1FD20] =	vst v1;
	v1 =	vadd.s32 $0x13, v0  }
0x15: {  	[tilespmem:$0x1FD30] =	vst v1;
	v1 =	vadd.s32 $0x14, v0  }
0x16: {  	[tilespmem:$0x1FD40] =	vst v1;
	v1 =	vadd.s32 $0x15, v0  }
0x17: {  	[tilespmem:$0x1FD50] =	vst v1;
	v1 =	vadd.s32 $0x16, v0  }
0x18: {  	[tilespmem:$0x1FD60] =	vst v1;
	v1 =	vadd.s32 $0x17, v0  }
0x19: {  	[tilespmem:$0x1FD70] =	vst v1;
	v1 =	vadd.s32 $0x18, v0  }
0x1a: {  	[tilespmem:$0x1FD80] =	vst v1;
	v1 =	vadd.s32 $0x19, v0  }
0x1b: {  	[tilespmem:$0x1FD90] =	vst v1;
	v1 =	vadd.s32 $0x1A, v0  }
0x1c: {  	[tilespmem:$0x1FDA0] =	vst v1;
	v1 =	vadd.s32 $0x1B, v0  }
0x1d: {  	[tilespmem:$0x1FDB0] =	vst v1;
	v1 =	vadd.s32 $0x1C, v0  }
0x1e: {  	[tilespmem:$0x1FDC0] =	vst v1;
	v1 =	vadd.s32 $0x1D, v0  }
0x1f: {  	[tilespmem:$0x1FDD0] =	vst v1;
	v1 =	vadd.s32 $0x1E, v0  }
0x20: {  	[tilespmem:$0x1FDE0] =	vst v1;
	v1 =	vadd.s32 $0x1F, v0  }
0x21: {  	[tilespmem:$0x1FDF0] =	vst v1;
	v1 =	vor.u32 $0x20, v0  }
0x22: {  	[tilespmem:$0x1FE00] =	vst v1;
	v1 =	vadd.s32 $0x21, v0  }
0x23: {  	[tilespmem:$0x1FE10] =	vst v1;
	v1 =	vadd.s32 $0x22, v0  }
0x24: {  	[tilespmem:$0x1FE20] =	vst v1;
	v1 =	vadd.s32 $0x23, v0  }
0x25: {  	[tilespmem:$0x1FE30] =	vst v1;
	v1 =	vadd.s32 $0x24, v0  }
0x26: {  	[tilespmem:$0x1FE40] =	vst v1;
	v1 =	vadd.s32 $0x25, v0  }
0x27: {  	[tilespmem:$0x1FE50] =	vst v1;
	v1 =	vadd.s32 $0x26, v0  }
0x28: {  	s6 =	rddreg [dreg:$0x0];
	[tilespmem:$0x1FE60] =	vst v1;
	v1 =	vadd.s32 $0x27, v0  }
0x29: {  	s4 =	rddreg [dreg:$0x1];
	[tilespmem:$0x1FE70] =	vst v1;
	v1 =	vadd.s32 $0x28, v0  }
0x2a: {  	s1 =	rddreg [dreg:$0x2];
	[tilespmem:$0x1FE80] =	vst v1;
	v1 =	vadd.s32 $0x29, v0  }
0x2b: {  	s7 =	rddreg [dreg:$0x3];
	s3 =	simm.s32 $0x0;
	[tilespmem:$0x1FE90] =	vst v1;
	v1 =	vadd.s32 $0x2A, v0  }
0x2c: {  	s2 =	srdreg.scid;
	[smem:$0x7FF] =	sst s3;
	[tilespmem:$0x1FEA0] =	vst v1;
	v1 =	vadd.s32 $0x2B, v0  }
0x2d: {  	s5 =	sand.u32 $0x1, s2;
	s2 =	rddreg [dreg:$0x4];
	_ =	strace $0x80000047;
	[tilespmem:$0x1FEB0] =	vst v1;
	v1 =	vadd.s32 $0x2C, v0  }
0x2e: {  	[tilespmem:$0x1FEC0] =	vst v1;
	v1 =	vadd.s32 $0x2D, v0  }
0x2f: {  	[tilespmem:$0x1FED0] =	vst v1;
	v1 =	vadd.s32 $0x2E, v0  }
0x30: {  	[tilespmem:$0x1FEE0] =	vst v1;
	v1 =	vadd.s32 $0x2F, v0  }
0x31: {  	[tilespmem:$0x1FEF0] =	vst v1;
	v1 =	vor.u32 $0x30, v0  }
0x32: {  	[tilespmem:$0x1FF00] =	vst v1;
	v1 =	vadd.s32 $0x31, v0  }
0x33: {  	[tilespmem:$0x1FF10] =	vst v1;
	v1 =	vadd.s32 $0x32, v0  }
0x34: {  	[tilespmem:$0x1FF20] =	vst v1;
	v1 =	vadd.s32 $0x33, v0  }
0x35: {  	[tilespmem:$0x1FF30] =	vst v1;
	v1 =	vadd.s32 $0x34, v0  }
0x36: {  	[tilespmem:$0x1FF40] =	vst v1;
	v1 =	vadd.s32 $0x35, v0  }
0x37: {  	[tilespmem:$0x1FF50] =	vst v1;
	v1 =	vadd.s32 $0x36, v0  }
0x38: {  	s0 =	stileid.u32;
	[tilespmem:$0x1FF60] =	vst v1;
	v1 =	vadd.s32 $0x37, v0  }
0x39: {  	s31 =	sshll.u32 s0, $0x1;
	[tilespmem:$0x1FF70] =	vst v1;
	v1 =	vadd.s32 $0x38, v0  }
0x3a: {  	s12 =	simm.s32 $0x2;
	s13 =	simm.s32 $0x3;
	s8 =	sor.u32 s5, s31;
	[tilespmem:$0x1FF80] =	vst v1;
	v1 =	vadd.s32 $0x39, v0  }
0x3b: {  	s14 =	simm.s32 $0x4;
	s15 =	simm.s32 $0x6300;
	s9 =	smul.u32 $0x18, s8;
	[tilespmem:$0x1FF90] =	vst v1;
	v1 =	vadd.s32 $0x3A, v0  }
0x3c: {  	s16 =	simm.s32 $0x5;
	s5 =	ssub.s32 $0x2, s5;
	s10 =	smul.u32 $0x6000, s8;
	[tilespmem:$0x1FFA0] =	vst v1;
	v1 =	vadd.s32 $0x3B, v0  }
0x3d: {  	s17 =	simm.s32 $0x0;
	s11 =	sshrl.u32 s5, $0x1;
	s8 =	smul.u32 $0xC00, s8;
	[tilespmem:$0x1FFB0] =	vst v1;
	v1 =	vadd.s32 $0x3C, v0  }
0x3e: {  	s11 =	ssub.s32 s5, s11;
	s7 =	sadd.s32 s9, s7;
	s10 =	sshrl.u32 s10, $0x3;
	[tilespmem:$0x1FFC0] =	vst v1;
	v1 =	vadd.s32 $0x3D, v0  }
0x3f: {  	s4 =	sadd.s32 s4, s9;
	s5 =	sadd.s32 s6, s8;
	s8 =	smax.u32 s11, $0x1;
	[tilespmem:$0x1FFD0] =	vst v1;
	v1 =	vadd.s32 $0x3E, v0  }
0x40: {  	s9 =	simm.s32 $0x6000;
	s11 =	simm.s32 $0x1;
	s6 =	sadd.s32 s6, s10;
	[tilespmem:$0x1FFE0] =	vst v1;
	v1 =	vadd.s32 $0x3F, v0  }
0x41: {  	s7 =	sadd.s32 $0xA00, s7;
	s10 =	simm.s32 $0x3000;
	s6 =	sadd.s32 $0x600, s6;
	[tilespmem:$0x1FFF0] =	vst v1  }
.LBB2_1:
0x42: {  	[tilespmem:s9], [sflag:$0x1] =	stream.linear.gather [hbm4b:s1+s3], $0x200, $0x38;
	[tilespmem:$0x6400] =	vst v63  }
0x43: {  	s18 =	simm.s32 $0x6200  }
0x44: {  	[tilespmem:s18], [sflag:$0x2] =	stream.linear.gather [hbm4b:s4+s3], $0xC0, $0x38;
	[tilespmem:$0x6400] =	vst v63  }
0x45: {  	_ = 	snop  }
0x46: {  	[tilespmem:s3], [sflag:$0x3] =	stream.linear.gather [hbm4b:s5+s3], $0x3000, $0x38;
	[tilespmem:$0x6400] =	vst v63  }
0x47: {  	_ = 	snop  }
0x48: {  	[tilespmem:s10], [sflag:$0x4] =	stream.linear.gather [hbm4b:s6+s3], $0x3000, $0x38;
	[tilespmem:$0x6400] =	vst v63  }
0x49: {  	_ =	swait.ge [sflag:s11], $0x200  }
0x4a: {  	[sflag:s11] =	ssyncset.done $0x0  }
0x4b: {  	[sflag:s11] =	ssyncadd.s32 $0xFFFFFE00  }
0x4c: {  	_ =	swait.ge [sflag:s12], $0xC0  }
0x4d: {  	[sflag:s12] =	ssyncset.done $0x0  }
0x4e: {  	[sflag:s12] =	ssyncadd.s32 $0xFFFFFF40  }
0x4f: {  	_ =	swait.ge [sflag:s13], $0x3000  }
0x50: {  	[sflag:s13] =	ssyncset.done $0x0  }
0x51: {  	s19 =	simm.s32 $0x6300;
	s20 =	simm.s32 $0x0;
	[sflag:s13] =	ssyncadd.s32 $0xFFFFD000  }
.LBB2_2:
0x52: {  	v1 =	vld [tilespmem:s18+$0x0]  }
0x53: {  	v5 =	vld [tilespmem:$0x1FC20]  }
0x54: {  	v7 =	vld [tilespmem:$0x1FC30]  }
0x55: {  	v11 =	vld [tilespmem:$0x1FC50]  }
0x56: {  	v13 =	vld [tilespmem:$0x1FC60]  }
0x57: {  	v15 =	vld [tilespmem:$0x1FC70]  }
0x58: {  	v17 =	vld [tilespmem:$0x1FC80]  }
0x59: {  	v2 =	vor.u32 s20, v0;
	v19 =	vld [tilespmem:$0x1FC90]  }
0x5a: {  	v21 =	vld [tilespmem:$0x1FCA0];
	v34 =	vshll.u32 v2, $0x7  }
0x5b: {  	v22 =	vld [tilespmem:$0x1FCB0];
	v3 =	vor.u32 v2, v34;
	v33 =	vshll.u32 v1, $0x7;
	v11 =	vadd.s32 s20, v11  }
0x5c: {  	v23 =	vld [tilespmem:$0x1FCC0];
	v2 =	vor.u32 v2, v33;
	v11 =	vand.u32 $0x7F, v11  }
0x5d: {  	v24 =	vld [tilespmem:$0x1FCD0];
	v17 =	vadd.s32 s20, v17;
	v12 =	vor.u32 v11, v34  }
0x5e: {  	v25 =	vld [tilespmem:$0x1FCE0];
	v19 =	vadd.s32 s20, v19;
	v17 =	vand.u32 $0x7F, v17;
	v11 =	vor.u32 v11, v33  }
0x5f: {  	v26 =	vld [tilespmem:$0x1FCF0];
	v15 =	vadd.s32 s20, v15;
	v19 =	vand.u32 $0x7F, v19;
	v18 =	vor.u32 v17, v34  }
0x60: {  	v15 =	vand.u32 $0x7F, v15;
	v3 =	vld.idx.msk [tilespmem:v3+s3+$0x0], $0xffff;
	v20 =	vor.u32 v19, v34;
	v19 =	vor.u32 v19, v33  }
0x61: {  	v5 =	vadd.s32 s20, v5;
	v16 =	vor.u32 v15, v34;
	v15 =	vor.u32 v15, v33;
	v2 =	vld.idx.msk [tilespmem:v2+s9+$0x0], $0xffff  }
0x62: {  	v5 =	vand.u32 $0x7F, v5;
	v12 =	vld.idx.msk [tilespmem:v12+s3+$0x0], $0xffff  }
0x63: {  	v21 =	vadd.s32 s20, v21;
	v23 =	vadd.s32 s20, v23;
	v6 =	vor.u32 v5, v34;
	v11 =	vld.idx.msk [tilespmem:v11+s9+$0x0], $0xffff  }
0x64: {  	v21 =	vand.u32 $0x7F, v21;
	v23 =	vand.u32 $0x7F, v23;
	v5 =	vor.u32 v5, v33;
	v62 =	vld.idx.msk [tilespmem:v18+s3+$0x0], $0xffff  }
0x65: {  	v22 =	vadd.s32 s20, v22;
	v18 =	vor.u32 v21, v33;
	v63 =	vld.idx.msk [tilespmem:v19+s9+$0x0], $0xffff;
	v19 =	vor.u32 v23, v34  }
0x66: {  	v2 =	vmul.f32 v2, v3;
	v3 =	vld.idx.msk [tilespmem:v15+s9+$0x0], $0xffff;
	v15 =	vor.u32 v21, v34;
	v21 =	vand.u32 $0x7F, v22  }
0x67: {  	v1 =	vld [tilespmem:$0x1FC10];
	v13 =	vadd.s32 s20, v13;
	v22 =	vor.u32 v21, v34;
	v21 =	vor.u32 v21, v33  }
0x68: {  	v13 =	vand.u32 $0x7F, v13;
	v6 =	vld.idx.msk [tilespmem:v6+s3+$0x0], $0xffff  }
0x69: {  	v14 =	vor.u32 v13, v34;
	v5 =	vld.idx.msk [tilespmem:v5+s9+$0x0], $0xffff  }
0x6a: {  	v25 =	vadd.s32 s20, v25;
	v13 =	vor.u32 v13, v33;
	v11 =	vmul.f32 v11, v12;
	v12 =	vld.idx.msk [tilespmem:v19+s3+$0x0], $0xffff  }
0x6b: {  	v24 =	vadd.s32 s20, v24;
	v26 =	vadd.s32 s20, v26;
	v25 =	vand.u32 $0x7F, v25;
	v32 =	vld.idx.msk [tilespmem:v15+s3+$0x0], $0xffff  }
0x6c: {  	v19 =	vor.u32 v25, v33;
	v15 =	vor.u32 v23, v33;
	v23 =	vand.u32 $0x7F, v24;
	v35 =	vld.idx.msk [tilespmem:v21+s9+$0x0], $0xffff  }
0x6d: {  	v24 =	vor.u32 v23, v34;
	v21 =	vor.u32 v25, v34;
	v25 =	vand.u32 $0x7F, v26;
	v26 =	vld [tilespmem:$0x1FD00]  }
0x6e: {  	v14 =	vld.idx.msk [tilespmem:v14+s3+$0x0], $0xffff  }
0x6f: {  	v13 =	vld.idx.msk [tilespmem:v13+s9+$0x0], $0xffff  }
0x70: {  	v16 =	vld.idx.msk [tilespmem:v16+s3+$0x0], $0xffff  }
0x71: {  	v17 =	vor.u32 v17, v33;
	v36 =	vld.idx.msk [tilespmem:v15+s9+$0x0], $0xffff  }
0x72: {  	v23 =	vor.u32 v23, v33;
	v26 =	vadd.s32 s20, v26;
	v37 =	vld.idx.msk [tilespmem:v24+s3+$0x0], $0xffff  }
0x73: {  	v15 =	vor.u32 v25, v34;
	v24 =	vor.u32 v25, v33;
	v25 =	vand.u32 $0x7F, v26;
	v26 =	vld [tilespmem:$0x1FD10]  }
0x74: {  	v1 =	vadd.s32 s20, v1  }
0x75: {  	v9 =	vld [tilespmem:$0x1FC40];
	v1 =	vand.u32 $0x7F, v1  }
0x76: {  	v4 =	vor.u32 v1, v34;
	v17 =	vld.idx.msk [tilespmem:v17+s9+$0x0], $0xffff  }
0x77: {  	v7 =	vadd.s32 s20, v7;
	v1 =	vor.u32 v1, v33;
	v13 =	vmul.f32 v13, v14;
	v14 =	vld.idx.msk [tilespmem:v23+s9+$0x0], $0xffff  }
0x78: {  	v5 =	vmul.f32 v5, v6;
	v3 =	vmul.f32 v3, v16;
	v16 =	vld.idx.msk [tilespmem:v21+s3+$0x0], $0xffff;
	v26 =	vadd.s32 s20, v26  }
0x79: {  	v23 =	vor.u32 v25, v34;
	v21 =	vor.u32 v25, v33;
	v25 =	vand.u32 $0x7F, v26;
	v26 =	vld [tilespmem:$0x1FD20]  }
0x7a: {  	v7 =	vand.u32 $0x7F, v7;
	v20 =	vld.idx.msk [tilespmem:v20+s3+$0x0], $0xffff  }
0x7b: {  	v9 =	vadd.s32 s20, v9;
	v8 =	vor.u32 v7, v34;
	v4 =	vld.idx.msk [tilespmem:v4+s3+$0x0], $0xffff;
	v5 =	vadd.f32 $0.0e+00, v5  }
0x7c: {  	v9 =	vand.u32 $0x7F, v9;
	v7 =	vor.u32 v7, v33;
	v1 =	vld.idx.msk [tilespmem:v1+s9+$0x0], $0xffff  }
0x7d: {  	v10 =	vor.u32 v9, v34;
	v5 =	vadd.f32 v13, v5;
	v13 =	vld.idx.msk [tilespmem:v19+s9+$0x0], $0xffff  }
0x7e: {  	v38 =	vld.idx.msk [tilespmem:v15+s3+$0x0], $0xffff;
	v26 =	vadd.s32 s20, v26  }
0x7f: {  	v19 =	vor.u32 v25, v34;
	v15 =	vor.u32 v25, v33;
	v25 =	vand.u32 $0x7F, v26;
	v26 =	vld [tilespmem:$0x1FD30]  }
0x80: {  	v8 =	vld.idx.msk [tilespmem:v8+s3+$0x0], $0xffff  }
0x81: {  	v9 =	vor.u32 v9, v33;
	v7 =	vld.idx.msk [tilespmem:v7+s9+$0x0], $0xffff  }
0x82: {  	v10 =	vld.idx.msk [tilespmem:v10+s3+$0x0], $0xffff  }
0x83: {  	v1 =	vmul.f32 v1, v4;
	v4 =	vmul.f32 v17, v62;
	v17 =	vld.idx.msk [tilespmem:v24+s9+$0x0], $0xffff  }
0x84: {  	v6 =	vmul.f32 v63, v20;
	v20 =	vld.idx.msk [tilespmem:v23+s3+$0x0], $0xffff;
	v26 =	vadd.s32 s20, v26  }
0x85: {  	v24 =	vor.u32 v25, v34;
	v23 =	vor.u32 v25, v33;
	v25 =	vand.u32 $0x7F, v26;
	v26 =	vld [tilespmem:$0x1FD40]  }
0x86: {  	v9 =	vld.idx.msk [tilespmem:v9+s9+$0x0], $0xffff  }
0x87: {  	v18 =	vld.idx.msk [tilespmem:v18+s9+$0x0], $0xffff  }
0x88: {  	v22 =	vld.idx.msk [tilespmem:v22+s3+$0x0], $0xffff  }
0x89: {  	v39 =	vld.idx.msk [tilespmem:v21+s9+$0x0], $0xffff  }
0x8a: {  	v40 =	vld.idx.msk [tilespmem:v19+s3+$0x0], $0xffff;
	v26 =	vadd.s32 s20, v26  }
0x8b: {  	v21 =	vor.u32 v25, v34;
	v19 =	vor.u32 v25, v33;
	v25 =	vand.u32 $0x7F, v26;
	v26 =	vld [tilespmem:$0x1FD50];
	_ =	sdelay $0x3  }
0x8c: {  	v7 =	vmul.f32 v7, v8;
	v9 =	vmul.f32 v9, v10  }
0x8d: {  	v8 =	vmul.f32 v18, v32;
	v10 =	vmul.f32 v35, v22;
	v22 =	vld.idx.msk [tilespmem:v24+s3+$0x0], $0xffff;
	v26 =	vadd.s32 s20, v26  }
0x8e: {  	v18 =	vor.u32 v25, v34;
	v24 =	vor.u32 v25, v33;
	v25 =	vand.u32 $0x7F, v26;
	v26 =	vld [tilespmem:$0x1FD60];
	_ =	sdelay $0x3  }
0x8f: {  	v41 =	vld.idx.msk [tilespmem:v23+s9+$0x0], $0xffff  }
0x90: {  	v42 =	vld.idx.msk [tilespmem:v21+s3+$0x0], $0xffff;
	v26 =	vadd.s32 s20, v26  }
0x91: {  	v23 =	vor.u32 v25, v34;
	v21 =	vor.u32 v25, v33;
	v25 =	vand.u32 $0x7F, v26;
	v26 =	vld [tilespmem:$0x1FD70];
	_ =	sdelay $0x1  }
0x92: {  	v2 =	vadd.f32 $0.0e+00, v2  }
0x93: {  	v1 =	vadd.f32 $0.0e+00, v1  }
0x94: {  	v2 =	vadd.f32 v9, v2;
	v9 =	vmul.f32 v36, v12;
	v12 =	vld.idx.msk [tilespmem:v19+s9+$0x0], $0xffff  }
0x95: {  	v1 =	vadd.f32 v11, v1;
	v11 =	vmul.f32 v14, v37;
	v14 =	vld.idx.msk [tilespmem:v18+s3+$0x0], $0xffff;
	v26 =	vadd.s32 s20, v26  }
0x96: {  	v19 =	vor.u32 v25, v34;
	v18 =	vor.u32 v25, v33;
	v25 =	vand.u32 $0x7F, v26;
	v26 =	vld [tilespmem:$0x1FD80];
	_ =	sdelay $0x3  }
0x97: {  	v43 =	vld.idx.msk [tilespmem:v24+s9+$0x0], $0xffff  }
0x98: {  	v44 =	vld.idx.msk [tilespmem:v23+s3+$0x0], $0xffff;
	v26 =	vadd.s32 s20, v26  }
0x99: {  	v24 =	vor.u32 v25, v34;
	v23 =	vor.u32 v25, v33;
	v25 =	vand.u32 $0x7F, v26;
	v26 =	vld [tilespmem:$0x1FD90];
	_ =	sdelay $0x2  }
0x9a: {  	v7 =	vadd.f32 $0.0e+00, v7  }
0x9b: {  	v13 =	vmul.f32 v13, v16;
	v16 =	vld.idx.msk [tilespmem:v21+s9+$0x0], $0xffff  }
0x9c: {  	v3 =	vadd.f32 v3, v7;
	v7 =	vmul.f32 v17, v38;
	v17 =	vld.idx.msk [tilespmem:v19+s3+$0x0], $0xffff;
	v26 =	vadd.s32 s20, v26  }
0x9d: {  	v21 =	vor.u32 v25, v34;
	v19 =	vor.u32 v25, v33;
	v25 =	vand.u32 $0x7F, v26;
	v26 =	vld [tilespmem:$0x1FDA0];
	_ =	sdelay $0x1  }
0x9e: {  	v5 =	vadd.f32 v8, v5  }
0x9f: {  	v15 =	vld.idx.msk [tilespmem:v15+s9+$0x0], $0xffff  }
0xa0: {  	v5 =	vadd.f32 v13, v5;
	v13 =	vld.idx.msk [tilespmem:v18+s9+$0x0], $0xffff  }
0xa1: {  	v45 =	vld.idx.msk [tilespmem:v24+s3+$0x0], $0xffff;
	v26 =	vadd.s32 s20, v26  }
0xa2: {  	v18 =	vor.u32 v25, v34;
	v24 =	vor.u32 v25, v33;
	v25 =	vand.u32 $0x7F, v26;
	v26 =	vld [tilespmem:$0x1FDB0];
	_ =	sdelay $0x3  }
0xa3: {  	v2 =	vadd.f32 v4, v2;
	v4 =	vmul.f32 v39, v20;
	v20 =	vld.idx.msk [tilespmem:v23+s9+$0x0], $0xffff  }
0xa4: {  	v1 =	vadd.f32 v6, v1;
	v6 =	vmul.f32 v15, v40;
	v15 =	vld.idx.msk [tilespmem:v21+s3+$0x0], $0xffff;
	v26 =	vadd.s32 s20, v26  }
0xa5: {  	v23 =	vor.u32 v25, v34;
	v21 =	vor.u32 v25, v33;
	v25 =	vand.u32 $0x7F, v26;
	v26 =	vld [tilespmem:$0x1FDC0];
	_ =	sdelay $0x3  }
0xa6: {  	v46 =	vld.idx.msk [tilespmem:v19+s9+$0x0], $0xffff  }
0xa7: {  	v47 =	vld.idx.msk [tilespmem:v18+s3+$0x0], $0xffff;
	v26 =	vadd.s32 s20, v26  }
0xa8: {  	v19 =	vor.u32 v25, v34;
	v18 =	vor.u32 v25, v33;
	v25 =	vand.u32 $0x7F, v26;
	v26 =	vld [tilespmem:$0x1FDD0];
	_ =	sdelay $0x3  }
0xa9: {  	v8 =	vmul.f32 v41, v22;
	v22 =	vld.idx.msk [tilespmem:v24+s9+$0x0], $0xffff  }
0xaa: {  	v3 =	vadd.f32 v10, v3;
	v10 =	vmul.f32 v12, v42;
	v12 =	vld.idx.msk [tilespmem:v23+s3+$0x0], $0xffff;
	v26 =	vadd.s32 s20, v26  }
0xab: {  	v24 =	vor.u32 v25, v34;
	v23 =	vor.u32 v25, v33;
	v25 =	vand.u32 $0x7F, v26;
	v26 =	vld [tilespmem:$0x1FDE0];
	_ =	sdelay $0x3  }
0xac: {  	v48 =	vld.idx.msk [tilespmem:v21+s9+$0x0], $0xffff  }
0xad: {  	v49 =	vld.idx.msk [tilespmem:v19+s3+$0x0], $0xffff;
	v26 =	vadd.s32 s20, v26  }
0xae: {  	v21 =	vor.u32 v25, v34;
	v19 =	vor.u32 v25, v33;
	v25 =	vand.u32 $0x7F, v26;
	v26 =	vld [tilespmem:$0x1FDF0];
	_ =	sdelay $0x3  }
0xaf: {  	v2 =	vadd.f32 v9, v2;
	v9 =	vmul.f32 v43, v14;
	v14 =	vld.idx.msk [tilespmem:v18+s9+$0x0], $0xffff  }
0xb0: {  	v1 =	vadd.f32 v11, v1;
	v11 =	vmul.f32 v16, v44;
	v16 =	vld.idx.msk [tilespmem:v24+s3+$0x0], $0xffff;
	v26 =	vadd.s32 s20, v26  }
0xb1: {  	v18 =	vor.u32 v25, v34;
	v24 =	vor.u32 v25, v33;
	v25 =	vand.u32 $0x7F, v26;
	v26 =	vld [tilespmem:$0x1FE00];
	_ =	sdelay $0x3  }
0xb2: {  	v50 =	vld.idx.msk [tilespmem:v23+s9+$0x0], $0xffff  }
0xb3: {  	v51 =	vld.idx.msk [tilespmem:v21+s3+$0x0], $0xffff;
	v26 =	vadd.s32 s20, v26  }
0xb4: {  	v23 =	vor.u32 v25, v34;
	v21 =	vor.u32 v25, v33;
	v25 =	vand.u32 $0x7F, v26;
	v26 =	vld [tilespmem:$0x1FE10];
	_ =	sdelay $0x3  }
0xb5: {  	v3 =	vadd.f32 v7, v3  }
0xb6: {  	v13 =	vmul.f32 v13, v17;
	v7 =	vmul.f32 v20, v45;
	v17 =	vld.idx.msk [tilespmem:v19+s9+$0x0], $0xffff;
	v26 =	vadd.s32 s20, v26  }
0xb7: {  	v19 =	vor.u32 v25, v34;
	v20 =	vor.u32 v25, v33;
	v25 =	vand.u32 $0x7F, v26;
	v26 =	vld [tilespmem:$0x1FE20];
	_ =	sdelay $0x1  }
0xb8: {  	v5 =	vadd.f32 v8, v5;
	_ =	sdelay $0x1  }
0xb9: {  	v5 =	vadd.f32 v13, v5;
	v13 =	vld.idx.msk [tilespmem:v24+s9+$0x0], $0xffff  }
0xba: {  	v52 =	vld.idx.msk [tilespmem:v23+s3+$0x0], $0xffff;
	v26 =	vadd.s32 s20, v26  }
0xbb: {  	v24 =	vor.u32 v25, v34;
	v23 =	vor.u32 v25, v33;
	v25 =	vand.u32 $0x7F, v26;
	v26 =	vld [tilespmem:$0x1FE30];
	_ =	sdelay $0x3  }
0xbc: {  	v2 =	vadd.f32 v4, v2;
	v1 =	vadd.f32 v6, v1  }
0xbd: {  	v4 =	vmul.f32 v46, v15;
	v6 =	vmul.f32 v22, v47;
	v15 =	vld.idx.msk [tilespmem:v21+s9+$0x0], $0xffff;
	v26 =	vadd.s32 s20, v26  }
0xbe: {  	v21 =	vor.u32 v25, v34;
	v22 =	vor.u32 v25, v33;
	v25 =	vand.u32 $0x7F, v26;
	v26 =	vld [tilespmem:$0x1FE40];
	_ =	sdelay $0x3  }
0xbf: {  	v53 =	vld.idx.msk [tilespmem:v20+s9+$0x0], $0xffff  }
0xc0: {  	v54 =	vld.idx.msk [tilespmem:v24+s3+$0x0], $0xffff;
	v26 =	vadd.s32 s20, v26  }
0xc1: {  	v20 =	vor.u32 v25, v34;
	v24 =	vor.u32 v25, v33;
	v25 =	vand.u32 $0x7F, v26;
	v26 =	vld [tilespmem:$0x1FE50];
	_ =	sdelay $0x3  }
0xc2: {  	v8 =	vmul.f32 v48, v12;
	v12 =	vld.idx.msk [tilespmem:v23+s9+$0x0], $0xffff  }
0xc3: {  	v3 =	vadd.f32 v10, v3;
	v10 =	vmul.f32 v14, v49;
	v14 =	vld.idx.msk [tilespmem:v21+s3+$0x0], $0xffff;
	v26 =	vadd.s32 s20, v26  }
0xc4: {  	v23 =	vor.u32 v25, v34;
	v21 =	vor.u32 v25, v33;
	v25 =	vand.u32 $0x7F, v26;
	v26 =	vld [tilespmem:$0x1FE60];
	_ =	sdelay $0x3  }
0xc5: {  	v55 =	vld.idx.msk [tilespmem:v22+s9+$0x0], $0xffff  }
0xc6: {  	v56 =	vld.idx.msk [tilespmem:v20+s3+$0x0], $0xffff;
	v26 =	vadd.s32 s20, v26  }
0xc7: {  	v22 =	vor.u32 v25, v34;
	v20 =	vor.u32 v25, v33;
	v25 =	vand.u32 $0x7F, v26;
	v26 =	vld [tilespmem:$0x1FE70];
	_ =	sdelay $0x3  }
0xc8: {  	v2 =	vadd.f32 v9, v2;
	v9 =	vmul.f32 v50, v16;
	v16 =	vld.idx.msk [tilespmem:v24+s9+$0x0], $0xffff  }
0xc9: {  	v1 =	vadd.f32 v11, v1;
	v11 =	vmul.f32 v17, v51;
	v17 =	vld.idx.msk [tilespmem:v23+s3+$0x0], $0xffff;
	v26 =	vadd.s32 s20, v26  }
0xca: {  	v24 =	vor.u32 v25, v34;
	v23 =	vor.u32 v25, v33;
	v25 =	vand.u32 $0x7F, v26;
	v26 =	vld [tilespmem:$0x1FE80];
	_ =	sdelay $0x2  }
0xcb: {  	v18 =	vld.idx.msk [tilespmem:v18+s3+$0x0], $0xffff  }
0xcc: {  	v57 =	vld.idx.msk [tilespmem:v21+s9+$0x0], $0xffff  }
0xcd: {  	v58 =	vld.idx.msk [tilespmem:v22+s3+$0x0], $0xffff;
	v26 =	vadd.s32 s20, v26  }
0xce: {  	v21 =	vor.u32 v25, v34;
	v22 =	vor.u32 v25, v33;
	v25 =	vand.u32 $0x7F, v26;
	v26 =	vld [tilespmem:$0x1FE90];
	_ =	sdelay $0x3  }
0xcf: {  	v13 =	vmul.f32 v13, v18;
	v18 =	vld.idx.msk [tilespmem:v20+s9+$0x0], $0xffff  }
0xd0: {  	v3 =	vadd.f32 v7, v3;
	v7 =	vmul.f32 v15, v52;
	v15 =	vld.idx.msk [tilespmem:v24+s3+$0x0], $0xffff;
	v26 =	vadd.s32 s20, v26  }
0xd1: {  	v20 =	vor.u32 v25, v34;
	v24 =	vor.u32 v25, v33;
	v25 =	vand.u32 $0x7F, v26;
	v26 =	vld [tilespmem:$0x1FEA0];
	_ =	sdelay $0x1  }
0xd2: {  	v5 =	vadd.f32 v8, v5  }
0xd3: {  	v19 =	vld.idx.msk [tilespmem:v19+s3+$0x0], $0xffff  }
0xd4: {  	v5 =	vadd.f32 v13, v5;
	v13 =	vld.idx.msk [tilespmem:v23+s9+$0x0], $0xffff  }
0xd5: {  	v59 =	vld.idx.msk [tilespmem:v21+s3+$0x0], $0xffff;
	v26 =	vadd.s32 s20, v26  }
0xd6: {  	v23 =	vor.u32 v25, v34;
	v21 =	vor.u32 v25, v33;
	v25 =	vand.u32 $0x7F, v26;
	v26 =	vld [tilespmem:$0x1FEB0];
	_ =	sdelay $0x3  }
0xd7: {  	v2 =	vadd.f32 v4, v2;
	v4 =	vmul.f32 v53, v19;
	v19 =	vld.idx.msk [tilespmem:v22+s9+$0x0], $0xffff  }
0xd8: {  	v1 =	vadd.f32 v6, v1;
	v6 =	vmul.f32 v12, v54;
	v12 =	vld.idx.msk [tilespmem:v20+s3+$0x0], $0xffff;
	v26 =	vadd.s32 s20, v26  }
0xd9: {  	v22 =	vor.u32 v25, v34;
	v20 =	vor.u32 v25, v33;
	v25 =	vand.u32 $0x7F, v26;
	v26 =	vld [tilespmem:$0x1FEC0];
	_ =	sdelay $0x3  }
0xda: {  	v60 =	vld.idx.msk [tilespmem:v24+s9+$0x0], $0xffff  }
0xdb: {  	v61 =	vld.idx.msk [tilespmem:v23+s3+$0x0], $0xffff;
	v26 =	vadd.s32 s20, v26  }
0xdc: {  	v24 =	vor.u32 v25, v34;
	v23 =	vor.u32 v25, v33;
	v25 =	vand.u32 $0x7F, v26;
	v26 =	vld [tilespmem:$0x1FED0];
	_ =	sdelay $0x3  }
0xdd: {  	v8 =	vmul.f32 v55, v14;
	v14 =	vld.idx.msk [tilespmem:v21+s9+$0x0], $0xffff  }
0xde: {  	v3 =	vadd.f32 v10, v3;
	v10 =	vmul.f32 v16, v56;
	v16 =	vld.idx.msk [tilespmem:v22+s3+$0x0], $0xffff;
	v26 =	vadd.s32 s20, v26  }
0xdf: {  	v21 =	vor.u32 v25, v34;
	v22 =	vor.u32 v25, v33;
	v25 =	vand.u32 $0x7F, v26;
	v26 =	vld [tilespmem:$0x1FEE0];
	_ =	sdelay $0x3  }
0xe0: {  	v62 =	vld.idx.msk [tilespmem:v20+s9+$0x0], $0xffff  }
0xe1: {  	v63 =	vld.idx.msk [tilespmem:v24+s3+$0x0], $0xffff;
	v26 =	vadd.s32 s20, v26  }
0xe2: {  	v20 =	vor.u32 v25, v34;
	v24 =	vor.u32 v25, v33;
	v25 =	vand.u32 $0x7F, v26;
	v26 =	vld [tilespmem:$0x1FEF0];
	_ =	sdelay $0x3  }
0xe3: {  	v2 =	vadd.f32 v9, v2;
	v9 =	vmul.f32 v57, v17;
	v17 =	vld.idx.msk [tilespmem:v23+s9+$0x0], $0xffff  }
0xe4: {  	v1 =	vadd.f32 v11, v1;
	v11 =	vmul.f32 v18, v58;
	v18 =	vld.idx.msk [tilespmem:v21+s3+$0x0], $0xffff;
	v26 =	vadd.s32 s20, v26  }
0xe5: {  	v23 =	vor.u32 v25, v34;
	v21 =	vor.u32 v25, v33;
	v25 =	vand.u32 $0x7F, v26;
	v26 =	vld [tilespmem:$0x1FF00];
	_ =	sdelay $0x3  }
0xe6: {  	v32 =	vld.idx.msk [tilespmem:v22+s9+$0x0], $0xffff  }
0xe7: {  	v35 =	vld.idx.msk [tilespmem:v20+s3+$0x0], $0xffff;
	v26 =	vadd.s32 s20, v26  }
0xe8: {  	v22 =	vor.u32 v25, v34;
	v20 =	vor.u32 v25, v33;
	v25 =	vand.u32 $0x7F, v26;
	v26 =	vld [tilespmem:$0x1FF10];
	_ =	sdelay $0x3  }
0xe9: {  	v13 =	vmul.f32 v13, v15;
	v15 =	vld.idx.msk [tilespmem:v24+s9+$0x0], $0xffff  }
0xea: {  	v3 =	vadd.f32 v7, v3;
	v7 =	vmul.f32 v19, v59;
	v19 =	vld.idx.msk [tilespmem:v23+s3+$0x0], $0xffff;
	v26 =	vadd.s32 s20, v26  }
0xeb: {  	v24 =	vor.u32 v25, v34;
	v23 =	vor.u32 v25, v33;
	v25 =	vand.u32 $0x7F, v26;
	v26 =	vld [tilespmem:$0x1FF20];
	_ =	sdelay $0x1  }
0xec: {  	v5 =	vadd.f32 v8, v5;
	_ =	sdelay $0x1  }
0xed: {  	v5 =	vadd.f32 v13, v5;
	v13 =	vld.idx.msk [tilespmem:v21+s9+$0x0], $0xffff  }
0xee: {  	v36 =	vld.idx.msk [tilespmem:v22+s3+$0x0], $0xffff;
	v26 =	vadd.s32 s20, v26  }
0xef: {  	v21 =	vor.u32 v25, v34;
	v22 =	vor.u32 v25, v33;
	v25 =	vand.u32 $0x7F, v26;
	v26 =	vld [tilespmem:$0x1FF30];
	_ =	sdelay $0x3  }
0xf0: {  	v2 =	vadd.f32 v4, v2;
	v4 =	vmul.f32 v60, v12;
	v12 =	vld.idx.msk [tilespmem:v20+s9+$0x0], $0xffff  }
0xf1: {  	v1 =	vadd.f32 v6, v1;
	v6 =	vmul.f32 v14, v61;
	v14 =	vld.idx.msk [tilespmem:v24+s3+$0x0], $0xffff;
	v26 =	vadd.s32 s20, v26  }
0xf2: {  	v20 =	vor.u32 v25, v34;
	v24 =	vor.u32 v25, v33;
	v25 =	vand.u32 $0x7F, v26;
	v26 =	vld [tilespmem:$0x1FF40];
	_ =	sdelay $0x3  }
0xf3: {  	v37 =	vld.idx.msk [tilespmem:v23+s9+$0x0], $0xffff  }
0xf4: {  	v38 =	vld.idx.msk [tilespmem:v21+s3+$0x0], $0xffff;
	v26 =	vadd.s32 s20, v26  }
0xf5: {  	v23 =	vor.u32 v25, v34;
	v21 =	vor.u32 v25, v33;
	v25 =	vand.u32 $0x7F, v26;
	v26 =	vld [tilespmem:$0x1FF50];
	_ =	sdelay $0x3  }
0xf6: {  	v8 =	vmul.f32 v62, v16;
	v16 =	vld.idx.msk [tilespmem:v22+s9+$0x0], $0xffff  }
0xf7: {  	v3 =	vadd.f32 v10, v3;
	v10 =	vmul.f32 v17, v63;
	v17 =	vld.idx.msk [tilespmem:v20+s3+$0x0], $0xffff;
	v26 =	vadd.s32 s20, v26  }
0xf8: {  	v22 =	vor.u32 v25, v34;
	v20 =	vor.u32 v25, v33;
	v25 =	vand.u32 $0x7F, v26;
	v26 =	vld [tilespmem:$0x1FF60];
	_ =	sdelay $0x3  }
0xf9: {  	v39 =	vld.idx.msk [tilespmem:v24+s9+$0x0], $0xffff  }
0xfa: {  	v40 =	vld.idx.msk [tilespmem:v23+s3+$0x0], $0xffff;
	v26 =	vadd.s32 s20, v26  }
0xfb: {  	v24 =	vor.u32 v25, v34;
	v23 =	vor.u32 v25, v33;
	v25 =	vand.u32 $0x7F, v26;
	v26 =	vld [tilespmem:$0x1FF70];
	_ =	sdelay $0x3  }
0xfc: {  	v2 =	vadd.f32 v9, v2;
	v9 =	vmul.f32 v32, v18;
	v18 =	vld.idx.msk [tilespmem:v21+s9+$0x0], $0xffff  }
0xfd: {  	v1 =	vadd.f32 v11, v1;
	v11 =	vmul.f32 v15, v35;
	v15 =	vld.idx.msk [tilespmem:v22+s3+$0x0], $0xffff;
	v26 =	vadd.s32 s20, v26  }
0xfe: {  	v21 =	vor.u32 v25, v34;
	v22 =	vor.u32 v25, v33;
	v25 =	vand.u32 $0x7F, v26;
	v26 =	vld [tilespmem:$0x1FF80];
	_ =	sdelay $0x3  }
0xff: {  	v3 =	vadd.f32 v7, v3;
	v41 =	vld.idx.msk [tilespmem:v20+s9+$0x0], $0xffff  }
0x100: {  	v5 =	vadd.f32 v8, v5;
	v13 =	vmul.f32 v13, v19;
	v42 =	vld.idx.msk [tilespmem:v24+s3+$0x0], $0xffff;
	v26 =	vadd.s32 s20, v26  }
0x101: {  	v20 =	vor.u32 v25, v34;
	v24 =	vor.u32 v25, v33;
	v25 =	vand.u32 $0x7F, v26;
	v26 =	vld [tilespmem:$0x1FF90]  }
0x102: {  	v49 =	vld [tilespmem:$0x1FFB0]  }
0x103: {  	v3 =	vadd.f32 v10, v3;
	v5 =	vadd.f32 v13, v5;
	v7 =	vmul.f32 v12, v36;
	v13 =	vld.idx.msk [tilespmem:v22+s9+$0x0], $0xffff  }
0x104: {  	v22 =	vld [tilespmem:$0x1FFA0]  }
0x105: {  	v2 =	vadd.f32 v4, v2;
	v3 =	vadd.f32 v7, v3  }
0x106: {  	v4 =	vmul.f32 v37, v14;
	v10 =	vmul.f32 v18, v40;
	v19 =	vld.idx.msk [tilespmem:v23+s9+$0x0], $0xffff;
	v26 =	vadd.s32 s20, v26  }
0x107: {  	v12 =	vld.idx.msk [tilespmem:v21+s3+$0x0], $0xffff;
	v23 =	vor.u32 v25, v34;
	v21 =	vor.u32 v25, v33;
	v25 =	vand.u32 $0x7F, v26  }
0x108: {  	v3 =	vadd.f32 v10, v3;
	v10 =	vadd.s32 s20, v49;
	v14 =	vor.u32 v25, v34  }
0x109: {  	v10 =	vand.u32 $0x7F, v10;
	v22 =	vadd.s32 s20, v22  }
0x10a: {  	v44 =	vmul.f32 v16, v38;
	v52 =	vor.u32 v10, v34;
	v16 =	vand.u32 $0x7F, v22  }
0x10b: {  	v46 =	vmul.f32 v41, v15;
	v15 =	vor.u32 v16, v33  }
0x10c: {  	v10 =	vor.u32 v10, v33;
	v12 =	vmul.f32 v13, v12;
	v13 =	vld [tilespmem:$0x1FFC0]  }
0x10d: {  	v48 =	vld.idx.msk [tilespmem:v14+s3+$0x0], $0xffff  }
0x10e: {  	v8 =	vmul.f32 v39, v17;
	v14 =	vld [tilespmem:$0x1FFD0]  }
0x10f: {  	v1 =	vadd.f32 v6, v1;
	v2 =	vadd.f32 v9, v2;
	v7 =	vld.idx.msk [tilespmem:v52+s3+$0x0], $0xffff  }
0x110: {  	v5 =	vadd.f32 v8, v5;
	v18 =	vor.u32 v16, v34;
	v54 =	vld.idx.msk [tilespmem:v15+s9+$0x0], $0xffff;
	v15 =	vor.u32 $0x40, v0  }
0x111: {  	v1 =	vadd.f32 v11, v1;
	v57 =	vld.idx.msk [tilespmem:v10+s9+$0x0], $0xffff;
	v13 =	vadd.s32 s20, v13;
	v15 =	vadd.s32 s20, v15  }
0x112: {  	v43 =	vld.idx.msk [tilespmem:v20+s3+$0x0], $0xffff;
	v5 =	vadd.f32 v12, v5;
	v12 =	vand.u32 $0x7F, v13;
	v15 =	vand.u32 $0x7F, v15  }
0x113: {  	v45 =	vld.idx.msk [tilespmem:v24+s9+$0x0], $0xffff;
	v63 =	vor.u32 v15, v34;
	v15 =	vor.u32 v15, v33;
	v14 =	vadd.s32 s20, v14  }
0x114: {  	v13 =	vor.u32 v12, v34;
	v55 =	vor.u32 v12, v33;
	v12 =	vand.u32 $0x7F, v14;
	v14 =	vld [tilespmem:$0x1FFE0]  }
0x115: {  	v2 =	vadd.f32 v4, v2;
	v53 =	vld.idx.msk [tilespmem:v18+s3+$0x0], $0xffff;
	v18 =	vadd.s32 $0x43, v0  }
0x116: {  	v1 =	vadd.f32 v44, v1;
	v17 =	vld.idx.msk [tilespmem:v23+s3+$0x0], $0xffff;
	v18 =	vadd.s32 s20, v18  }
0x117: {  	v2 =	vadd.f32 v46, v2;
	v47 =	vld.idx.msk [tilespmem:v21+s9+$0x0], $0xffff;
	v20 =	vor.u32 v25, v33;
	v18 =	vand.u32 $0x7F, v18  }
0x118: {  	v50 =	vmul.f32 v19, v42;
	v35 =	vld.idx.msk [tilespmem:v15+s9+$0x0], $0xffff;
	v15 =	vor.u32 v18, v34;
	v18 =	vor.u32 v18, v33  }
0x119: {  	v19 =	vadd.s32 $0x44, v0;
	v21 =	vadd.s32 $0x46, v0;
	v13 =	vld.idx.msk [tilespmem:v13+s3+$0x0], $0xffff;
	v14 =	vadd.s32 s20, v14  }
0x11a: {  	v56 =	vor.u32 v12, v34;
	v58 =	vor.u32 v12, v33;
	v12 =	vand.u32 $0x7F, v14;
	v14 =	vld [tilespmem:$0x1FFF0]  }
0x11b: {  	v21 =	vadd.s32 s20, v21;
	v60 =	vld.idx.msk [tilespmem:v55+s9+$0x0], $0xffff;
	v59 =	vor.u32 v12, v34;
	v12 =	vor.u32 v12, v33  }
0x11c: {  	v24 =	vadd.s32 $0x49, v0;
	v16 =	vadd.s32 $0x41, v0;
	v21 =	vand.u32 $0x7F, v21;
	v51 =	vld.idx.msk [tilespmem:v20+s9+$0x0], $0xffff  }
0x11d: {  	v24 =	vadd.s32 s20, v24;
	v38 =	vld.idx.msk [tilespmem:v18+s9+$0x0], $0xffff;
	v18 =	vor.u32 v21, v34;
	v21 =	vor.u32 v21, v33  }
0x11e: {  	v19 =	vadd.s32 s20, v19;
	v16 =	vadd.s32 s20, v16;
	v24 =	vand.u32 $0x7F, v24;
	v10 =	vld.idx.msk [tilespmem:v63+s3+$0x0], $0xffff  }
0x11f: {  	v16 =	vand.u32 $0x7F, v16;
	v9 =	vmul.f32 v47, v17;
	v15 =	vld.idx.msk [tilespmem:v15+s3+$0x0], $0xffff;
	v14 =	vadd.s32 s20, v14  }
0x120: {  	v14 =	vand.u32 $0x7F, v14;
	v32 =	vld.idx.msk [tilespmem:v12+s9+$0x0], $0xffff;
	v12 =	vor.u32 v16, v34;
	v16 =	vor.u32 v16, v33  }
0x121: {  	v2 =	vadd.f32 v9, v2;
	v9 =	vld.idx.msk [tilespmem:v56+s3+$0x0], $0xffff;
	v61 =	vor.u32 v14, v34;
	v14 =	vor.u32 v14, v33  }
0x122: {  	v6 =	vmul.f32 v45, v43;
	v4 =	vmul.f32 v54, v53;
	v40 =	vld.idx.msk [tilespmem:v21+s9+$0x0], $0xffff;
	v21 =	vor.u32 v24, v34  }
0x123: {  	v7 =	vmul.f32 v57, v7;
	v19 =	vand.u32 $0x7F, v19;
	v17 =	vadd.s32 $0x42, v0;
	v62 =	vld.idx.msk [tilespmem:v58+s9+$0x0], $0xffff  }
0x124: {  	v3 =	vadd.f32 v6, v3;
	v17 =	vadd.s32 s20, v17;
	v4 =	vadd.f32 v4, v5;
	v18 =	vld.idx.msk [tilespmem:v18+s3+$0x0], $0xffff  }
0x125: {  	v17 =	vand.u32 $0x7F, v17;
	v36 =	vld.idx.msk [tilespmem:v16+s9+$0x0], $0xffff;
	v16 =	vor.u32 v19, v34;
	v19 =	vor.u32 v19, v33  }
0x126: {  	v5 =	vmul.f32 v60, v13;
	v13 =	vld.idx.msk [tilespmem:v14+s9+$0x0], $0xffff;
	v14 =	vor.u32 v17, v34;
	v17 =	vor.u32 v17, v33  }
0x127: {  	v22 =	vadd.s32 $0x47, v0;
	v3 =	vadd.f32 v7, v3;
	v7 =	vmul.f32 v38, v15;
	v15 =	vld.idx.msk [tilespmem:v21+s3+$0x0], $0xffff  }
0x128: {  	v1 =	vadd.f32 v50, v1;
	v22 =	vadd.s32 s20, v22;
	v20 =	vadd.s32 $0x45, v0;
	v6 =	vld.idx.msk [tilespmem:v59+s3+$0x0], $0xffff  }
0x129: {  	v22 =	vand.u32 $0x7F, v22;
	v23 =	vadd.s32 $0x48, v0;
	v20 =	vadd.s32 s20, v20;
	v11 =	vld.idx.msk [tilespmem:v61+s3+$0x0], $0xffff  }
0x12a: {  	v23 =	vadd.s32 s20, v23;
	v20 =	vand.u32 $0x7F, v20;
	v39 =	vld.idx.msk [tilespmem:v19+s9+$0x0], $0xffff;
	v19 =	vor.u32 v22, v34  }
0x12b: {  	v25 =	vadd.s32 $0x4A, v0;
	v8 =	vmul.f32 v51, v48;
	v37 =	vld.idx.msk [tilespmem:v17+s9+$0x0], $0xffff;
	v17 =	vor.u32 v20, v34  }
0x12c: {  	v2 =	vadd.f32 v5, v2;
	v5 =	vmul.f32 v35, v10;
	v12 =	vld.idx.msk [tilespmem:v12+s3+$0x0], $0xffff;
	v20 =	vor.u32 v20, v33  }
0x12d: {  	v23 =	vand.u32 $0x7F, v23;
	v25 =	vadd.s32 s20, v25;
	v1 =	vadd.f32 v8, v1;
	v16 =	vld.idx.msk [tilespmem:v16+s3+$0x0], $0xffff  }
0x12e: {  	v2 =	vadd.f32 v5, v2;
	v8 =	vmul.f32 v62, v9;
	v21 =	vadd.s32 $0x58, v0;
	v14 =	vld.idx.msk [tilespmem:v14+s3+$0x0], $0xffff  }
0x12f: {  	v21 =	vadd.s32 s20, v21;
	v6 =	vmul.f32 v32, v6;
	v22 =	vor.u32 v22, v33;
	v41 =	vld.idx.msk [tilespmem:v19+s3+$0x0], $0xffff  }
0x130: {  	v1 =	vadd.f32 v8, v1;
	v21 =	vand.u32 $0x7F, v21;
	v11 =	vmul.f32 v13, v11;
	v17 =	vld.idx.msk [tilespmem:v17+s3+$0x0], $0xffff  }
0x131: {  	v4 =	vadd.f32 v6, v4;
	v9 =	vmul.f32 v36, v12;
	v19 =	vor.u32 v24, v33;
	v13 =	vld.idx.msk [tilespmem:v20+s9+$0x0], $0xffff  }
0x132: {  	v3 =	vadd.f32 v11, v3;
	v11 =	vmul.f32 v40, v18;
	v18 =	vadd.s32 $0x55, v0  }
0x133: {  	v1 =	vadd.f32 v9, v1;
	v18 =	vadd.s32 s20, v18;
	v20 =	vor.u32 v23, v34  }
0x134: {  	v24 =	vand.u32 $0x7F, v25;
	v12 =	vld.idx.msk [tilespmem:v22+s9+$0x0], $0xffff;
	v25 =	vadd.s32 $0x4B, v0;
	v6 =	vmul.f32 v39, v16  }
0x135: {  	v3 =	vadd.f32 v7, v3;
	v18 =	vand.u32 $0x7F, v18;
	v8 =	vmul.f32 v37, v14  }
0x136: {  	v23 =	vor.u32 v23, v33;
	v13 =	vmul.f32 v13, v17;
	v17 =	vld.idx.msk [tilespmem:v19+s9+$0x0], $0xffff;
	v19 =	vadd.s32 $0x4C, v0  }
0x137: {  	v22 =	vor.u32 v24, v34;
	v4 =	vadd.f32 v8, v4;
	v45 =	vadd.s32 s20, v19  }
0x138: {  	v42 =	vld.idx.msk [tilespmem:v20+s3+$0x0], $0xffff;
	v20 =	vor.u32 v24, v33;
	v24 =	vadd.s32 s20, v25;
	v8 =	vand.u32 $0x7F, v45  }
0x139: {  	v10 =	vmul.f32 v12, v41;
	v14 =	vand.u32 $0x7F, v24;
	v12 =	vor.u32 v8, v34  }
0x13a: {  	v2 =	vadd.f32 v6, v2;
	v16 =	vor.u32 v14, v34;
	v14 =	vor.u32 v14, v33  }
0x13b: {  	v4 =	vadd.f32 v11, v4;
	v1 =	vadd.f32 v13, v1;
	v13 =	vadd.s32 $0x4D, v0  }
0x13c: {  	v44 =	vld.idx.msk [tilespmem:v22+s3+$0x0], $0xffff;
	v22 =	vadd.s32 $0x59, v0;
	v8 =	vor.u32 v8, v33;
	v49 =	vadd.s32 s20, v13  }
0x13d: {  	v43 =	vld.idx.msk [tilespmem:v23+s9+$0x0], $0xffff;
	v23 =	vadd.s32 $0x5A, v0;
	v13 =	vadd.s32 $0x4E, v0;
	v11 =	vand.u32 $0x7F, v49  }
0x13e: {  	v3 =	vadd.f32 v10, v3;
	v51 =	vor.u32 v11, v34;
	v52 =	vld.idx.msk [tilespmem:v12+s3+$0x0], $0xffff;
	v12 =	vadd.s32 s20, v13  }
0x13f: {  	v11 =	vor.u32 v11, v33;
	v48 =	vld.idx.msk [tilespmem:v14+s9+$0x0], $0xffff;
	v14 =	vadd.s32 $0x51, v0;
	v54 =	vand.u32 $0x7F, v12  }
0x140: {  	v19 =	vadd.s32 $0x56, v0;
	v46 =	vld.idx.msk [tilespmem:v20+s9+$0x0], $0xffff;
	v14 =	vadd.s32 s20, v14;
	v55 =	vor.u32 v54, v34  }
0x141: {  	v53 =	vld.idx.msk [tilespmem:v8+s9+$0x0], $0xffff;
	v13 =	vor.u32 $0x50, v0;
	v14 =	vand.u32 $0x7F, v14;
	v8 =	vor.u32 v54, v33  }
0x142: {  	v50 =	vmul.f32 v17, v15;
	v47 =	vld.idx.msk [tilespmem:v16+s3+$0x0], $0xffff;
	v13 =	vadd.s32 s20, v13;
	v59 =	vor.u32 v14, v34  }
0x143: {  	v12 =	vadd.s32 $0x4F, v0;
	v7 =	vld.idx.msk [tilespmem:v51+s3+$0x0], $0xffff;
	v13 =	vand.u32 $0x7F, v13;
	v14 =	vor.u32 v14, v33  }
0x144: {  	v17 =	vadd.s32 $0x54, v0;
	v12 =	vadd.s32 s20, v12;
	v11 =	vld.idx.msk [tilespmem:v11+s9+$0x0], $0xffff;
	v57 =	vor.u32 v13, v34  }
0x145: {  	v17 =	vadd.s32 s20, v17;
	v12 =	vand.u32 $0x7F, v12;
	v13 =	vor.u32 v13, v33;
	v10 =	vld.idx.msk [tilespmem:v55+s3+$0x0], $0xffff  }
0x146: {  	v16 =	vadd.s32 $0x53, v0;
	v17 =	vand.u32 $0x7F, v17;
	v56 =	vor.u32 v12, v34;
	v58 =	vld.idx.msk [tilespmem:v8+s9+$0x0], $0xffff  }
0x147: {  	v16 =	vadd.s32 s20, v16;
	v6 =	vmul.f32 v46, v44;
	v12 =	vor.u32 v12, v33;
	v8 =	vld.idx.msk [tilespmem:v59+s3+$0x0], $0xffff  }
0x148: {  	v15 =	vadd.s32 $0x52, v0;
	v16 =	vand.u32 $0x7F, v16;
	v62 =	vld.idx.msk [tilespmem:v14+s9+$0x0], $0xffff;
	v14 =	vor.u32 v17, v34  }
0x149: {  	v4 =	vadd.f32 v6, v4;
	v9 =	vmul.f32 v48, v47;
	v17 =	vor.u32 v17, v33;
	v6 =	vld.idx.msk [tilespmem:v57+s3+$0x0], $0xffff  }
0x14a: {  	v15 =	vadd.s32 s20, v15;
	v61 =	vld.idx.msk [tilespmem:v13+s9+$0x0], $0xffff;
	v13 =	vor.u32 v16, v34;
	v16 =	vor.u32 v16, v33  }
0x14b: {  	v20 =	vadd.s32 $0x57, v0;
	v15 =	vand.u32 $0x7F, v15;
	v3 =	vadd.f32 v9, v3;
	v9 =	vld.idx.msk [tilespmem:v56+s3+$0x0], $0xffff  }
0x14c: {  	v20 =	vadd.s32 s20, v20;
	v60 =	vld.idx.msk [tilespmem:v12+s9+$0x0], $0xffff;
	v12 =	vor.u32 v15, v34;
	v15 =	vor.u32 v15, v33  }
0x14d: {  	v25 =	vadd.s32 $0x5C, v0;
	v19 =	vadd.s32 s20, v19;
	v20 =	vand.u32 $0x7F, v20;
	v14 =	vld.idx.msk [tilespmem:v14+s3+$0x0], $0xffff  }
0x14e: {  	v22 =	vadd.s32 s20, v22;
	v19 =	vand.u32 $0x7F, v19;
	v35 =	vld.idx.msk [tilespmem:v17+s9+$0x0], $0xffff;
	v17 =	vor.u32 v20, v34  }
0x14f: {  	v23 =	vadd.s32 s20, v23;
	v32 =	vld.idx.msk [tilespmem:v16+s9+$0x0], $0xffff;
	v16 =	vor.u32 v19, v34;
	v19 =	vor.u32 v19, v33  }
0x150: {  	v24 =	vadd.s32 $0x5B, v0;
	v5 =	vmul.f32 v43, v42;
	v20 =	vor.u32 v20, v33;
	v13 =	vld.idx.msk [tilespmem:v13+s3+$0x0], $0xffff  }
0x151: {  	v25 =	vadd.s32 s20, v25;
	v63 =	vld.idx.msk [tilespmem:v15+s9+$0x0], $0xffff;
	v15 =	vor.u32 v18, v34;
	v18 =	vor.u32 v18, v33  }
0x152: {  	v22 =	vand.u32 $0x7F, v22;
	v24 =	vadd.s32 s20, v24;
	v2 =	vadd.f32 v5, v2;
	v12 =	vld.idx.msk [tilespmem:v12+s3+$0x0], $0xffff  }
0x153: {  	v1 =	vadd.f32 v50, v1;
	v5 =	vmul.f32 v53, v52;
	v7 =	vmul.f32 v11, v7;
	v17 =	vld.idx.msk [tilespmem:v17+s3+$0x0], $0xffff  }
0x154: {  	v23 =	vand.u32 $0x7F, v23;
	v24 =	vand.u32 $0x7F, v24;
	v37 =	vld.idx.msk [tilespmem:v19+s9+$0x0], $0xffff;
	v19 =	vor.u32 v22, v34  }
0x155: {  	v2 =	vadd.f32 v5, v2;
	v1 =	vadd.f32 v7, v1;
	v38 =	vld.idx.msk [tilespmem:v20+s9+$0x0], $0xffff;
	v22 =	vor.u32 v22, v33  }
0x156: {  	v5 =	vmul.f32 v58, v10;
	v36 =	vld.idx.msk [tilespmem:v18+s9+$0x0], $0xffff;
	v18 =	vor.u32 v21, v34;
	v21 =	vor.u32 v21, v33  }
0x157: {  	v6 =	vmul.f32 v61, v6;
	v9 =	vmul.f32 v60, v9;
	v20 =	vor.u32 v23, v34;
	v16 =	vld.idx.msk [tilespmem:v16+s3+$0x0], $0xffff  }
0x158: {  	v8 =	vmul.f32 v62, v8;
	v4 =	vadd.f32 v5, v4;
	v23 =	vor.u32 v23, v33;
	v15 =	vld.idx.msk [tilespmem:v15+s3+$0x0], $0xffff  }
0x159: {  	v2 =	vadd.f32 v6, v2;
	v3 =	vadd.f32 v9, v3;
	v5 =	vmul.f32 v63, v12;
	v12 =	vld.idx.msk [tilespmem:v19+s3+$0x0], $0xffff  }
0x15a: {  	v9 =	vmul.f32 v35, v14;
	v11 =	vmul.f32 v32, v13;
	v19 =	vor.u32 v24, v33;
	v13 =	vld.idx.msk [tilespmem:v22+s9+$0x0], $0xffff  }
0x15b: {  	v39 =	vld.idx.msk [tilespmem:v21+s9+$0x0], $0xffff;
	v21 =	vor.u32 v24, v34;
	v24 =	vand.u32 $0x7F, v25;
	v25 =	vadd.s32 $0x5D, v0  }
0x15c: {  	v40 =	vld.idx.msk [tilespmem:v20+s3+$0x0], $0xffff;
	v22 =	vor.u32 v24, v34;
	v20 =	vor.u32 v24, v33;
	v24 =	vadd.s32 s20, v25  }
0x15d: {  	v1 =	vadd.f32 v8, v1;
	v2 =	vadd.f32 v9, v2;
	v41 =	vld.idx.msk [tilespmem:v23+s9+$0x0], $0xffff;
	v14 =	vand.u32 $0x7F, v24  }
0x15e: {  	v6 =	vmul.f32 v37, v16;
	v18 =	vld.idx.msk [tilespmem:v18+s3+$0x0], $0xffff;
	v7 =	vmul.f32 v36, v15;
	v16 =	vor.u32 v14, v34  }
0x15f: {  	v10 =	vmul.f32 v38, v17;
	v14 =	vor.u32 v14, v33;
	v17 =	vld.idx.msk [tilespmem:v19+s9+$0x0], $0xffff;
	v19 =	vadd.s32 $0x5E, v0  }
0x160: {  	v1 =	vadd.f32 v7, v1;
	v45 =	vmul.f32 v13, v12;
	v15 =	vld.idx.msk [tilespmem:v21+s3+$0x0], $0xffff;
	v43 =	vadd.s32 s20, v19  }
0x161: {  	v4 =	vadd.f32 v5, v4;
	v13 =	vadd.s32 $0x5F, v0;
	v42 =	vld.idx.msk [tilespmem:v22+s3+$0x0], $0xffff;
	v9 =	vand.u32 $0x7F, v43  }
0x162: {  	v44 =	vld.idx.msk [tilespmem:v20+s9+$0x0], $0xffff;
	v47 =	vadd.f32 v45, v1;
	v1 =	vadd.s32 s20, v13;
	v12 =	vor.u32 v9, v34  }
0x163: {  	v3 =	vadd.f32 v11, v3;
	v9 =	vor.u32 v9, v33;
	v50 =	vand.u32 $0x7F, v1;
	v46 =	vld.idx.msk [tilespmem:v16+s3+$0x0], $0xffff  }
0x164: {  	v4 =	vadd.f32 v6, v4;
	v5 =	vmul.f32 v41, v40;
	v48 =	vld.idx.msk [tilespmem:v14+s9+$0x0], $0xffff;
	v51 =	vor.u32 v50, v34  }
0x165: {  	v8 =	vmul.f32 v39, v18;
	v52 =	vor.u32 v50, v33  }
0x166: {  	v3 =	vadd.f32 v10, v3;
	v13 =	vadd.f32 v5, v4;
	v49 =	vmul.f32 v17, v15  }
0x167: {  	v2 =	vadd.f32 v8, v2;
	v1 =	vor.u32 $0x60, v0;
	v6 =	vmul.f32 v44, v42;
	v12 =	vld.idx.msk [tilespmem:v12+s3+$0x0], $0xffff  }
0x168: {  	[tilespmem:$0x1FB40] =	vst v1;
	v14 =	vadd.f32 v49, v3;
	v3 =	vadd.s32 s20, v1;
	v53 =	vld.idx.msk [tilespmem:v9+s9+$0x0], $0xffff;
	v1 =	vadd.s32 $0x61, v0  }
0x169: {  	v15 =	vadd.f32 v6, v2;
	v3 =	vand.u32 $0x7F, v3;
	v54 =	vmul.f32 v48, v46;
	v7 =	vld.idx.msk [tilespmem:v51+s3+$0x0], $0xffff  }
0x16a: {  	[tilespmem:$0x1FB50] =	vst v1;
	v56 =	vadd.s32 s20, v1;
	v1 =	vadd.s32 $0x62, v0;
	v17 =	vld.idx.msk [tilespmem:v52+s9+$0x0], $0xffff;
	v55 =	vor.u32 v3, v34  }
0x16b: {  	v57 =	vor.u32 v3, v33;
	v10 =	vand.u32 $0x7F, v56;
	v59 =	vadd.s32 s20, v1  }
0x16c: {  	[tilespmem:$0x1FB60] =	vst v1;
	v1 =	vadd.s32 $0x63, v0;
	v16 =	vadd.f32 v54, v47;
	v58 =	vor.u32 v10, v34  }
0x16d: {  	v10 =	vor.u32 v10, v33;
	v8 =	vand.u32 $0x7F, v59;
	v60 =	vadd.s32 s20, v1  }
0x16e: {  	[tilespmem:$0x1FB70] =	vst v1;
	v1 =	vadd.s32 $0x64, v0;
	v18 =	vor.u32 v8, v34;
	v12 =	vmul.f32 v53, v12  }
0x16f: {  	v8 =	vor.u32 v8, v33;
	v19 =	vand.u32 $0x7F, v60;
	v17 =	vmul.f32 v17, v7;
	v9 =	vld.idx.msk [tilespmem:v55+s3+$0x0], $0xffff  }
0x170: {  	v20 =	vadd.f32 v12, v13;
	v11 =	vld.idx.msk [tilespmem:v57+s9+$0x0], $0xffff;
	v12 =	vor.u32 v19, v34;
	v13 =	vadd.s32 s20, v1  }
0x171: {  	[tilespmem:$0x1FB80] =	vst v1;
	v19 =	vor.u32 v19, v33;
	v1 =	vadd.s32 $0x65, v0;
	v21 =	vld.idx.msk [tilespmem:v58+s3+$0x0], $0xffff;
	v13 =	vand.u32 $0x7F, v13  }
0x172: {  	v22 =	vld.idx.msk [tilespmem:v10+s9+$0x0], $0xffff;
	[tilespmem:$0x1FB90] =	vst v1;
	v62 =	vadd.s32 s20, v1;
	v1 =	vadd.s32 $0x66, v0;
	v61 =	vor.u32 v13, v34  }
0x173: {  	v17 =	vadd.f32 v17, v14;
	v18 =	vld.idx.msk [tilespmem:v18+s3+$0x0], $0xffff;
	v13 =	vor.u32 v13, v33;
	v23 =	vand.u32 $0x7F, v62  }
0x174: {  	v14 =	vld.idx.msk [tilespmem:v8+s9+$0x0], $0xffff;
	[tilespmem:$0x1FBA0] =	vst v1;
	v63 =	vadd.s32 s20, v1;
	v1 =	vadd.s32 $0x67, v0;
	v24 =	vor.u32 v23, v34  }
0x175: {  	v4 =	vadd.s32 s20, v1;
	v25 =	vld.idx.msk [tilespmem:v12+s3+$0x0], $0xffff;
	v12 =	vor.u32 v23, v33;
	v23 =	vand.u32 $0x7F, v63  }
0x176: {  	[tilespmem:$0x1FBB0] =	vst v1;
	v1 =	vadd.s32 $0x68, v0;
	v5 =	vand.u32 $0x7F, v4;
	v19 =	vld.idx.msk [tilespmem:v19+s9+$0x0], $0xffff;
	v26 =	vor.u32 v23, v34  }
0x177: {  	v6 =	vadd.s32 s20, v1;
	v11 =	vmul.f32 v11, v9;
	v23 =	vor.u32 v23, v33;
	v27 =	vld.idx.msk [tilespmem:v61+s3+$0x0], $0xffff  }
0x178: {  	[tilespmem:$0x1FBC0] =	vst v1;
	v1 =	vadd.s32 $0x69, v0;
	v21 =	vmul.f32 v22, v21;
	v29 =	vld.idx.msk [tilespmem:v13+s9+$0x0], $0xffff;
	v13 =	vor.u32 v5, v34  }
0x179: {  	v28 =	vadd.f32 v11, v15;
	v15 =	vor.u32 v5, v33;
	v11 =	vand.u32 $0x7F, v6;
	v24 =	vld.idx.msk [tilespmem:v24+s3+$0x0], $0xffff  }
0x17a: {  	v14 =	vmul.f32 v14, v18;
	v30 =	vor.u32 v11, v34;
	v22 =	vld.idx.msk [tilespmem:v12+s9+$0x0], $0xffff;
	v12 =	vadd.s32 s20, v1  }
0x17b: {  	[tilespmem:$0x1FBD0] =	vst v1;
	v31 =	vor.u32 v11, v33;
	v1 =	vadd.s32 $0x6A, v0;
	v26 =	vld.idx.msk [tilespmem:v26+s3+$0x0], $0xffff;
	v12 =	vand.u32 $0x7F, v12  }
0x17c: {  	v21 =	vadd.f32 v21, v16;
	v23 =	vld.idx.msk [tilespmem:v23+s9+$0x0], $0xffff;
	v32 =	vadd.s32 s20, v1;
	v16 =	vor.u32 v12, v34  }
0x17d: {  	[tilespmem:$0x1FBE0] =	vst v1;
	v1 =	vadd.s32 $0x6B, v0;
	v35 =	vld.idx.msk [tilespmem:v13+s3+$0x0], $0xffff;
	v36 =	vor.u32 v12, v33;
	v13 =	vand.u32 $0x7F, v32  }
0x17e: {  	v38 =	vadd.f32 v14, v20;
	v7 =	vld.idx.msk [tilespmem:v15+s9+$0x0], $0xffff;
	v18 =	vadd.s32 s20, v1;
	v15 =	vor.u32 v13, v34  }
0x17f: {  	[tilespmem:$0x1FBF0] =	vst v1;
	v1 =	vadd.s32 $0x6C, v0;
	v30 =	vld.idx.msk [tilespmem:v30+s3+$0x0], $0xffff;
	v37 =	vor.u32 v13, v33;
	v18 =	vand.u32 $0x7F, v18  }
0x180: {  	v19 =	vmul.f32 v19, v25;
	v31 =	vld.idx.msk [tilespmem:v31+s9+$0x0], $0xffff;
	v14 =	vadd.s32 s20, v1;
	v20 =	vor.u32 v18, v34  }
0x181: {  	v18 =	vor.u32 v18, v33;
	v39 =	vld.idx.msk [tilespmem:v16+s3+$0x0], $0xffff;
	v16 =	vand.u32 $0x7F, v14;
	v14 =	vadd.s32 $0x6D, v0  }
0x182: {  	v8 =	vadd.f32 v19, v17;
	v36 =	vld.idx.msk [tilespmem:v36+s9+$0x0], $0xffff;
	v25 =	vor.u32 v16, v34;
	v40 =	vadd.s32 s20, v14  }
0x183: {  	v41 =	vld.idx.msk [tilespmem:v15+s3+$0x0], $0xffff;
	v42 =	vor.u32 v16, v33;
	v15 =	vadd.s32 $0x6E, v0;
	v16 =	vand.u32 $0x7F, v40  }
0x184: {  	v27 =	vmul.f32 v29, v27;
	v37 =	vld.idx.msk [tilespmem:v37+s9+$0x0], $0xffff;
	v17 =	vadd.s32 s20, v15;
	v19 =	vor.u32 v16, v34  }
0x185: {  	v43 =	vld.idx.msk [tilespmem:v20+s3+$0x0], $0xffff;
	v20 =	vor.u32 v16, v33;
	v17 =	vand.u32 $0x7F, v17;
	v16 =	vadd.s32 $0x6F, v0  }
0x186: {  	v27 =	vadd.f32 v27, v28;
	v44 =	vld.idx.msk [tilespmem:v18+s9+$0x0], $0xffff;
	v29 =	vor.u32 v17, v34;
	v18 =	vadd.s32 s20, v16  }
0x187: {  	v18 =	vand.u32 $0x7F, v18;
	v45 =	vld.idx.msk [tilespmem:v25+s3+$0x0], $0xffff;
	v25 =	vor.u32 v17, v33;
	v17 =	vor.u32 $0x70, v0  }
0x188: {  	v22 =	vmul.f32 v22, v24;
	v42 =	vld.idx.msk [tilespmem:v42+s9+$0x0], $0xffff;
	v28 =	vor.u32 v18, v34;
	v46 =	vadd.s32 s20, v17  }
0x189: {  	v48 =	vor.u32 v18, v33;
	v18 =	vadd.s32 $0x71, v0;
	v47 =	vld.idx.msk [tilespmem:v19+s3+$0x0], $0xffff;
	v19 =	vand.u32 $0x7F, v46  }
0x18a: {  	v23 =	vmul.f32 v23, v26;
	v46 =	vld.idx.msk [tilespmem:v20+s9+$0x0], $0xffff;
	v20 =	vadd.s32 s20, v18;
	v24 =	vor.u32 v19, v34  }
0x18b: {  	v49 =	vld.idx.msk [tilespmem:v29+s3+$0x0], $0xffff;
	v29 =	vor.u32 v19, v33;
	v20 =	vand.u32 $0x7F, v20;
	v19 =	vadd.s32 $0x72, v0  }
0x18c: {  	v50 =	vadd.f32 v22, v21;
	v22 =	vor.u32 v20, v34;
	v21 =	vadd.s32 s20, v19;
	v51 =	vld.idx.msk [tilespmem:v25+s9+$0x0], $0xffff  }
0x18d: {  	v52 =	vld.idx.msk [tilespmem:v28+s3+$0x0], $0xffff;
	v25 =	vor.u32 v20, v33;
	v21 =	vand.u32 $0x7F, v21;
	v20 =	vadd.s32 $0x73, v0  }
0x18e: {  	v32 =	vmul.f32 v7, v35;
	v48 =	vld.idx.msk [tilespmem:v48+s9+$0x0], $0xffff;
	v26 =	vor.u32 v21, v34;
	v28 =	vadd.s32 s20, v20  }
0x18f: {  	v28 =	vand.u32 $0x7F, v28;
	v53 =	vld.idx.msk [tilespmem:v24+s3+$0x0], $0xffff;
	v24 =	vor.u32 v21, v33;
	v21 =	vadd.s32 $0x74, v0  }
0x190: {  	v38 =	vadd.f32 v23, v38;
	v54 =	vld.idx.msk [tilespmem:v29+s9+$0x0], $0xffff;
	v29 =	vor.u32 v28, v34;
	v23 =	vadd.s32 s20, v21  }
0x191: {  	v28 =	vor.u32 v28, v33;
	v55 =	vld.idx.msk [tilespmem:v22+s3+$0x0], $0xffff;
	v22 =	vadd.s32 $0x75, v0;
	v23 =	vand.u32 $0x7F, v23  }
0x192: {  	v30 =	vmul.f32 v31, v30;
	v35 =	vld.idx.msk [tilespmem:v25+s9+$0x0], $0xffff;
	v56 =	vadd.s32 s20, v22;
	v25 =	vor.u32 v23, v34  }
0x193: {  	v57 =	vld.idx.msk [tilespmem:v26+s3+$0x0], $0xffff;
	v26 =	vor.u32 v23, v33;
	v56 =	vand.u32 $0x7F, v56;
	v23 =	vadd.s32 $0x76, v0  }
0x194: {  	v32 =	vadd.f32 v32, v8;
	v58 =	vor.u32 v56, v34;
	v40 =	vld.idx.msk [tilespmem:v24+s9+$0x0], $0xffff;
	v24 =	vadd.s32 s20, v23  }
0x195: {  	v59 =	vld.idx.msk [tilespmem:v29+s3+$0x0], $0xffff;
	v29 =	vor.u32 v56, v33;
	v9 =	vand.u32 $0x7F, v24;
	v24 =	vadd.s32 $0x77, v0  }
0x196: {  	v62 =	vadd.f32 v30, v27;
	v60 =	vld.idx.msk [tilespmem:v28+s9+$0x0], $0xffff;
	v28 =	vor.u32 v9, v34;
	v31 =	vadd.s32 s20, v24  }
0x197: {  	v56 =	vor.u32 v9, v33;
	v61 =	vld.idx.msk [tilespmem:v25+s3+$0x0], $0xffff;
	v31 =	vand.u32 $0x7F, v31;
	v25 =	vadd.s32 $0x78, v0  }
0x198: {  	v36 =	vmul.f32 v36, v39;
	v63 =	vld.idx.msk [tilespmem:v26+s9+$0x0], $0xffff;
	v30 =	vor.u32 v31, v34;
	v26 =	vadd.s32 s20, v25  }
0x199: {  	v58 =	vld.idx.msk [tilespmem:v58+s3+$0x0], $0xffff;
	v31 =	vor.u32 v31, v33;
	v27 =	vand.u32 $0x7F, v26;
	v26 =	vadd.s32 $0x79, v0  }
0x19a: {  	[tilespmem:$0x1FC00] =	vst v1;
	v37 =	vmul.f32 v37, v41;
	v39 =	vld.idx.msk [tilespmem:v29+s9+$0x0], $0xffff;
	v29 =	vor.u32 v27, v34;
	v1 =	vadd.s32 s20, v26  }
0x19b: {  	v3 =	vor.u32 v27, v33;
	v27 =	vadd.s32 $0x7A, v0;
	v2 =	vld.idx.msk [tilespmem:v28+s3+$0x0], $0xffff;
	v1 =	vand.u32 $0x7F, v1  }
0x19c: {  	v36 =	vadd.f32 v36, v50;
	v50 =	vld.idx.msk [tilespmem:v56+s9+$0x0], $0xffff;
	v28 =	vadd.s32 s20, v27;
	v10 =	vor.u32 v1, v34  }
0x19d: {  	v1 =	vor.u32 v1, v33;
	v4 =	vld.idx.msk [tilespmem:v30+s3+$0x0], $0xffff;
	v30 =	vand.u32 $0x7F, v28;
	v28 =	vadd.s32 $0x7B, v0  }
0x19e: {  	v43 =	vmul.f32 v44, v43;
	v41 =	vld.idx.msk [tilespmem:v31+s9+$0x0], $0xffff;
	v31 =	vor.u32 v30, v34;
	v11 =	vadd.s32 s20, v28  }
0x19f: {  	v7 =	vor.u32 v30, v33;
	v6 =	vld.idx.msk [tilespmem:v29+s3+$0x0], $0xffff;
	v5 =	vand.u32 $0x7F, v11;
	v29 =	vadd.s32 $0x7C, v0  }
0x1a0: {  	v37 =	vadd.f32 v37, v38;
	v3 =	vld.idx.msk [tilespmem:v3+s9+$0x0], $0xffff;
	v38 =	vor.u32 v5, v34;
	v30 =	vadd.s32 s20, v29  }
0x1a1: {  	v5 =	vor.u32 v5, v33;
	v56 =	vld.idx.msk [tilespmem:v10+s3+$0x0], $0xffff;
	v8 =	vand.u32 $0x7F, v30;
	v30 =	vadd.s32 $0x7D, v0  }
0x1a2: {  	v43 =	vadd.f32 v43, v32;
	v1 =	vld.idx.msk [tilespmem:v1+s9+$0x0], $0xffff;
	v44 =	vor.u32 v8, v34;
	v9 =	vadd.s32 s20, v30  }
0x1a3: {  	v8 =	vor.u32 v8, v33;
	v10 =	vld.idx.msk [tilespmem:v31+s3+$0x0], $0xffff;
	v9 =	vand.u32 $0x7F, v9;
	v31 =	vadd.s32 $0x7E, v0  }
0x1a4: {  	v42 =	vmul.f32 v42, v45;
	v7 =	vld.idx.msk [tilespmem:v7+s9+$0x0], $0xffff;
	v11 =	vor.u32 v9, v34;
	v32 =	vadd.s32 s20, v31  }
0x1a5: {  	v9 =	vor.u32 v9, v33;
	v38 =	vld.idx.msk [tilespmem:v38+s3+$0x0], $0xffff;
	v12 =	vand.u32 $0x7F, v32;
	v32 =	vadd.s32 $0x7F, v0  }
0x1a6: {  	v46 =	vmul.f32 v46, v47;
	v5 =	vld.idx.msk [tilespmem:v5+s9+$0x0], $0xffff;
	v45 =	vor.u32 v12, v34;
	v13 =	vadd.s32 s20, v32  }
0x1a7: {  	v42 =	vadd.f32 v42, v62;
	v12 =	vor.u32 v12, v33;
	v44 =	vld.idx.msk [tilespmem:v44+s3+$0x0], $0xffff;
	v13 =	vand.u32 $0x7F, v13  }
0x1a8: {  	v49 =	vmul.f32 v51, v49;
	v51 =	vmul.f32 v48, v52;
	v8 =	vld.idx.msk [tilespmem:v8+s9+$0x0], $0xffff;
	v34 =	vor.u32 v13, v34  }
0x1a9: {  	v36 =	vadd.f32 v46, v36;
	v53 =	vmul.f32 v54, v53;
	v13 =	vor.u32 v13, v33;
	v11 =	vld.idx.msk [tilespmem:v11+s3+$0x0], $0xffff  }
0x1aa: {  	v52 =	vadd.f32 v49, v37;
	v43 =	vadd.f32 v51, v43;
	v35 =	vmul.f32 v35, v55;
	v9 =	vld.idx.msk [tilespmem:v9+s9+$0x0], $0xffff  }
0x1ab: {  	v37 =	vadd.f32 v53, v42;
	v54 =	vmul.f32 v60, v59;
	v55 =	vmul.f32 v63, v61;
	v45 =	vld.idx.msk [tilespmem:v45+s3+$0x0], $0xffff  }
0x1ac: {  	v35 =	vadd.f32 v35, v36;
	v40 =	vmul.f32 v40, v57;
	v12 =	vld.idx.msk [tilespmem:v12+s9+$0x0], $0xffff  }
0x1ad: {  	v57 =	vadd.f32 v54, v43;
	v39 =	vmul.f32 v39, v58;
	v36 =	vadd.f32 v55, v37;
	v34 =	vld.idx.msk [tilespmem:v34+s3+$0x0], $0xffff  }
0x1ae: {  	v2 =	vmul.f32 v50, v2;
	v4 =	vmul.f32 v41, v4;
	v33 =	vadd.f32 v40, v52;
	v13 =	vld.idx.msk [tilespmem:v13+s9+$0x0], $0xffff  }
0x1af: {  	v35 =	vadd.f32 v39, v35;
	v3 =	vmul.f32 v3, v6;
	v1 =	vmul.f32 v1, v56  }
0x1b0: {  	v4 =	vadd.f32 v4, v57;
	v59 =	vmul.f32 v7, v10;
	v2 =	vadd.f32 v2, v33  }
0x1b1: {  	v3 =	vadd.f32 v3, v36;
	v1 =	vadd.f32 v1, v35;
	v5 =	vmul.f32 v5, v38  }
0x1b2: {  	v2 =	vadd.f32 v59, v2;
	v60 =	vmul.f32 v8, v44;
	v61 =	vmul.f32 v9, v11  }
0x1b3: {  	v4 =	vadd.f32 v5, v4;
	v62 =	vmul.f32 v12, v45;
	v63 =	vmul.f32 v13, v34  }
0x1b4: {  	v3 =	vadd.f32 v60, v3;
	v1 =	vadd.f32 v61, v1  }
0x1b5: {  	v2 =	vadd.f32 v62, v2;
	v4 =	vadd.f32 v63, v4  }
0x1b6: {  	p0 =	sne.s32 s20, $0x50  }
.Ltmp0:
0x1b7: {  	v1 =	vadd.f32 v1, v3;
	v2 =	vadd.f32 v4, v2;
	(pc) =	sbr.rel @p0 .LBB2_2-.Ltmp0, $3  }
0x1b8: {  	_ = 	snop  }
0x1b9: {  	v1 =	vadd.f32 v2, v1;
	_ =	sdelay $0x1  }
0x1ba: {  	s18 =	sadd.s32 $0x10, s18;
	s20 =	sadd.s32 $0x10, s20;
	[tilespmem:s19+$0x0] =	vst v1;
	s19 =	sadd.s32 $0x10, s19  }
0x1bb: {  	_ =	swait.ge [sflag:s14], $0x3000  }
0x1bc: {  	s18 =	simm.s32 $0x0;
	[sflag:s14] =	ssyncset.done $0x0  }
0x1bd: {  	s19 =	simm.s32 $0x6260;
	s20 =	simm.s32 $0x6360;
	[sflag:s14] =	ssyncadd.s32 $0xFFFFD000  }
.LBB2_4:
0x1be: {  	v1 =	vld [tilespmem:s19+$0x0]  }
0x1bf: {  	v2 =	vld [tilespmem:$0x1FB40]  }
0x1c0: {  	v5 =	vld [tilespmem:$0x1FB60]  }
0x1c1: {  	v7 =	vld [tilespmem:$0x1FB70]  }
0x1c2: {  	v9 =	vld [tilespmem:$0x1FB80]  }
0x1c3: {  	v11 =	vld [tilespmem:$0x1FB90]  }
0x1c4: {  	v13 =	vld [tilespmem:$0x1FBA0]  }
0x1c5: {  	v35 =	vor.u32 s18, v0;
	v37 =	vld [tilespmem:$0x1FBB0];
	v2 =	vadd.s32 s18, v2  }
0x1c6: {  	v39 =	vld [tilespmem:$0x1FBC0];
	v34 =	vshll.u32 v35, $0x7;
	v2 =	vand.u32 $0x7F, v2  }
0x1c7: {  	v52 =	vld [tilespmem:$0x1FBD0];
	v33 =	vshll.u32 v1, $0x7;
	v5 =	vadd.s32 s18, v5;
	v3 =	vor.u32 v2, v34  }
0x1c8: {  	v41 =	vld [tilespmem:$0x1FBE0];
	v5 =	vand.u32 $0x7F, v5;
	v2 =	vor.u32 v2, v33  }
0x1c9: {  	v57 =	vld [tilespmem:$0x1FBF0];
	v7 =	vadd.s32 s18, v7;
	v6 =	vor.u32 v5, v34  }
0x1ca: {  	v43 =	vld [tilespmem:$0x1FC00];
	v7 =	vand.u32 $0x7F, v7;
	v5 =	vor.u32 v5, v33  }
0x1cb: {  	v1 =	vld [tilespmem:$0x1FB50];
	v9 =	vadd.s32 s18, v9;
	v8 =	vor.u32 v7, v34  }
0x1cc: {  	v9 =	vand.u32 $0x7F, v9;
	v7 =	vor.u32 v7, v33;
	v3 =	vld.idx.msk [tilespmem:v3+s10+$0x0], $0xffff  }
0x1cd: {  	v63 =	vadd.s32 s18, v14;
	v11 =	vadd.s32 s18, v11;
	v10 =	vor.u32 v9, v34;
	v2 =	vld.idx.msk [tilespmem:v2+s9+$0x0], $0xffff  }
0x1ce: {  	v13 =	vadd.s32 s18, v13;
	v11 =	vand.u32 $0x7F, v11;
	v9 =	vor.u32 v9, v33;
	v6 =	vld.idx.msk [tilespmem:v6+s10+$0x0], $0xffff  }
0x1cf: {  	v13 =	vand.u32 $0x7F, v13;
	v12 =	vor.u32 v11, v34;
	v11 =	vor.u32 v11, v33;
	v5 =	vld.idx.msk [tilespmem:v5+s9+$0x0], $0xffff  }
0x1d0: {  	v47 =	vadd.s32 s18, v15;
	v37 =	vadd.s32 s18, v37;
	v36 =	vor.u32 v13, v34;
	v8 =	vld.idx.msk [tilespmem:v8+s10+$0x0], $0xffff  }
0x1d1: {  	v37 =	vand.u32 $0x7F, v37;
	v13 =	vor.u32 v13, v33;
	v1 =	vadd.s32 s18, v1;
	v7 =	vld.idx.msk [tilespmem:v7+s9+$0x0], $0xffff  }
0x1d2: {  	v44 =	vadd.s32 $0x84, v0;
	v38 =	vor.u32 v37, v34;
	v1 =	vand.u32 $0x7F, v1;
	v10 =	vld.idx.msk [tilespmem:v10+s10+$0x0], $0xffff  }
0x1d3: {  	v45 =	vand.u32 $0x7F, v63;
	v44 =	vadd.s32 s18, v44;
	v4 =	vor.u32 v1, v34;
	v9 =	vld.idx.msk [tilespmem:v9+s9+$0x0], $0xffff  }
0x1d4: {  	v46 =	vor.u32 v45, v34;
	v39 =	vadd.s32 s18, v39;
	v1 =	vor.u32 v1, v33;
	v50 =	vld.idx.msk [tilespmem:v11+s9+$0x0], $0xffff  }
0x1d5: {  	v41 =	vadd.s32 s18, v41;
	v49 =	vand.u32 $0x7F, v39;
	v39 =	vadd.s32 s18, v52;
	v36 =	vld.idx.msk [tilespmem:v36+s10+$0x0], $0xffff  }
0x1d6: {  	v43 =	vadd.s32 s18, v43;
	v51 =	vor.u32 v49, v34;
	v39 =	vand.u32 $0x7F, v39;
	v13 =	vld.idx.msk [tilespmem:v13+s9+$0x0], $0xffff  }
0x1d7: {  	v55 =	vand.u32 $0x7F, v41;
	v41 =	vadd.s32 s18, v57;
	v40 =	vor.u32 v39, v34;
	v53 =	vld.idx.msk [tilespmem:v38+s10+$0x0], $0xffff  }
0x1d8: {  	v60 =	vand.u32 $0x7F, v43;
	v41 =	vand.u32 $0x7F, v41;
	v54 =	vor.u32 v39, v33;
	v4 =	vld.idx.msk [tilespmem:v4+s10+$0x0], $0xffff  }
0x1d9: {  	v52 =	vadd.s32 s18, v16;
	v62 =	vor.u32 v60, v34;
	v42 =	vor.u32 v41, v34;
	v1 =	vld.idx.msk [tilespmem:v1+s9+$0x0], $0xffff  }
0x1da: {  	v39 =	vor.u32 v55, v33;
	v2 =	vmul.f32 v2, v3;
	v3 =	vld.idx.msk [tilespmem:v12+s10+$0x0], $0xffff;
	v12 =	vor.u32 v37, v33  }
0x1db: {  	v59 =	vor.u32 v41, v33;
	v41 =	vor.u32 v45, v33;
	v11 =	vld.idx.msk [tilespmem:v51+s10+$0x0], $0xffff;
	v37 =	vor.u32 v49, v33  }
0x1dc: {  	v45 =	vadd.s32 s18, v19;
	v58 =	vld.idx.msk [tilespmem:v40+s10+$0x0], $0xffff;
	v5 =	vmul.f32 v5, v6;
	v7 =	vmul.f32 v7, v8  }
0x1dd: {  	v61 =	vld.idx.msk [tilespmem:v54+s9+$0x0], $0xffff;
	v54 =	vand.u32 $0x7F, v52;
	v9 =	vmul.f32 v9, v10;
	v13 =	vmul.f32 v13, v36  }
0x1de: {  	v48 =	vld.idx.msk [tilespmem:v42+s10+$0x0], $0xffff;
	v49 =	vand.u32 $0x7F, v47;
	v47 =	vand.u32 $0x7F, v45;
	v2 =	vadd.f32 $0.0e+00, v2  }
0x1df: {  	v5 =	vadd.f32 $0.0e+00, v5;
	v1 =	vmul.f32 v1, v4;
	v56 =	vld.idx.msk [tilespmem:v12+s9+$0x0], $0xffff;
	v12 =	vor.u32 v55, v34  }
0x1e0: {  	v51 =	vor.u32 v49, v34;
	v7 =	vadd.f32 $0.0e+00, v7;
	v2 =	vadd.f32 v9, v2;
	v37 =	vld.idx.msk [tilespmem:v37+s9+$0x0], $0xffff  }
0x1e1: {  	v3 =	vmul.f32 v50, v3;
	v50 =	vld.idx.msk [tilespmem:v59+s9+$0x0], $0xffff;
	v55 =	vadd.s32 s18, v17;
	v1 =	vadd.f32 $0.0e+00, v1  }
0x1e2: {  	v5 =	vadd.f32 v13, v5;
	v13 =	vld.idx.msk [tilespmem:v62+s10+$0x0], $0xffff;
	v4 =	vmul.f32 v61, v58;
	v57 =	vand.u32 $0x7F, v55  }
0x1e3: {  	v58 =	vld.idx.msk [tilespmem:v41+s9+$0x0], $0xffff;
	v59 =	vor.u32 v57, v34;
	v61 =	vor.u32 v57, v33;
	v1 =	vadd.f32 v3, v1  }
0x1e4: {  	v9 =	vld.idx.msk [tilespmem:v12+s10+$0x0], $0xffff;
	v12 =	vor.u32 v60, v33;
	v6 =	vmul.f32 v56, v53;
	v53 =	vor.u32 v49, v33  }
0x1e5: {  	v3 =	vld.idx.msk [tilespmem:v39+s9+$0x0], $0xffff;
	v11 =	vmul.f32 v37, v11;
	v56 =	vor.u32 v54, v33;
	v60 =	vadd.s32 s18, v18  }
0x1e6: {  	v37 =	vld.idx.msk [tilespmem:v46+s10+$0x0], $0xffff;
	v8 =	vmul.f32 v50, v48;
	v49 =	vor.u32 v47, v34;
	v6 =	vadd.f32 v6, v7  }
0x1e7: {  	v50 =	vadd.s32 s18, v20;
	v62 =	vand.u32 $0x7F, v60;
	v2 =	vadd.f32 v11, v2;
	v11 =	vld.idx.msk [tilespmem:v51+s10+$0x0], $0xffff  }
0x1e8: {  	v1 =	vadd.f32 v4, v1;
	v51 =	vor.u32 v47, v33;
	v6 =	vadd.f32 v8, v6;
	v8 =	vld.idx.msk [tilespmem:v61+s9+$0x0], $0xffff  }
0x1e9: {  	v52 =	vand.u32 $0x7F, v50;
	v63 =	vor.u32 v62, v34;
	v7 =	vld.idx.msk [tilespmem:v12+s9+$0x0], $0xffff;
	v12 =	vor.u32 v54, v34  }
0x1ea: {  	v55 =	vor.u32 v52, v33;
	v4 =	vld.idx.msk [tilespmem:v53+s9+$0x0], $0xffff;
	v3 =	vmul.f32 v3, v9;
	v53 =	vor.u32 v52, v34  }
0x1eb: {  	v48 =	vld.idx.msk [tilespmem:v56+s9+$0x0], $0xffff;
	v54 =	vadd.s32 s18, v21;
	v10 =	vmul.f32 v58, v37;
	v58 =	vadd.s32 s18, v22  }
0x1ec: {  	v52 =	vadd.s32 s18, v25;
	v56 =	vand.u32 $0x7F, v54;
	v3 =	vadd.f32 v3, v5;
	v5 =	vld.idx.msk [tilespmem:v59+s10+$0x0], $0xffff  }
0x1ed: {  	v60 =	vand.u32 $0x7F, v58;
	v57 =	vor.u32 v56, v34;
	v1 =	vadd.f32 v10, v1;
	v10 =	vld.idx.msk [tilespmem:v51+s9+$0x0], $0xffff  }
0x1ee: {  	v44 =	vand.u32 $0x7F, v44;
	v54 =	vand.u32 $0x7F, v52;
	v61 =	vor.u32 v60, v34;
	v46 =	vld.idx.msk [tilespmem:v12+s10+$0x0], $0xffff  }
0x1ef: {  	v52 =	vadd.s32 s18, v29;
	v12 =	vor.u32 v62, v33;
	v7 =	vmul.f32 v7, v13;
	v13 =	vld.idx.msk [tilespmem:v63+s10+$0x0], $0xffff  }
0x1f0: {  	v59 =	vor.u32 v56, v33;
	v62 =	vadd.s32 s18, v23;
	v4 =	vmul.f32 v4, v11;
	v11 =	vld.idx.msk [tilespmem:v53+s10+$0x0], $0xffff  }
0x1f1: {  	v56 =	vadd.s32 s18, v26;
	v45 =	vand.u32 $0x7F, v62;
	v2 =	vadd.f32 v7, v2;
	v7 =	vld.idx.msk [tilespmem:v49+s10+$0x0], $0xffff  }
0x1f2: {  	v58 =	vand.u32 $0x7F, v56;
	v47 =	vor.u32 v45, v34;
	v3 =	vadd.f32 v4, v3;
	v4 =	vld.idx.msk [tilespmem:v57+s10+$0x0], $0xffff  }
0x1f3: {  	v56 =	vadd.s32 s18, v30;
	v5 =	vmul.f32 v8, v5;
	v8 =	vld.idx.msk [tilespmem:v61+s10+$0x0], $0xffff;
	v57 =	vor.u32 v54, v33  }
0x1f4: {  	v63 =	vor.u32 v60, v33;
	v60 =	vadd.s32 s18, v27;
	v12 =	vld.idx.msk [tilespmem:v12+s9+$0x0], $0xffff;
	v9 =	vmul.f32 v48, v46  }
0x1f5: {  	v62 =	vand.u32 $0x7F, v60;
	v46 =	vld.idx.msk [tilespmem:v55+s9+$0x0], $0xffff;
	v48 =	vadd.s32 s18, v24;
	v55 =	vor.u32 v54, v34  }
0x1f6: {  	v49 =	vor.u32 v45, v33;
	v50 =	vand.u32 $0x7F, v48;
	v6 =	vadd.f32 v9, v6;
	v9 =	vld.idx.msk [tilespmem:v59+s9+$0x0], $0xffff  }
0x1f7: {  	v60 =	vadd.s32 s18, v31;
	v2 =	vadd.f32 v5, v2;
	v51 =	vor.u32 v50, v34;
	v5 =	vld.idx.msk [tilespmem:v47+s10+$0x0], $0xffff  }
0x1f8: {  	v61 =	vor.u32 v58, v33;
	v45 =	vor.u32 v62, v34;
	v53 =	vor.u32 v50, v33;
	v50 =	vld.idx.msk [tilespmem:v57+s9+$0x0], $0xffff  }
0x1f9: {  	v54 =	vand.u32 $0x7F, v52;
	v59 =	vor.u32 v58, v34;
	v12 =	vmul.f32 v12, v13;
	v13 =	vld.idx.msk [tilespmem:v63+s9+$0x0], $0xffff  }
0x1fa: {  	v48 =	vor.u32 v62, v33;
	v62 =	vand.u32 $0x7F, v60;
	v7 =	vmul.f32 v10, v7;
	v47 =	vld.idx.msk [tilespmem:v55+s10+$0x0], $0xffff  }
0x1fb: {  	v58 =	vand.u32 $0x7F, v56;
	v56 =	vadd.s32 $0x82, v0;
	v1 =	vadd.f32 v12, v1;
	v12 =	vld.idx.msk [tilespmem:v49+s9+$0x0], $0xffff  }
0x1fc: {  	v57 =	vor.u32 v54, v33;
	v42 =	vadd.s32 s18, v56;
	v55 =	vor.u32 v54, v34;
	v10 =	vld.idx.msk [tilespmem:v51+s10+$0x0], $0xffff  }
0x1fd: {  	v3 =	vadd.f32 v7, v3;
	v42 =	vand.u32 $0x7F, v42;
	v63 =	vld.idx.msk [tilespmem:v53+s9+$0x0], $0xffff;
	v4 =	vmul.f32 v9, v4  }
0x1fe: {  	v11 =	vmul.f32 v46, v11;
	v46 =	vadd.s32 s18, v28;
	v54 =	vadd.s32 $0x81, v0;
	v9 =	vld.idx.msk [tilespmem:v59+s10+$0x0], $0xffff  }
0x1ff: {  	v49 =	vand.u32 $0x7F, v46;
	v59 =	vor.u32 v58, v34;
	v2 =	vadd.f32 v4, v2;
	v4 =	vld.idx.msk [tilespmem:v45+s10+$0x0], $0xffff  }
0x200: {  	v41 =	vadd.s32 s18, v54;
	v51 =	vor.u32 v49, v34;
	v8 =	vmul.f32 v13, v8;
	v13 =	vld.idx.msk [tilespmem:v61+s9+$0x0], $0xffff  }
0x201: {  	v6 =	vadd.f32 v11, v6;
	v46 =	vadd.s32 s18, v32;
	v53 =	vor.u32 v49, v33;
	v11 =	vld.idx.msk [tilespmem:v55+s10+$0x0], $0xffff  }
0x202: {  	v41 =	vand.u32 $0x7F, v41;
	v45 =	vor.u32 v62, v34;
	v7 =	vmul.f32 v50, v47;
	v50 =	vld.idx.msk [tilespmem:v57+s9+$0x0], $0xffff  }
0x203: {  	v61 =	vor.u32 v58, v33;
	v47 =	vor.u32 v62, v33;
	v1 =	vadd.f32 v8, v1;
	v8 =	vld.idx.msk [tilespmem:v48+s9+$0x0], $0xffff  }
0x204: {  	v55 =	vor.u32 v35, v34;
	v35 =	vor.u32 v35, v33;
	v57 =	vor.u32 v41, v34;
	v52 =	vld.idx.msk [tilespmem:v59+s10+$0x0], $0xffff  }
0x205: {  	v41 =	vor.u32 v41, v33;
	v58 =	vadd.s32 $0x83, v0;
	v5 =	vmul.f32 v12, v5;
	v12 =	vld.idx.msk [tilespmem:v51+s10+$0x0], $0xffff  }
0x206: {  	v43 =	vadd.s32 s18, v58;
	v10 =	vmul.f32 v63, v10;
	v48 =	vand.u32 $0x7F, v46;
	v63 =	vld.idx.msk [tilespmem:v53+s9+$0x0], $0xffff  }
0x207: {  	v2 =	vadd.f32 v7, v2;
	v59 =	vor.u32 v42, v34;
	v42 =	vor.u32 v42, v33;
	v37 =	vld.idx.msk [tilespmem:v45+s10+$0x0], $0xffff  }
0x208: {  	v43 =	vand.u32 $0x7F, v43;
	v46 =	vadd.s32 $0x86, v0;
	v9 =	vmul.f32 v13, v9;
	v13 =	vld.idx.msk [tilespmem:v61+s9+$0x0], $0xffff  }
0x209: {  	v51 =	vor.u32 v48, v34;
	v53 =	vor.u32 v48, v33;
	v46 =	vadd.s32 s18, v46;
	v38 =	vld.idx.msk [tilespmem:v55+s10+$0x0], $0xffff  }
0x20a: {  	v3 =	vadd.f32 v5, v3;
	v49 =	vadd.f32 v10, v6;
	v45 =	vadd.s32 $0x85, v0;
	v60 =	vld.idx.msk [tilespmem:v35+s9+$0x0], $0xffff  }
0x20b: {  	v61 =	vor.u32 v43, v34;
	v39 =	vld.idx.msk [tilespmem:v57+s10+$0x0], $0xffff;
	v43 =	vor.u32 v43, v33;
	v45 =	vadd.s32 s18, v45  }
0x20c: {  	v62 =	vld.idx.msk [tilespmem:v41+s9+$0x0], $0xffff;
	v6 =	vmul.f32 v50, v11;
	v45 =	vand.u32 $0x7F, v45;
	v1 =	vadd.f32 v9, v1  }
0x20d: {  	v9 =	vld.idx.msk [tilespmem:v47+s9+$0x0], $0xffff;
	v4 =	vmul.f32 v8, v4;
	v48 =	vor.u32 v45, v34;
	v50 =	vor.u32 v45, v33  }
0x20e: {  	v2 =	vadd.f32 v6, v2;
	v10 =	vld.idx.msk [tilespmem:v51+s10+$0x0], $0xffff;
	v12 =	vmul.f32 v63, v12;
	v63 =	vor.u32 v44, v34  }
0x20f: {  	v8 =	vld.idx.msk [tilespmem:v53+s9+$0x0], $0xffff;
	v44 =	vor.u32 v44, v33;
	v51 =	vand.u32 $0x7F, v46;
	v53 =	vadd.s32 $0x87, v0  }
0x210: {  	v40 =	vld.idx.msk [tilespmem:v59+s10+$0x0], $0xffff;
	v3 =	vadd.f32 v4, v3;
	v55 =	vor.u32 v51, v33;
	v56 =	vadd.s32 s18, v53  }
0x211: {  	v53 =	vadd.s32 $0x8D, v0;
	v5 =	vadd.f32 v12, v49;
	v12 =	vld.idx.msk [tilespmem:v42+s9+$0x0], $0xffff;
	v7 =	vmul.f32 v13, v52  }
0x212: {  	v49 =	vld.idx.msk [tilespmem:v61+s10+$0x0], $0xffff;
	v52 =	vor.u32 v51, v34;
	v59 =	vand.u32 $0x7F, v56;
	v4 =	vmul.f32 v60, v38  }
0x213: {  	v13 =	vld.idx.msk [tilespmem:v43+s9+$0x0], $0xffff;
	v36 =	vmul.f32 v62, v39;
	v62 =	vadd.s32 $0x88, v0;
	v43 =	vadd.s32 $0x89, v0  }
0x214: {  	v61 =	vor.u32 v59, v34;
	v39 =	vadd.s32 s18, v62;
	v57 =	vmul.f32 v9, v37;
	v60 =	vld.idx.msk [tilespmem:v48+s10+$0x0], $0xffff  }
0x215: {  	v62 =	vadd.s32 $0x91, v0;
	v1 =	vadd.f32 v7, v1;
	v35 =	vld.idx.msk [tilespmem:v50+s9+$0x0], $0xffff;
	v8 =	vmul.f32 v8, v10  }
0x216: {  	v37 =	vor.u32 v59, v33;
	v2 =	vadd.f32 v4, v2;
	v54 =	vld.idx.msk [tilespmem:v63+s10+$0x0], $0xffff;
	v3 =	vadd.f32 v57, v3  }
0x217: {  	v1 =	vadd.f32 v36, v1;
	v41 =	vld.idx.msk [tilespmem:v55+s9+$0x0], $0xffff;
	v55 =	vadd.s32 $0x8E, v0;
	v5 =	vadd.f32 v8, v5  }
0x218: {  	v58 =	vld.idx.msk [tilespmem:v44+s9+$0x0], $0xffff;
	v8 =	vand.u32 $0x7F, v39;
	v12 =	vmul.f32 v12, v40;
	v11 =	vmul.f32 v13, v49  }
0x219: {  	v36 =	vadd.s32 s18, v55;
	v39 =	vadd.s32 s18, v62;
	v13 =	vor.u32 v8, v34  }
0x21a: {  	v8 =	vor.u32 v8, v33;
	v36 =	vand.u32 $0x7F, v36;
	v39 =	vand.u32 $0x7F, v39  }
0x21b: {  	v3 =	vadd.f32 v12, v3;
	v5 =	vadd.f32 v11, v5;
	v12 =	vadd.s32 s18, v43  }
0x21c: {  	v45 =	vmul.f32 v35, v60;
	v35 =	vadd.s32 s18, v53;
	v60 =	vor.u32 $0x90, v0  }
0x21d: {  	v6 =	vmul.f32 v58, v54;
	v46 =	vand.u32 $0x7F, v12;
	v12 =	vadd.s32 $0x8A, v0  }
0x21e: {  	v63 =	vld.idx.msk [tilespmem:v52+s10+$0x0], $0xffff;
	v35 =	vand.u32 $0x7F, v35;
	v58 =	vadd.s32 $0x8F, v0;
	v47 =	vor.u32 v46, v34  }
0x21f: {  	v42 =	vld.idx.msk [tilespmem:v61+s10+$0x0], $0xffff;
	v38 =	vadd.s32 s18, v60;
	v10 =	vor.u32 v46, v33;
	v12 =	vadd.s32 s18, v12  }
0x220: {  	v44 =	vld.idx.msk [tilespmem:v37+s9+$0x0], $0xffff;
	v57 =	vor.u32 v35, v34;
	v35 =	vor.u32 v35, v33;
	v50 =	vand.u32 $0x7F, v12  }
0x221: {  	v60 =	vadd.s32 $0x97, v0;
	v12 =	vadd.s32 $0x8B, v0;
	v48 =	vld.idx.msk [tilespmem:v13+s10+$0x0], $0xffff;
	v51 =	vor.u32 v50, v34  }
0x222: {  	v1 =	vadd.f32 v45, v1;
	v49 =	vld.idx.msk [tilespmem:v8+s9+$0x0], $0xffff;
	v12 =	vadd.s32 s18, v12;
	v8 =	vor.u32 v50, v33  }
0x223: {  	v37 =	vadd.s32 s18, v58;
	v13 =	vadd.s32 $0x8C, v0;
	v12 =	vand.u32 $0x7F, v12;
	v7 =	vld.idx.msk [tilespmem:v47+s10+$0x0], $0xffff  }
0x224: {  	v58 =	vadd.s32 $0x96, v0;
	v13 =	vadd.s32 s18, v13;
	v52 =	vor.u32 v12, v34;
	v10 =	vld.idx.msk [tilespmem:v10+s9+$0x0], $0xffff  }
0x225: {  	v4 =	vmul.f32 v41, v63;
	v12 =	vor.u32 v12, v33;
	v13 =	vand.u32 $0x7F, v13;
	v63 =	vld.idx.msk [tilespmem:v35+s9+$0x0], $0xffff  }
0x226: {  	v9 =	vmul.f32 v44, v42;
	v44 =	vadd.s32 s18, v58;
	v54 =	vor.u32 v13, v34;
	v11 =	vld.idx.msk [tilespmem:v51+s10+$0x0], $0xffff  }
0x227: {  	v38 =	vand.u32 $0x7F, v38;
	v44 =	vand.u32 $0x7F, v44;
	v13 =	vor.u32 v13, v33;
	v56 =	vld.idx.msk [tilespmem:v8+s9+$0x0], $0xffff  }
0x228: {  	v2 =	vadd.f32 v6, v2;
	v3 =	vadd.f32 v4, v3;
	v62 =	vor.u32 v44, v34;
	v8 =	vld.idx.msk [tilespmem:v57+s10+$0x0], $0xffff  }
0x229: {  	v5 =	vadd.f32 v9, v5;
	v4 =	vmul.f32 v49, v48;
	v48 =	vor.u32 v38, v34;
	v9 =	vld.idx.msk [tilespmem:v52+s10+$0x0], $0xffff  }
0x22a: {  	v37 =	vand.u32 $0x7F, v37;
	v50 =	vor.u32 v39, v34;
	v39 =	vor.u32 v39, v33;
	v59 =	vld.idx.msk [tilespmem:v12+s9+$0x0], $0xffff  }
0x22b: {  	v49 =	vadd.s32 $0x92, v0;
	v51 =	vadd.s32 $0x93, v0;
	v12 =	vor.u32 v36, v34;
	v6 =	vld.idx.msk [tilespmem:v54+s10+$0x0], $0xffff  }
0x22c: {  	v40 =	vadd.s32 s18, v49;
	v36 =	vor.u32 v36, v33;
	v61 =	vld.idx.msk [tilespmem:v13+s9+$0x0], $0xffff;
	v54 =	vadd.s32 $0x94, v0  }
0x22d: {  	v41 =	vadd.s32 s18, v51;
	v7 =	vmul.f32 v10, v7;
	v42 =	vadd.s32 s18, v54;
	v54 =	vld.idx.msk [tilespmem:v62+s10+$0x0], $0xffff  }
0x22e: {  	v2 =	vadd.f32 v4, v2;
	v40 =	vand.u32 $0x7F, v40;
	v13 =	vor.u32 v37, v34;
	v35 =	vld.idx.msk [tilespmem:v48+s10+$0x0], $0xffff  }
0x22f: {  	v37 =	vor.u32 v37, v33;
	v1 =	vadd.f32 v7, v1;
	v4 =	vmul.f32 v56, v11;
	v7 =	vld.idx.msk [tilespmem:v39+s9+$0x0], $0xffff  }
0x230: {  	v45 =	vadd.s32 s18, v60;
	v41 =	vand.u32 $0x7F, v41;
	v53 =	vor.u32 v40, v34;
	v12 =	vld.idx.msk [tilespmem:v12+s10+$0x0], $0xffff  }
0x231: {  	v55 =	vor.u32 v41, v34;
	v41 =	vor.u32 v41, v33;
	v3 =	vadd.f32 v4, v3;
	v4 =	vld.idx.msk [tilespmem:v36+s9+$0x0], $0xffff  }
0x232: {  	v45 =	vand.u32 $0x7F, v45;
	v44 =	vor.u32 v44, v33;
	v38 =	vor.u32 v38, v33;
	v36 =	vld.idx.msk [tilespmem:v50+s10+$0x0], $0xffff  }
0x233: {  	v49 =	vor.u32 v45, v34;
	v40 =	vor.u32 v40, v33;
	v62 =	vadd.s32 $0x9A, v0;
	v13 =	vld.idx.msk [tilespmem:v13+s10+$0x0], $0xffff  }
0x234: {  	v42 =	vand.u32 $0x7F, v42;
	v56 =	vadd.s32 $0x95, v0;
	v8 =	vmul.f32 v63, v8;
	v52 =	vld.idx.msk [tilespmem:v37+s9+$0x0], $0xffff  }
0x235: {  	v63 =	vadd.s32 $0x98, v0;
	v57 =	vor.u32 v42, v34;
	v9 =	vmul.f32 v59, v9;
	v37 =	vld.idx.msk [tilespmem:v53+s10+$0x0], $0xffff  }
0x236: {  	v43 =	vadd.s32 s18, v56;
	v42 =	vor.u32 v42, v33;
	v6 =	vmul.f32 v61, v6;
	v61 =	vld.idx.msk [tilespmem:v41+s9+$0x0], $0xffff  }
0x237: {  	v46 =	vadd.s32 s18, v63;
	v43 =	vand.u32 $0x7F, v43;
	v5 =	vadd.f32 v9, v5;
	v9 =	vld.idx.msk [tilespmem:v38+s9+$0x0], $0xffff  }
0x238: {  	v1 =	vadd.f32 v8, v1;
	v51 =	vand.u32 $0x7F, v46;
	v59 =	vor.u32 v43, v34;
	v38 =	vld.idx.msk [tilespmem:v55+s10+$0x0], $0xffff  }
0x239: {  	v43 =	vor.u32 v43, v33;
	v53 =	vadd.s32 $0x99, v0;
	v2 =	vadd.f32 v6, v2;
	v6 =	vld.idx.msk [tilespmem:v40+s9+$0x0], $0xffff  }
0x23a: {  	v50 =	vor.u32 v45, v33;
	v55 =	vor.u32 v51, v33;
	v56 =	vadd.s32 s18, v53;
	v39 =	vld.idx.msk [tilespmem:v57+s10+$0x0], $0xffff  }
0x23b: {  	v53 =	vadd.s32 $0x9F, v0;
	v58 =	vand.u32 $0x7F, v56;
	v40 =	vadd.s32 s18, v62;
	v48 =	vld.idx.msk [tilespmem:v42+s9+$0x0], $0xffff  }
0x23c: {  	v62 =	vadd.s32 $0xA3, v0;
	v57 =	vld.idx.msk [tilespmem:v44+s9+$0x0], $0xffff;
	v60 =	vor.u32 v58, v34;
	v4 =	vmul.f32 v4, v12  }
0x23d: {  	v7 =	vmul.f32 v7, v36;
	v12 =	vld.idx.msk [tilespmem:v59+s10+$0x0], $0xffff;
	v10 =	vmul.f32 v52, v13;
	v52 =	vor.u32 v51, v34  }
0x23e: {  	v13 =	vld.idx.msk [tilespmem:v43+s9+$0x0], $0xffff;
	v3 =	vadd.f32 v4, v3;
	v9 =	vmul.f32 v9, v35;
	v11 =	vmul.f32 v61, v38  }
0x23f: {  	v35 =	vor.u32 v58, v33;
	v1 =	vadd.f32 v7, v1;
	v41 =	vld.idx.msk [tilespmem:v55+s9+$0x0], $0xffff;
	v55 =	vor.u32 $0xA0, v0  }
0x240: {  	v58 =	vadd.s32 $0xA1, v0;
	v5 =	vadd.f32 v10, v5;
	v6 =	vmul.f32 v6, v37  }
0x241: {  	v36 =	vadd.s32 s18, v55;
	v37 =	vadd.s32 s18, v58;
	v58 =	vadd.s32 $0xA8, v0  }
0x242: {  	v2 =	vadd.f32 v9, v2;
	v9 =	vand.u32 $0x7F, v40;
	v8 =	vmul.f32 v48, v39  }
0x243: {  	v4 =	vmul.f32 v57, v54;
	v36 =	vand.u32 $0x7F, v36;
	v37 =	vand.u32 $0x7F, v37  }
0x244: {  	v43 =	vld.idx.msk [tilespmem:v60+s10+$0x0], $0xffff;
	v60 =	vadd.s32 $0xA2, v0;
	v42 =	vmul.f32 v13, v12;
	v12 =	vor.u32 v9, v34  }
0x245: {  	v39 =	vadd.s32 s18, v62;
	v3 =	vadd.f32 v6, v3;
	v13 =	vadd.s32 $0x9B, v0  }
0x246: {  	v59 =	vld.idx.msk [tilespmem:v49+s10+$0x0], $0xffff;
	v5 =	vadd.f32 v11, v5;
	v38 =	vadd.s32 s18, v60;
	v45 =	vadd.s32 s18, v13  }
0x247: {  	v61 =	vld.idx.msk [tilespmem:v50+s9+$0x0], $0xffff;
	v39 =	vand.u32 $0x7F, v39;
	v9 =	vor.u32 v9, v33;
	v11 =	vand.u32 $0x7F, v45  }
0x248: {  	v44 =	vld.idx.msk [tilespmem:v35+s9+$0x0], $0xffff;
	v13 =	vadd.s32 $0x9C, v0;
	v35 =	vadd.s32 s18, v53;
	v47 =	vor.u32 v11, v34  }
0x249: {  	v35 =	vand.u32 $0x7F, v35;
	v11 =	vor.u32 v11, v33;
	v48 =	vld.idx.msk [tilespmem:v12+s10+$0x0], $0xffff;
	v12 =	vadd.s32 s18, v13  }
0x24a: {  	v63 =	vld.idx.msk [tilespmem:v52+s10+$0x0], $0xffff;
	v57 =	vor.u32 v35, v34;
	v35 =	vor.u32 v35, v33;
	v50 =	vand.u32 $0x7F, v12  }
0x24b: {  	v60 =	vadd.s32 $0xA9, v0;
	v13 =	vadd.s32 $0x9E, v0;
	v51 =	vor.u32 v50, v34  }
0x24c: {  	v2 =	vadd.f32 v8, v2;
	v49 =	vld.idx.msk [tilespmem:v9+s9+$0x0], $0xffff;
	v13 =	vadd.s32 s18, v13;
	v9 =	vor.u32 v50, v33  }
0x24d: {  	v38 =	vand.u32 $0x7F, v38;
	v12 =	vadd.s32 $0x9D, v0;
	v13 =	vand.u32 $0x7F, v13;
	v7 =	vld.idx.msk [tilespmem:v47+s10+$0x0], $0xffff  }
0x24e: {  	v46 =	vmul.f32 v61, v59;
	v12 =	vadd.s32 s18, v12;
	v11 =	vld.idx.msk [tilespmem:v11+s9+$0x0], $0xffff;
	v54 =	vor.u32 v13, v34  }
0x24f: {  	v6 =	vmul.f32 v41, v63;
	v12 =	vand.u32 $0x7F, v12;
	v13 =	vor.u32 v13, v33;
	v63 =	vld.idx.msk [tilespmem:v35+s9+$0x0], $0xffff  }
0x250: {  	v8 =	vmul.f32 v44, v43;
	v44 =	vadd.s32 s18, v58;
	v52 =	vor.u32 v12, v34;
	v10 =	vld.idx.msk [tilespmem:v51+s10+$0x0], $0xffff  }
0x251: {  	v3 =	vadd.f32 v4, v3;
	v44 =	vand.u32 $0x7F, v44;
	v12 =	vor.u32 v12, v33;
	v56 =	vld.idx.msk [tilespmem:v9+s9+$0x0], $0xffff  }
0x252: {  	v1 =	vadd.f32 v42, v1;
	v4 =	vadd.f32 v46, v5;
	v62 =	vor.u32 v44, v34;
	v9 =	vld.idx.msk [tilespmem:v57+s10+$0x0], $0xffff  }
0x253: {  	v2 =	vadd.f32 v6, v2;
	v5 =	vmul.f32 v49, v48;
	v48 =	vor.u32 v38, v34;
	v6 =	vld.idx.msk [tilespmem:v54+s10+$0x0], $0xffff  }
0x254: {  	v50 =	vor.u32 v39, v34;
	v39 =	vor.u32 v39, v33;
	v49 =	vadd.s32 $0xA4, v0;
	v61 =	vld.idx.msk [tilespmem:v13+s9+$0x0], $0xffff  }
0x255: {  	v1 =	vadd.f32 v8, v1;
	v40 =	vadd.s32 s18, v49;
	v13 =	vor.u32 v37, v34;
	v8 =	vld.idx.msk [tilespmem:v52+s10+$0x0], $0xffff  }
0x256: {  	v40 =	vand.u32 $0x7F, v40;
	v37 =	vor.u32 v37, v33;
	v54 =	vadd.s32 $0xA6, v0;
	v59 =	vld.idx.msk [tilespmem:v12+s9+$0x0], $0xffff  }
0x257: {  	v7 =	vmul.f32 v11, v7;
	v53 =	vor.u32 v40, v34;
	v42 =	vadd.s32 s18, v54;
	v54 =	vld.idx.msk [tilespmem:v62+s10+$0x0], $0xffff  }
0x258: {  	v45 =	vadd.s32 s18, v60;
	v12 =	vor.u32 v36, v34;
	v35 =	vld.idx.msk [tilespmem:v48+s10+$0x0], $0xffff  }
0x259: {  	v51 =	vadd.s32 $0xA5, v0;
	v36 =	vor.u32 v36, v33;
	v4 =	vadd.f32 v7, v4;
	v7 =	vld.idx.msk [tilespmem:v39+s9+$0x0], $0xffff  }
0x25a: {  	v45 =	vand.u32 $0x7F, v45;
	v44 =	vor.u32 v44, v33;
	v41 =	vadd.s32 s18, v51;
	v13 =	vld.idx.msk [tilespmem:v13+s10+$0x0], $0xffff  }
0x25b: {  	v3 =	vadd.f32 v5, v3;
	v40 =	vor.u32 v40, v33;
	v41 =	vand.u32 $0x7F, v41;
	v52 =	vld.idx.msk [tilespmem:v37+s9+$0x0], $0xffff  }
0x25c: {  	v55 =	vor.u32 v41, v34;
	v41 =	vor.u32 v41, v33;
	v5 =	vmul.f32 v56, v10;
	v37 =	vld.idx.msk [tilespmem:v53+s10+$0x0], $0xffff  }
0x25d: {  	v38 =	vor.u32 v38, v33;
	v49 =	vor.u32 v45, v34;
	v42 =	vand.u32 $0x7F, v42;
	v12 =	vld.idx.msk [tilespmem:v12+s10+$0x0], $0xffff  }
0x25e: {  	v57 =	vor.u32 v42, v34;
	v6 =	vmul.f32 v61, v6;
	v2 =	vadd.f32 v5, v2;
	v5 =	vld.idx.msk [tilespmem:v36+s9+$0x0], $0xffff  }
0x25f: {  	v42 =	vor.u32 v42, v33;
	v56 =	vadd.s32 $0xA7, v0;
	v9 =	vmul.f32 v63, v9;
	v36 =	vld.idx.msk [tilespmem:v50+s10+$0x0], $0xffff  }
0x260: {  	v63 =	vadd.s32 $0xAA, v0;
	v8 =	vmul.f32 v59, v8;
	v3 =	vadd.f32 v6, v3;
	v6 =	vld.idx.msk [tilespmem:v40+s9+$0x0], $0xffff  }
0x261: {  	v62 =	vadd.s32 $0xAC, v0;
	v43 =	vadd.s32 s18, v56;
	v46 =	vadd.s32 s18, v63;
	v61 =	vld.idx.msk [tilespmem:v41+s9+$0x0], $0xffff  }
0x262: {  	v53 =	vadd.s32 $0xAB, v0;
	v43 =	vand.u32 $0x7F, v43;
	v1 =	vadd.f32 v8, v1;
	v8 =	vld.idx.msk [tilespmem:v38+s9+$0x0], $0xffff  }
0x263: {  	v4 =	vadd.f32 v9, v4;
	v50 =	vor.u32 v45, v33;
	v59 =	vor.u32 v43, v34;
	v38 =	vld.idx.msk [tilespmem:v55+s10+$0x0], $0xffff  }
0x264: {  	v51 =	vand.u32 $0x7F, v46;
	v56 =	vadd.s32 s18, v53;
	v43 =	vor.u32 v43, v33;
	v39 =	vld.idx.msk [tilespmem:v57+s10+$0x0], $0xffff  }
0x265: {  	v53 =	vadd.s32 $0xB1, v0;
	v58 =	vand.u32 $0x7F, v56;
	v40 =	vadd.s32 s18, v62;
	v48 =	vld.idx.msk [tilespmem:v42+s9+$0x0], $0xffff  }
0x266: {  	v62 =	vadd.s32 $0xB5, v0;
	v55 =	vor.u32 v51, v33;
	v57 =	vld.idx.msk [tilespmem:v44+s9+$0x0], $0xffff;
	v11 =	vmul.f32 v52, v13  }
0x267: {  	v60 =	vor.u32 v58, v34;
	v52 =	vor.u32 v51, v34;
	v5 =	vmul.f32 v5, v12  }
0x268: {  	v7 =	vmul.f32 v7, v36;
	v12 =	vld.idx.msk [tilespmem:v59+s10+$0x0], $0xffff;
	v1 =	vadd.f32 v11, v1;
	v6 =	vmul.f32 v6, v37  }
0x269: {  	v13 =	vld.idx.msk [tilespmem:v43+s9+$0x0], $0xffff;
	v2 =	vadd.f32 v5, v2;
	v8 =	vmul.f32 v8, v35;
	v10 =	vmul.f32 v61, v38  }
0x26a: {  	v35 =	vor.u32 v58, v33;
	v4 =	vadd.f32 v7, v4;
	v9 =	vmul.f32 v48, v39  }
0x26b: {  	v41 =	vld.idx.msk [tilespmem:v55+s9+$0x0], $0xffff;
	v5 =	vmul.f32 v57, v54;
	v55 =	vadd.s32 $0xB2, v0;
	v58 =	vadd.s32 $0xB3, v0  }
0x26c: {  	v43 =	vld.idx.msk [tilespmem:v60+s10+$0x0], $0xffff;
	v60 =	vadd.s32 $0xB4, v0;
	v39 =	vadd.s32 s18, v62;
	v36 =	vadd.s32 s18, v55  }
0x26d: {  	v37 =	vadd.s32 s18, v58;
	v3 =	vadd.f32 v8, v3;
	v8 =	vand.u32 $0x7F, v40  }
0x26e: {  	v38 =	vadd.s32 s18, v60;
	v42 =	vmul.f32 v13, v12;
	v12 =	vor.u32 v8, v34  }
0x26f: {  	v39 =	vand.u32 $0x7F, v39;
	v58 =	vadd.s32 $0xBA, v0;
	v13 =	vadd.s32 $0xAD, v0  }
0x270: {  	v59 =	vld.idx.msk [tilespmem:v49+s10+$0x0], $0xffff;
	v2 =	vadd.f32 v6, v2;
	v1 =	vadd.f32 v10, v1;
	v45 =	vadd.s32 s18, v13  }
0x271: {  	v61 =	vld.idx.msk [tilespmem:v50+s9+$0x0], $0xffff;
	v36 =	vand.u32 $0x7F, v36;
	v8 =	vor.u32 v8, v33;
	v10 =	vand.u32 $0x7F, v45  }
0x272: {  	v44 =	vld.idx.msk [tilespmem:v35+s9+$0x0], $0xffff;
	v13 =	vadd.s32 $0xAE, v0;
	v35 =	vadd.s32 s18, v53;
	v47 =	vor.u32 v10, v34  }
0x273: {  	v35 =	vand.u32 $0x7F, v35;
	v10 =	vor.u32 v10, v33;
	v48 =	vld.idx.msk [tilespmem:v12+s10+$0x0], $0xffff;
	v12 =	vadd.s32 s18, v13  }
0x274: {  	v63 =	vld.idx.msk [tilespmem:v52+s10+$0x0], $0xffff;
	v57 =	vor.u32 v35, v34;
	v35 =	vor.u32 v35, v33;
	v50 =	vand.u32 $0x7F, v12  }
0x275: {  	v37 =	vand.u32 $0x7F, v37;
	v13 =	vor.u32 $0xB0, v0;
	v51 =	vor.u32 v50, v34  }
0x276: {  	v38 =	vand.u32 $0x7F, v38;
	v49 =	vld.idx.msk [tilespmem:v8+s9+$0x0], $0xffff;
	v13 =	vadd.s32 s18, v13;
	v8 =	vor.u32 v50, v33  }
0x277: {  	v3 =	vadd.f32 v9, v3;
	v12 =	vadd.s32 $0xAF, v0;
	v13 =	vand.u32 $0x7F, v13;
	v7 =	vld.idx.msk [tilespmem:v47+s10+$0x0], $0xffff  }
0x278: {  	v46 =	vmul.f32 v61, v59;
	v12 =	vadd.s32 s18, v12;
	v10 =	vld.idx.msk [tilespmem:v10+s9+$0x0], $0xffff;
	v54 =	vor.u32 v13, v34  }
0x279: {  	v6 =	vmul.f32 v41, v63;
	v12 =	vand.u32 $0x7F, v12;
	v13 =	vor.u32 v13, v33;
	v63 =	vld.idx.msk [tilespmem:v35+s9+$0x0], $0xffff  }
0x27a: {  	v9 =	vmul.f32 v44, v43;
	v44 =	vadd.s32 s18, v58;
	v52 =	vor.u32 v12, v34;
	v11 =	vld.idx.msk [tilespmem:v51+s10+$0x0], $0xffff  }
0x27b: {  	v2 =	vadd.f32 v5, v2;
	v44 =	vand.u32 $0x7F, v44;
	v12 =	vor.u32 v12, v33;
	v56 =	vld.idx.msk [tilespmem:v8+s9+$0x0], $0xffff  }
0x27c: {  	v4 =	vadd.f32 v42, v4;
	v1 =	vadd.f32 v46, v1;
	v62 =	vor.u32 v44, v34;
	v8 =	vld.idx.msk [tilespmem:v57+s10+$0x0], $0xffff  }
0x27d: {  	v3 =	vadd.f32 v6, v3;
	v5 =	vmul.f32 v49, v48;
	v48 =	vor.u32 v38, v34;
	v6 =	vld.idx.msk [tilespmem:v54+s10+$0x0], $0xffff  }
0x27e: {  	v50 =	vor.u32 v39, v34;
	v39 =	vor.u32 v39, v33;
	v49 =	vadd.s32 $0xB6, v0;
	v61 =	vld.idx.msk [tilespmem:v13+s9+$0x0], $0xffff  }
0x27f: {  	v4 =	vadd.f32 v9, v4;
	v40 =	vadd.s32 s18, v49;
	v13 =	vor.u32 v37, v34;
	v9 =	vld.idx.msk [tilespmem:v52+s10+$0x0], $0xffff  }
0x280: {  	v40 =	vand.u32 $0x7F, v40;
	v37 =	vor.u32 v37, v33;
	v54 =	vadd.s32 $0xB8, v0;
	v59 =	vld.idx.msk [tilespmem:v12+s9+$0x0], $0xffff  }
0x281: {  	v7 =	vmul.f32 v10, v7;
	v53 =	vor.u32 v40, v34;
	v42 =	vadd.s32 s18, v54;
	v54 =	vld.idx.msk [tilespmem:v62+s10+$0x0], $0xffff  }
0x282: {  	v60 =	vadd.s32 $0xBB, v0;
	v12 =	vor.u32 v36, v34;
	v35 =	vld.idx.msk [tilespmem:v48+s10+$0x0], $0xffff  }
0x283: {  	v51 =	vadd.s32 $0xB7, v0;
	v36 =	vor.u32 v36, v33;
	v1 =	vadd.f32 v7, v1;
	v7 =	vld.idx.msk [tilespmem:v39+s9+$0x0], $0xffff  }
0x284: {  	v45 =	vadd.s32 s18, v60;
	v41 =	vadd.s32 s18, v51;
	v13 =	vld.idx.msk [tilespmem:v13+s10+$0x0], $0xffff  }
0x285: {  	v2 =	vadd.f32 v5, v2;
	v40 =	vor.u32 v40, v33;
	v41 =	vand.u32 $0x7F, v41;
	v52 =	vld.idx.msk [tilespmem:v37+s9+$0x0], $0xffff  }
0x286: {  	v55 =	vor.u32 v41, v34;
	v41 =	vor.u32 v41, v33;
	v5 =	vmul.f32 v56, v11;
	v37 =	vld.idx.msk [tilespmem:v53+s10+$0x0], $0xffff  }
0x287: {  	v45 =	vand.u32 $0x7F, v45;
	v44 =	vor.u32 v44, v33;
	v38 =	vor.u32 v38, v33;
	v12 =	vld.idx.msk [tilespmem:v12+s10+$0x0], $0xffff  }
0x288: {  	v42 =	vand.u32 $0x7F, v42;
	v6 =	vmul.f32 v61, v6;
	v3 =	vadd.f32 v5, v3;
	v5 =	vld.idx.msk [tilespmem:v36+s9+$0x0], $0xffff  }
0x289: {  	v49 =	vor.u32 v45, v34;
	v62 =	vadd.s32 $0xBE, v0;
	v57 =	vor.u32 v42, v34;
	v36 =	vld.idx.msk [tilespmem:v50+s10+$0x0], $0xffff  }
0x28a: {  	v42 =	vor.u32 v42, v33;
	v9 =	vmul.f32 v59, v9;
	v2 =	vadd.f32 v6, v2;
	v6 =	vld.idx.msk [tilespmem:v40+s9+$0x0], $0xffff  }
0x28b: {  	v56 =	vadd.s32 $0xB9, v0;
	v8 =	vmul.f32 v63, v8;
	v63 =	vadd.s32 $0xBC, v0;
	v61 =	vld.idx.msk [tilespmem:v41+s9+$0x0], $0xffff  }
0x28c: {  	v43 =	vadd.s32 s18, v56;
	v46 =	vadd.s32 s18, v63;
	v4 =	vadd.f32 v9, v4;
	v9 =	vld.idx.msk [tilespmem:v38+s9+$0x0], $0xffff  }
0x28d: {  	v53 =	vadd.s32 $0xBD, v0;
	v43 =	vand.u32 $0x7F, v43;
	v1 =	vadd.f32 v8, v1;
	v38 =	vld.idx.msk [tilespmem:v55+s10+$0x0], $0xffff  }
0x28e: {  	v50 =	vor.u32 v45, v33;
	v51 =	vand.u32 $0x7F, v46;
	v59 =	vor.u32 v43, v34;
	v39 =	vld.idx.msk [tilespmem:v57+s10+$0x0], $0xffff  }
0x28f: {  	v56 =	vadd.s32 s18, v53;
	v53 =	vadd.s32 $0xC3, v0;
	v43 =	vor.u32 v43, v33;
	v48 =	vld.idx.msk [tilespmem:v42+s9+$0x0], $0xffff  }
0x290: {  	v58 =	vand.u32 $0x7F, v56;
	v40 =	vadd.s32 s18, v62;
	v55 =	vor.u32 v51, v33;
	v57 =	vld.idx.msk [tilespmem:v44+s9+$0x0], $0xffff  }
0x291: {  	v60 =	vor.u32 v58, v34;
	v10 =	vmul.f32 v52, v13;
	v5 =	vmul.f32 v5, v12  }
0x292: {  	v62 =	vadd.s32 $0xC7, v0;
	v52 =	vor.u32 v51, v34;
	v7 =	vmul.f32 v7, v36  }
0x293: {  	v12 =	vld.idx.msk [tilespmem:v59+s10+$0x0], $0xffff;
	v4 =	vadd.f32 v10, v4;
	v6 =	vmul.f32 v6, v37;
	v3 =	vadd.f32 v5, v3  }
0x294: {  	v13 =	vld.idx.msk [tilespmem:v43+s9+$0x0], $0xffff;
	v9 =	vmul.f32 v9, v35;
	v11 =	vmul.f32 v61, v38;
	v35 =	vor.u32 v58, v33  }
0x295: {  	v1 =	vadd.f32 v7, v1;
	v41 =	vld.idx.msk [tilespmem:v55+s9+$0x0], $0xffff;
	v8 =	vmul.f32 v48, v39;
	v5 =	vmul.f32 v57, v54  }
0x296: {  	v43 =	vld.idx.msk [tilespmem:v60+s10+$0x0], $0xffff;
	v55 =	vadd.s32 $0xC4, v0;
	v58 =	vadd.s32 $0xC5, v0;
	v60 =	vadd.s32 $0xC6, v0  }
0x297: {  	v39 =	vadd.s32 s18, v62;
	v62 =	vadd.s32 $0xCD, v0;
	v36 =	vadd.s32 s18, v55  }
0x298: {  	v37 =	vadd.s32 s18, v58;
	v2 =	vadd.f32 v9, v2;
	v9 =	vand.u32 $0x7F, v40  }
0x299: {  	v38 =	vadd.s32 s18, v60;
	v42 =	vmul.f32 v13, v12;
	v12 =	vor.u32 v9, v34  }
0x29a: {  	v39 =	vand.u32 $0x7F, v39;
	v58 =	vadd.s32 $0xCB, v0;
	v13 =	vadd.s32 $0xBF, v0  }
0x29b: {  	v60 =	vadd.s32 $0xCC, v0;
	v3 =	vadd.f32 v6, v3;
	v45 =	vadd.s32 s18, v13  }
0x29c: {  	v61 =	vld.idx.msk [tilespmem:v50+s9+$0x0], $0xffff;
	v4 =	vadd.f32 v11, v4;
	v9 =	vor.u32 v9, v33;
	v11 =	vand.u32 $0x7F, v45  }
0x29d: {  	v44 =	vld.idx.msk [tilespmem:v35+s9+$0x0], $0xffff;
	v13 =	vor.u32 $0xC0, v0;
	v35 =	vadd.s32 s18, v53;
	v47 =	vor.u32 v11, v34  }
0x29e: {  	v35 =	vand.u32 $0x7F, v35;
	v11 =	vor.u32 v11, v33;
	v48 =	vld.idx.msk [tilespmem:v12+s10+$0x0], $0xffff;
	v12 =	vadd.s32 s18, v13  }
0x29f: {  	v63 =	vld.idx.msk [tilespmem:v52+s10+$0x0], $0xffff;
	v57 =	vor.u32 v35, v34;
	v35 =	vor.u32 v35, v33;
	v50 =	vand.u32 $0x7F, v12  }
0x2a0: {  	v59 =	vld.idx.msk [tilespmem:v49+s10+$0x0], $0xffff;
	v36 =	vand.u32 $0x7F, v36;
	v13 =	vadd.s32 $0xC2, v0;
	v51 =	vor.u32 v50, v34  }
0x2a1: {  	v37 =	vand.u32 $0x7F, v37;
	v49 =	vld.idx.msk [tilespmem:v9+s9+$0x0], $0xffff;
	v13 =	vadd.s32 s18, v13;
	v9 =	vor.u32 v50, v33  }
0x2a2: {  	v38 =	vand.u32 $0x7F, v38;
	v2 =	vadd.f32 v8, v2;
	v13 =	vand.u32 $0x7F, v13;
	v7 =	vld.idx.msk [tilespmem:v47+s10+$0x0], $0xffff  }
0x2a3: {  	v3 =	vadd.f32 v5, v3;
	v12 =	vadd.s32 $0xC1, v0;
	v11 =	vld.idx.msk [tilespmem:v11+s9+$0x0], $0xffff;
	v54 =	vor.u32 v13, v34  }
0x2a4: {  	v6 =	vmul.f32 v41, v63;
	v12 =	vadd.s32 s18, v12;
	v13 =	vor.u32 v13, v33;
	v63 =	vld.idx.msk [tilespmem:v35+s9+$0x0], $0xffff  }
0x2a5: {  	v46 =	vmul.f32 v61, v59;
	v12 =	vand.u32 $0x7F, v12;
	v47 =	vor.u32 v38, v34;
	v10 =	vld.idx.msk [tilespmem:v51+s10+$0x0], $0xffff  }
0x2a6: {  	v53 =	vor.u32 v39, v34;
	v39 =	vor.u32 v39, v33;
	v52 =	vor.u32 v12, v34;
	v56 =	vld.idx.msk [tilespmem:v9+s9+$0x0], $0xffff  }
0x2a7: {  	v1 =	vadd.f32 v42, v1;
	v45 =	vadd.s32 s18, v62;
	v12 =	vor.u32 v12, v33;
	v9 =	vld.idx.msk [tilespmem:v57+s10+$0x0], $0xffff  }
0x2a8: {  	v2 =	vadd.f32 v6, v2;
	v5 =	vmul.f32 v49, v48;
	v48 =	vadd.s32 $0xC8, v0;
	v6 =	vld.idx.msk [tilespmem:v54+s10+$0x0], $0xffff  }
0x2a9: {  	v8 =	vmul.f32 v44, v43;
	v40 =	vadd.s32 s18, v48;
	v61 =	vld.idx.msk [tilespmem:v13+s9+$0x0], $0xffff;
	v13 =	vor.u32 v37, v34  }
0x2aa: {  	v4 =	vadd.f32 v46, v4;
	v40 =	vand.u32 $0x7F, v40;
	v37 =	vor.u32 v37, v33;
	v35 =	vld.idx.msk [tilespmem:v47+s10+$0x0], $0xffff  }
0x2ab: {  	v1 =	vadd.f32 v8, v1;
	v7 =	vmul.f32 v11, v7;
	v55 =	vor.u32 v40, v34;
	v8 =	vld.idx.msk [tilespmem:v52+s10+$0x0], $0xffff  }
0x2ac: {  	v45 =	vand.u32 $0x7F, v45;
	v43 =	vadd.s32 s18, v58;
	v59 =	vld.idx.msk [tilespmem:v12+s9+$0x0], $0xffff;
	v12 =	vor.u32 v36, v34  }
0x2ad: {  	v44 =	vadd.s32 s18, v60;
	v36 =	vor.u32 v36, v33;
	v4 =	vadd.f32 v7, v4;
	v7 =	vld.idx.msk [tilespmem:v39+s9+$0x0], $0xffff  }
0x2ae: {  	v43 =	vand.u32 $0x7F, v43;
	v44 =	vand.u32 $0x7F, v44;
	v54 =	vadd.s32 $0xC9, v0;
	v13 =	vld.idx.msk [tilespmem:v13+s10+$0x0], $0xffff  }
0x2af: {  	v38 =	vor.u32 v38, v33;
	v40 =	vor.u32 v40, v33;
	v41 =	vadd.s32 s18, v54;
	v11 =	vld.idx.msk [tilespmem:v37+s9+$0x0], $0xffff  }
0x2b0: {  	v50 =	vor.u32 v44, v34;
	v48 =	vor.u32 $0xD0, v0;
	v41 =	vand.u32 $0x7F, v41;
	v37 =	vld.idx.msk [tilespmem:v55+s10+$0x0], $0xffff  }
0x2b1: {  	v3 =	vadd.f32 v5, v3;
	v51 =	vadd.s32 $0xCE, v0;
	v57 =	vor.u32 v41, v34;
	v12 =	vld.idx.msk [tilespmem:v12+s10+$0x0], $0xffff  }
0x2b2: {  	v48 =	vadd.s32 s18, v48;
	v41 =	vor.u32 v41, v33;
	v6 =	vmul.f32 v61, v6;
	v49 =	vld.idx.msk [tilespmem:v36+s9+$0x0], $0xffff  }
0x2b3: {  	v46 =	vadd.s32 s18, v51;
	v48 =	vand.u32 $0x7F, v48;
	v8 =	vmul.f32 v59, v8;
	v36 =	vld.idx.msk [tilespmem:v53+s10+$0x0], $0xffff  }
0x2b4: {  	v52 =	vor.u32 v45, v34;
	v61 =	vor.u32 v43, v34;
	v3 =	vadd.f32 v6, v3;
	v6 =	vld.idx.msk [tilespmem:v40+s9+$0x0], $0xffff  }
0x2b5: {  	v45 =	vor.u32 v45, v33;
	v46 =	vand.u32 $0x7F, v46;
	v1 =	vadd.f32 v8, v1;
	v8 =	vld.idx.msk [tilespmem:v38+s9+$0x0], $0xffff  }
0x2b6: {  	v5 =	vmul.f32 v56, v10;
	v56 =	vadd.s32 $0xCA, v0;
	v55 =	vor.u32 v48, v34;
	v38 =	vld.idx.msk [tilespmem:v57+s10+$0x0], $0xffff  }
0x2b7: {  	v9 =	vmul.f32 v63, v9;
	v42 =	vadd.s32 s18, v56;
	v43 =	vor.u32 v43, v33;
	v63 =	vld.idx.msk [tilespmem:v41+s9+$0x0], $0xffff  }
0x2b8: {  	v42 =	vand.u32 $0x7F, v42;
	v53 =	vor.u32 v46, v34;
	v41 =	vld.idx.msk [tilespmem:v50+s10+$0x0], $0xffff  }
0x2b9: {  	v47 =	vadd.s32 $0xCF, v0;
	v51 =	vadd.s32 $0xD3, v0;
	v59 =	vor.u32 v42, v34;
	v40 =	vld.idx.msk [tilespmem:v61+s10+$0x0], $0xffff  }
0x2ba: {  	v51 =	vadd.s32 s18, v51;
	v42 =	vor.u32 v42, v33;
	v11 =	vmul.f32 v11, v13;
	v13 =	vld.idx.msk [tilespmem:v45+s9+$0x0], $0xffff  }
0x2bb: {  	v44 =	vor.u32 v44, v33;
	v47 =	vadd.s32 s18, v47;
	v51 =	vand.u32 $0x7F, v51;
	v45 =	vld.idx.msk [tilespmem:v55+s10+$0x0], $0xffff  }
0x2bc: {  	v2 =	vadd.f32 v5, v2;
	v46 =	vor.u32 v46, v33;
	v5 =	vmul.f32 v49, v12;
	v12 =	vld.idx.msk [tilespmem:v43+s9+$0x0], $0xffff  }
0x2bd: {  	v47 =	vand.u32 $0x7F, v47;
	v58 =	vor.u32 v51, v34;
	v51 =	vor.u32 v51, v33;
	v43 =	vld.idx.msk [tilespmem:v53+s10+$0x0], $0xffff  }
0x2be: {  	v54 =	vor.u32 v47, v34;
	v47 =	vor.u32 v47, v33;
	v50 =	vadd.s32 $0xD2, v0;
	v39 =	vld.idx.msk [tilespmem:v59+s10+$0x0], $0xffff  }
0x2bf: {  	v48 =	vor.u32 v48, v33;
	v4 =	vadd.f32 v9, v4;
	v50 =	vadd.s32 s18, v50;
	v9 =	vld.idx.msk [tilespmem:v42+s9+$0x0], $0xffff  }
0x2c0: {  	v50 =	vand.u32 $0x7F, v50;
	v55 =	vadd.s32 $0xD7, v0;
	v49 =	vadd.s32 $0xD1, v0;
	v42 =	vld.idx.msk [tilespmem:v52+s10+$0x0], $0xffff  }
0x2c1: {  	v57 =	vor.u32 v50, v34;
	v50 =	vor.u32 v50, v33;
	v1 =	vadd.f32 v11, v1;
	v11 =	vld.idx.msk [tilespmem:v46+s9+$0x0], $0xffff  }
0x2c2: {  	v53 =	vadd.s32 $0xD5, v0;
	v7 =	vmul.f32 v7, v36;
	v6 =	vmul.f32 v6, v37;
	v37 =	vld.idx.msk [tilespmem:v51+s9+$0x0], $0xffff  }
0x2c3: {  	v55 =	vadd.s32 s18, v55;
	v49 =	vadd.s32 s18, v49;
	v2 =	vadd.f32 v5, v2;
	v5 =	vld.idx.msk [tilespmem:v44+s9+$0x0], $0xffff  }
0x2c4: {  	v52 =	vadd.s32 $0xD4, v0;
	v55 =	vand.u32 $0x7F, v55;
	v44 =	vld.idx.msk [tilespmem:v54+s10+$0x0], $0xffff;
	v8 =	vmul.f32 v8, v35  }
0x2c5: {  	v49 =	vand.u32 $0x7F, v49;
	v35 =	vld.idx.msk [tilespmem:v47+s9+$0x0], $0xffff;
	v62 =	vor.u32 v55, v34;
	v55 =	vor.u32 v55, v33  }
0x2c6: {  	v53 =	vadd.s32 s18, v53;
	v56 =	vor.u32 v49, v34;
	v3 =	vadd.f32 v8, v3;
	v8 =	vld.idx.msk [tilespmem:v48+s9+$0x0], $0xffff  }
0x2c7: {  	v52 =	vadd.s32 s18, v52;
	v53 =	vand.u32 $0x7F, v53;
	v49 =	vor.u32 v49, v33;
	v48 =	vld.idx.msk [tilespmem:v58+s10+$0x0], $0xffff  }
0x2c8: {  	v54 =	vadd.s32 $0xD6, v0;
	v4 =	vadd.f32 v7, v4;
	v60 =	vor.u32 v53, v34;
	v47 =	vld.idx.msk [tilespmem:v57+s10+$0x0], $0xffff  }
0x2c9: {  	v10 =	vmul.f32 v63, v38;
	v52 =	vand.u32 $0x7F, v52;
	v53 =	vor.u32 v53, v33;
	v7 =	vld.idx.msk [tilespmem:v50+s9+$0x0], $0xffff  }
0x2ca: {  	v54 =	vadd.s32 s18, v54;
	v59 =	vor.u32 v52, v34;
	v9 =	vmul.f32 v9, v39;
	v39 =	vld.idx.msk [tilespmem:v55+s9+$0x0], $0xffff  }
0x2cb: {  	v52 =	vor.u32 v52, v33;
	v54 =	vand.u32 $0x7F, v54;
	v2 =	vadd.f32 v6, v2;
	v46 =	vld.idx.msk [tilespmem:v56+s10+$0x0], $0xffff  }
0x2cc: {  	v58 =	vadd.s32 $0xDA, v0;
	v61 =	vor.u32 v54, v34;
	v54 =	vor.u32 v54, v33;
	v36 =	vld.idx.msk [tilespmem:v49+s9+$0x0], $0xffff  }
0x2cd: {  	v1 =	vadd.f32 v10, v1;
	v57 =	vadd.s32 $0xD9, v0;
	v58 =	vadd.s32 s18, v58;
	v50 =	vld.idx.msk [tilespmem:v60+s10+$0x0], $0xffff  }
0x2ce: {  	v12 =	vmul.f32 v12, v40;
	v57 =	vadd.s32 s18, v57;
	v58 =	vand.u32 $0x7F, v58;
	v38 =	vld.idx.msk [tilespmem:v53+s9+$0x0], $0xffff  }
0x2cf: {  	v57 =	vand.u32 $0x7F, v57;
	v55 =	vor.u32 v58, v34;
	v56 =	vadd.s32 $0xD8, v0;
	v49 =	vld.idx.msk [tilespmem:v59+s10+$0x0], $0xffff  }
0x2d0: {  	v58 =	vor.u32 v58, v33;
	v4 =	vadd.f32 v12, v4;
	v6 =	vld.idx.msk [tilespmem:v52+s9+$0x0], $0xffff;
	v56 =	vadd.s32 s18, v56  }
0x2d1: {  	v56 =	vand.u32 $0x7F, v56;
	v10 =	vld.idx.msk [tilespmem:v54+s9+$0x0], $0xffff;
	v54 =	vor.u32 v57, v34;
	v57 =	vor.u32 v57, v33  }
0x2d2: {  	v51 =	vld.idx.msk [tilespmem:v61+s10+$0x0], $0xffff;
	v61 =	vadd.s32 $0xDD, v0;
	v63 =	vor.u32 v56, v34;
	v56 =	vor.u32 v56, v33  }
0x2d3: {  	v60 =	vadd.s32 $0xDC, v0;
	v52 =	vld.idx.msk [tilespmem:v62+s10+$0x0], $0xffff;
	v59 =	vadd.s32 $0xDB, v0;
	v61 =	vadd.s32 s18, v61  }
0x2d4: {  	v60 =	vadd.s32 s18, v60;
	v59 =	vadd.s32 s18, v59;
	v55 =	vld.idx.msk [tilespmem:v55+s10+$0x0], $0xffff;
	v61 =	vand.u32 $0x7F, v61  }
0x2d5: {  	v60 =	vand.u32 $0x7F, v60;
	v12 =	vld.idx.msk [tilespmem:v58+s9+$0x0], $0xffff;
	v58 =	vor.u32 v61, v34;
	v61 =	vor.u32 v61, v33  }
0x2d6: {  	v43 =	vmul.f32 v11, v43;
	v59 =	vand.u32 $0x7F, v59;
	v40 =	vld.idx.msk [tilespmem:v57+s9+$0x0], $0xffff;
	v57 =	vor.u32 v60, v34  }
0x2d7: {  	v3 =	vadd.f32 v9, v3;
	v9 =	vld.idx.msk [tilespmem:v56+s9+$0x0], $0xffff;
	v56 =	vor.u32 v59, v34;
	v59 =	vor.u32 v59, v33  }
0x2d8: {  	v62 =	vadd.s32 $0xDE, v0;
	v54 =	vld.idx.msk [tilespmem:v54+s10+$0x0], $0xffff;
	v60 =	vor.u32 v60, v33  }
0x2d9: {  	v62 =	vadd.s32 s18, v62;
	v3 =	vadd.f32 v43, v3;
	v53 =	vld.idx.msk [tilespmem:v63+s10+$0x0], $0xffff  }
0x2da: {  	v43 =	vmul.f32 v8, v45;
	v62 =	vand.u32 $0x7F, v62;
	v63 =	vadd.s32 $0xDF, v0;
	v45 =	vld.idx.msk [tilespmem:v61+s9+$0x0], $0xffff  }
0x2db: {  	v13 =	vmul.f32 v13, v42;
	v63 =	vadd.s32 s18, v63;
	v42 =	vld.idx.msk [tilespmem:v57+s10+$0x0], $0xffff;
	v57 =	vor.u32 v62, v33  }
0x2dc: {  	v5 =	vmul.f32 v5, v41;
	v41 =	vld.idx.msk [tilespmem:v59+s9+$0x0], $0xffff;
	v59 =	vor.u32 v62, v34;
	v62 =	vand.u32 $0x7F, v63  }
0x2dd: {  	v1 =	vadd.f32 v13, v1;
	v13 =	vmul.f32 v35, v44;
	v11 =	vld.idx.msk [tilespmem:v60+s9+$0x0], $0xffff;
	v34 =	vor.u32 v62, v34  }
0x2de: {  	v56 =	vld.idx.msk [tilespmem:v56+s10+$0x0], $0xffff;
	v33 =	vor.u32 v62, v33  }
0x2df: {  	v2 =	vadd.f32 v5, v2;
	v4 =	vadd.f32 v13, v4;
	v13 =	vmul.f32 v37, v48;
	v63 =	vld.idx.msk [tilespmem:v58+s10+$0x0], $0xffff  }
0x2e0: {  	v7 =	vmul.f32 v7, v47;
	v44 =	vmul.f32 v36, v46;
	v48 =	vld.idx.msk [tilespmem:v57+s9+$0x0], $0xffff  }
0x2e1: {  	v2 =	vadd.f32 v43, v2;
	v4 =	vadd.f32 v13, v4;
	v47 =	vmul.f32 v6, v49;
	v46 =	vld.idx.msk [tilespmem:v59+s10+$0x0], $0xffff  }
0x2e2: {  	v49 =	vmul.f32 v38, v50;
	v52 =	vmul.f32 v39, v52;
	v1 =	vadd.f32 v44, v1;
	v50 =	vld.idx.msk [tilespmem:v34+s10+$0x0], $0xffff  }
0x2e3: {  	v3 =	vadd.f32 v7, v3;
	v51 =	vmul.f32 v10, v51;
	v2 =	vadd.f32 v47, v2;
	v13 =	vld.idx.msk [tilespmem:v33+s9+$0x0], $0xffff  }
0x2e4: {  	v4 =	vadd.f32 v52, v4;
	v1 =	vadd.f32 v49, v1;
	v58 =	vmul.f32 v40, v54  }
0x2e5: {  	v3 =	vadd.f32 v51, v3;
	v57 =	vmul.f32 v9, v53;
	v59 =	vmul.f32 v12, v55  }
0x2e6: {  	v1 =	vadd.f32 v58, v1;
	v61 =	vmul.f32 v11, v42;
	v60 =	vmul.f32 v41, v56  }
0x2e7: {  	v62 =	vmul.f32 v45, v63;
	v2 =	vadd.f32 v57, v2;
	v3 =	vadd.f32 v59, v3  }
0x2e8: {  	v4 =	vadd.f32 v60, v4;
	v6 =	vmul.f32 v48, v46;
	v63 =	vmul.f32 v13, v50  }
0x2e9: {  	v1 =	vadd.f32 v62, v1;
	v2 =	vadd.f32 v61, v2  }
0x2ea: {  	v3 =	vadd.f32 v6, v3;
	v4 =	vadd.f32 v63, v4  }
0x2eb: {  	p0 =	sne.s32 s18, $0x50  }
.Ltmp1:
0x2ec: {  	v1 =	vadd.f32 v1, v2;
	v2 =	vadd.f32 v4, v3;
	(pc) =	sbr.rel @p0 .LBB2_4-.Ltmp1, $3  }
0x2ed: {  	_ = 	snop  }
0x2ee: {  	v1 =	vadd.f32 v2, v1;
	_ =	sdelay $0x1  }
0x2ef: {  	s19 =	sadd.s32 $0x10, s19;
	s18 =	sadd.s32 $0x10, s18;
	[tilespmem:s20+$0x0] =	vst v1;
	s20 =	sadd.s32 $0x10, s20  }
0x2f0: {  	s17 =	sadd.s32 $0x1, s17  }
0x2f1: {  	p0 =	sne.s32 s17, s8  }
.Ltmp2:
0x2f2: {  	_ = 	snop;
	(pc) =	sbr.rel @p0 .LBB2_1-.Ltmp2, $4  }
0x2f3: {  	[hbm4b:s7+s3] =	stream.linear.scatter [tilespmem:s15], [sflag:$0x5], $0xC0, $0x38;
	[tilespmem:$0x6400] =	vst v63  }
0x2f4: {  	_ =	swait.ge [sflag:s16], $0xC0  }
0x2f5: {  	[sflag:s16] =	ssyncset.done $0x0  }
0x2f6: {  	[sflag:s16] =	ssyncadd.s32 $0xFFFFFF40  }
0x2f7: {  	_ =	sfence.sel $0x180000  }
0x2f8: {  	[bflag:$0x0] =	sbarrier.arrive $0xFFFF  }
0x2f9: {  	p0 =	sne.s32 s0, $0x0;
	_ =	strace $0x90000047  }
0x2fa: {  	s0 =	sadd.s32 @!p0 $0x100000, s2;
	[bflag:$0x2] =	sbarrier.arrive $0xFFFF  }
0x2fb: {  	[sflag:s0] =	ssyncadd.tile.s32 @!p0 $0x1;
	_ =	shalt  }
.Lfunc_end2:
_tile_overlayer_lowered:
.L_overlay_start_2:
0x2fc: {  	(tag) =	ssettag $0x2  }
0x2fd: {  	s0 =	rddreg [dreg:$0x0];
	s2 =	stileid.u32  }
0x2fe: {  	s1 =	rddreg [dreg:$0x1];
	p0 =	sne.s32 s2, $0x0  }
0x2ff: {  	s3 =	rddreg [dreg:$0x2];
	[bflag:$0x3] =	sbarrier.arrive $0xFFFF;
	s2 =	simm.s32 @!p0 $0x1C05  }
0x300: {  	[timem:s3], [sflag:s2] =	dma.local @!p0 [hbm:s0], s1  }
0x301: {  	s0 =	simm.s32 @!p0 $0x5  }
0x302: {  	_ =	swait.ge @!p0 [sflag:s0], s1  }
0x303: {  	s1 =	ssub.s32 @!p0 $0x0, s1;
	[sflag:s0] =	ssyncset.done @!p0 $0x0  }
0x304: {  	[sflag:s0] =	ssyncadd.s32 @!p0 s1  }
0x305: {  	[bflag:$0x3] =	sbarrier.arrive $0xFFFF  }
0x306: {  	_ =	shalt  }

</sc_bundles>
